<compile_context>
chip_gen: v7x
topology: tpu7x:2x2x1
jax: 0.10.2.dev20260603
libtpu: 0.0.44.dev20260713+nightly
codegen_flags: <defaults>
</compile_context>

<pallas_src>
import functools

import jax
import jax.numpy as jnp
from jax import lax
from jax.experimental import pallas as pl
from jax.experimental.pallas import tpu as pltpu
from jax.experimental.pallas import tpu_sc as plsc

EMBED = 32
LANES = 16
WAVE = 2
PHASES = 4
SUBWAVES = LANES // WAVE
AHEAD = PHASES - 1


@functools.lru_cache(maxsize=None)
def _make_sc_lookup(batch: int):
    info = plsc.get_sparse_core_info()
    nw = info.num_cores * info.num_subcores
    bw = batch // nw
    assert batch % nw == 0 and bw % LANES == 0
    nchunks = bw // LANES
    assert SUBWAVES % PHASES == 0
    mesh = plsc.VectorSubcoreMesh(core_axis_name="c", subcore_axis_name="s")

    @functools.partial(
        pl.kernel,
        mesh=mesh,
        compiler_params=pltpu.CompilerParams(needs_layout_passes=False),
        out_type=jax.ShapeDtypeStruct((2 * EMBED, batch), jnp.float32),
        scratch_types=[
            pltpu.VMEM((bw,), jnp.int32),
            pltpu.VMEM((bw,), jnp.int32),
            pltpu.VMEM((PHASES, WAVE, EMBED, 128), jnp.float32),
            pltpu.VMEM((PHASES, WAVE, EMBED, 128), jnp.float32),
            pltpu.VMEM((EMBED, bw), jnp.float32),
            pltpu.VMEM((EMBED, bw), jnp.float32),
        ] + [pltpu.SemaphoreType.DMA] * (2 * PHASES + 1),
    )
    def sc_lookup(idx_u_hbm, idx_l_hbm, emb_u_hbm, emb_l_hbm, out_hbm,
                  idx_u_v, idx_l_v, buf_u, buf_l, rows_u, rows_l, *sems):
        sems_u = sems[:PHASES]
        sems_l = sems[PHASES:2 * PHASES]
        sem_w = sems[2 * PHASES]
        wid = lax.axis_index("s") * info.num_cores + lax.axis_index("c")
        base = wid * bw
        pltpu.sync_copy(idx_u_hbm.at[pl.ds(base, bw)], idx_u_v)
        pltpu.sync_copy(idx_l_hbm.at[pl.ds(base, bw)], idx_l_v)

        c_lo = lax.iota(jnp.int32, LANES)
        c_hi = c_lo + LANES

        def fire(iu_vec, il_vec, sw, ph):
            for j in range(WAVE):
                k = sw * WAVE + j
                cu = pl.multiple_of((iu_vec[k] >> 7) * 128, 128)
                cl = pl.multiple_of((il_vec[k] >> 7) * 128, 128)
                pltpu.async_copy(
                    emb_u_hbm.at[:, pl.ds(cu, 128)], buf_u.at[ph, j],
                    sems_u[ph])
                pltpu.async_copy(
                    emb_l_hbm.at[:, pl.ds(cl, 128)], buf_l.at[ph, j],
                    sems_l[ph])

        def drain_extract(iu_vec, il_vec, u0, sw, ph):
            for j in range(WAVE):
                pltpu.make_async_copy(
                    emb_u_hbm.at[:, pl.ds(0, 128)], buf_u.at[ph, j],
                    sems_u[ph]).wait()
                pltpu.make_async_copy(
                    emb_l_hbm.at[:, pl.ds(0, 128)], buf_l.at[ph, j],
                    sems_l[ph]).wait()
            for j in range(WAVE):
                k = sw * WAVE + j
                lu = jnp.broadcast_to(iu_vec[k] & 127, (LANES,))
                ll = jnp.broadcast_to(il_vec[k] & 127, (LANES,))
                us = jnp.broadcast_to(u0 + k, (LANES,))
                v0 = plsc.load_gather(buf_u.at[ph, j], [c_lo, lu])
                v1 = plsc.load_gather(buf_u.at[ph, j], [c_hi, lu])
                plsc.store_scatter(rows_u, [c_lo, us], v0)
                plsc.store_scatter(rows_u, [c_hi, us], v1)
                w0 = plsc.load_gather(buf_l.at[ph, j], [c_lo, ll])
                w1 = plsc.load_gather(buf_l.at[ph, j], [c_hi, ll])
                plsc.store_scatter(rows_l, [c_lo, us], w0)
                plsc.store_scatter(rows_l, [c_hi, us], w1)

        iu0 = idx_u_v[pl.ds(0, LANES)]
        il0 = idx_l_v[pl.ds(0, LANES)]
        for g in range(AHEAD):
            fire(iu0, il0, g, g % PHASES)

        def do_chunk(c, carry):
            u0 = c * LANES
            iu_vec = idx_u_v[pl.ds(u0, LANES)]
            il_vec = idx_l_v[pl.ds(u0, LANES)]
            for sw in range(SUBWAVES):
                n = sw + AHEAD
                ph_fire = n % PHASES
                if n < SUBWAVES:
                    fire(iu_vec, il_vec, n, ph_fire)
                else:
                    @pl.when(c + 1 < nchunks)
                    def _():
                        iun = idx_u_v[pl.ds((c + 1) * LANES, LANES)]
                        iln = idx_l_v[pl.ds((c + 1) * LANES, LANES)]
                        fire(iun, iln, n - SUBWAVES, ph_fire)
                drain_extract(iu_vec, il_vec, u0, sw, sw % PHASES)
            return carry

        lax.fori_loop(0, nchunks, do_chunk, 0)

        pltpu.async_copy(
            rows_u, out_hbm.at[pl.ds(0, EMBED), pl.ds(base, bw)], sem_w
        ).wait()
        pltpu.async_copy(
            rows_l, out_hbm.at[pl.ds(EMBED, EMBED), pl.ds(base, bw)], sem_w
        ).wait()

    return sc_lookup


TC_STEP = 8


@functools.lru_cache(maxsize=None)
def _make_tc_lookup(n_tc: int):
    steps = n_tc // TC_STEP
    assert n_tc % TC_STEP == 0

    group = 128 // TC_STEP

    def body(iu_ref, il_ref, *refs):
        blocks = refs[:-1]
        out_ref = refs[-1]
        i = pl.program_id(0)
        lane = lax.broadcasted_iota(jnp.int32, (EMBED, 128), 1)
        acc_u = out_ref[pl.ds(0, EMBED), :]
        acc_l = out_ref[pl.ds(EMBED, EMBED), :]
        for j in range(TC_STEP):
            col = (i % group) * TC_STEP + j
            lu = iu_ref[i * TC_STEP + j] & 127
            ll = il_ref[i * TC_STEP + j] & 127
            ru = pltpu.roll(blocks[j][...], (col - lu) & 127, axis=1)
            rl = pltpu.roll(blocks[TC_STEP + j][...], (col - ll) & 127,
                            axis=1)
            sel = lane == col
            acc_u = jnp.where(sel, ru, acc_u)
            acc_l = jnp.where(sel, rl, acc_l)
        out_ref[pl.ds(0, EMBED), :] = acc_u
        out_ref[pl.ds(EMBED, EMBED), :] = acc_l

    def u_map(j):
        return lambda i, iu, il: (0, iu[i * TC_STEP + j] >> 7)

    def l_map(j):
        return lambda i, iu, il: (0, il[i * TC_STEP + j] >> 7)

    in_specs = (
        [pl.BlockSpec((EMBED, 128), u_map(j)) for j in range(TC_STEP)]
        + [pl.BlockSpec((EMBED, 128), l_map(j)) for j in range(TC_STEP)]
    )
    grid_spec = pltpu.PrefetchScalarGridSpec(
        num_scalar_prefetch=2,
        grid=(steps,),
        in_specs=in_specs,
        out_specs=pl.BlockSpec((2 * EMBED, 128),
                               lambda i, iu, il: (0, i // group)),
    )

    def tc_lookup(idx_u, idx_l, emb_u_t, emb_l_t):
        ins = [emb_u_t] * TC_STEP + [emb_l_t] * TC_STEP
        return pl.pallas_call(
            body,
            grid_spec=grid_spec,
            out_shape=jax.ShapeDtypeStruct((2 * EMBED, n_tc), jnp.float32),
        )(idx_u, idx_l, *ins)

    return tc_lookup


TC_FRACTION_NUM = 4096


def kernel(user_fea, emb_user, emb_location):
    batch = user_fea.shape[0]
    idx_u = user_fea[:, 0].astype(jnp.int32)
    idx_l = user_fea[:, 1].astype(jnp.int32)
    emb_u_t = emb_user.T
    emb_l_t = emb_location.T
    n_tc = TC_FRACTION_NUM if batch > TC_FRACTION_NUM else 0
    n_sc = batch - n_tc
    if n_tc == 0 or n_sc % 4096 != 0:
        out_t = _make_sc_lookup(batch)(idx_u, idx_l, emb_u_t, emb_l_t)
        return out_t.T
    sc_t = _make_sc_lookup(n_sc)(
        idx_u[:n_sc], idx_l[:n_sc], emb_u_t, emb_l_t)
    tc_t = _make_tc_lookup(n_tc)(
        idx_u[n_sc:], idx_l[n_sc:], emb_u_t, emb_l_t)
    return jnp.concatenate([sc_t, tc_t], axis=1).T

# --- scband reference (transcript-rebuilt; emitter-appended) ---
"""Pipeline reference for scband-user-embedding-db-69269232550581 (READ-ONLY COPY).

The authoritative reference and input builder live on the scoring server;
editing this copy changes nothing except your own understanding.
"""

import jax, jax.numpy as jnp
import numpy as np

NUM_USER = 1000000
NUM_LOCATION = 1000000
EMBEDDING_DIM = 32
BATCH = 16384


def setup_inputs(seed: int = 0) -> dict:
    key = jax.random.key(seed)
    k1, k2, k3 = jax.random.split(key, 3)
    user_fea = jax.random.randint(k1, (BATCH, 2), 0, NUM_USER, dtype=jnp.int64 if jax.config.jax_enable_x64 else jnp.int32)
    emb_user = jax.random.normal(k2, (NUM_USER, EMBEDDING_DIM), dtype=jnp.float32)
    emb_location = jax.random.normal(k3, (NUM_LOCATION, EMBEDDING_DIM), dtype=jnp.float32)
    return {"user_fea": user_fea, "emb_user": emb_user, "emb_location": emb_location}


def reference(user_fea, emb_user, emb_location):
    userId_idx = user_fea[:, 0]
    location_idx = user_fea[:, 1]
    userId_emb = jnp.take(emb_user, userId_idx, axis=0)
    location_emb = jnp.take(emb_location, location_idx, axis=0)
    return jnp.concatenate((userId_emb, location_emb), axis=1)

if __name__ == "__main__":
    import jax
    _d = setup_inputs()
    print(jax.jit(kernel)(*tuple(_d.values())))

</pallas_src>

<mosaic_0001>
#map = affine_map<(d0, d1) -> (0)>
#map1 = affine_map<(d0, d1) -> (0, 0)>
module attributes {stable_mosaic.version = 14 : i64} {
  func.func @sc_lookup(%arg0: i32, %arg1: i32, %arg2: memref<12288xi32, #tpu.memory_space<hbm>>, %arg3: memref<12288xi32, #tpu.memory_space<hbm>>, %arg4: memref<32x1000000xf32, #tpu.memory_space<hbm>>, %arg5: memref<32x1000000xf32, #tpu.memory_space<hbm>>, %arg6: memref<64x12288xf32, #tpu.memory_space<hbm>>, %arg7: memref<384xi32, #tpu.memory_space<vmem>>, %arg8: memref<384xi32, #tpu.memory_space<vmem>>, %arg9: memref<4x2x32x128xf32, #tpu.memory_space<vmem>>, %arg10: memref<4x2x32x128xf32, #tpu.memory_space<vmem>>, %arg11: memref<32x384xf32, #tpu.memory_space<vmem>>, %arg12: memref<32x384xf32, #tpu.memory_space<vmem>>, %arg13: memref<!tpu.dma_semaphore, #tpu.memory_space<semaphore_mem>>, %arg14: memref<!tpu.dma_semaphore, #tpu.memory_space<semaphore_mem>>, %arg15: memref<!tpu.dma_semaphore, #tpu.memory_space<semaphore_mem>>, %arg16: memref<!tpu.dma_semaphore, #tpu.memory_space<semaphore_mem>>, %arg17: memref<!tpu.dma_semaphore, #tpu.memory_space<semaphore_mem>>, %arg18: memref<!tpu.dma_semaphore, #tpu.memory_space<semaphore_mem>>, %arg19: memref<!tpu.dma_semaphore, #tpu.memory_space<semaphore_mem>>, %arg20: memref<!tpu.dma_semaphore, #tpu.memory_space<semaphore_mem>>, %arg21: memref<!tpu.dma_semaphore, #tpu.memory_space<semaphore_mem>>) attributes {dimension_semantics = [#tpu.dimension_semantics<core_parallel>, #tpu.dimension_semantics<subcore_parallel>], iteration_bounds = array<i64: 2, 16>, scalar_prefetch = 0 : i64, scratch_operands = 15 : i64, tpu.core_type = #tpu.core_type<sc_vector_subcore>, window_params = [{transform_indices = #map}, {transform_indices = #map}, {transform_indices = #map1}, {transform_indices = #map1}, {transform_indices = #map1}]} {
    %mul3A = arith.constant 2 : i32
    %mul3A_0 = arith.muli %arg1, %mul3A : i32
    %add3A = arith.addi %mul3A_0, %arg0 : i32
    %mul3A_1 = arith.constant 384 : i32
    %mul3A_2 = arith.muli %add3A, %mul3A_1 : i32
    "tpu.region"() ({
      %run_scoped3A = tpu.sem_alloc : memref<!tpu.dma_semaphore, #tpu.memory_space<semaphore_mem>>
      %dma_start3A_276 = tpu.memref_slice %arg2[%mul3A_2] : memref<12288xi32, #tpu.memory_space<hbm>> -> memref<384xi32, #tpu.memory_space<hbm>>
      %dma_start3A_277 = tpu.memref_slice %arg2[%mul3A_2] : memref<12288xi32, #tpu.memory_space<hbm>> -> memref<384xi32, #tpu.memory_space<hbm>>
      tpu.enqueue_dma source(%dma_start3A_277 : memref<384xi32, #tpu.memory_space<hbm>>) target(%arg7 : memref<384xi32, #tpu.memory_space<vmem>>) target_semaphore(%run_scoped3A : memref<!tpu.dma_semaphore, #tpu.memory_space<semaphore_mem>>)
      %dma_wait3A_278 = tpu.memref_slice %arg2[%mul3A_2] : memref<12288xi32, #tpu.memory_space<hbm>> -> memref<384xi32, #tpu.memory_space<hbm>>
      %dma_wait3A_279 = tpu.memref_slice %arg2[%mul3A_2] : memref<12288xi32, #tpu.memory_space<hbm>> -> memref<384xi32, #tpu.memory_space<hbm>>
      tpu.wait_dma2 semaphore(%run_scoped3A : memref<!tpu.dma_semaphore, #tpu.memory_space<semaphore_mem>>) src(%dma_wait3A_279 : memref<384xi32, #tpu.memory_space<hbm>>) dst(%arg7 : memref<384xi32, #tpu.memory_space<vmem>>)
      tpu.yield
    }) : () -> ()
    "tpu.region"() ({
      %run_scoped3A = tpu.sem_alloc : memref<!tpu.dma_semaphore, #tpu.memory_space<semaphore_mem>>
      %dma_start3A_276 = tpu.memref_slice %arg3[%mul3A_2] : memref<12288xi32, #tpu.memory_space<hbm>> -> memref<384xi32, #tpu.memory_space<hbm>>
      %dma_start3A_277 = tpu.memref_slice %arg3[%mul3A_2] : memref<12288xi32, #tpu.memory_space<hbm>> -> memref<384xi32, #tpu.memory_space<hbm>>
      tpu.enqueue_dma source(%dma_start3A_277 : memref<384xi32, #tpu.memory_space<hbm>>) target(%arg8 : memref<384xi32, #tpu.memory_space<vmem>>) target_semaphore(%run_scoped3A : memref<!tpu.dma_semaphore, #tpu.memory_space<semaphore_mem>>)
      %dma_wait3A_278 = tpu.memref_slice %arg3[%mul3A_2] : memref<12288xi32, #tpu.memory_space<hbm>> -> memref<384xi32, #tpu.memory_space<hbm>>
      %dma_wait3A_279 = tpu.memref_slice %arg3[%mul3A_2] : memref<12288xi32, #tpu.memory_space<hbm>> -> memref<384xi32, #tpu.memory_space<hbm>>
      tpu.wait_dma2 semaphore(%run_scoped3A : memref<!tpu.dma_semaphore, #tpu.memory_space<semaphore_mem>>) src(%dma_wait3A_279 : memref<384xi32, #tpu.memory_space<hbm>>) dst(%arg8 : memref<384xi32, #tpu.memory_space<vmem>>)
      tpu.yield
    }) : () -> ()
    %iota3A = tpu.iota {dimensions = array<i32: 0>} : vector<16xi32>
    %add3A_3 = arith.constant 16 : i32
    %add3A_4 = vector.broadcast %add3A_3 : i32 to vector<16xi32>
    %add3A_5 = arith.addi %iota3A, %add3A_4 : vector<16xi32>
    %get3A = arith.constant 0 : index
    %get3A_6 = tpu.vector_load %arg7[%get3A] {strides = array<i32>} : memref<384xi32, #tpu.memory_space<vmem>>, vector<16xi32>,
    %get3A_7 = arith.constant 0 : index
    %get3A_8 = tpu.vector_load %arg8[%get3A_7] {strides = array<i32>} : memref<384xi32, #tpu.memory_space<vmem>>, vector<16xi32>,
    %slice3A = vector.extract_strided_slice %get3A_6 {offsets = [0], sizes = [1], strides = [1]} : vector<16xi32> to vector<1xi32>
    %squeeze3A = vector.extract %slice3A[0] : i32 from vector<1xi32>
    %shift_right_arithmetic3A = arith.constant 7 : i32
    %shift_right_arithmetic3A_9 = arith.shrsi %squeeze3A, %shift_right_arithmetic3A : i32
    %mul3A_10 = arith.constant 128 : i32
    %mul3A_11 = arith.muli %shift_right_arithmetic3A_9, %mul3A_10 : i32
    %multiple_of3A = tpu.assume_multiple %mul3A_11, 128 : i32
    %slice3A_12 = vector.extract_strided_slice %get3A_8 {offsets = [0], sizes = [1], strides = [1]} : vector<16xi32> to vector<1xi32>
    %squeeze3A_13 = vector.extract %slice3A_12[0] : i32 from vector<1xi32>
    %shift_right_arithmetic3A_14 = arith.constant 7 : i32
    %shift_right_arithmetic3A_15 = arith.shrsi %squeeze3A_13, %shift_right_arithmetic3A_14 : i32
    %mul3A_16 = arith.constant 128 : i32
    %mul3A_17 = arith.muli %shift_right_arithmetic3A_15, %mul3A_16 : i32
    %multiple_of3A_18 = tpu.assume_multiple %mul3A_17, 128 : i32
    %dma_start3A = arith.constant 0 : i32
    %dma_start3A_19 = arith.constant 0 : i32
    %dma_start3A_20 = arith.constant 0 : i32
    %dma_start3A_21 = arith.constant 0 : i32
    %dma_start3A_22 = tpu.memref_slice %arg9[%dma_start3A, %dma_start3A_19, %dma_start3A_20, %dma_start3A_21] : memref<4x2x32x128xf32, #tpu.memory_space<vmem>> -> memref<1x1x32x128xf32, #tpu.memory_space<vmem>>
    %dma_start3A_23 = tpu.memref_squeeze %dma_start3A_22 : memref<1x1x32x128xf32, #tpu.memory_space<vmem>> -> memref<32x128xf32, #tpu.memory_space<vmem>>
    %dma_start3A_24 = arith.constant 0 : i32
    %dma_start3A_25 = tpu.memref_slice %arg4[%dma_start3A_24, %multiple_of3A] : memref<32x1000000xf32, #tpu.memory_space<hbm>> -> memref<32x128xf32, #tpu.memory_space<hbm>>
    %dma_start3A_26 = arith.constant 0 : i32
    %dma_start3A_27 = arith.constant 0 : i32
    %dma_start3A_28 = tpu.memref_slice %arg9[%dma_start3A, %dma_start3A_19, %dma_start3A_26, %dma_start3A_27] : memref<4x2x32x128xf32, #tpu.memory_space<vmem>> -> memref<1x1x32x128xf32, #tpu.memory_space<vmem>>
    %dma_start3A_29 = tpu.memref_squeeze %dma_start3A_28 : memref<1x1x32x128xf32, #tpu.memory_space<vmem>> -> memref<32x128xf32, #tpu.memory_space<vmem>>
    %dma_start3A_30 = arith.constant 0 : i32
    %dma_start3A_31 = tpu.memref_slice %arg4[%dma_start3A_30, %multiple_of3A] : memref<32x1000000xf32, #tpu.memory_space<hbm>> -> memref<32x128xf32, #tpu.memory_space<hbm>>
    tpu.enqueue_dma source(%dma_start3A_31 : memref<32x128xf32, #tpu.memory_space<hbm>>) target(%dma_start3A_29 : memref<32x128xf32, #tpu.memory_space<vmem>>) target_semaphore(%arg13 : memref<!tpu.dma_semaphore, #tpu.memory_space<semaphore_mem>>)
    %dma_start3A_32 = arith.constant 0 : i32
    %dma_start3A_33 = arith.constant 0 : i32
    %dma_start3A_34 = arith.constant 0 : i32
    %dma_start3A_35 = arith.constant 0 : i32
    %dma_start3A_36 = tpu.memref_slice %arg10[%dma_start3A_32, %dma_start3A_33, %dma_start3A_34, %dma_start3A_35] : memref<4x2x32x128xf32, #tpu.memory_space<vmem>> -> memref<1x1x32x128xf32, #tpu.memory_space<vmem>>
    %dma_start3A_37 = tpu.memref_squeeze %dma_start3A_36 : memref<1x1x32x128xf32, #tpu.memory_space<vmem>> -> memref<32x128xf32, #tpu.memory_space<vmem>>
    %dma_start3A_38 = arith.constant 0 : i32
    %dma_start3A_39 = tpu.memref_slice %arg5[%dma_start3A_38, %multiple_of3A_18] : memref<32x1000000xf32, #tpu.memory_space<hbm>> -> memref<32x128xf32, #tpu.memory_space<hbm>>
    %dma_start3A_40 = arith.constant 0 : i32
    %dma_start3A_41 = arith.constant 0 : i32
    %dma_start3A_42 = tpu.memref_slice %arg10[%dma_start3A_32, %dma_start3A_33, %dma_start3A_40, %dma_start3A_41] : memref<4x2x32x128xf32, #tpu.memory_space<vmem>> -> memref<1x1x32x128xf32, #tpu.memory_space<vmem>>
    %dma_start3A_43 = tpu.memref_squeeze %dma_start3A_42 : memref<1x1x32x128xf32, #tpu.memory_space<vmem>> -> memref<32x128xf32, #tpu.memory_space<vmem>>
    %dma_start3A_44 = arith.constant 0 : i32
    %dma_start3A_45 = tpu.memref_slice %arg5[%dma_start3A_44, %multiple_of3A_18] : memref<32x1000000xf32, #tpu.memory_space<hbm>> -> memref<32x128xf32, #tpu.memory_space<hbm>>
    tpu.enqueue_dma source(%dma_start3A_45 : memref<32x128xf32, #tpu.memory_space<hbm>>) target(%dma_start3A_43 : memref<32x128xf32, #tpu.memory_space<vmem>>) target_semaphore(%arg17 : memref<!tpu.dma_semaphore, #tpu.memory_space<semaphore_mem>>)
    %slice3A_46 = vector.extract_strided_slice %get3A_6 {offsets = [1], sizes = [1], strides = [1]} : vector<16xi32> to vector<1xi32>
    %squeeze3A_47 = vector.extract %slice3A_46[0] : i32 from vector<1xi32>
    %shift_right_arithmetic3A_48 = arith.constant 7 : i32
    %shift_right_arithmetic3A_49 = arith.shrsi %squeeze3A_47, %shift_right_arithmetic3A_48 : i32
    %mul3A_50 = arith.constant 128 : i32
    %mul3A_51 = arith.muli %shift_right_arithmetic3A_49, %mul3A_50 : i32
    %multiple_of3A_52 = tpu.assume_multiple %mul3A_51, 128 : i32
    %slice3A_53 = vector.extract_strided_slice %get3A_8 {offsets = [1], sizes = [1], strides = [1]} : vector<16xi32> to vector<1xi32>
    %squeeze3A_54 = vector.extract %slice3A_53[0] : i32 from vector<1xi32>
    %shift_right_arithmetic3A_55 = arith.constant 7 : i32
    %shift_right_arithmetic3A_56 = arith.shrsi %squeeze3A_54, %shift_right_arithmetic3A_55 : i32
    %mul3A_57 = arith.constant 128 : i32
    %mul3A_58 = arith.muli %shift_right_arithmetic3A_56, %mul3A_57 : i32
    %multiple_of3A_59 = tpu.assume_multiple %mul3A_58, 128 : i32
    %dma_start3A_60 = arith.constant 0 : i32
    %dma_start3A_61 = arith.constant 1 : i32
    %dma_start3A_62 = arith.constant 0 : i32
    %dma_start3A_63 = arith.constant 0 : i32
    %dma_start3A_64 = tpu.memref_slice %arg9[%dma_start3A_60, %dma_start3A_61, %dma_start3A_62, %dma_start3A_63] : memref<4x2x32x128xf32, #tpu.memory_space<vmem>> -> memref<1x1x32x128xf32, #tpu.memory_space<vmem>>
    %dma_start3A_65 = tpu.memref_squeeze %dma_start3A_64 : memref<1x1x32x128xf32, #tpu.memory_space<vmem>> -> memref<32x128xf32, #tpu.memory_space<vmem>>
    %dma_start3A_66 = arith.constant 0 : i32
    %dma_start3A_67 = tpu.memref_slice %arg4[%dma_start3A_66, %multiple_of3A_52] : memref<32x1000000xf32, #tpu.memory_space<hbm>> -> memref<32x128xf32, #tpu.memory_space<hbm>>
    %dma_start3A_68 = arith.constant 0 : i32
    %dma_start3A_69 = arith.constant 0 : i32
    %dma_start3A_70 = tpu.memref_slice %arg9[%dma_start3A_60, %dma_start3A_61, %dma_start3A_68, %dma_start3A_69] : memref<4x2x32x128xf32, #tpu.memory_space<vmem>> -> memref<1x1x32x128xf32, #tpu.memory_space<vmem>>
    %dma_start3A_71 = tpu.memref_squeeze %dma_start3A_70 : memref<1x1x32x128xf32, #tpu.memory_space<vmem>> -> memref<32x128xf32, #tpu.memory_space<vmem>>
    %dma_start3A_72 = arith.constant 0 : i32
    %dma_start3A_73 = tpu.memref_slice %arg4[%dma_start3A_72, %multiple_of3A_52] : memref<32x1000000xf32, #tpu.memory_space<hbm>> -> memref<32x128xf32, #tpu.memory_space<hbm>>
    tpu.enqueue_dma source(%dma_start3A_73 : memref<32x128xf32, #tpu.memory_space<hbm>>) target(%dma_start3A_71 : memref<32x128xf32, #tpu.memory_space<vmem>>) target_semaphore(%arg13 : memref<!tpu.dma_semaphore, #tpu.memory_space<semaphore_mem>>)
    %dma_start3A_74 = arith.constant 0 : i32
    %dma_start3A_75 = arith.constant 1 : i32
    %dma_start3A_76 = arith.constant 0 : i32
    %dma_start3A_77 = arith.constant 0 : i32
    %dma_start3A_78 = tpu.memref_slice %arg10[%dma_start3A_74, %dma_start3A_75, %dma_start3A_76, %dma_start3A_77] : memref<4x2x32x128xf32, #tpu.memory_space<vmem>> -> memref<1x1x32x128xf32, #tpu.memory_space<vmem>>
    %dma_start3A_79 = tpu.memref_squeeze %dma_start3A_78 : memref<1x1x32x128xf32, #tpu.memory_space<vmem>> -> memref<32x128xf32, #tpu.memory_space<vmem>>
    %dma_start3A_80 = arith.constant 0 : i32
    %dma_start3A_81 = tpu.memref_slice %arg5[%dma_start3A_80, %multiple_of3A_59] : memref<32x1000000xf32, #tpu.memory_space<hbm>> -> memref<32x128xf32, #tpu.memory_space<hbm>>
    %dma_start3A_82 = arith.constant 0 : i32
    %dma_start3A_83 = arith.constant 0 : i32
    %dma_start3A_84 = tpu.memref_slice %arg10[%dma_start3A_74, %dma_start3A_75, %dma_start3A_82, %dma_start3A_83] : memref<4x2x32x128xf32, #tpu.memory_space<vmem>> -> memref<1x1x32x128xf32, #tpu.memory_space<vmem>>
    %dma_start3A_85 = tpu.memref_squeeze %dma_start3A_84 : memref<1x1x32x128xf32, #tpu.memory_space<vmem>> -> memref<32x128xf32, #tpu.memory_space<vmem>>
    %dma_start3A_86 = arith.constant 0 : i32
    %dma_start3A_87 = tpu.memref_slice %arg5[%dma_start3A_86, %multiple_of3A_59] : memref<32x1000000xf32, #tpu.memory_space<hbm>> -> memref<32x128xf32, #tpu.memory_space<hbm>>
    tpu.enqueue_dma source(%dma_start3A_87 : memref<32x128xf32, #tpu.memory_space<hbm>>) target(%dma_start3A_85 : memref<32x128xf32, #tpu.memory_space<vmem>>) target_semaphore(%arg17 : memref<!tpu.dma_semaphore, #tpu.memory_space<semaphore_mem>>)
    %slice3A_88 = vector.extract_strided_slice %get3A_6 {offsets = [2], sizes = [1], strides = [1]} : vector<16xi32> to vector<1xi32>
    %squeeze3A_89 = vector.extract %slice3A_88[0] : i32 from vector<1xi32>
    %shift_right_arithmetic3A_90 = arith.constant 7 : i32
    %shift_right_arithmetic3A_91 = arith.shrsi %squeeze3A_89, %shift_right_arithmetic3A_90 : i32
    %mul3A_92 = arith.constant 128 : i32
    %mul3A_93 = arith.muli %shift_right_arithmetic3A_91, %mul3A_92 : i32
    %multiple_of3A_94 = tpu.assume_multiple %mul3A_93, 128 : i32
    %slice3A_95 = vector.extract_strided_slice %get3A_8 {offsets = [2], sizes = [1], strides = [1]} : vector<16xi32> to vector<1xi32>
    %squeeze3A_96 = vector.extract %slice3A_95[0] : i32 from vector<1xi32>
    %shift_right_arithmetic3A_97 = arith.constant 7 : i32
    %shift_right_arithmetic3A_98 = arith.shrsi %squeeze3A_96, %shift_right_arithmetic3A_97 : i32
    %mul3A_99 = arith.constant 128 : i32
    %mul3A_100 = arith.muli %shift_right_arithmetic3A_98, %mul3A_99 : i32
    %multiple_of3A_101 = tpu.assume_multiple %mul3A_100, 128 : i32
    %dma_start3A_102 = arith.constant 1 : i32
    %dma_start3A_103 = arith.constant 0 : i32
    %dma_start3A_104 = arith.constant 0 : i32
    %dma_start3A_105 = arith.constant 0 : i32
    %dma_start3A_106 = tpu.memref_slice %arg9[%dma_start3A_102, %dma_start3A_103, %dma_start3A_104, %dma_start3A_105] : memref<4x2x32x128xf32, #tpu.memory_space<vmem>> -> memref<1x1x32x128xf32, #tpu.memory_space<vmem>>
    %dma_start3A_107 = tpu.memref_squeeze %dma_start3A_106 : memref<1x1x32x128xf32, #tpu.memory_space<vmem>> -> memref<32x128xf32, #tpu.memory_space<vmem>>
    %dma_start3A_108 = arith.constant 0 : i32
    %dma_start3A_109 = tpu.memref_slice %arg4[%dma_start3A_108, %multiple_of3A_94] : memref<32x1000000xf32, #tpu.memory_space<hbm>> -> memref<32x128xf32, #tpu.memory_space<hbm>>
    %dma_start3A_110 = arith.constant 0 : i32
    %dma_start3A_111 = arith.constant 0 : i32
    %dma_start3A_112 = tpu.memref_slice %arg9[%dma_start3A_102, %dma_start3A_103, %dma_start3A_110, %dma_start3A_111] : memref<4x2x32x128xf32, #tpu.memory_space<vmem>> -> memref<1x1x32x128xf32, #tpu.memory_space<vmem>>
    %dma_start3A_113 = tpu.memref_squeeze %dma_start3A_112 : memref<1x1x32x128xf32, #tpu.memory_space<vmem>> -> memref<32x128xf32, #tpu.memory_space<vmem>>
    %dma_start3A_114 = arith.constant 0 : i32
    %dma_start3A_115 = tpu.memref_slice %arg4[%dma_start3A_114, %multiple_of3A_94] : memref<32x1000000xf32, #tpu.memory_space<hbm>> -> memref<32x128xf32, #tpu.memory_space<hbm>>
    tpu.enqueue_dma source(%dma_start3A_115 : memref<32x128xf32, #tpu.memory_space<hbm>>) target(%dma_start3A_113 : memref<32x128xf32, #tpu.memory_space<vmem>>) target_semaphore(%arg14 : memref<!tpu.dma_semaphore, #tpu.memory_space<semaphore_mem>>)
    %dma_start3A_116 = arith.constant 1 : i32
    %dma_start3A_117 = arith.constant 0 : i32
    %dma_start3A_118 = arith.constant 0 : i32
    %dma_start3A_119 = arith.constant 0 : i32
    %dma_start3A_120 = tpu.memref_slice %arg10[%dma_start3A_116, %dma_start3A_117, %dma_start3A_118, %dma_start3A_119] : memref<4x2x32x128xf32, #tpu.memory_space<vmem>> -> memref<1x1x32x128xf32, #tpu.memory_space<vmem>>
    %dma_start3A_121 = tpu.memref_squeeze %dma_start3A_120 : memref<1x1x32x128xf32, #tpu.memory_space<vmem>> -> memref<32x128xf32, #tpu.memory_space<vmem>>
    %dma_start3A_122 = arith.constant 0 : i32
    %dma_start3A_123 = tpu.memref_slice %arg5[%dma_start3A_122, %multiple_of3A_101] : memref<32x1000000xf32, #tpu.memory_space<hbm>> -> memref<32x128xf32, #tpu.memory_space<hbm>>
    %dma_start3A_124 = arith.constant 0 : i32
    %dma_start3A_125 = arith.constant 0 : i32
    %dma_start3A_126 = tpu.memref_slice %arg10[%dma_start3A_116, %dma_start3A_117, %dma_start3A_124, %dma_start3A_125] : memref<4x2x32x128xf32, #tpu.memory_space<vmem>> -> memref<1x1x32x128xf32, #tpu.memory_space<vmem>>
    %dma_start3A_127 = tpu.memref_squeeze %dma_start3A_126 : memref<1x1x32x128xf32, #tpu.memory_space<vmem>> -> memref<32x128xf32, #tpu.memory_space<vmem>>
    %dma_start3A_128 = arith.constant 0 : i32
    %dma_start3A_129 = tpu.memref_slice %arg5[%dma_start3A_128, %multiple_of3A_101] : memref<32x1000000xf32, #tpu.memory_space<hbm>> -> memref<32x128xf32, #tpu.memory_space<hbm>>
    tpu.enqueue_dma source(%dma_start3A_129 : memref<32x128xf32, #tpu.memory_space<hbm>>) target(%dma_start3A_127 : memref<32x128xf32, #tpu.memory_space<vmem>>) target_semaphore(%arg18 : memref<!tpu.dma_semaphore, #tpu.memory_space<semaphore_mem>>)
    %slice3A_130 = vector.extract_strided_slice %get3A_6 {offsets = [3], sizes = [1], strides = [1]} : vector<16xi32> to vector<1xi32>
    %squeeze3A_131 = vector.extract %slice3A_130[0] : i32 from vector<1xi32>
    %shift_right_arithmetic3A_132 = arith.constant 7 : i32
    %shift_right_arithmetic3A_133 = arith.shrsi %squeeze3A_131, %shift_right_arithmetic3A_132 : i32
    %mul3A_134 = arith.constant 128 : i32
    %mul3A_135 = arith.muli %shift_right_arithmetic3A_133, %mul3A_134 : i32
    %multiple_of3A_136 = tpu.assume_multiple %mul3A_135, 128 : i32
    %slice3A_137 = vector.extract_strided_slice %get3A_8 {offsets = [3], sizes = [1], strides = [1]} : vector<16xi32> to vector<1xi32>
    %squeeze3A_138 = vector.extract %slice3A_137[0] : i32 from vector<1xi32>
    %shift_right_arithmetic3A_139 = arith.constant 7 : i32
    %shift_right_arithmetic3A_140 = arith.shrsi %squeeze3A_138, %shift_right_arithmetic3A_139 : i32
    %mul3A_141 = arith.constant 128 : i32
    %mul3A_142 = arith.muli %shift_right_arithmetic3A_140, %mul3A_141 : i32
    %multiple_of3A_143 = tpu.assume_multiple %mul3A_142, 128 : i32
    %dma_start3A_144 = arith.constant 1 : i32
    %dma_start3A_145 = arith.constant 1 : i32
    %dma_start3A_146 = arith.constant 0 : i32
    %dma_start3A_147 = arith.constant 0 : i32
    %dma_start3A_148 = tpu.memref_slice %arg9[%dma_start3A_144, %dma_start3A_145, %dma_start3A_146, %dma_start3A_147] : memref<4x2x32x128xf32, #tpu.memory_space<vmem>> -> memref<1x1x32x128xf32, #tpu.memory_space<vmem>>
    %dma_start3A_149 = tpu.memref_squeeze %dma_start3A_148 : memref<1x1x32x128xf32, #tpu.memory_space<vmem>> -> memref<32x128xf32, #tpu.memory_space<vmem>>
    %dma_start3A_150 = arith.constant 0 : i32
    %dma_start3A_151 = tpu.memref_slice %arg4[%dma_start3A_150, %multiple_of3A_136] : memref<32x1000000xf32, #tpu.memory_space<hbm>> -> memref<32x128xf32, #tpu.memory_space<hbm>>
    %dma_start3A_152 = arith.constant 0 : i32
    %dma_start3A_153 = arith.constant 0 : i32
    %dma_start3A_154 = tpu.memref_slice %arg9[%dma_start3A_144, %dma_start3A_145, %dma_start3A_152, %dma_start3A_153] : memref<4x2x32x128xf32, #tpu.memory_space<vmem>> -> memref<1x1x32x128xf32, #tpu.memory_space<vmem>>
    %dma_start3A_155 = tpu.memref_squeeze %dma_start3A_154 : memref<1x1x32x128xf32, #tpu.memory_space<vmem>> -> memref<32x128xf32, #tpu.memory_space<vmem>>
    %dma_start3A_156 = arith.constant 0 : i32
    %dma_start3A_157 = tpu.memref_slice %arg4[%dma_start3A_156, %multiple_of3A_136] : memref<32x1000000xf32, #tpu.memory_space<hbm>> -> memref<32x128xf32, #tpu.memory_space<hbm>>
    tpu.enqueue_dma source(%dma_start3A_157 : memref<32x128xf32, #tpu.memory_space<hbm>>) target(%dma_start3A_155 : memref<32x128xf32, #tpu.memory_space<vmem>>) target_semaphore(%arg14 : memref<!tpu.dma_semaphore, #tpu.memory_space<semaphore_mem>>)
    %dma_start3A_158 = arith.constant 1 : i32
    %dma_start3A_159 = arith.constant 1 : i32
    %dma_start3A_160 = arith.constant 0 : i32
    %dma_start3A_161 = arith.constant 0 : i32
    %dma_start3A_162 = tpu.memref_slice %arg10[%dma_start3A_158, %dma_start3A_159, %dma_start3A_160, %dma_start3A_161] : memref<4x2x32x128xf32, #tpu.memory_space<vmem>> -> memref<1x1x32x128xf32, #tpu.memory_space<vmem>>
    %dma_start3A_163 = tpu.memref_squeeze %dma_start3A_162 : memref<1x1x32x128xf32, #tpu.memory_space<vmem>> -> memref<32x128xf32, #tpu.memory_space<vmem>>
    %dma_start3A_164 = arith.constant 0 : i32
    %dma_start3A_165 = tpu.memref_slice %arg5[%dma_start3A_164, %multiple_of3A_143] : memref<32x1000000xf32, #tpu.memory_space<hbm>> -> memref<32x128xf32, #tpu.memory_space<hbm>>
    %dma_start3A_166 = arith.constant 0 : i32
    %dma_start3A_167 = arith.constant 0 : i32
    %dma_start3A_168 = tpu.memref_slice %arg10[%dma_start3A_158, %dma_start3A_159, %dma_start3A_166, %dma_start3A_167] : memref<4x2x32x128xf32, #tpu.memory_space<vmem>> -> memref<1x1x32x128xf32, #tpu.memory_space<vmem>>
    %dma_start3A_169 = tpu.memref_squeeze %dma_start3A_168 : memref<1x1x32x128xf32, #tpu.memory_space<vmem>> -> memref<32x128xf32, #tpu.memory_space<vmem>>
    %dma_start3A_170 = arith.constant 0 : i32
    %dma_start3A_171 = tpu.memref_slice %arg5[%dma_start3A_170, %multiple_of3A_143] : memref<32x1000000xf32, #tpu.memory_space<hbm>> -> memref<32x128xf32, #tpu.memory_space<hbm>>
    tpu.enqueue_dma source(%dma_start3A_171 : memref<32x128xf32, #tpu.memory_space<hbm>>) target(%dma_start3A_169 : memref<32x128xf32, #tpu.memory_space<vmem>>) target_semaphore(%arg18 : memref<!tpu.dma_semaphore, #tpu.memory_space<semaphore_mem>>)
    %slice3A_172 = vector.extract_strided_slice %get3A_6 {offsets = [4], sizes = [1], strides = [1]} : vector<16xi32> to vector<1xi32>
    %squeeze3A_173 = vector.extract %slice3A_172[0] : i32 from vector<1xi32>
    %shift_right_arithmetic3A_174 = arith.constant 7 : i32
    %shift_right_arithmetic3A_175 = arith.shrsi %squeeze3A_173, %shift_right_arithmetic3A_174 : i32
    %mul3A_176 = arith.constant 128 : i32
    %mul3A_177 = arith.muli %shift_right_arithmetic3A_175, %mul3A_176 : i32
    %multiple_of3A_178 = tpu.assume_multiple %mul3A_177, 128 : i32
    %slice3A_179 = vector.extract_strided_slice %get3A_8 {offsets = [4], sizes = [1], strides = [1]} : vector<16xi32> to vector<1xi32>
    %squeeze3A_180 = vector.extract %slice3A_179[0] : i32 from vector<1xi32>
    %shift_right_arithmetic3A_181 = arith.constant 7 : i32
    %shift_right_arithmetic3A_182 = arith.shrsi %squeeze3A_180, %shift_right_arithmetic3A_181 : i32
    %mul3A_183 = arith.constant 128 : i32
    %mul3A_184 = arith.muli %shift_right_arithmetic3A_182, %mul3A_183 : i32
    %multiple_of3A_185 = tpu.assume_multiple %mul3A_184, 128 : i32
    %dma_start3A_186 = arith.constant 2 : i32
    %dma_start3A_187 = arith.constant 0 : i32
    %dma_start3A_188 = arith.constant 0 : i32
    %dma_start3A_189 = arith.constant 0 : i32
    %dma_start3A_190 = tpu.memref_slice %arg9[%dma_start3A_186, %dma_start3A_187, %dma_start3A_188, %dma_start3A_189] : memref<4x2x32x128xf32, #tpu.memory_space<vmem>> -> memref<1x1x32x128xf32, #tpu.memory_space<vmem>>
    %dma_start3A_191 = tpu.memref_squeeze %dma_start3A_190 : memref<1x1x32x128xf32, #tpu.memory_space<vmem>> -> memref<32x128xf32, #tpu.memory_space<vmem>>
    %dma_start3A_192 = arith.constant 0 : i32
    %dma_start3A_193 = tpu.memref_slice %arg4[%dma_start3A_192, %multiple_of3A_178] : memref<32x1000000xf32, #tpu.memory_space<hbm>> -> memref<32x128xf32, #tpu.memory_space<hbm>>
    %dma_start3A_194 = arith.constant 0 : i32
    %dma_start3A_195 = arith.constant 0 : i32
    %dma_start3A_196 = tpu.memref_slice %arg9[%dma_start3A_186, %dma_start3A_187, %dma_start3A_194, %dma_start3A_195] : memref<4x2x32x128xf32, #tpu.memory_space<vmem>> -> memref<1x1x32x128xf32, #tpu.memory_space<vmem>>
    %dma_start3A_197 = tpu.memref_squeeze %dma_start3A_196 : memref<1x1x32x128xf32, #tpu.memory_space<vmem>> -> memref<32x128xf32, #tpu.memory_space<vmem>>
    %dma_start3A_198 = arith.constant 0 : i32
    %dma_start3A_199 = tpu.memref_slice %arg4[%dma_start3A_198, %multiple_of3A_178] : memref<32x1000000xf32, #tpu.memory_space<hbm>> -> memref<32x128xf32, #tpu.memory_space<hbm>>
    tpu.enqueue_dma source(%dma_start3A_199 : memref<32x128xf32, #tpu.memory_space<hbm>>) target(%dma_start3A_197 : memref<32x128xf32, #tpu.memory_space<vmem>>) target_semaphore(%arg15 : memref<!tpu.dma_semaphore, #tpu.memory_space<semaphore_mem>>)
    %dma_start3A_200 = arith.constant 2 : i32
    %dma_start3A_201 = arith.constant 0 : i32
    %dma_start3A_202 = arith.constant 0 : i32
    %dma_start3A_203 = arith.constant 0 : i32
    %dma_start3A_204 = tpu.memref_slice %arg10[%dma_start3A_200, %dma_start3A_201, %dma_start3A_202, %dma_start3A_203] : memref<4x2x32x128xf32, #tpu.memory_space<vmem>> -> memref<1x1x32x128xf32, #tpu.memory_space<vmem>>
    %dma_start3A_205 = tpu.memref_squeeze %dma_start3A_204 : memref<1x1x32x128xf32, #tpu.memory_space<vmem>> -> memref<32x128xf32, #tpu.memory_space<vmem>>
    %dma_start3A_206 = arith.constant 0 : i32
    %dma_start3A_207 = tpu.memref_slice %arg5[%dma_start3A_206, %multiple_of3A_185] : memref<32x1000000xf32, #tpu.memory_space<hbm>> -> memref<32x128xf32, #tpu.memory_space<hbm>>
    %dma_start3A_208 = arith.constant 0 : i32
    %dma_start3A_209 = arith.constant 0 : i32
    %dma_start3A_210 = tpu.memref_slice %arg10[%dma_start3A_200, %dma_start3A_201, %dma_start3A_208, %dma_start3A_209] : memref<4x2x32x128xf32, #tpu.memory_space<vmem>> -> memref<1x1x32x128xf32, #tpu.memory_space<vmem>>
    %dma_start3A_211 = tpu.memref_squeeze %dma_start3A_210 : memref<1x1x32x128xf32, #tpu.memory_space<vmem>> -> memref<32x128xf32, #tpu.memory_space<vmem>>
    %dma_start3A_212 = arith.constant 0 : i32
    %dma_start3A_213 = tpu.memref_slice %arg5[%dma_start3A_212, %multiple_of3A_185] : memref<32x1000000xf32, #tpu.memory_space<hbm>> -> memref<32x128xf32, #tpu.memory_space<hbm>>
    tpu.enqueue_dma source(%dma_start3A_213 : memref<32x128xf32, #tpu.memory_space<hbm>>) target(%dma_start3A_211 : memref<32x128xf32, #tpu.memory_space<vmem>>) target_semaphore(%arg19 : memref<!tpu.dma_semaphore, #tpu.memory_space<semaphore_mem>>)
    %slice3A_214 = vector.extract_strided_slice %get3A_6 {offsets = [5], sizes = [1], strides = [1]} : vector<16xi32> to vector<1xi32>
    %squeeze3A_215 = vector.extract %slice3A_214[0] : i32 from vector<1xi32>
    %shift_right_arithmetic3A_216 = arith.constant 7 : i32
    %shift_right_arithmetic3A_217 = arith.shrsi %squeeze3A_215, %shift_right_arithmetic3A_216 : i32
    %mul3A_218 = arith.constant 128 : i32
    %mul3A_219 = arith.muli %shift_right_arithmetic3A_217, %mul3A_218 : i32
    %multiple_of3A_220 = tpu.assume_multiple %mul3A_219, 128 : i32
    %slice3A_221 = vector.extract_strided_slice %get3A_8 {offsets = [5], sizes = [1], strides = [1]} : vector<16xi32> to vector<1xi32>
    %squeeze3A_222 = vector.extract %slice3A_221[0] : i32 from vector<1xi32>
    %shift_right_arithmetic3A_223 = arith.constant 7 : i32
    %shift_right_arithmetic3A_224 = arith.shrsi %squeeze3A_222, %shift_right_arithmetic3A_223 : i32
    %mul3A_225 = arith.constant 128 : i32
    %mul3A_226 = arith.muli %shift_right_arithmetic3A_224, %mul3A_225 : i32
    %multiple_of3A_227 = tpu.assume_multiple %mul3A_226, 128 : i32
    %dma_start3A_228 = arith.constant 2 : i32
    %dma_start3A_229 = arith.constant 1 : i32
    %dma_start3A_230 = arith.constant 0 : i32
    %dma_start3A_231 = arith.constant 0 : i32
    %dma_start3A_232 = tpu.memref_slice %arg9[%dma_start3A_228, %dma_start3A_229, %dma_start3A_230, %dma_start3A_231] : memref<4x2x32x128xf32, #tpu.memory_space<vmem>> -> memref<1x1x32x128xf32, #tpu.memory_space<vmem>>
    %dma_start3A_233 = tpu.memref_squeeze %dma_start3A_232 : memref<1x1x32x128xf32, #tpu.memory_space<vmem>> -> memref<32x128xf32, #tpu.memory_space<vmem>>
    %dma_start3A_234 = arith.constant 0 : i32
    %dma_start3A_235 = tpu.memref_slice %arg4[%dma_start3A_234, %multiple_of3A_220] : memref<32x1000000xf32, #tpu.memory_space<hbm>> -> memref<32x128xf32, #tpu.memory_space<hbm>>
    %dma_start3A_236 = arith.constant 0 : i32
    %dma_start3A_237 = arith.constant 0 : i32
    %dma_start3A_238 = tpu.memref_slice %arg9[%dma_start3A_228, %dma_start3A_229, %dma_start3A_236, %dma_start3A_237] : memref<4x2x32x128xf32, #tpu.memory_space<vmem>> -> memref<1x1x32x128xf32, #tpu.memory_space<vmem>>
    %dma_start3A_239 = tpu.memref_squeeze %dma_start3A_238 : memref<1x1x32x128xf32, #tpu.memory_space<vmem>> -> memref<32x128xf32, #tpu.memory_space<vmem>>
    %dma_start3A_240 = arith.constant 0 : i32
    %dma_start3A_241 = tpu.memref_slice %arg4[%dma_start3A_240, %multiple_of3A_220] : memref<32x1000000xf32, #tpu.memory_space<hbm>> -> memref<32x128xf32, #tpu.memory_space<hbm>>
    tpu.enqueue_dma source(%dma_start3A_241 : memref<32x128xf32, #tpu.memory_space<hbm>>) target(%dma_start3A_239 : memref<32x128xf32, #tpu.memory_space<vmem>>) target_semaphore(%arg15 : memref<!tpu.dma_semaphore, #tpu.memory_space<semaphore_mem>>)
    %dma_start3A_242 = arith.constant 2 : i32
    %dma_start3A_243 = arith.constant 1 : i32
    %dma_start3A_244 = arith.constant 0 : i32
    %dma_start3A_245 = arith.constant 0 : i32
    %dma_start3A_246 = tpu.memref_slice %arg10[%dma_start3A_242, %dma_start3A_243, %dma_start3A_244, %dma_start3A_245] : memref<4x2x32x128xf32, #tpu.memory_space<vmem>> -> memref<1x1x32x128xf32, #tpu.memory_space<vmem>>
    %dma_start3A_247 = tpu.memref_squeeze %dma_start3A_246 : memref<1x1x32x128xf32, #tpu.memory_space<vmem>> -> memref<32x128xf32, #tpu.memory_space<vmem>>
    %dma_start3A_248 = arith.constant 0 : i32
    %dma_start3A_249 = tpu.memref_slice %arg5[%dma_start3A_248, %multiple_of3A_227] : memref<32x1000000xf32, #tpu.memory_space<hbm>> -> memref<32x128xf32, #tpu.memory_space<hbm>>
    %dma_start3A_250 = arith.constant 0 : i32
    %dma_start3A_251 = arith.constant 0 : i32
    %dma_start3A_252 = tpu.memref_slice %arg10[%dma_start3A_242, %dma_start3A_243, %dma_start3A_250, %dma_start3A_251] : memref<4x2x32x128xf32, #tpu.memory_space<vmem>> -> memref<1x1x32x128xf32, #tpu.memory_space<vmem>>
    %dma_start3A_253 = tpu.memref_squeeze %dma_start3A_252 : memref<1x1x32x128xf32, #tpu.memory_space<vmem>> -> memref<32x128xf32, #tpu.memory_space<vmem>>
    %dma_start3A_254 = arith.constant 0 : i32
    %dma_start3A_255 = tpu.memref_slice %arg5[%dma_start3A_254, %multiple_of3A_227] : memref<32x1000000xf32, #tpu.memory_space<hbm>> -> memref<32x128xf32, #tpu.memory_space<hbm>>
    tpu.enqueue_dma source(%dma_start3A_255 : memref<32x128xf32, #tpu.memory_space<hbm>>) target(%dma_start3A_253 : memref<32x128xf32, #tpu.memory_space<vmem>>) target_semaphore(%arg19 : memref<!tpu.dma_semaphore, #tpu.memory_space<semaphore_mem>>)
    %scan3A = arith.constant 0 : i32
    %scan3A_256 = arith.constant 0 : i32
    %scan3A_257 = arith.constant 24 : i32
    %scan3A_258 = arith.addi %scan3A_256, %scan3A_257 : i32
    %scan3A_259 = arith.constant 1 : i32
    scf.for %scan3A_276 = %scan3A_256 to %scan3A_258 step %scan3A_259  : i32 {
      %mul3A_277 = arith.constant 16 : i32
      %mul3A_278 = arith.muli %scan3A_276, %mul3A_277 : i32
      %get3A_279 = arith.index_cast %mul3A_278 : i32 to index
      %get3A_280 = tpu.vector_load %arg7[%get3A_279] {strides = array<i32>} : memref<384xi32, #tpu.memory_space<vmem>>, vector<16xi32>,
      %get3A_281 = arith.index_cast %mul3A_278 : i32 to index
      %get3A_282 = tpu.vector_load %arg8[%get3A_281] {strides = array<i32>} : memref<384xi32, #tpu.memory_space<vmem>>, vector<16xi32>,
      %slice3A_283 = vector.extract_strided_slice %get3A_280 {offsets = [6], sizes = [1], strides = [1]} : vector<16xi32> to vector<1xi32>
      %squeeze3A_284 = vector.extract %slice3A_283[0] : i32 from vector<1xi32>
      %shift_right_arithmetic3A_285 = arith.constant 7 : i32
      %shift_right_arithmetic3A_286 = arith.shrsi %squeeze3A_284, %shift_right_arithmetic3A_285 : i32
      %mul3A_287 = arith.constant 128 : i32
      %mul3A_288 = arith.muli %shift_right_arithmetic3A_286, %mul3A_287 : i32
      %multiple_of3A_289 = tpu.assume_multiple %mul3A_288, 128 : i32
      %slice3A_290 = vector.extract_strided_slice %get3A_282 {offsets = [6], sizes = [1], strides = [1]} : vector<16xi32> to vector<1xi32>
      %squeeze3A_291 = vector.extract %slice3A_290[0] : i32 from vector<1xi32>
      %shift_right_arithmetic3A_292 = arith.constant 7 : i32
      %shift_right_arithmetic3A_293 = arith.shrsi %squeeze3A_291, %shift_right_arithmetic3A_292 : i32
      %mul3A_294 = arith.constant 128 : i32
      %mul3A_295 = arith.muli %shift_right_arithmetic3A_293, %mul3A_294 : i32
      %multiple_of3A_296 = tpu.assume_multiple %mul3A_295, 128 : i32
      %dma_start3A_297 = arith.constant 3 : i32
      %dma_start3A_298 = arith.constant 0 : i32
      %dma_start3A_299 = arith.constant 0 : i32
      %dma_start3A_300 = arith.constant 0 : i32
      %dma_start3A_301 = tpu.memref_slice %arg9[%dma_start3A_297, %dma_start3A_298, %dma_start3A_299, %dma_start3A_300] : memref<4x2x32x128xf32, #tpu.memory_space<vmem>> -> memref<1x1x32x128xf32, #tpu.memory_space<vmem>>
      %dma_start3A_302 = tpu.memref_squeeze %dma_start3A_301 : memref<1x1x32x128xf32, #tpu.memory_space<vmem>> -> memref<32x128xf32, #tpu.memory_space<vmem>>
      %dma_start3A_303 = arith.constant 0 : i32
      %dma_start3A_304 = tpu.memref_slice %arg4[%dma_start3A_303, %multiple_of3A_289] : memref<32x1000000xf32, #tpu.memory_space<hbm>> -> memref<32x128xf32, #tpu.memory_space<hbm>>
      %dma_start3A_305 = arith.constant 0 : i32
      %dma_start3A_306 = arith.constant 0 : i32
      %dma_start3A_307 = tpu.memref_slice %arg9[%dma_start3A_297, %dma_start3A_298, %dma_start3A_305, %dma_start3A_306] : memref<4x2x32x128xf32, #tpu.memory_space<vmem>> -> memref<1x1x32x128xf32, #tpu.memory_space<vmem>>
      %dma_start3A_308 = tpu.memref_squeeze %dma_start3A_307 : memref<1x1x32x128xf32, #tpu.memory_space<vmem>> -> memref<32x128xf32, #tpu.memory_space<vmem>>
      %dma_start3A_309 = arith.constant 0 : i32
      %dma_start3A_310 = tpu.memref_slice %arg4[%dma_start3A_309, %multiple_of3A_289] : memref<32x1000000xf32, #tpu.memory_space<hbm>> -> memref<32x128xf32, #tpu.memory_space<hbm>>
      tpu.enqueue_dma source(%dma_start3A_310 : memref<32x128xf32, #tpu.memory_space<hbm>>) target(%dma_start3A_308 : memref<32x128xf32, #tpu.memory_space<vmem>>) target_semaphore(%arg16 : memref<!tpu.dma_semaphore, #tpu.memory_space<semaphore_mem>>)
      %dma_start3A_311 = arith.constant 3 : i32
      %dma_start3A_312 = arith.constant 0 : i32
      %dma_start3A_313 = arith.constant 0 : i32
      %dma_start3A_314 = arith.constant 0 : i32
      %dma_start3A_315 = tpu.memref_slice %arg10[%dma_start3A_311, %dma_start3A_312, %dma_start3A_313, %dma_start3A_314] : memref<4x2x32x128xf32, #tpu.memory_space<vmem>> -> memref<1x1x32x128xf32, #tpu.memory_space<vmem>>
      %dma_start3A_316 = tpu.memref_squeeze %dma_start3A_315 : memref<1x1x32x128xf32, #tpu.memory_space<vmem>> -> memref<32x128xf32, #tpu.memory_space<vmem>>
      %dma_start3A_317 = arith.constant 0 : i32
      %dma_start3A_318 = tpu.memref_slice %arg5[%dma_start3A_317, %multiple_of3A_296] : memref<32x1000000xf32, #tpu.memory_space<hbm>> -> memref<32x128xf32, #tpu.memory_space<hbm>>
      %dma_start3A_319 = arith.constant 0 : i32
      %dma_start3A_320 = arith.constant 0 : i32
      %dma_start3A_321 = tpu.memref_slice %arg10[%dma_start3A_311, %dma_start3A_312, %dma_start3A_319, %dma_start3A_320] : memref<4x2x32x128xf32, #tpu.memory_space<vmem>> -> memref<1x1x32x128xf32, #tpu.memory_space<vmem>>
      %dma_start3A_322 = tpu.memref_squeeze %dma_start3A_321 : memref<1x1x32x128xf32, #tpu.memory_space<vmem>> -> memref<32x128xf32, #tpu.memory_space<vmem>>
      %dma_start3A_323 = arith.constant 0 : i32
      %dma_start3A_324 = tpu.memref_slice %arg5[%dma_start3A_323, %multiple_of3A_296] : memref<32x1000000xf32, #tpu.memory_space<hbm>> -> memref<32x128xf32, #tpu.memory_space<hbm>>
      tpu.enqueue_dma source(%dma_start3A_324 : memref<32x128xf32, #tpu.memory_space<hbm>>) target(%dma_start3A_322 : memref<32x128xf32, #tpu.memory_space<vmem>>) target_semaphore(%arg20 : memref<!tpu.dma_semaphore, #tpu.memory_space<semaphore_mem>>)
      %slice3A_325 = vector.extract_strided_slice %get3A_280 {offsets = [7], sizes = [1], strides = [1]} : vector<16xi32> to vector<1xi32>
      %squeeze3A_326 = vector.extract %slice3A_325[0] : i32 from vector<1xi32>
      %shift_right_arithmetic3A_327 = arith.constant 7 : i32
      %shift_right_arithmetic3A_328 = arith.shrsi %squeeze3A_326, %shift_right_arithmetic3A_327 : i32
      %mul3A_329 = arith.constant 128 : i32
      %mul3A_330 = arith.muli %shift_right_arithmetic3A_328, %mul3A_329 : i32
      %multiple_of3A_331 = tpu.assume_multiple %mul3A_330, 128 : i32
      %slice3A_332 = vector.extract_strided_slice %get3A_282 {offsets = [7], sizes = [1], strides = [1]} : vector<16xi32> to vector<1xi32>
      %squeeze3A_333 = vector.extract %slice3A_332[0] : i32 from vector<1xi32>
      %shift_right_arithmetic3A_334 = arith.constant 7 : i32
      %shift_right_arithmetic3A_335 = arith.shrsi %squeeze3A_333, %shift_right_arithmetic3A_334 : i32
      %mul3A_336 = arith.constant 128 : i32
      %mul3A_337 = arith.muli %shift_right_arithmetic3A_335, %mul3A_336 : i32
      %multiple_of3A_338 = tpu.assume_multiple %mul3A_337, 128 : i32
      %dma_start3A_339 = arith.constant 3 : i32
      %dma_start3A_340 = arith.constant 1 : i32
      %dma_start3A_341 = arith.constant 0 : i32
      %dma_start3A_342 = arith.constant 0 : i32
      %dma_start3A_343 = tpu.memref_slice %arg9[%dma_start3A_339, %dma_start3A_340, %dma_start3A_341, %dma_start3A_342] : memref<4x2x32x128xf32, #tpu.memory_space<vmem>> -> memref<1x1x32x128xf32, #tpu.memory_space<vmem>>
      %dma_start3A_344 = tpu.memref_squeeze %dma_start3A_343 : memref<1x1x32x128xf32, #tpu.memory_space<vmem>> -> memref<32x128xf32, #tpu.memory_space<vmem>>
      %dma_start3A_345 = arith.constant 0 : i32
      %dma_start3A_346 = tpu.memref_slice %arg4[%dma_start3A_345, %multiple_of3A_331] : memref<32x1000000xf32, #tpu.memory_space<hbm>> -> memref<32x128xf32, #tpu.memory_space<hbm>>
      %dma_start3A_347 = arith.constant 0 : i32
      %dma_start3A_348 = arith.constant 0 : i32
      %dma_start3A_349 = tpu.memref_slice %arg9[%dma_start3A_339, %dma_start3A_340, %dma_start3A_347, %dma_start3A_348] : memref<4x2x32x128xf32, #tpu.memory_space<vmem>> -> memref<1x1x32x128xf32, #tpu.memory_space<vmem>>
      %dma_start3A_350 = tpu.memref_squeeze %dma_start3A_349 : memref<1x1x32x128xf32, #tpu.memory_space<vmem>> -> memref<32x128xf32, #tpu.memory_space<vmem>>
      %dma_start3A_351 = arith.constant 0 : i32
      %dma_start3A_352 = tpu.memref_slice %arg4[%dma_start3A_351, %multiple_of3A_331] : memref<32x1000000xf32, #tpu.memory_space<hbm>> -> memref<32x128xf32, #tpu.memory_space<hbm>>
      tpu.enqueue_dma source(%dma_start3A_352 : memref<32x128xf32, #tpu.memory_space<hbm>>) target(%dma_start3A_350 : memref<32x128xf32, #tpu.memory_space<vmem>>) target_semaphore(%arg16 : memref<!tpu.dma_semaphore, #tpu.memory_space<semaphore_mem>>)
      %dma_start3A_353 = arith.constant 3 : i32
      %dma_start3A_354 = arith.constant 1 : i32
      %dma_start3A_355 = arith.constant 0 : i32
      %dma_start3A_356 = arith.constant 0 : i32
      %dma_start3A_357 = tpu.memref_slice %arg10[%dma_start3A_353, %dma_start3A_354, %dma_start3A_355, %dma_start3A_356] : memref<4x2x32x128xf32, #tpu.memory_space<vmem>> -> memref<1x1x32x128xf32, #tpu.memory_space<vmem>>
      %dma_start3A_358 = tpu.memref_squeeze %dma_start3A_357 : memref<1x1x32x128xf32, #tpu.memory_space<vmem>> -> memref<32x128xf32, #tpu.memory_space<vmem>>
      %dma_start3A_359 = arith.constant 0 : i32
      %dma_start3A_360 = tpu.memref_slice %arg5[%dma_start3A_359, %multiple_of3A_338] : memref<32x1000000xf32, #tpu.memory_space<hbm>> -> memref<32x128xf32, #tpu.memory_space<hbm>>
      %dma_start3A_361 = arith.constant 0 : i32
      %dma_start3A_362 = arith.constant 0 : i32
      %dma_start3A_363 = tpu.memref_slice %arg10[%dma_start3A_353, %dma_start3A_354, %dma_start3A_361, %dma_start3A_362] : memref<4x2x32x128xf32, #tpu.memory_space<vmem>> -> memref<1x1x32x128xf32, #tpu.memory_space<vmem>>
      %dma_start3A_364 = tpu.memref_squeeze %dma_start3A_363 : memref<1x1x32x128xf32, #tpu.memory_space<vmem>> -> memref<32x128xf32, #tpu.memory_space<vmem>>
      %dma_start3A_365 = arith.constant 0 : i32
      %dma_start3A_366 = tpu.memref_slice %arg5[%dma_start3A_365, %multiple_of3A_338] : memref<32x1000000xf32, #tpu.memory_space<hbm>> -> memref<32x128xf32, #tpu.memory_space<hbm>>
      tpu.enqueue_dma source(%dma_start3A_366 : memref<32x128xf32, #tpu.memory_space<hbm>>) target(%dma_start3A_364 : memref<32x128xf32, #tpu.memory_space<vmem>>) target_semaphore(%arg20 : memref<!tpu.dma_semaphore, #tpu.memory_space<semaphore_mem>>)
      %dma_wait3A_367 = arith.constant 0 : i32
      %dma_wait3A_368 = arith.constant 0 : i32
      %dma_wait3A_369 = arith.constant 0 : i32
      %dma_wait3A_370 = arith.constant 0 : i32
      %dma_wait3A_371 = tpu.memref_slice %arg9[%dma_wait3A_367, %dma_wait3A_368, %dma_wait3A_369, %dma_wait3A_370] : memref<4x2x32x128xf32, #tpu.memory_space<vmem>> -> memref<1x1x32x128xf32, #tpu.memory_space<vmem>>
      %dma_wait3A_372 = tpu.memref_squeeze %dma_wait3A_371 : memref<1x1x32x128xf32, #tpu.memory_space<vmem>> -> memref<32x128xf32, #tpu.memory_space<vmem>>
      %dma_wait3A_373 = arith.constant 0 : i32
      %dma_wait3A_374 = arith.constant 0 : i32
      %dma_wait3A_375 = tpu.memref_slice %arg4[%dma_wait3A_373, %dma_wait3A_374] : memref<32x1000000xf32, #tpu.memory_space<hbm>> -> memref<32x128xf32, #tpu.memory_space<hbm>>
      %dma_wait3A_376 = arith.constant 0 : i32
      %dma_wait3A_377 = arith.constant 0 : i32
      %dma_wait3A_378 = tpu.memref_slice %arg9[%dma_wait3A_367, %dma_wait3A_368, %dma_wait3A_376, %dma_wait3A_377] : memref<4x2x32x128xf32, #tpu.memory_space<vmem>> -> memref<1x1x32x128xf32, #tpu.memory_space<vmem>>
      %dma_wait3A_379 = tpu.memref_squeeze %dma_wait3A_378 : memref<1x1x32x128xf32, #tpu.memory_space<vmem>> -> memref<32x128xf32, #tpu.memory_space<vmem>>
      %dma_wait3A_380 = arith.constant 0 : i32
      %dma_wait3A_381 = arith.constant 0 : i32
      %dma_wait3A_382 = tpu.memref_slice %arg4[%dma_wait3A_380, %dma_wait3A_381] : memref<32x1000000xf32, #tpu.memory_space<hbm>> -> memref<32x128xf32, #tpu.memory_space<hbm>>
      tpu.wait_dma2 semaphore(%arg13 : memref<!tpu.dma_semaphore, #tpu.memory_space<semaphore_mem>>) src(%dma_wait3A_382 : memref<32x128xf32, #tpu.memory_space<hbm>>) dst(%dma_wait3A_379 : memref<32x128xf32, #tpu.memory_space<vmem>>)
      %dma_wait3A_383 = arith.constant 0 : i32
      %dma_wait3A_384 = arith.constant 0 : i32
      %dma_wait3A_385 = arith.constant 0 : i32
      %dma_wait3A_386 = arith.constant 0 : i32
      %dma_wait3A_387 = tpu.memref_slice %arg10[%dma_wait3A_383, %dma_wait3A_384, %dma_wait3A_385, %dma_wait3A_386] : memref<4x2x32x128xf32, #tpu.memory_space<vmem>> -> memref<1x1x32x128xf32, #tpu.memory_space<vmem>>
      %dma_wait3A_388 = tpu.memref_squeeze %dma_wait3A_387 : memref<1x1x32x128xf32, #tpu.memory_space<vmem>> -> memref<32x128xf32, #tpu.memory_space<vmem>>
      %dma_wait3A_389 = arith.constant 0 : i32
      %dma_wait3A_390 = arith.constant 0 : i32
      %dma_wait3A_391 = tpu.memref_slice %arg5[%dma_wait3A_389, %dma_wait3A_390] : memref<32x1000000xf32, #tpu.memory_space<hbm>> -> memref<32x128xf32, #tpu.memory_space<hbm>>
      %dma_wait3A_392 = arith.constant 0 : i32
      %dma_wait3A_393 = arith.constant 0 : i32
      %dma_wait3A_394 = tpu.memref_slice %arg10[%dma_wait3A_383, %dma_wait3A_384, %dma_wait3A_392, %dma_wait3A_393] : memref<4x2x32x128xf32, #tpu.memory_space<vmem>> -> memref<1x1x32x128xf32, #tpu.memory_space<vmem>>
      %dma_wait3A_395 = tpu.memref_squeeze %dma_wait3A_394 : memref<1x1x32x128xf32, #tpu.memory_space<vmem>> -> memref<32x128xf32, #tpu.memory_space<vmem>>
      %dma_wait3A_396 = arith.constant 0 : i32
      %dma_wait3A_397 = arith.constant 0 : i32
      %dma_wait3A_398 = tpu.memref_slice %arg5[%dma_wait3A_396, %dma_wait3A_397] : memref<32x1000000xf32, #tpu.memory_space<hbm>> -> memref<32x128xf32, #tpu.memory_space<hbm>>
      tpu.wait_dma2 semaphore(%arg17 : memref<!tpu.dma_semaphore, #tpu.memory_space<semaphore_mem>>) src(%dma_wait3A_398 : memref<32x128xf32, #tpu.memory_space<hbm>>) dst(%dma_wait3A_395 : memref<32x128xf32, #tpu.memory_space<vmem>>)
      %dma_wait3A_399 = arith.constant 0 : i32
      %dma_wait3A_400 = arith.constant 1 : i32
      %dma_wait3A_401 = arith.constant 0 : i32
      %dma_wait3A_402 = arith.constant 0 : i32
      %dma_wait3A_403 = tpu.memref_slice %arg9[%dma_wait3A_399, %dma_wait3A_400, %dma_wait3A_401, %dma_wait3A_402] : memref<4x2x32x128xf32, #tpu.memory_space<vmem>> -> memref<1x1x32x128xf32, #tpu.memory_space<vmem>>
      %dma_wait3A_404 = tpu.memref_squeeze %dma_wait3A_403 : memref<1x1x32x128xf32, #tpu.memory_space<vmem>> -> memref<32x128xf32, #tpu.memory_space<vmem>>
      %dma_wait3A_405 = arith.constant 0 : i32
      %dma_wait3A_406 = arith.constant 0 : i32
      %dma_wait3A_407 = tpu.memref_slice %arg4[%dma_wait3A_405, %dma_wait3A_406] : memref<32x1000000xf32, #tpu.memory_space<hbm>> -> memref<32x128xf32, #tpu.memory_space<hbm>>
      %dma_wait3A_408 = arith.constant 0 : i32
      %dma_wait3A_409 = arith.constant 0 : i32
      %dma_wait3A_410 = tpu.memref_slice %arg9[%dma_wait3A_399, %dma_wait3A_400, %dma_wait3A_408, %dma_wait3A_409] : memref<4x2x32x128xf32, #tpu.memory_space<vmem>> -> memref<1x1x32x128xf32, #tpu.memory_space<vmem>>
      %dma_wait3A_411 = tpu.memref_squeeze %dma_wait3A_410 : memref<1x1x32x128xf32, #tpu.memory_space<vmem>> -> memref<32x128xf32, #tpu.memory_space<vmem>>
      %dma_wait3A_412 = arith.constant 0 : i32
      %dma_wait3A_413 = arith.constant 0 : i32
      %dma_wait3A_414 = tpu.memref_slice %arg4[%dma_wait3A_412, %dma_wait3A_413] : memref<32x1000000xf32, #tpu.memory_space<hbm>> -> memref<32x128xf32, #tpu.memory_space<hbm>>
      tpu.wait_dma2 semaphore(%arg13 : memref<!tpu.dma_semaphore, #tpu.memory_space<semaphore_mem>>) src(%dma_wait3A_414 : memref<32x128xf32, #tpu.memory_space<hbm>>) dst(%dma_wait3A_411 : memref<32x128xf32, #tpu.memory_space<vmem>>)
      %dma_wait3A_415 = arith.constant 0 : i32
      %dma_wait3A_416 = arith.constant 1 : i32
      %dma_wait3A_417 = arith.constant 0 : i32
      %dma_wait3A_418 = arith.constant 0 : i32
      %dma_wait3A_419 = tpu.memref_slice %arg10[%dma_wait3A_415, %dma_wait3A_416, %dma_wait3A_417, %dma_wait3A_418] : memref<4x2x32x128xf32, #tpu.memory_space<vmem>> -> memref<1x1x32x128xf32, #tpu.memory_space<vmem>>
      %dma_wait3A_420 = tpu.memref_squeeze %dma_wait3A_419 : memref<1x1x32x128xf32, #tpu.memory_space<vmem>> -> memref<32x128xf32, #tpu.memory_space<vmem>>
      %dma_wait3A_421 = arith.constant 0 : i32
      %dma_wait3A_422 = arith.constant 0 : i32
      %dma_wait3A_423 = tpu.memref_slice %arg5[%dma_wait3A_421, %dma_wait3A_422] : memref<32x1000000xf32, #tpu.memory_space<hbm>> -> memref<32x128xf32, #tpu.memory_space<hbm>>
      %dma_wait3A_424 = arith.constant 0 : i32
      %dma_wait3A_425 = arith.constant 0 : i32
      %dma_wait3A_426 = tpu.memref_slice %arg10[%dma_wait3A_415, %dma_wait3A_416, %dma_wait3A_424, %dma_wait3A_425] : memref<4x2x32x128xf32, #tpu.memory_space<vmem>> -> memref<1x1x32x128xf32, #tpu.memory_space<vmem>>
      %dma_wait3A_427 = tpu.memref_squeeze %dma_wait3A_426 : memref<1x1x32x128xf32, #tpu.memory_space<vmem>> -> memref<32x128xf32, #tpu.memory_space<vmem>>
      %dma_wait3A_428 = arith.constant 0 : i32
      %dma_wait3A_429 = arith.constant 0 : i32
      %dma_wait3A_430 = tpu.memref_slice %arg5[%dma_wait3A_428, %dma_wait3A_429] : memref<32x1000000xf32, #tpu.memory_space<hbm>> -> memref<32x128xf32, #tpu.memory_space<hbm>>
      tpu.wait_dma2 semaphore(%arg17 : memref<!tpu.dma_semaphore, #tpu.memory_space<semaphore_mem>>) src(%dma_wait3A_430 : memref<32x128xf32, #tpu.memory_space<hbm>>) dst(%dma_wait3A_427 : memref<32x128xf32, #tpu.memory_space<vmem>>)
      %slice3A_431 = vector.extract_strided_slice %get3A_280 {offsets = [0], sizes = [1], strides = [1]} : vector<16xi32> to vector<1xi32>
      %squeeze3A_432 = vector.extract %slice3A_431[0] : i32 from vector<1xi32>
      %and3A = arith.constant 127 : i32
      %and3A_433 = arith.andi %squeeze3A_432, %and3A : i32
      %broadcast_in_dim3A = vector.broadcast %and3A_433 : i32 to vector<16xi32>
      %slice3A_434 = vector.extract_strided_slice %get3A_282 {offsets = [0], sizes = [1], strides = [1]} : vector<16xi32> to vector<1xi32>
      %squeeze3A_435 = vector.extract %slice3A_434[0] : i32 from vector<1xi32>
      %and3A_436 = arith.constant 127 : i32
      %and3A_437 = arith.andi %squeeze3A_435, %and3A_436 : i32
      %broadcast_in_dim3A_438 = vector.broadcast %and3A_437 : i32 to vector<16xi32>
      %add3A_439 = arith.constant 0 : i32
      %add3A_440 = arith.addi %mul3A_278, %add3A_439 : i32
      %broadcast_in_dim3A_441 = vector.broadcast %add3A_440 : i32 to vector<16xi32>
      %gather3A = arith.constant 0 : i32
      %gather3A_442 = arith.constant 0 : i32
      %gather3A_443 = arith.constant 0 : i32
      %gather3A_444 = arith.constant 0 : i32
      %gather3A_445 = tpu.memref_slice %arg9[%gather3A, %gather3A_442, %gather3A_443, %gather3A_444] : memref<4x2x32x128xf32, #tpu.memory_space<vmem>> -> memref<1x1x32x128xf32, #tpu.memory_space<vmem>>
      %gather3A_446 = tpu.memref_squeeze %gather3A_445 : memref<1x1x32x128xf32, #tpu.memory_space<vmem>> -> memref<32x128xf32, #tpu.memory_space<vmem>>
      %gather3A_447 = tpu.vector_load_idx %gather3A_446[%iota3A, %broadcast_in_dim3A] : memref<32x128xf32, #tpu.memory_space<vmem>>[vector<16xi32>, vector<16xi32>], vector<16xf32>,
      %gather3A_448 = arith.constant 0 : i32
      %gather3A_449 = arith.constant 0 : i32
      %gather3A_450 = arith.constant 0 : i32
      %gather3A_451 = arith.constant 0 : i32
      %gather3A_452 = tpu.memref_slice %arg9[%gather3A_448, %gather3A_449, %gather3A_450, %gather3A_451] : memref<4x2x32x128xf32, #tpu.memory_space<vmem>> -> memref<1x1x32x128xf32, #tpu.memory_space<vmem>>
      %gather3A_453 = tpu.memref_squeeze %gather3A_452 : memref<1x1x32x128xf32, #tpu.memory_space<vmem>> -> memref<32x128xf32, #tpu.memory_space<vmem>>
      %gather3A_454 = tpu.vector_load_idx %gather3A_453[%add3A_5, %broadcast_in_dim3A] : memref<32x128xf32, #tpu.memory_space<vmem>>[vector<16xi32>, vector<16xi32>], vector<16xf32>,
      tpu.vector_store_idx %arg11[%iota3A, %broadcast_in_dim3A_441], %gather3A_447 : memref<32x384xf32, #tpu.memory_space<vmem>>[vector<16xi32>, vector<16xi32>], vector<16xf32>,
      tpu.vector_store_idx %arg11[%add3A_5, %broadcast_in_dim3A_441], %gather3A_454 : memref<32x384xf32, #tpu.memory_space<vmem>>[vector<16xi32>, vector<16xi32>], vector<16xf32>,
      %gather3A_455 = arith.constant 0 : i32
      %gather3A_456 = arith.constant 0 : i32
      %gather3A_457 = arith.constant 0 : i32
      %gather3A_458 = arith.constant 0 : i32
      %gather3A_459 = tpu.memref_slice %arg10[%gather3A_455, %gather3A_456, %gather3A_457, %gather3A_458] : memref<4x2x32x128xf32, #tpu.memory_space<vmem>> -> memref<1x1x32x128xf32, #tpu.memory_space<vmem>>
      %gather3A_460 = tpu.memref_squeeze %gather3A_459 : memref<1x1x32x128xf32, #tpu.memory_space<vmem>> -> memref<32x128xf32, #tpu.memory_space<vmem>>
      %gather3A_461 = tpu.vector_load_idx %gather3A_460[%iota3A, %broadcast_in_dim3A_438] : memref<32x128xf32, #tpu.memory_space<vmem>>[vector<16xi32>, vector<16xi32>], vector<16xf32>,
      %gather3A_462 = arith.constant 0 : i32
      %gather3A_463 = arith.constant 0 : i32
      %gather3A_464 = arith.constant 0 : i32
      %gather3A_465 = arith.constant 0 : i32
      %gather3A_466 = tpu.memref_slice %arg10[%gather3A_462, %gather3A_463, %gather3A_464, %gather3A_465] : memref<4x2x32x128xf32, #tpu.memory_space<vmem>> -> memref<1x1x32x128xf32, #tpu.memory_space<vmem>>
      %gather3A_467 = tpu.memref_squeeze %gather3A_466 : memref<1x1x32x128xf32, #tpu.memory_space<vmem>> -> memref<32x128xf32, #tpu.memory_space<vmem>>
      %gather3A_468 = tpu.vector_load_idx %gather3A_467[%add3A_5, %broadcast_in_dim3A_438] : memref<32x128xf32, #tpu.memory_space<vmem>>[vector<16xi32>, vector<16xi32>], vector<16xf32>,
      tpu.vector_store_idx %arg12[%iota3A, %broadcast_in_dim3A_441], %gather3A_461 : memref<32x384xf32, #tpu.memory_space<vmem>>[vector<16xi32>, vector<16xi32>], vector<16xf32>,
      tpu.vector_store_idx %arg12[%add3A_5, %broadcast_in_dim3A_441], %gather3A_468 : memref<32x384xf32, #tpu.memory_space<vmem>>[vector<16xi32>, vector<16xi32>], vector<16xf32>,
      %slice3A_469 = vector.extract_strided_slice %get3A_280 {offsets = [1], sizes = [1], strides = [1]} : vector<16xi32> to vector<1xi32>
      %squeeze3A_470 = vector.extract %slice3A_469[0] : i32 from vector<1xi32>
      %and3A_471 = arith.constant 127 : i32
      %and3A_472 = arith.andi %squeeze3A_470, %and3A_471 : i32
      %broadcast_in_dim3A_473 = vector.broadcast %and3A_472 : i32 to vector<16xi32>
      %slice3A_474 = vector.extract_strided_slice %get3A_282 {offsets = [1], sizes = [1], strides = [1]} : vector<16xi32> to vector<1xi32>
      %squeeze3A_475 = vector.extract %slice3A_474[0] : i32 from vector<1xi32>
      %and3A_476 = arith.constant 127 : i32
      %and3A_477 = arith.andi %squeeze3A_475, %and3A_476 : i32
      %broadcast_in_dim3A_478 = vector.broadcast %and3A_477 : i32 to vector<16xi32>
      %add3A_479 = arith.constant 1 : i32
      %add3A_480 = arith.addi %mul3A_278, %add3A_479 : i32
      %broadcast_in_dim3A_481 = vector.broadcast %add3A_480 : i32 to vector<16xi32>
      %gather3A_482 = arith.constant 0 : i32
      %gather3A_483 = arith.constant 1 : i32
      %gather3A_484 = arith.constant 0 : i32
      %gather3A_485 = arith.constant 0 : i32
      %gather3A_486 = tpu.memref_slice %arg9[%gather3A_482, %gather3A_483, %gather3A_484, %gather3A_485] : memref<4x2x32x128xf32, #tpu.memory_space<vmem>> -> memref<1x1x32x128xf32, #tpu.memory_space<vmem>>
      %gather3A_487 = tpu.memref_squeeze %gather3A_486 : memref<1x1x32x128xf32, #tpu.memory_space<vmem>> -> memref<32x128xf32, #tpu.memory_space<vmem>>
      %gather3A_488 = tpu.vector_load_idx %gather3A_487[%iota3A, %broadcast_in_dim3A_473] : memref<32x128xf32, #tpu.memory_space<vmem>>[vector<16xi32>, vector<16xi32>], vector<16xf32>,
      %gather3A_489 = arith.constant 0 : i32
      %gather3A_490 = arith.constant 1 : i32
      %gather3A_491 = arith.constant 0 : i32
      %gather3A_492 = arith.constant 0 : i32
      %gather3A_493 = tpu.memref_slice %arg9[%gather3A_489, %gather3A_490, %gather3A_491, %gather3A_492] : memref<4x2x32x128xf32, #tpu.memory_space<vmem>> -> memref<1x1x32x128xf32, #tpu.memory_space<vmem>>
      %gather3A_494 = tpu.memref_squeeze %gather3A_493 : memref<1x1x32x128xf32, #tpu.memory_space<vmem>> -> memref<32x128xf32, #tpu.memory_space<vmem>>
      %gather3A_495 = tpu.vector_load_idx %gather3A_494[%add3A_5, %broadcast_in_dim3A_473] : memref<32x128xf32, #tpu.memory_space<vmem>>[vector<16xi32>, vector<16xi32>], vector<16xf32>,
      tpu.vector_store_idx %arg11[%iota3A, %broadcast_in_dim3A_481], %gather3A_488 : memref<32x384xf32, #tpu.memory_space<vmem>>[vector<16xi32>, vector<16xi32>], vector<16xf32>,
      tpu.vector_store_idx %arg11[%add3A_5, %broadcast_in_dim3A_481], %gather3A_495 : memref<32x384xf32, #tpu.memory_space<vmem>>[vector<16xi32>, vector<16xi32>], vector<16xf32>,
      %gather3A_496 = arith.constant 0 : i32
      %gather3A_497 = arith.constant 1 : i32
      %gather3A_498 = arith.constant 0 : i32
      %gather3A_499 = arith.constant 0 : i32
      %gather3A_500 = tpu.memref_slice %arg10[%gather3A_496, %gather3A_497, %gather3A_498, %gather3A_499] : memref<4x2x32x128xf32, #tpu.memory_space<vmem>> -> memref<1x1x32x128xf32, #tpu.memory_space<vmem>>
      %gather3A_501 = tpu.memref_squeeze %gather3A_500 : memref<1x1x32x128xf32, #tpu.memory_space<vmem>> -> memref<32x128xf32, #tpu.memory_space<vmem>>
      %gather3A_502 = tpu.vector_load_idx %gather3A_501[%iota3A, %broadcast_in_dim3A_478] : memref<32x128xf32, #tpu.memory_space<vmem>>[vector<16xi32>, vector<16xi32>], vector<16xf32>,
      %gather3A_503 = arith.constant 0 : i32
      %gather3A_504 = arith.constant 1 : i32
      %gather3A_505 = arith.constant 0 : i32
      %gather3A_506 = arith.constant 0 : i32
      %gather3A_507 = tpu.memref_slice %arg10[%gather3A_503, %gather3A_504, %gather3A_505, %gather3A_506] : memref<4x2x32x128xf32, #tpu.memory_space<vmem>> -> memref<1x1x32x128xf32, #tpu.memory_space<vmem>>
      %gather3A_508 = tpu.memref_squeeze %gather3A_507 : memref<1x1x32x128xf32, #tpu.memory_space<vmem>> -> memref<32x128xf32, #tpu.memory_space<vmem>>
      %gather3A_509 = tpu.vector_load_idx %gather3A_508[%add3A_5, %broadcast_in_dim3A_478] : memref<32x128xf32, #tpu.memory_space<vmem>>[vector<16xi32>, vector<16xi32>], vector<16xf32>,
      tpu.vector_store_idx %arg12[%iota3A, %broadcast_in_dim3A_481], %gather3A_502 : memref<32x384xf32, #tpu.memory_space<vmem>>[vector<16xi32>, vector<16xi32>], vector<16xf32>,
      tpu.vector_store_idx %arg12[%add3A_5, %broadcast_in_dim3A_481], %gather3A_509 : memref<32x384xf32, #tpu.memory_space<vmem>>[vector<16xi32>, vector<16xi32>], vector<16xf32>,
      %slice3A_510 = vector.extract_strided_slice %get3A_280 {offsets = [8], sizes = [1], strides = [1]} : vector<16xi32> to vector<1xi32>
      %squeeze3A_511 = vector.extract %slice3A_510[0] : i32 from vector<1xi32>
      %shift_right_arithmetic3A_512 = arith.constant 7 : i32
      %shift_right_arithmetic3A_513 = arith.shrsi %squeeze3A_511, %shift_right_arithmetic3A_512 : i32
      %mul3A_514 = arith.constant 128 : i32
      %mul3A_515 = arith.muli %shift_right_arithmetic3A_513, %mul3A_514 : i32
      %multiple_of3A_516 = tpu.assume_multiple %mul3A_515, 128 : i32
      %slice3A_517 = vector.extract_strided_slice %get3A_282 {offsets = [8], sizes = [1], strides = [1]} : vector<16xi32> to vector<1xi32>
      %squeeze3A_518 = vector.extract %slice3A_517[0] : i32 from vector<1xi32>
      %shift_right_arithmetic3A_519 = arith.constant 7 : i32
      %shift_right_arithmetic3A_520 = arith.shrsi %squeeze3A_518, %shift_right_arithmetic3A_519 : i32
      %mul3A_521 = arith.constant 128 : i32
      %mul3A_522 = arith.muli %shift_right_arithmetic3A_520, %mul3A_521 : i32
      %multiple_of3A_523 = tpu.assume_multiple %mul3A_522, 128 : i32
      %dma_start3A_524 = arith.constant 0 : i32
      %dma_start3A_525 = arith.constant 0 : i32
      %dma_start3A_526 = arith.constant 0 : i32
      %dma_start3A_527 = arith.constant 0 : i32
      %dma_start3A_528 = tpu.memref_slice %arg9[%dma_start3A_524, %dma_start3A_525, %dma_start3A_526, %dma_start3A_527] : memref<4x2x32x128xf32, #tpu.memory_space<vmem>> -> memref<1x1x32x128xf32, #tpu.memory_space<vmem>>
      %dma_start3A_529 = tpu.memref_squeeze %dma_start3A_528 : memref<1x1x32x128xf32, #tpu.memory_space<vmem>> -> memref<32x128xf32, #tpu.memory_space<vmem>>
      %dma_start3A_530 = arith.constant 0 : i32
      %dma_start3A_531 = tpu.memref_slice %arg4[%dma_start3A_530, %multiple_of3A_516] : memref<32x1000000xf32, #tpu.memory_space<hbm>> -> memref<32x128xf32, #tpu.memory_space<hbm>>
      %dma_start3A_532 = arith.constant 0 : i32
      %dma_start3A_533 = arith.constant 0 : i32
      %dma_start3A_534 = tpu.memref_slice %arg9[%dma_start3A_524, %dma_start3A_525, %dma_start3A_532, %dma_start3A_533] : memref<4x2x32x128xf32, #tpu.memory_space<vmem>> -> memref<1x1x32x128xf32, #tpu.memory_space<vmem>>
      %dma_start3A_535 = tpu.memref_squeeze %dma_start3A_534 : memref<1x1x32x128xf32, #tpu.memory_space<vmem>> -> memref<32x128xf32, #tpu.memory_space<vmem>>
      %dma_start3A_536 = arith.constant 0 : i32
      %dma_start3A_537 = tpu.memref_slice %arg4[%dma_start3A_536, %multiple_of3A_516] : memref<32x1000000xf32, #tpu.memory_space<hbm>> -> memref<32x128xf32, #tpu.memory_space<hbm>>
      tpu.enqueue_dma source(%dma_start3A_537 : memref<32x128xf32, #tpu.memory_space<hbm>>) target(%dma_start3A_535 : memref<32x128xf32, #tpu.memory_space<vmem>>) target_semaphore(%arg13 : memref<!tpu.dma_semaphore, #tpu.memory_space<semaphore_mem>>)
      %dma_start3A_538 = arith.constant 0 : i32
      %dma_start3A_539 = arith.constant 0 : i32
      %dma_start3A_540 = arith.constant 0 : i32
      %dma_start3A_541 = arith.constant 0 : i32
      %dma_start3A_542 = tpu.memref_slice %arg10[%dma_start3A_538, %dma_start3A_539, %dma_start3A_540, %dma_start3A_541] : memref<4x2x32x128xf32, #tpu.memory_space<vmem>> -> memref<1x1x32x128xf32, #tpu.memory_space<vmem>>
      %dma_start3A_543 = tpu.memref_squeeze %dma_start3A_542 : memref<1x1x32x128xf32, #tpu.memory_space<vmem>> -> memref<32x128xf32, #tpu.memory_space<vmem>>
      %dma_start3A_544 = arith.constant 0 : i32
      %dma_start3A_545 = tpu.memref_slice %arg5[%dma_start3A_544, %multiple_of3A_523] : memref<32x1000000xf32, #tpu.memory_space<hbm>> -> memref<32x128xf32, #tpu.memory_space<hbm>>
      %dma_start3A_546 = arith.constant 0 : i32
      %dma_start3A_547 = arith.constant 0 : i32
      %dma_start3A_548 = tpu.memref_slice %arg10[%dma_start3A_538, %dma_start3A_539, %dma_start3A_546, %dma_start3A_547] : memref<4x2x32x128xf32, #tpu.memory_space<vmem>> -> memref<1x1x32x128xf32, #tpu.memory_space<vmem>>
      %dma_start3A_549 = tpu.memref_squeeze %dma_start3A_548 : memref<1x1x32x128xf32, #tpu.memory_space<vmem>> -> memref<32x128xf32, #tpu.memory_space<vmem>>
      %dma_start3A_550 = arith.constant 0 : i32
      %dma_start3A_551 = tpu.memref_slice %arg5[%dma_start3A_550, %multiple_of3A_523] : memref<32x1000000xf32, #tpu.memory_space<hbm>> -> memref<32x128xf32, #tpu.memory_space<hbm>>
      tpu.enqueue_dma source(%dma_start3A_551 : memref<32x128xf32, #tpu.memory_space<hbm>>) target(%dma_start3A_549 : memref<32x128xf32, #tpu.memory_space<vmem>>) target_semaphore(%arg17 : memref<!tpu.dma_semaphore, #tpu.memory_space<semaphore_mem>>)
      %slice3A_552 = vector.extract_strided_slice %get3A_280 {offsets = [9], sizes = [1], strides = [1]} : vector<16xi32> to vector<1xi32>
      %squeeze3A_553 = vector.extract %slice3A_552[0] : i32 from vector<1xi32>
      %shift_right_arithmetic3A_554 = arith.constant 7 : i32
      %shift_right_arithmetic3A_555 = arith.shrsi %squeeze3A_553, %shift_right_arithmetic3A_554 : i32
      %mul3A_556 = arith.constant 128 : i32
      %mul3A_557 = arith.muli %shift_right_arithmetic3A_555, %mul3A_556 : i32
      %multiple_of3A_558 = tpu.assume_multiple %mul3A_557, 128 : i32
      %slice3A_559 = vector.extract_strided_slice %get3A_282 {offsets = [9], sizes = [1], strides = [1]} : vector<16xi32> to vector<1xi32>
      %squeeze3A_560 = vector.extract %slice3A_559[0] : i32 from vector<1xi32>
      %shift_right_arithmetic3A_561 = arith.constant 7 : i32
      %shift_right_arithmetic3A_562 = arith.shrsi %squeeze3A_560, %shift_right_arithmetic3A_561 : i32
      %mul3A_563 = arith.constant 128 : i32
      %mul3A_564 = arith.muli %shift_right_arithmetic3A_562, %mul3A_563 : i32
      %multiple_of3A_565 = tpu.assume_multiple %mul3A_564, 128 : i32
      %dma_start3A_566 = arith.constant 0 : i32
      %dma_start3A_567 = arith.constant 1 : i32
      %dma_start3A_568 = arith.constant 0 : i32
      %dma_start3A_569 = arith.constant 0 : i32
      %dma_start3A_570 = tpu.memref_slice %arg9[%dma_start3A_566, %dma_start3A_567, %dma_start3A_568, %dma_start3A_569] : memref<4x2x32x128xf32, #tpu.memory_space<vmem>> -> memref<1x1x32x128xf32, #tpu.memory_space<vmem>>
      %dma_start3A_571 = tpu.memref_squeeze %dma_start3A_570 : memref<1x1x32x128xf32, #tpu.memory_space<vmem>> -> memref<32x128xf32, #tpu.memory_space<vmem>>
      %dma_start3A_572 = arith.constant 0 : i32
      %dma_start3A_573 = tpu.memref_slice %arg4[%dma_start3A_572, %multiple_of3A_558] : memref<32x1000000xf32, #tpu.memory_space<hbm>> -> memref<32x128xf32, #tpu.memory_space<hbm>>
      %dma_start3A_574 = arith.constant 0 : i32
      %dma_start3A_575 = arith.constant 0 : i32
      %dma_start3A_576 = tpu.memref_slice %arg9[%dma_start3A_566, %dma_start3A_567, %dma_start3A_574, %dma_start3A_575] : memref<4x2x32x128xf32, #tpu.memory_space<vmem>> -> memref<1x1x32x128xf32, #tpu.memory_space<vmem>>
      %dma_start3A_577 = tpu.memref_squeeze %dma_start3A_576 : memref<1x1x32x128xf32, #tpu.memory_space<vmem>> -> memref<32x128xf32, #tpu.memory_space<vmem>>
      %dma_start3A_578 = arith.constant 0 : i32
      %dma_start3A_579 = tpu.memref_slice %arg4[%dma_start3A_578, %multiple_of3A_558] : memref<32x1000000xf32, #tpu.memory_space<hbm>> -> memref<32x128xf32, #tpu.memory_space<hbm>>
      tpu.enqueue_dma source(%dma_start3A_579 : memref<32x128xf32, #tpu.memory_space<hbm>>) target(%dma_start3A_577 : memref<32x128xf32, #tpu.memory_space<vmem>>) target_semaphore(%arg13 : memref<!tpu.dma_semaphore, #tpu.memory_space<semaphore_mem>>)
      %dma_start3A_580 = arith.constant 0 : i32
      %dma_start3A_581 = arith.constant 1 : i32
      %dma_start3A_582 = arith.constant 0 : i32
      %dma_start3A_583 = arith.constant 0 : i32
      %dma_start3A_584 = tpu.memref_slice %arg10[%dma_start3A_580, %dma_start3A_581, %dma_start3A_582, %dma_start3A_583] : memref<4x2x32x128xf32, #tpu.memory_space<vmem>> -> memref<1x1x32x128xf32, #tpu.memory_space<vmem>>
      %dma_start3A_585 = tpu.memref_squeeze %dma_start3A_584 : memref<1x1x32x128xf32, #tpu.memory_space<vmem>> -> memref<32x128xf32, #tpu.memory_space<vmem>>
      %dma_start3A_586 = arith.constant 0 : i32
      %dma_start3A_587 = tpu.memref_slice %arg5[%dma_start3A_586, %multiple_of3A_565] : memref<32x1000000xf32, #tpu.memory_space<hbm>> -> memref<32x128xf32, #tpu.memory_space<hbm>>
      %dma_start3A_588 = arith.constant 0 : i32
      %dma_start3A_589 = arith.constant 0 : i32
      %dma_start3A_590 = tpu.memref_slice %arg10[%dma_start3A_580, %dma_start3A_581, %dma_start3A_588, %dma_start3A_589] : memref<4x2x32x128xf32, #tpu.memory_space<vmem>> -> memref<1x1x32x128xf32, #tpu.memory_space<vmem>>
      %dma_start3A_591 = tpu.memref_squeeze %dma_start3A_590 : memref<1x1x32x128xf32, #tpu.memory_space<vmem>> -> memref<32x128xf32, #tpu.memory_space<vmem>>
      %dma_start3A_592 = arith.constant 0 : i32
      %dma_start3A_593 = tpu.memref_slice %arg5[%dma_start3A_592, %multiple_of3A_565] : memref<32x1000000xf32, #tpu.memory_space<hbm>> -> memref<32x128xf32, #tpu.memory_space<hbm>>
      tpu.enqueue_dma source(%dma_start3A_593 : memref<32x128xf32, #tpu.memory_space<hbm>>) target(%dma_start3A_591 : memref<32x128xf32, #tpu.memory_space<vmem>>) target_semaphore(%arg17 : memref<!tpu.dma_semaphore, #tpu.memory_space<semaphore_mem>>)
      %dma_wait3A_594 = arith.constant 1 : i32
      %dma_wait3A_595 = arith.constant 0 : i32
      %dma_wait3A_596 = arith.constant 0 : i32
      %dma_wait3A_597 = arith.constant 0 : i32
      %dma_wait3A_598 = tpu.memref_slice %arg9[%dma_wait3A_594, %dma_wait3A_595, %dma_wait3A_596, %dma_wait3A_597] : memref<4x2x32x128xf32, #tpu.memory_space<vmem>> -> memref<1x1x32x128xf32, #tpu.memory_space<vmem>>
      %dma_wait3A_599 = tpu.memref_squeeze %dma_wait3A_598 : memref<1x1x32x128xf32, #tpu.memory_space<vmem>> -> memref<32x128xf32, #tpu.memory_space<vmem>>
      %dma_wait3A_600 = arith.constant 0 : i32
      %dma_wait3A_601 = arith.constant 0 : i32
      %dma_wait3A_602 = tpu.memref_slice %arg4[%dma_wait3A_600, %dma_wait3A_601] : memref<32x1000000xf32, #tpu.memory_space<hbm>> -> memref<32x128xf32, #tpu.memory_space<hbm>>
      %dma_wait3A_603 = arith.constant 0 : i32
      %dma_wait3A_604 = arith.constant 0 : i32
      %dma_wait3A_605 = tpu.memref_slice %arg9[%dma_wait3A_594, %dma_wait3A_595, %dma_wait3A_603, %dma_wait3A_604] : memref<4x2x32x128xf32, #tpu.memory_space<vmem>> -> memref<1x1x32x128xf32, #tpu.memory_space<vmem>>
      %dma_wait3A_606 = tpu.memref_squeeze %dma_wait3A_605 : memref<1x1x32x128xf32, #tpu.memory_space<vmem>> -> memref<32x128xf32, #tpu.memory_space<vmem>>
      %dma_wait3A_607 = arith.constant 0 : i32
      %dma_wait3A_608 = arith.constant 0 : i32
      %dma_wait3A_609 = tpu.memref_slice %arg4[%dma_wait3A_607, %dma_wait3A_608] : memref<32x1000000xf32, #tpu.memory_space<hbm>> -> memref<32x128xf32, #tpu.memory_space<hbm>>
      tpu.wait_dma2 semaphore(%arg14 : memref<!tpu.dma_semaphore, #tpu.memory_space<semaphore_mem>>) src(%dma_wait3A_609 : memref<32x128xf32, #tpu.memory_space<hbm>>) dst(%dma_wait3A_606 : memref<32x128xf32, #tpu.memory_space<vmem>>)
      %dma_wait3A_610 = arith.constant 1 : i32
      %dma_wait3A_611 = arith.constant 0 : i32
      %dma_wait3A_612 = arith.constant 0 : i32
      %dma_wait3A_613 = arith.constant 0 : i32
      %dma_wait3A_614 = tpu.memref_slice %arg10[%dma_wait3A_610, %dma_wait3A_611, %dma_wait3A_612, %dma_wait3A_613] : memref<4x2x32x128xf32, #tpu.memory_space<vmem>> -> memref<1x1x32x128xf32, #tpu.memory_space<vmem>>
      %dma_wait3A_615 = tpu.memref_squeeze %dma_wait3A_614 : memref<1x1x32x128xf32, #tpu.memory_space<vmem>> -> memref<32x128xf32, #tpu.memory_space<vmem>>
      %dma_wait3A_616 = arith.constant 0 : i32
      %dma_wait3A_617 = arith.constant 0 : i32
      %dma_wait3A_618 = tpu.memref_slice %arg5[%dma_wait3A_616, %dma_wait3A_617] : memref<32x1000000xf32, #tpu.memory_space<hbm>> -> memref<32x128xf32, #tpu.memory_space<hbm>>
      %dma_wait3A_619 = arith.constant 0 : i32
      %dma_wait3A_620 = arith.constant 0 : i32
      %dma_wait3A_621 = tpu.memref_slice %arg10[%dma_wait3A_610, %dma_wait3A_611, %dma_wait3A_619, %dma_wait3A_620] : memref<4x2x32x128xf32, #tpu.memory_space<vmem>> -> memref<1x1x32x128xf32, #tpu.memory_space<vmem>>
      %dma_wait3A_622 = tpu.memref_squeeze %dma_wait3A_621 : memref<1x1x32x128xf32, #tpu.memory_space<vmem>> -> memref<32x128xf32, #tpu.memory_space<vmem>>
      %dma_wait3A_623 = arith.constant 0 : i32
      %dma_wait3A_624 = arith.constant 0 : i32
      %dma_wait3A_625 = tpu.memref_slice %arg5[%dma_wait3A_623, %dma_wait3A_624] : memref<32x1000000xf32, #tpu.memory_space<hbm>> -> memref<32x128xf32, #tpu.memory_space<hbm>>
      tpu.wait_dma2 semaphore(%arg18 : memref<!tpu.dma_semaphore, #tpu.memory_space<semaphore_mem>>) src(%dma_wait3A_625 : memref<32x128xf32, #tpu.memory_space<hbm>>) dst(%dma_wait3A_622 : memref<32x128xf32, #tpu.memory_space<vmem>>)
      %dma_wait3A_626 = arith.constant 1 : i32
      %dma_wait3A_627 = arith.constant 1 : i32
      %dma_wait3A_628 = arith.constant 0 : i32
      %dma_wait3A_629 = arith.constant 0 : i32
      %dma_wait3A_630 = tpu.memref_slice %arg9[%dma_wait3A_626, %dma_wait3A_627, %dma_wait3A_628, %dma_wait3A_629] : memref<4x2x32x128xf32, #tpu.memory_space<vmem>> -> memref<1x1x32x128xf32, #tpu.memory_space<vmem>>
      %dma_wait3A_631 = tpu.memref_squeeze %dma_wait3A_630 : memref<1x1x32x128xf32, #tpu.memory_space<vmem>> -> memref<32x128xf32, #tpu.memory_space<vmem>>
      %dma_wait3A_632 = arith.constant 0 : i32
      %dma_wait3A_633 = arith.constant 0 : i32
      %dma_wait3A_634 = tpu.memref_slice %arg4[%dma_wait3A_632, %dma_wait3A_633] : memref<32x1000000xf32, #tpu.memory_space<hbm>> -> memref<32x128xf32, #tpu.memory_space<hbm>>
      %dma_wait3A_635 = arith.constant 0 : i32
      %dma_wait3A_636 = arith.constant 0 : i32
      %dma_wait3A_637 = tpu.memref_slice %arg9[%dma_wait3A_626, %dma_wait3A_627, %dma_wait3A_635, %dma_wait3A_636] : memref<4x2x32x128xf32, #tpu.memory_space<vmem>> -> memref<1x1x32x128xf32, #tpu.memory_space<vmem>>
      %dma_wait3A_638 = tpu.memref_squeeze %dma_wait3A_637 : memref<1x1x32x128xf32, #tpu.memory_space<vmem>> -> memref<32x128xf32, #tpu.memory_space<vmem>>
      %dma_wait3A_639 = arith.constant 0 : i32
      %dma_wait3A_640 = arith.constant 0 : i32
      %dma_wait3A_641 = tpu.memref_slice %arg4[%dma_wait3A_639, %dma_wait3A_640] : memref<32x1000000xf32, #tpu.memory_space<hbm>> -> memref<32x128xf32, #tpu.memory_space<hbm>>
      tpu.wait_dma2 semaphore(%arg14 : memref<!tpu.dma_semaphore, #tpu.memory_space<semaphore_mem>>) src(%dma_wait3A_641 : memref<32x128xf32, #tpu.memory_space<hbm>>) dst(%dma_wait3A_638 : memref<32x128xf32, #tpu.memory_space<vmem>>)
      %dma_wait3A_642 = arith.constant 1 : i32
      %dma_wait3A_643 = arith.constant 1 : i32
      %dma_wait3A_644 = arith.constant 0 : i32
      %dma_wait3A_645 = arith.constant 0 : i32
      %dma_wait3A_646 = tpu.memref_slice %arg10[%dma_wait3A_642, %dma_wait3A_643, %dma_wait3A_644, %dma_wait3A_645] : memref<4x2x32x128xf32, #tpu.memory_space<vmem>> -> memref<1x1x32x128xf32, #tpu.memory_space<vmem>>
      %dma_wait3A_647 = tpu.memref_squeeze %dma_wait3A_646 : memref<1x1x32x128xf32, #tpu.memory_space<vmem>> -> memref<32x128xf32, #tpu.memory_space<vmem>>
      %dma_wait3A_648 = arith.constant 0 : i32
      %dma_wait3A_649 = arith.constant 0 : i32
      %dma_wait3A_650 = tpu.memref_slice %arg5[%dma_wait3A_648, %dma_wait3A_649] : memref<32x1000000xf32, #tpu.memory_space<hbm>> -> memref<32x128xf32, #tpu.memory_space<hbm>>
      %dma_wait3A_651 = arith.constant 0 : i32
      %dma_wait3A_652 = arith.constant 0 : i32
      %dma_wait3A_653 = tpu.memref_slice %arg10[%dma_wait3A_642, %dma_wait3A_643, %dma_wait3A_651, %dma_wait3A_652] : memref<4x2x32x128xf32, #tpu.memory_space<vmem>> -> memref<1x1x32x128xf32, #tpu.memory_space<vmem>>
      %dma_wait3A_654 = tpu.memref_squeeze %dma_wait3A_653 : memref<1x1x32x128xf32, #tpu.memory_space<vmem>> -> memref<32x128xf32, #tpu.memory_space<vmem>>
      %dma_wait3A_655 = arith.constant 0 : i32
      %dma_wait3A_656 = arith.constant 0 : i32
      %dma_wait3A_657 = tpu.memref_slice %arg5[%dma_wait3A_655, %dma_wait3A_656] : memref<32x1000000xf32, #tpu.memory_space<hbm>> -> memref<32x128xf32, #tpu.memory_space<hbm>>
      tpu.wait_dma2 semaphore(%arg18 : memref<!tpu.dma_semaphore, #tpu.memory_space<semaphore_mem>>) src(%dma_wait3A_657 : memref<32x128xf32, #tpu.memory_space<hbm>>) dst(%dma_wait3A_654 : memref<32x128xf32, #tpu.memory_space<vmem>>)
      %slice3A_658 = vector.extract_strided_slice %get3A_280 {offsets = [2], sizes = [1], strides = [1]} : vector<16xi32> to vector<1xi32>
      %squeeze3A_659 = vector.extract %slice3A_658[0] : i32 from vector<1xi32>
      %and3A_660 = arith.constant 127 : i32
      %and3A_661 = arith.andi %squeeze3A_659, %and3A_660 : i32
      %broadcast_in_dim3A_662 = vector.broadcast %and3A_661 : i32 to vector<16xi32>
      %slice3A_663 = vector.extract_strided_slice %get3A_282 {offsets = [2], sizes = [1], strides = [1]} : vector<16xi32> to vector<1xi32>
      %squeeze3A_664 = vector.extract %slice3A_663[0] : i32 from vector<1xi32>
      %and3A_665 = arith.constant 127 : i32
      %and3A_666 = arith.andi %squeeze3A_664, %and3A_665 : i32
      %broadcast_in_dim3A_667 = vector.broadcast %and3A_666 : i32 to vector<16xi32>
      %add3A_668 = arith.constant 2 : i32
      %add3A_669 = arith.addi %mul3A_278, %add3A_668 : i32
      %broadcast_in_dim3A_670 = vector.broadcast %add3A_669 : i32 to vector<16xi32>
      %gather3A_671 = arith.constant 1 : i32
      %gather3A_672 = arith.constant 0 : i32
      %gather3A_673 = arith.constant 0 : i32
      %gather3A_674 = arith.constant 0 : i32
      %gather3A_675 = tpu.memref_slice %arg9[%gather3A_671, %gather3A_672, %gather3A_673, %gather3A_674] : memref<4x2x32x128xf32, #tpu.memory_space<vmem>> -> memref<1x1x32x128xf32, #tpu.memory_space<vmem>>
      %gather3A_676 = tpu.memref_squeeze %gather3A_675 : memref<1x1x32x128xf32, #tpu.memory_space<vmem>> -> memref<32x128xf32, #tpu.memory_space<vmem>>
      %gather3A_677 = tpu.vector_load_idx %gather3A_676[%iota3A, %broadcast_in_dim3A_662] : memref<32x128xf32, #tpu.memory_space<vmem>>[vector<16xi32>, vector<16xi32>], vector<16xf32>,
      %gather3A_678 = arith.constant 1 : i32
      %gather3A_679 = arith.constant 0 : i32
      %gather3A_680 = arith.constant 0 : i32
      %gather3A_681 = arith.constant 0 : i32
      %gather3A_682 = tpu.memref_slice %arg9[%gather3A_678, %gather3A_679, %gather3A_680, %gather3A_681] : memref<4x2x32x128xf32, #tpu.memory_space<vmem>> -> memref<1x1x32x128xf32, #tpu.memory_space<vmem>>
      %gather3A_683 = tpu.memref_squeeze %gather3A_682 : memref<1x1x32x128xf32, #tpu.memory_space<vmem>> -> memref<32x128xf32, #tpu.memory_space<vmem>>
      %gather3A_684 = tpu.vector_load_idx %gather3A_683[%add3A_5, %broadcast_in_dim3A_662] : memref<32x128xf32, #tpu.memory_space<vmem>>[vector<16xi32>, vector<16xi32>], vector<16xf32>,
      tpu.vector_store_idx %arg11[%iota3A, %broadcast_in_dim3A_670], %gather3A_677 : memref<32x384xf32, #tpu.memory_space<vmem>>[vector<16xi32>, vector<16xi32>], vector<16xf32>,
      tpu.vector_store_idx %arg11[%add3A_5, %broadcast_in_dim3A_670], %gather3A_684 : memref<32x384xf32, #tpu.memory_space<vmem>>[vector<16xi32>, vector<16xi32>], vector<16xf32>,
      %gather3A_685 = arith.constant 1 : i32
      %gather3A_686 = arith.constant 0 : i32
      %gather3A_687 = arith.constant 0 : i32
      %gather3A_688 = arith.constant 0 : i32
      %gather3A_689 = tpu.memref_slice %arg10[%gather3A_685, %gather3A_686, %gather3A_687, %gather3A_688] : memref<4x2x32x128xf32, #tpu.memory_space<vmem>> -> memref<1x1x32x128xf32, #tpu.memory_space<vmem>>
      %gather3A_690 = tpu.memref_squeeze %gather3A_689 : memref<1x1x32x128xf32, #tpu.memory_space<vmem>> -> memref<32x128xf32, #tpu.memory_space<vmem>>
      %gather3A_691 = tpu.vector_load_idx %gather3A_690[%iota3A, %broadcast_in_dim3A_667] : memref<32x128xf32, #tpu.memory_space<vmem>>[vector<16xi32>, vector<16xi32>], vector<16xf32>,
      %gather3A_692 = arith.constant 1 : i32
      %gather3A_693 = arith.constant 0 : i32
      %gather3A_694 = arith.constant 0 : i32
      %gather3A_695 = arith.constant 0 : i32
      %gather3A_696 = tpu.memref_slice %arg10[%gather3A_692, %gather3A_693, %gather3A_694, %gather3A_695] : memref<4x2x32x128xf32, #tpu.memory_space<vmem>> -> memref<1x1x32x128xf32, #tpu.memory_space<vmem>>
      %gather3A_697 = tpu.memref_squeeze %gather3A_696 : memref<1x1x32x128xf32, #tpu.memory_space<vmem>> -> memref<32x128xf32, #tpu.memory_space<vmem>>
      %gather3A_698 = tpu.vector_load_idx %gather3A_697[%add3A_5, %broadcast_in_dim3A_667] : memref<32x128xf32, #tpu.memory_space<vmem>>[vector<16xi32>, vector<16xi32>], vector<16xf32>,
      tpu.vector_store_idx %arg12[%iota3A, %broadcast_in_dim3A_670], %gather3A_691 : memref<32x384xf32, #tpu.memory_space<vmem>>[vector<16xi32>, vector<16xi32>], vector<16xf32>,
      tpu.vector_store_idx %arg12[%add3A_5, %broadcast_in_dim3A_670], %gather3A_698 : memref<32x384xf32, #tpu.memory_space<vmem>>[vector<16xi32>, vector<16xi32>], vector<16xf32>,
      %slice3A_699 = vector.extract_strided_slice %get3A_280 {offsets = [3], sizes = [1], strides = [1]} : vector<16xi32> to vector<1xi32>
      %squeeze3A_700 = vector.extract %slice3A_699[0] : i32 from vector<1xi32>
      %and3A_701 = arith.constant 127 : i32
      %and3A_702 = arith.andi %squeeze3A_700, %and3A_701 : i32
      %broadcast_in_dim3A_703 = vector.broadcast %and3A_702 : i32 to vector<16xi32>
      %slice3A_704 = vector.extract_strided_slice %get3A_282 {offsets = [3], sizes = [1], strides = [1]} : vector<16xi32> to vector<1xi32>
      %squeeze3A_705 = vector.extract %slice3A_704[0] : i32 from vector<1xi32>
      %and3A_706 = arith.constant 127 : i32
      %and3A_707 = arith.andi %squeeze3A_705, %and3A_706 : i32
      %broadcast_in_dim3A_708 = vector.broadcast %and3A_707 : i32 to vector<16xi32>
      %add3A_709 = arith.constant 3 : i32
      %add3A_710 = arith.addi %mul3A_278, %add3A_709 : i32
      %broadcast_in_dim3A_711 = vector.broadcast %add3A_710 : i32 to vector<16xi32>
      %gather3A_712 = arith.constant 1 : i32
      %gather3A_713 = arith.constant 1 : i32
      %gather3A_714 = arith.constant 0 : i32
      %gather3A_715 = arith.constant 0 : i32
      %gather3A_716 = tpu.memref_slice %arg9[%gather3A_712, %gather3A_713, %gather3A_714, %gather3A_715] : memref<4x2x32x128xf32, #tpu.memory_space<vmem>> -> memref<1x1x32x128xf32, #tpu.memory_space<vmem>>
      %gather3A_717 = tpu.memref_squeeze %gather3A_716 : memref<1x1x32x128xf32, #tpu.memory_space<vmem>> -> memref<32x128xf32, #tpu.memory_space<vmem>>
      %gather3A_718 = tpu.vector_load_idx %gather3A_717[%iota3A, %broadcast_in_dim3A_703] : memref<32x128xf32, #tpu.memory_space<vmem>>[vector<16xi32>, vector<16xi32>], vector<16xf32>,
      %gather3A_719 = arith.constant 1 : i32
      %gather3A_720 = arith.constant 1 : i32
      %gather3A_721 = arith.constant 0 : i32
      %gather3A_722 = arith.constant 0 : i32
      %gather3A_723 = tpu.memref_slice %arg9[%gather3A_719, %gather3A_720, %gather3A_721, %gather3A_722] : memref<4x2x32x128xf32, #tpu.memory_space<vmem>> -> memref<1x1x32x128xf32, #tpu.memory_space<vmem>>
      %gather3A_724 = tpu.memref_squeeze %gather3A_723 : memref<1x1x32x128xf32, #tpu.memory_space<vmem>> -> memref<32x128xf32, #tpu.memory_space<vmem>>
      %gather3A_725 = tpu.vector_load_idx %gather3A_724[%add3A_5, %broadcast_in_dim3A_703] : memref<32x128xf32, #tpu.memory_space<vmem>>[vector<16xi32>, vector<16xi32>], vector<16xf32>,
      tpu.vector_store_idx %arg11[%iota3A, %broadcast_in_dim3A_711], %gather3A_718 : memref<32x384xf32, #tpu.memory_space<vmem>>[vector<16xi32>, vector<16xi32>], vector<16xf32>,
      tpu.vector_store_idx %arg11[%add3A_5, %broadcast_in_dim3A_711], %gather3A_725 : memref<32x384xf32, #tpu.memory_space<vmem>>[vector<16xi32>, vector<16xi32>], vector<16xf32>,
      %gather3A_726 = arith.constant 1 : i32
      %gather3A_727 = arith.constant 1 : i32
      %gather3A_728 = arith.constant 0 : i32
      %gather3A_729 = arith.constant 0 : i32
      %gather3A_730 = tpu.memref_slice %arg10[%gather3A_726, %gather3A_727, %gather3A_728, %gather3A_729] : memref<4x2x32x128xf32, #tpu.memory_space<vmem>> -> memref<1x1x32x128xf32, #tpu.memory_space<vmem>>
      %gather3A_731 = tpu.memref_squeeze %gather3A_730 : memref<1x1x32x128xf32, #tpu.memory_space<vmem>> -> memref<32x128xf32, #tpu.memory_space<vmem>>
      %gather3A_732 = tpu.vector_load_idx %gather3A_731[%iota3A, %broadcast_in_dim3A_708] : memref<32x128xf32, #tpu.memory_space<vmem>>[vector<16xi32>, vector<16xi32>], vector<16xf32>,
      %gather3A_733 = arith.constant 1 : i32
      %gather3A_734 = arith.constant 1 : i32
      %gather3A_735 = arith.constant 0 : i32
      %gather3A_736 = arith.constant 0 : i32
      %gather3A_737 = tpu.memref_slice %arg10[%gather3A_733, %gather3A_734, %gather3A_735, %gather3A_736] : memref<4x2x32x128xf32, #tpu.memory_space<vmem>> -> memref<1x1x32x128xf32, #tpu.memory_space<vmem>>
      %gather3A_738 = tpu.memref_squeeze %gather3A_737 : memref<1x1x32x128xf32, #tpu.memory_space<vmem>> -> memref<32x128xf32, #tpu.memory_space<vmem>>
      %gather3A_739 = tpu.vector_load_idx %gather3A_738[%add3A_5, %broadcast_in_dim3A_708] : memref<32x128xf32, #tpu.memory_space<vmem>>[vector<16xi32>, vector<16xi32>], vector<16xf32>,
      tpu.vector_store_idx %arg12[%iota3A, %broadcast_in_dim3A_711], %gather3A_732 : memref<32x384xf32, #tpu.memory_space<vmem>>[vector<16xi32>, vector<16xi32>], vector<16xf32>,
      tpu.vector_store_idx %arg12[%add3A_5, %broadcast_in_dim3A_711], %gather3A_739 : memref<32x384xf32, #tpu.memory_space<vmem>>[vector<16xi32>, vector<16xi32>], vector<16xf32>,
      %slice3A_740 = vector.extract_strided_slice %get3A_280 {offsets = [10], sizes = [1], strides = [1]} : vector<16xi32> to vector<1xi32>
      %squeeze3A_741 = vector.extract %slice3A_740[0] : i32 from vector<1xi32>
      %shift_right_arithmetic3A_742 = arith.constant 7 : i32
      %shift_right_arithmetic3A_743 = arith.shrsi %squeeze3A_741, %shift_right_arithmetic3A_742 : i32
      %mul3A_744 = arith.constant 128 : i32
      %mul3A_745 = arith.muli %shift_right_arithmetic3A_743, %mul3A_744 : i32
      %multiple_of3A_746 = tpu.assume_multiple %mul3A_745, 128 : i32
      %slice3A_747 = vector.extract_strided_slice %get3A_282 {offsets = [10], sizes = [1], strides = [1]} : vector<16xi32> to vector<1xi32>
      %squeeze3A_748 = vector.extract %slice3A_747[0] : i32 from vector<1xi32>
      %shift_right_arithmetic3A_749 = arith.constant 7 : i32
      %shift_right_arithmetic3A_750 = arith.shrsi %squeeze3A_748, %shift_right_arithmetic3A_749 : i32
      %mul3A_751 = arith.constant 128 : i32
      %mul3A_752 = arith.muli %shift_right_arithmetic3A_750, %mul3A_751 : i32
      %multiple_of3A_753 = tpu.assume_multiple %mul3A_752, 128 : i32
      %dma_start3A_754 = arith.constant 1 : i32
      %dma_start3A_755 = arith.constant 0 : i32
      %dma_start3A_756 = arith.constant 0 : i32
      %dma_start3A_757 = arith.constant 0 : i32
      %dma_start3A_758 = tpu.memref_slice %arg9[%dma_start3A_754, %dma_start3A_755, %dma_start3A_756, %dma_start3A_757] : memref<4x2x32x128xf32, #tpu.memory_space<vmem>> -> memref<1x1x32x128xf32, #tpu.memory_space<vmem>>
      %dma_start3A_759 = tpu.memref_squeeze %dma_start3A_758 : memref<1x1x32x128xf32, #tpu.memory_space<vmem>> -> memref<32x128xf32, #tpu.memory_space<vmem>>
      %dma_start3A_760 = arith.constant 0 : i32
      %dma_start3A_761 = tpu.memref_slice %arg4[%dma_start3A_760, %multiple_of3A_746] : memref<32x1000000xf32, #tpu.memory_space<hbm>> -> memref<32x128xf32, #tpu.memory_space<hbm>>
      %dma_start3A_762 = arith.constant 0 : i32
      %dma_start3A_763 = arith.constant 0 : i32
      %dma_start3A_764 = tpu.memref_slice %arg9[%dma_start3A_754, %dma_start3A_755, %dma_start3A_762, %dma_start3A_763] : memref<4x2x32x128xf32, #tpu.memory_space<vmem>> -> memref<1x1x32x128xf32, #tpu.memory_space<vmem>>
      %dma_start3A_765 = tpu.memref_squeeze %dma_start3A_764 : memref<1x1x32x128xf32, #tpu.memory_space<vmem>> -> memref<32x128xf32, #tpu.memory_space<vmem>>
      %dma_start3A_766 = arith.constant 0 : i32
      %dma_start3A_767 = tpu.memref_slice %arg4[%dma_start3A_766, %multiple_of3A_746] : memref<32x1000000xf32, #tpu.memory_space<hbm>> -> memref<32x128xf32, #tpu.memory_space<hbm>>
      tpu.enqueue_dma source(%dma_start3A_767 : memref<32x128xf32, #tpu.memory_space<hbm>>) target(%dma_start3A_765 : memref<32x128xf32, #tpu.memory_space<vmem>>) target_semaphore(%arg14 : memref<!tpu.dma_semaphore, #tpu.memory_space<semaphore_mem>>)
      %dma_start3A_768 = arith.constant 1 : i32
      %dma_start3A_769 = arith.constant 0 : i32
      %dma_start3A_770 = arith.constant 0 : i32
      %dma_start3A_771 = arith.constant 0 : i32
      %dma_start3A_772 = tpu.memref_slice %arg10[%dma_start3A_768, %dma_start3A_769, %dma_start3A_770, %dma_start3A_771] : memref<4x2x32x128xf32, #tpu.memory_space<vmem>> -> memref<1x1x32x128xf32, #tpu.memory_space<vmem>>
      %dma_start3A_773 = tpu.memref_squeeze %dma_start3A_772 : memref<1x1x32x128xf32, #tpu.memory_space<vmem>> -> memref<32x128xf32, #tpu.memory_space<vmem>>
      %dma_start3A_774 = arith.constant 0 : i32
      %dma_start3A_775 = tpu.memref_slice %arg5[%dma_start3A_774, %multiple_of3A_753] : memref<32x1000000xf32, #tpu.memory_space<hbm>> -> memref<32x128xf32, #tpu.memory_space<hbm>>
      %dma_start3A_776 = arith.constant 0 : i32
      %dma_start3A_777 = arith.constant 0 : i32
      %dma_start3A_778 = tpu.memref_slice %arg10[%dma_start3A_768, %dma_start3A_769, %dma_start3A_776, %dma_start3A_777] : memref<4x2x32x128xf32, #tpu.memory_space<vmem>> -> memref<1x1x32x128xf32, #tpu.memory_space<vmem>>
      %dma_start3A_779 = tpu.memref_squeeze %dma_start3A_778 : memref<1x1x32x128xf32, #tpu.memory_space<vmem>> -> memref<32x128xf32, #tpu.memory_space<vmem>>
      %dma_start3A_780 = arith.constant 0 : i32
      %dma_start3A_781 = tpu.memref_slice %arg5[%dma_start3A_780, %multiple_of3A_753] : memref<32x1000000xf32, #tpu.memory_space<hbm>> -> memref<32x128xf32, #tpu.memory_space<hbm>>
      tpu.enqueue_dma source(%dma_start3A_781 : memref<32x128xf32, #tpu.memory_space<hbm>>) target(%dma_start3A_779 : memref<32x128xf32, #tpu.memory_space<vmem>>) target_semaphore(%arg18 : memref<!tpu.dma_semaphore, #tpu.memory_space<semaphore_mem>>)
      %slice3A_782 = vector.extract_strided_slice %get3A_280 {offsets = [11], sizes = [1], strides = [1]} : vector<16xi32> to vector<1xi32>
      %squeeze3A_783 = vector.extract %slice3A_782[0] : i32 from vector<1xi32>
      %shift_right_arithmetic3A_784 = arith.constant 7 : i32
      %shift_right_arithmetic3A_785 = arith.shrsi %squeeze3A_783, %shift_right_arithmetic3A_784 : i32
      %mul3A_786 = arith.constant 128 : i32
      %mul3A_787 = arith.muli %shift_right_arithmetic3A_785, %mul3A_786 : i32
      %multiple_of3A_788 = tpu.assume_multiple %mul3A_787, 128 : i32
      %slice3A_789 = vector.extract_strided_slice %get3A_282 {offsets = [11], sizes = [1], strides = [1]} : vector<16xi32> to vector<1xi32>
      %squeeze3A_790 = vector.extract %slice3A_789[0] : i32 from vector<1xi32>
      %shift_right_arithmetic3A_791 = arith.constant 7 : i32
      %shift_right_arithmetic3A_792 = arith.shrsi %squeeze3A_790, %shift_right_arithmetic3A_791 : i32
      %mul3A_793 = arith.constant 128 : i32
      %mul3A_794 = arith.muli %shift_right_arithmetic3A_792, %mul3A_793 : i32
      %multiple_of3A_795 = tpu.assume_multiple %mul3A_794, 128 : i32
      %dma_start3A_796 = arith.constant 1 : i32
      %dma_start3A_797 = arith.constant 1 : i32
      %dma_start3A_798 = arith.constant 0 : i32
      %dma_start3A_799 = arith.constant 0 : i32
      %dma_start3A_800 = tpu.memref_slice %arg9[%dma_start3A_796, %dma_start3A_797, %dma_start3A_798, %dma_start3A_799] : memref<4x2x32x128xf32, #tpu.memory_space<vmem>> -> memref<1x1x32x128xf32, #tpu.memory_space<vmem>>
      %dma_start3A_801 = tpu.memref_squeeze %dma_start3A_800 : memref<1x1x32x128xf32, #tpu.memory_space<vmem>> -> memref<32x128xf32, #tpu.memory_space<vmem>>
      %dma_start3A_802 = arith.constant 0 : i32
      %dma_start3A_803 = tpu.memref_slice %arg4[%dma_start3A_802, %multiple_of3A_788] : memref<32x1000000xf32, #tpu.memory_space<hbm>> -> memref<32x128xf32, #tpu.memory_space<hbm>>
      %dma_start3A_804 = arith.constant 0 : i32
      %dma_start3A_805 = arith.constant 0 : i32
      %dma_start3A_806 = tpu.memref_slice %arg9[%dma_start3A_796, %dma_start3A_797, %dma_start3A_804, %dma_start3A_805] : memref<4x2x32x128xf32, #tpu.memory_space<vmem>> -> memref<1x1x32x128xf32, #tpu.memory_space<vmem>>
      %dma_start3A_807 = tpu.memref_squeeze %dma_start3A_806 : memref<1x1x32x128xf32, #tpu.memory_space<vmem>> -> memref<32x128xf32, #tpu.memory_space<vmem>>
      %dma_start3A_808 = arith.constant 0 : i32
      %dma_start3A_809 = tpu.memref_slice %arg4[%dma_start3A_808, %multiple_of3A_788] : memref<32x1000000xf32, #tpu.memory_space<hbm>> -> memref<32x128xf32, #tpu.memory_space<hbm>>
      tpu.enqueue_dma source(%dma_start3A_809 : memref<32x128xf32, #tpu.memory_space<hbm>>) target(%dma_start3A_807 : memref<32x128xf32, #tpu.memory_space<vmem>>) target_semaphore(%arg14 : memref<!tpu.dma_semaphore, #tpu.memory_space<semaphore_mem>>)
      %dma_start3A_810 = arith.constant 1 : i32
      %dma_start3A_811 = arith.constant 1 : i32
      %dma_start3A_812 = arith.constant 0 : i32
      %dma_start3A_813 = arith.constant 0 : i32
      %dma_start3A_814 = tpu.memref_slice %arg10[%dma_start3A_810, %dma_start3A_811, %dma_start3A_812, %dma_start3A_813] : memref<4x2x32x128xf32, #tpu.memory_space<vmem>> -> memref<1x1x32x128xf32, #tpu.memory_space<vmem>>
      %dma_start3A_815 = tpu.memref_squeeze %dma_start3A_814 : memref<1x1x32x128xf32, #tpu.memory_space<vmem>> -> memref<32x128xf32, #tpu.memory_space<vmem>>
      %dma_start3A_816 = arith.constant 0 : i32
      %dma_start3A_817 = tpu.memref_slice %arg5[%dma_start3A_816, %multiple_of3A_795] : memref<32x1000000xf32, #tpu.memory_space<hbm>> -> memref<32x128xf32, #tpu.memory_space<hbm>>
      %dma_start3A_818 = arith.constant 0 : i32
      %dma_start3A_819 = arith.constant 0 : i32
      %dma_start3A_820 = tpu.memref_slice %arg10[%dma_start3A_810, %dma_start3A_811, %dma_start3A_818, %dma_start3A_819] : memref<4x2x32x128xf32, #tpu.memory_space<vmem>> -> memref<1x1x32x128xf32, #tpu.memory_space<vmem>>
      %dma_start3A_821 = tpu.memref_squeeze %dma_start3A_820 : memref<1x1x32x128xf32, #tpu.memory_space<vmem>> -> memref<32x128xf32, #tpu.memory_space<vmem>>
      %dma_start3A_822 = arith.constant 0 : i32
      %dma_start3A_823 = tpu.memref_slice %arg5[%dma_start3A_822, %multiple_of3A_795] : memref<32x1000000xf32, #tpu.memory_space<hbm>> -> memref<32x128xf32, #tpu.memory_space<hbm>>
      tpu.enqueue_dma source(%dma_start3A_823 : memref<32x128xf32, #tpu.memory_space<hbm>>) target(%dma_start3A_821 : memref<32x128xf32, #tpu.memory_space<vmem>>) target_semaphore(%arg18 : memref<!tpu.dma_semaphore, #tpu.memory_space<semaphore_mem>>)
      %dma_wait3A_824 = arith.constant 2 : i32
      %dma_wait3A_825 = arith.constant 0 : i32
      %dma_wait3A_826 = arith.constant 0 : i32
      %dma_wait3A_827 = arith.constant 0 : i32
      %dma_wait3A_828 = tpu.memref_slice %arg9[%dma_wait3A_824, %dma_wait3A_825, %dma_wait3A_826, %dma_wait3A_827] : memref<4x2x32x128xf32, #tpu.memory_space<vmem>> -> memref<1x1x32x128xf32, #tpu.memory_space<vmem>>
      %dma_wait3A_829 = tpu.memref_squeeze %dma_wait3A_828 : memref<1x1x32x128xf32, #tpu.memory_space<vmem>> -> memref<32x128xf32, #tpu.memory_space<vmem>>
      %dma_wait3A_830 = arith.constant 0 : i32
      %dma_wait3A_831 = arith.constant 0 : i32
      %dma_wait3A_832 = tpu.memref_slice %arg4[%dma_wait3A_830, %dma_wait3A_831] : memref<32x1000000xf32, #tpu.memory_space<hbm>> -> memref<32x128xf32, #tpu.memory_space<hbm>>
      %dma_wait3A_833 = arith.constant 0 : i32
      %dma_wait3A_834 = arith.constant 0 : i32
      %dma_wait3A_835 = tpu.memref_slice %arg9[%dma_wait3A_824, %dma_wait3A_825, %dma_wait3A_833, %dma_wait3A_834] : memref<4x2x32x128xf32, #tpu.memory_space<vmem>> -> memref<1x1x32x128xf32, #tpu.memory_space<vmem>>
      %dma_wait3A_836 = tpu.memref_squeeze %dma_wait3A_835 : memref<1x1x32x128xf32, #tpu.memory_space<vmem>> -> memref<32x128xf32, #tpu.memory_space<vmem>>
      %dma_wait3A_837 = arith.constant 0 : i32
      %dma_wait3A_838 = arith.constant 0 : i32
      %dma_wait3A_839 = tpu.memref_slice %arg4[%dma_wait3A_837, %dma_wait3A_838] : memref<32x1000000xf32, #tpu.memory_space<hbm>> -> memref<32x128xf32, #tpu.memory_space<hbm>>
      tpu.wait_dma2 semaphore(%arg15 : memref<!tpu.dma_semaphore, #tpu.memory_space<semaphore_mem>>) src(%dma_wait3A_839 : memref<32x128xf32, #tpu.memory_space<hbm>>) dst(%dma_wait3A_836 : memref<32x128xf32, #tpu.memory_space<vmem>>)
      %dma_wait3A_840 = arith.constant 2 : i32
      %dma_wait3A_841 = arith.constant 0 : i32
      %dma_wait3A_842 = arith.constant 0 : i32
      %dma_wait3A_843 = arith.constant 0 : i32
      %dma_wait3A_844 = tpu.memref_slice %arg10[%dma_wait3A_840, %dma_wait3A_841, %dma_wait3A_842, %dma_wait3A_843] : memref<4x2x32x128xf32, #tpu.memory_space<vmem>> -> memref<1x1x32x128xf32, #tpu.memory_space<vmem>>
      %dma_wait3A_845 = tpu.memref_squeeze %dma_wait3A_844 : memref<1x1x32x128xf32, #tpu.memory_space<vmem>> -> memref<32x128xf32, #tpu.memory_space<vmem>>
      %dma_wait3A_846 = arith.constant 0 : i32
      %dma_wait3A_847 = arith.constant 0 : i32
      %dma_wait3A_848 = tpu.memref_slice %arg5[%dma_wait3A_846, %dma_wait3A_847] : memref<32x1000000xf32, #tpu.memory_space<hbm>> -> memref<32x128xf32, #tpu.memory_space<hbm>>
      %dma_wait3A_849 = arith.constant 0 : i32
      %dma_wait3A_850 = arith.constant 0 : i32
      %dma_wait3A_851 = tpu.memref_slice %arg10[%dma_wait3A_840, %dma_wait3A_841, %dma_wait3A_849, %dma_wait3A_850] : memref<4x2x32x128xf32, #tpu.memory_space<vmem>> -> memref<1x1x32x128xf32, #tpu.memory_space<vmem>>
      %dma_wait3A_852 = tpu.memref_squeeze %dma_wait3A_851 : memref<1x1x32x128xf32, #tpu.memory_space<vmem>> -> memref<32x128xf32, #tpu.memory_space<vmem>>
      %dma_wait3A_853 = arith.constant 0 : i32
      %dma_wait3A_854 = arith.constant 0 : i32
      %dma_wait3A_855 = tpu.memref_slice %arg5[%dma_wait3A_853, %dma_wait3A_854] : memref<32x1000000xf32, #tpu.memory_space<hbm>> -> memref<32x128xf32, #tpu.memory_space<hbm>>
      tpu.wait_dma2 semaphore(%arg19 : memref<!tpu.dma_semaphore, #tpu.memory_space<semaphore_mem>>) src(%dma_wait3A_855 : memref<32x128xf32, #tpu.memory_space<hbm>>) dst(%dma_wait3A_852 : memref<32x128xf32, #tpu.memory_space<vmem>>)
      %dma_wait3A_856 = arith.constant 2 : i32
      %dma_wait3A_857 = arith.constant 1 : i32
      %dma_wait3A_858 = arith.constant 0 : i32
      %dma_wait3A_859 = arith.constant 0 : i32
      %dma_wait3A_860 = tpu.memref_slice %arg9[%dma_wait3A_856, %dma_wait3A_857, %dma_wait3A_858, %dma_wait3A_859] : memref<4x2x32x128xf32, #tpu.memory_space<vmem>> -> memref<1x1x32x128xf32, #tpu.memory_space<vmem>>
      %dma_wait3A_861 = tpu.memref_squeeze %dma_wait3A_860 : memref<1x1x32x128xf32, #tpu.memory_space<vmem>> -> memref<32x128xf32, #tpu.memory_space<vmem>>
      %dma_wait3A_862 = arith.constant 0 : i32
      %dma_wait3A_863 = arith.constant 0 : i32
      %dma_wait3A_864 = tpu.memref_slice %arg4[%dma_wait3A_862, %dma_wait3A_863] : memref<32x1000000xf32, #tpu.memory_space<hbm>> -> memref<32x128xf32, #tpu.memory_space<hbm>>
      %dma_wait3A_865 = arith.constant 0 : i32
      %dma_wait3A_866 = arith.constant 0 : i32
      %dma_wait3A_867 = tpu.memref_slice %arg9[%dma_wait3A_856, %dma_wait3A_857, %dma_wait3A_865, %dma_wait3A_866] : memref<4x2x32x128xf32, #tpu.memory_space<vmem>> -> memref<1x1x32x128xf32, #tpu.memory_space<vmem>>
      %dma_wait3A_868 = tpu.memref_squeeze %dma_wait3A_867 : memref<1x1x32x128xf32, #tpu.memory_space<vmem>> -> memref<32x128xf32, #tpu.memory_space<vmem>>
      %dma_wait3A_869 = arith.constant 0 : i32
      %dma_wait3A_870 = arith.constant 0 : i32
      %dma_wait3A_871 = tpu.memref_slice %arg4[%dma_wait3A_869, %dma_wait3A_870] : memref<32x1000000xf32, #tpu.memory_space<hbm>> -> memref<32x128xf32, #tpu.memory_space<hbm>>
      tpu.wait_dma2 semaphore(%arg15 : memref<!tpu.dma_semaphore, #tpu.memory_space<semaphore_mem>>) src(%dma_wait3A_871 : memref<32x128xf32, #tpu.memory_space<hbm>>) dst(%dma_wait3A_868 : memref<32x128xf32, #tpu.memory_space<vmem>>)
      %dma_wait3A_872 = arith.constant 2 : i32
      %dma_wait3A_873 = arith.constant 1 : i32
      %dma_wait3A_874 = arith.constant 0 : i32
      %dma_wait3A_875 = arith.constant 0 : i32
      %dma_wait3A_876 = tpu.memref_slice %arg10[%dma_wait3A_872, %dma_wait3A_873, %dma_wait3A_874, %dma_wait3A_875] : memref<4x2x32x128xf32, #tpu.memory_space<vmem>> -> memref<1x1x32x128xf32, #tpu.memory_space<vmem>>
      %dma_wait3A_877 = tpu.memref_squeeze %dma_wait3A_876 : memref<1x1x32x128xf32, #tpu.memory_space<vmem>> -> memref<32x128xf32, #tpu.memory_space<vmem>>
      %dma_wait3A_878 = arith.constant 0 : i32
      %dma_wait3A_879 = arith.constant 0 : i32
      %dma_wait3A_880 = tpu.memref_slice %arg5[%dma_wait3A_878, %dma_wait3A_879] : memref<32x1000000xf32, #tpu.memory_space<hbm>> -> memref<32x128xf32, #tpu.memory_space<hbm>>
      %dma_wait3A_881 = arith.constant 0 : i32
      %dma_wait3A_882 = arith.constant 0 : i32
      %dma_wait3A_883 = tpu.memref_slice %arg10[%dma_wait3A_872, %dma_wait3A_873, %dma_wait3A_881, %dma_wait3A_882] : memref<4x2x32x128xf32, #tpu.memory_space<vmem>> -> memref<1x1x32x128xf32, #tpu.memory_space<vmem>>
      %dma_wait3A_884 = tpu.memref_squeeze %dma_wait3A_883 : memref<1x1x32x128xf32, #tpu.memory_space<vmem>> -> memref<32x128xf32, #tpu.memory_space<vmem>>
      %dma_wait3A_885 = arith.constant 0 : i32
      %dma_wait3A_886 = arith.constant 0 : i32
      %dma_wait3A_887 = tpu.memref_slice %arg5[%dma_wait3A_885, %dma_wait3A_886] : memref<32x1000000xf32, #tpu.memory_space<hbm>> -> memref<32x128xf32, #tpu.memory_space<hbm>>
      tpu.wait_dma2 semaphore(%arg19 : memref<!tpu.dma_semaphore, #tpu.memory_space<semaphore_mem>>) src(%dma_wait3A_887 : memref<32x128xf32, #tpu.memory_space<hbm>>) dst(%dma_wait3A_884 : memref<32x128xf32, #tpu.memory_space<vmem>>)
      %slice3A_888 = vector.extract_strided_slice %get3A_280 {offsets = [4], sizes = [1], strides = [1]} : vector<16xi32> to vector<1xi32>
      %squeeze3A_889 = vector.extract %slice3A_888[0] : i32 from vector<1xi32>
      %and3A_890 = arith.constant 127 : i32
      %and3A_891 = arith.andi %squeeze3A_889, %and3A_890 : i32
      %broadcast_in_dim3A_892 = vector.broadcast %and3A_891 : i32 to vector<16xi32>
      %slice3A_893 = vector.extract_strided_slice %get3A_282 {offsets = [4], sizes = [1], strides = [1]} : vector<16xi32> to vector<1xi32>
      %squeeze3A_894 = vector.extract %slice3A_893[0] : i32 from vector<1xi32>
      %and3A_895 = arith.constant 127 : i32
      %and3A_896 = arith.andi %squeeze3A_894, %and3A_895 : i32
      %broadcast_in_dim3A_897 = vector.broadcast %and3A_896 : i32 to vector<16xi32>
      %add3A_898 = arith.constant 4 : i32
      %add3A_899 = arith.addi %mul3A_278, %add3A_898 : i32
      %broadcast_in_dim3A_900 = vector.broadcast %add3A_899 : i32 to vector<16xi32>
      %gather3A_901 = arith.constant 2 : i32
      %gather3A_902 = arith.constant 0 : i32
      %gather3A_903 = arith.constant 0 : i32
      %gather3A_904 = arith.constant 0 : i32
      %gather3A_905 = tpu.memref_slice %arg9[%gather3A_901, %gather3A_902, %gather3A_903, %gather3A_904] : memref<4x2x32x128xf32, #tpu.memory_space<vmem>> -> memref<1x1x32x128xf32, #tpu.memory_space<vmem>>
      %gather3A_906 = tpu.memref_squeeze %gather3A_905 : memref<1x1x32x128xf32, #tpu.memory_space<vmem>> -> memref<32x128xf32, #tpu.memory_space<vmem>>
      %gather3A_907 = tpu.vector_load_idx %gather3A_906[%iota3A, %broadcast_in_dim3A_892] : memref<32x128xf32, #tpu.memory_space<vmem>>[vector<16xi32>, vector<16xi32>], vector<16xf32>,
      %gather3A_908 = arith.constant 2 : i32
      %gather3A_909 = arith.constant 0 : i32
      %gather3A_910 = arith.constant 0 : i32
      %gather3A_911 = arith.constant 0 : i32
      %gather3A_912 = tpu.memref_slice %arg9[%gather3A_908, %gather3A_909, %gather3A_910, %gather3A_911] : memref<4x2x32x128xf32, #tpu.memory_space<vmem>> -> memref<1x1x32x128xf32, #tpu.memory_space<vmem>>
      %gather3A_913 = tpu.memref_squeeze %gather3A_912 : memref<1x1x32x128xf32, #tpu.memory_space<vmem>> -> memref<32x128xf32, #tpu.memory_space<vmem>>
      %gather3A_914 = tpu.vector_load_idx %gather3A_913[%add3A_5, %broadcast_in_dim3A_892] : memref<32x128xf32, #tpu.memory_space<vmem>>[vector<16xi32>, vector<16xi32>], vector<16xf32>,
      tpu.vector_store_idx %arg11[%iota3A, %broadcast_in_dim3A_900], %gather3A_907 : memref<32x384xf32, #tpu.memory_space<vmem>>[vector<16xi32>, vector<16xi32>], vector<16xf32>,
      tpu.vector_store_idx %arg11[%add3A_5, %broadcast_in_dim3A_900], %gather3A_914 : memref<32x384xf32, #tpu.memory_space<vmem>>[vector<16xi32>, vector<16xi32>], vector<16xf32>,
      %gather3A_915 = arith.constant 2 : i32
      %gather3A_916 = arith.constant 0 : i32
      %gather3A_917 = arith.constant 0 : i32
      %gather3A_918 = arith.constant 0 : i32
      %gather3A_919 = tpu.memref_slice %arg10[%gather3A_915, %gather3A_916, %gather3A_917, %gather3A_918] : memref<4x2x32x128xf32, #tpu.memory_space<vmem>> -> memref<1x1x32x128xf32, #tpu.memory_space<vmem>>
      %gather3A_920 = tpu.memref_squeeze %gather3A_919 : memref<1x1x32x128xf32, #tpu.memory_space<vmem>> -> memref<32x128xf32, #tpu.memory_space<vmem>>
      %gather3A_921 = tpu.vector_load_idx %gather3A_920[%iota3A, %broadcast_in_dim3A_897] : memref<32x128xf32, #tpu.memory_space<vmem>>[vector<16xi32>, vector<16xi32>], vector<16xf32>,
      %gather3A_922 = arith.constant 2 : i32
      %gather3A_923 = arith.constant 0 : i32
      %gather3A_924 = arith.constant 0 : i32
      %gather3A_925 = arith.constant 0 : i32
      %gather3A_926 = tpu.memref_slice %arg10[%gather3A_922, %gather3A_923, %gather3A_924, %gather3A_925] : memref<4x2x32x128xf32, #tpu.memory_space<vmem>> -> memref<1x1x32x128xf32, #tpu.memory_space<vmem>>
      %gather3A_927 = tpu.memref_squeeze %gather3A_926 : memref<1x1x32x128xf32, #tpu.memory_space<vmem>> -> memref<32x128xf32, #tpu.memory_space<vmem>>
      %gather3A_928 = tpu.vector_load_idx %gather3A_927[%add3A_5, %broadcast_in_dim3A_897] : memref<32x128xf32, #tpu.memory_space<vmem>>[vector<16xi32>, vector<16xi32>], vector<16xf32>,
      tpu.vector_store_idx %arg12[%iota3A, %broadcast_in_dim3A_900], %gather3A_921 : memref<32x384xf32, #tpu.memory_space<vmem>>[vector<16xi32>, vector<16xi32>], vector<16xf32>,
      tpu.vector_store_idx %arg12[%add3A_5, %broadcast_in_dim3A_900], %gather3A_928 : memref<32x384xf32, #tpu.memory_space<vmem>>[vector<16xi32>, vector<16xi32>], vector<16xf32>,
      %slice3A_929 = vector.extract_strided_slice %get3A_280 {offsets = [5], sizes = [1], strides = [1]} : vector<16xi32> to vector<1xi32>
      %squeeze3A_930 = vector.extract %slice3A_929[0] : i32 from vector<1xi32>
      %and3A_931 = arith.constant 127 : i32
      %and3A_932 = arith.andi %squeeze3A_930, %and3A_931 : i32
      %broadcast_in_dim3A_933 = vector.broadcast %and3A_932 : i32 to vector<16xi32>
      %slice3A_934 = vector.extract_strided_slice %get3A_282 {offsets = [5], sizes = [1], strides = [1]} : vector<16xi32> to vector<1xi32>
      %squeeze3A_935 = vector.extract %slice3A_934[0] : i32 from vector<1xi32>
      %and3A_936 = arith.constant 127 : i32
      %and3A_937 = arith.andi %squeeze3A_935, %and3A_936 : i32
      %broadcast_in_dim3A_938 = vector.broadcast %and3A_937 : i32 to vector<16xi32>
      %add3A_939 = arith.constant 5 : i32
      %add3A_940 = arith.addi %mul3A_278, %add3A_939 : i32
      %broadcast_in_dim3A_941 = vector.broadcast %add3A_940 : i32 to vector<16xi32>
      %gather3A_942 = arith.constant 2 : i32
      %gather3A_943 = arith.constant 1 : i32
      %gather3A_944 = arith.constant 0 : i32
      %gather3A_945 = arith.constant 0 : i32
      %gather3A_946 = tpu.memref_slice %arg9[%gather3A_942, %gather3A_943, %gather3A_944, %gather3A_945] : memref<4x2x32x128xf32, #tpu.memory_space<vmem>> -> memref<1x1x32x128xf32, #tpu.memory_space<vmem>>
      %gather3A_947 = tpu.memref_squeeze %gather3A_946 : memref<1x1x32x128xf32, #tpu.memory_space<vmem>> -> memref<32x128xf32, #tpu.memory_space<vmem>>
      %gather3A_948 = tpu.vector_load_idx %gather3A_947[%iota3A, %broadcast_in_dim3A_933] : memref<32x128xf32, #tpu.memory_space<vmem>>[vector<16xi32>, vector<16xi32>], vector<16xf32>,
      %gather3A_949 = arith.constant 2 : i32
      %gather3A_950 = arith.constant 1 : i32
      %gather3A_951 = arith.constant 0 : i32
      %gather3A_952 = arith.constant 0 : i32
      %gather3A_953 = tpu.memref_slice %arg9[%gather3A_949, %gather3A_950, %gather3A_951, %gather3A_952] : memref<4x2x32x128xf32, #tpu.memory_space<vmem>> -> memref<1x1x32x128xf32, #tpu.memory_space<vmem>>
      %gather3A_954 = tpu.memref_squeeze %gather3A_953 : memref<1x1x32x128xf32, #tpu.memory_space<vmem>> -> memref<32x128xf32, #tpu.memory_space<vmem>>
      %gather3A_955 = tpu.vector_load_idx %gather3A_954[%add3A_5, %broadcast_in_dim3A_933] : memref<32x128xf32, #tpu.memory_space<vmem>>[vector<16xi32>, vector<16xi32>], vector<16xf32>,
      tpu.vector_store_idx %arg11[%iota3A, %broadcast_in_dim3A_941], %gather3A_948 : memref<32x384xf32, #tpu.memory_space<vmem>>[vector<16xi32>, vector<16xi32>], vector<16xf32>,
      tpu.vector_store_idx %arg11[%add3A_5, %broadcast_in_dim3A_941], %gather3A_955 : memref<32x384xf32, #tpu.memory_space<vmem>>[vector<16xi32>, vector<16xi32>], vector<16xf32>,
      %gather3A_956 = arith.constant 2 : i32
      %gather3A_957 = arith.constant 1 : i32
      %gather3A_958 = arith.constant 0 : i32
      %gather3A_959 = arith.constant 0 : i32
      %gather3A_960 = tpu.memref_slice %arg10[%gather3A_956, %gather3A_957, %gather3A_958, %gather3A_959] : memref<4x2x32x128xf32, #tpu.memory_space<vmem>> -> memref<1x1x32x128xf32, #tpu.memory_space<vmem>>
      %gather3A_961 = tpu.memref_squeeze %gather3A_960 : memref<1x1x32x128xf32, #tpu.memory_space<vmem>> -> memref<32x128xf32, #tpu.memory_space<vmem>>
      %gather3A_962 = tpu.vector_load_idx %gather3A_961[%iota3A, %broadcast_in_dim3A_938] : memref<32x128xf32, #tpu.memory_space<vmem>>[vector<16xi32>, vector<16xi32>], vector<16xf32>,
      %gather3A_963 = arith.constant 2 : i32
      %gather3A_964 = arith.constant 1 : i32
      %gather3A_965 = arith.constant 0 : i32
      %gather3A_966 = arith.constant 0 : i32
      %gather3A_967 = tpu.memref_slice %arg10[%gather3A_963, %gather3A_964, %gather3A_965, %gather3A_966] : memref<4x2x32x128xf32, #tpu.memory_space<vmem>> -> memref<1x1x32x128xf32, #tpu.memory_space<vmem>>
      %gather3A_968 = tpu.memref_squeeze %gather3A_967 : memref<1x1x32x128xf32, #tpu.memory_space<vmem>> -> memref<32x128xf32, #tpu.memory_space<vmem>>
      %gather3A_969 = tpu.vector_load_idx %gather3A_968[%add3A_5, %broadcast_in_dim3A_938] : memref<32x128xf32, #tpu.memory_space<vmem>>[vector<16xi32>, vector<16xi32>], vector<16xf32>,
      tpu.vector_store_idx %arg12[%iota3A, %broadcast_in_dim3A_941], %gather3A_962 : memref<32x384xf32, #tpu.memory_space<vmem>>[vector<16xi32>, vector<16xi32>], vector<16xf32>,
      tpu.vector_store_idx %arg12[%add3A_5, %broadcast_in_dim3A_941], %gather3A_969 : memref<32x384xf32, #tpu.memory_space<vmem>>[vector<16xi32>, vector<16xi32>], vector<16xf32>,
      %slice3A_970 = vector.extract_strided_slice %get3A_280 {offsets = [12], sizes = [1], strides = [1]} : vector<16xi32> to vector<1xi32>
      %squeeze3A_971 = vector.extract %slice3A_970[0] : i32 from vector<1xi32>
      %shift_right_arithmetic3A_972 = arith.constant 7 : i32
      %shift_right_arithmetic3A_973 = arith.shrsi %squeeze3A_971, %shift_right_arithmetic3A_972 : i32
      %mul3A_974 = arith.constant 128 : i32
      %mul3A_975 = arith.muli %shift_right_arithmetic3A_973, %mul3A_974 : i32
      %multiple_of3A_976 = tpu.assume_multiple %mul3A_975, 128 : i32
      %slice3A_977 = vector.extract_strided_slice %get3A_282 {offsets = [12], sizes = [1], strides = [1]} : vector<16xi32> to vector<1xi32>
      %squeeze3A_978 = vector.extract %slice3A_977[0] : i32 from vector<1xi32>
      %shift_right_arithmetic3A_979 = arith.constant 7 : i32
      %shift_right_arithmetic3A_980 = arith.shrsi %squeeze3A_978, %shift_right_arithmetic3A_979 : i32
      %mul3A_981 = arith.constant 128 : i32
      %mul3A_982 = arith.muli %shift_right_arithmetic3A_980, %mul3A_981 : i32
      %multiple_of3A_983 = tpu.assume_multiple %mul3A_982, 128 : i32
      %dma_start3A_984 = arith.constant 2 : i32
      %dma_start3A_985 = arith.constant 0 : i32
      %dma_start3A_986 = arith.constant 0 : i32
      %dma_start3A_987 = arith.constant 0 : i32
      %dma_start3A_988 = tpu.memref_slice %arg9[%dma_start3A_984, %dma_start3A_985, %dma_start3A_986, %dma_start3A_987] : memref<4x2x32x128xf32, #tpu.memory_space<vmem>> -> memref<1x1x32x128xf32, #tpu.memory_space<vmem>>
      %dma_start3A_989 = tpu.memref_squeeze %dma_start3A_988 : memref<1x1x32x128xf32, #tpu.memory_space<vmem>> -> memref<32x128xf32, #tpu.memory_space<vmem>>
      %dma_start3A_990 = arith.constant 0 : i32
      %dma_start3A_991 = tpu.memref_slice %arg4[%dma_start3A_990, %multiple_of3A_976] : memref<32x1000000xf32, #tpu.memory_space<hbm>> -> memref<32x128xf32, #tpu.memory_space<hbm>>
      %dma_start3A_992 = arith.constant 0 : i32
      %dma_start3A_993 = arith.constant 0 : i32
      %dma_start3A_994 = tpu.memref_slice %arg9[%dma_start3A_984, %dma_start3A_985, %dma_start3A_992, %dma_start3A_993] : memref<4x2x32x128xf32, #tpu.memory_space<vmem>> -> memref<1x1x32x128xf32, #tpu.memory_space<vmem>>
      %dma_start3A_995 = tpu.memref_squeeze %dma_start3A_994 : memref<1x1x32x128xf32, #tpu.memory_space<vmem>> -> memref<32x128xf32, #tpu.memory_space<vmem>>
      %dma_start3A_996 = arith.constant 0 : i32
      %dma_start3A_997 = tpu.memref_slice %arg4[%dma_start3A_996, %multiple_of3A_976] : memref<32x1000000xf32, #tpu.memory_space<hbm>> -> memref<32x128xf32, #tpu.memory_space<hbm>>
      tpu.enqueue_dma source(%dma_start3A_997 : memref<32x128xf32, #tpu.memory_space<hbm>>) target(%dma_start3A_995 : memref<32x128xf32, #tpu.memory_space<vmem>>) target_semaphore(%arg15 : memref<!tpu.dma_semaphore, #tpu.memory_space<semaphore_mem>>)
      %dma_start3A_998 = arith.constant 2 : i32
      %dma_start3A_999 = arith.constant 0 : i32
      %dma_start3A_1000 = arith.constant 0 : i32
      %dma_start3A_1001 = arith.constant 0 : i32
      %dma_start3A_1002 = tpu.memref_slice %arg10[%dma_start3A_998, %dma_start3A_999, %dma_start3A_1000, %dma_start3A_1001] : memref<4x2x32x128xf32, #tpu.memory_space<vmem>> -> memref<1x1x32x128xf32, #tpu.memory_space<vmem>>
      %dma_start3A_1003 = tpu.memref_squeeze %dma_start3A_1002 : memref<1x1x32x128xf32, #tpu.memory_space<vmem>> -> memref<32x128xf32, #tpu.memory_space<vmem>>
      %dma_start3A_1004 = arith.constant 0 : i32
      %dma_start3A_1005 = tpu.memref_slice %arg5[%dma_start3A_1004, %multiple_of3A_983] : memref<32x1000000xf32, #tpu.memory_space<hbm>> -> memref<32x128xf32, #tpu.memory_space<hbm>>
      %dma_start3A_1006 = arith.constant 0 : i32
      %dma_start3A_1007 = arith.constant 0 : i32
      %dma_start3A_1008 = tpu.memref_slice %arg10[%dma_start3A_998, %dma_start3A_999, %dma_start3A_1006, %dma_start3A_1007] : memref<4x2x32x128xf32, #tpu.memory_space<vmem>> -> memref<1x1x32x128xf32, #tpu.memory_space<vmem>>
      %dma_start3A_1009 = tpu.memref_squeeze %dma_start3A_1008 : memref<1x1x32x128xf32, #tpu.memory_space<vmem>> -> memref<32x128xf32, #tpu.memory_space<vmem>>
      %dma_start3A_1010 = arith.constant 0 : i32
      %dma_start3A_1011 = tpu.memref_slice %arg5[%dma_start3A_1010, %multiple_of3A_983] : memref<32x1000000xf32, #tpu.memory_space<hbm>> -> memref<32x128xf32, #tpu.memory_space<hbm>>
      tpu.enqueue_dma source(%dma_start3A_1011 : memref<32x128xf32, #tpu.memory_space<hbm>>) target(%dma_start3A_1009 : memref<32x128xf32, #tpu.memory_space<vmem>>) target_semaphore(%arg19 : memref<!tpu.dma_semaphore, #tpu.memory_space<semaphore_mem>>)
      %slice3A_1012 = vector.extract_strided_slice %get3A_280 {offsets = [13], sizes = [1], strides = [1]} : vector<16xi32> to vector<1xi32>
      %squeeze3A_1013 = vector.extract %slice3A_1012[0] : i32 from vector<1xi32>
      %shift_right_arithmetic3A_1014 = arith.constant 7 : i32
      %shift_right_arithmetic3A_1015 = arith.shrsi %squeeze3A_1013, %shift_right_arithmetic3A_1014 : i32
      %mul3A_1016 = arith.constant 128 : i32
      %mul3A_1017 = arith.muli %shift_right_arithmetic3A_1015, %mul3A_1016 : i32
      %multiple_of3A_1018 = tpu.assume_multiple %mul3A_1017, 128 : i32
      %slice3A_1019 = vector.extract_strided_slice %get3A_282 {offsets = [13], sizes = [1], strides = [1]} : vector<16xi32> to vector<1xi32>
      %squeeze3A_1020 = vector.extract %slice3A_1019[0] : i32 from vector<1xi32>
      %shift_right_arithmetic3A_1021 = arith.constant 7 : i32
      %shift_right_arithmetic3A_1022 = arith.shrsi %squeeze3A_1020, %shift_right_arithmetic3A_1021 : i32
      %mul3A_1023 = arith.constant 128 : i32
      %mul3A_1024 = arith.muli %shift_right_arithmetic3A_1022, %mul3A_1023 : i32
      %multiple_of3A_1025 = tpu.assume_multiple %mul3A_1024, 128 : i32
      %dma_start3A_1026 = arith.constant 2 : i32
      %dma_start3A_1027 = arith.constant 1 : i32
      %dma_start3A_1028 = arith.constant 0 : i32
      %dma_start3A_1029 = arith.constant 0 : i32
      %dma_start3A_1030 = tpu.memref_slice %arg9[%dma_start3A_1026, %dma_start3A_1027, %dma_start3A_1028, %dma_start3A_1029] : memref<4x2x32x128xf32, #tpu.memory_space<vmem>> -> memref<1x1x32x128xf32, #tpu.memory_space<vmem>>
      %dma_start3A_1031 = tpu.memref_squeeze %dma_start3A_1030 : memref<1x1x32x128xf32, #tpu.memory_space<vmem>> -> memref<32x128xf32, #tpu.memory_space<vmem>>
      %dma_start3A_1032 = arith.constant 0 : i32
      %dma_start3A_1033 = tpu.memref_slice %arg4[%dma_start3A_1032, %multiple_of3A_1018] : memref<32x1000000xf32, #tpu.memory_space<hbm>> -> memref<32x128xf32, #tpu.memory_space<hbm>>
      %dma_start3A_1034 = arith.constant 0 : i32
      %dma_start3A_1035 = arith.constant 0 : i32
      %dma_start3A_1036 = tpu.memref_slice %arg9[%dma_start3A_1026, %dma_start3A_1027, %dma_start3A_1034, %dma_start3A_1035] : memref<4x2x32x128xf32, #tpu.memory_space<vmem>> -> memref<1x1x32x128xf32, #tpu.memory_space<vmem>>
      %dma_start3A_1037 = tpu.memref_squeeze %dma_start3A_1036 : memref<1x1x32x128xf32, #tpu.memory_space<vmem>> -> memref<32x128xf32, #tpu.memory_space<vmem>>
      %dma_start3A_1038 = arith.constant 0 : i32
      %dma_start3A_1039 = tpu.memref_slice %arg4[%dma_start3A_1038, %multiple_of3A_1018] : memref<32x1000000xf32, #tpu.memory_space<hbm>> -> memref<32x128xf32, #tpu.memory_space<hbm>>
      tpu.enqueue_dma source(%dma_start3A_1039 : memref<32x128xf32, #tpu.memory_space<hbm>>) target(%dma_start3A_1037 : memref<32x128xf32, #tpu.memory_space<vmem>>) target_semaphore(%arg15 : memref<!tpu.dma_semaphore, #tpu.memory_space<semaphore_mem>>)
      %dma_start3A_1040 = arith.constant 2 : i32
      %dma_start3A_1041 = arith.constant 1 : i32
      %dma_start3A_1042 = arith.constant 0 : i32
      %dma_start3A_1043 = arith.constant 0 : i32
      %dma_start3A_1044 = tpu.memref_slice %arg10[%dma_start3A_1040, %dma_start3A_1041, %dma_start3A_1042, %dma_start3A_1043] : memref<4x2x32x128xf32, #tpu.memory_space<vmem>> -> memref<1x1x32x128xf32, #tpu.memory_space<vmem>>
      %dma_start3A_1045 = tpu.memref_squeeze %dma_start3A_1044 : memref<1x1x32x128xf32, #tpu.memory_space<vmem>> -> memref<32x128xf32, #tpu.memory_space<vmem>>
      %dma_start3A_1046 = arith.constant 0 : i32
      %dma_start3A_1047 = tpu.memref_slice %arg5[%dma_start3A_1046, %multiple_of3A_1025] : memref<32x1000000xf32, #tpu.memory_space<hbm>> -> memref<32x128xf32, #tpu.memory_space<hbm>>
      %dma_start3A_1048 = arith.constant 0 : i32
      %dma_start3A_1049 = arith.constant 0 : i32
      %dma_start3A_1050 = tpu.memref_slice %arg10[%dma_start3A_1040, %dma_start3A_1041, %dma_start3A_1048, %dma_start3A_1049] : memref<4x2x32x128xf32, #tpu.memory_space<vmem>> -> memref<1x1x32x128xf32, #tpu.memory_space<vmem>>
      %dma_start3A_1051 = tpu.memref_squeeze %dma_start3A_1050 : memref<1x1x32x128xf32, #tpu.memory_space<vmem>> -> memref<32x128xf32, #tpu.memory_space<vmem>>
      %dma_start3A_1052 = arith.constant 0 : i32
      %dma_start3A_1053 = tpu.memref_slice %arg5[%dma_start3A_1052, %multiple_of3A_1025] : memref<32x1000000xf32, #tpu.memory_space<hbm>> -> memref<32x128xf32, #tpu.memory_space<hbm>>
      tpu.enqueue_dma source(%dma_start3A_1053 : memref<32x128xf32, #tpu.memory_space<hbm>>) target(%dma_start3A_1051 : memref<32x128xf32, #tpu.memory_space<vmem>>) target_semaphore(%arg19 : memref<!tpu.dma_semaphore, #tpu.memory_space<semaphore_mem>>)
      %dma_wait3A_1054 = arith.constant 3 : i32
      %dma_wait3A_1055 = arith.constant 0 : i32
      %dma_wait3A_1056 = arith.constant 0 : i32
      %dma_wait3A_1057 = arith.constant 0 : i32
      %dma_wait3A_1058 = tpu.memref_slice %arg9[%dma_wait3A_1054, %dma_wait3A_1055, %dma_wait3A_1056, %dma_wait3A_1057] : memref<4x2x32x128xf32, #tpu.memory_space<vmem>> -> memref<1x1x32x128xf32, #tpu.memory_space<vmem>>
      %dma_wait3A_1059 = tpu.memref_squeeze %dma_wait3A_1058 : memref<1x1x32x128xf32, #tpu.memory_space<vmem>> -> memref<32x128xf32, #tpu.memory_space<vmem>>
      %dma_wait3A_1060 = arith.constant 0 : i32
      %dma_wait3A_1061 = arith.constant 0 : i32
      %dma_wait3A_1062 = tpu.memref_slice %arg4[%dma_wait3A_1060, %dma_wait3A_1061] : memref<32x1000000xf32, #tpu.memory_space<hbm>> -> memref<32x128xf32, #tpu.memory_space<hbm>>
      %dma_wait3A_1063 = arith.constant 0 : i32
      %dma_wait3A_1064 = arith.constant 0 : i32
      %dma_wait3A_1065 = tpu.memref_slice %arg9[%dma_wait3A_1054, %dma_wait3A_1055, %dma_wait3A_1063, %dma_wait3A_1064] : memref<4x2x32x128xf32, #tpu.memory_space<vmem>> -> memref<1x1x32x128xf32, #tpu.memory_space<vmem>>
      %dma_wait3A_1066 = tpu.memref_squeeze %dma_wait3A_1065 : memref<1x1x32x128xf32, #tpu.memory_space<vmem>> -> memref<32x128xf32, #tpu.memory_space<vmem>>
      %dma_wait3A_1067 = arith.constant 0 : i32
      %dma_wait3A_1068 = arith.constant 0 : i32
      %dma_wait3A_1069 = tpu.memref_slice %arg4[%dma_wait3A_1067, %dma_wait3A_1068] : memref<32x1000000xf32, #tpu.memory_space<hbm>> -> memref<32x128xf32, #tpu.memory_space<hbm>>
      tpu.wait_dma2 semaphore(%arg16 : memref<!tpu.dma_semaphore, #tpu.memory_space<semaphore_mem>>) src(%dma_wait3A_1069 : memref<32x128xf32, #tpu.memory_space<hbm>>) dst(%dma_wait3A_1066 : memref<32x128xf32, #tpu.memory_space<vmem>>)
      %dma_wait3A_1070 = arith.constant 3 : i32
      %dma_wait3A_1071 = arith.constant 0 : i32
      %dma_wait3A_1072 = arith.constant 0 : i32
      %dma_wait3A_1073 = arith.constant 0 : i32
      %dma_wait3A_1074 = tpu.memref_slice %arg10[%dma_wait3A_1070, %dma_wait3A_1071, %dma_wait3A_1072, %dma_wait3A_1073] : memref<4x2x32x128xf32, #tpu.memory_space<vmem>> -> memref<1x1x32x128xf32, #tpu.memory_space<vmem>>
      %dma_wait3A_1075 = tpu.memref_squeeze %dma_wait3A_1074 : memref<1x1x32x128xf32, #tpu.memory_space<vmem>> -> memref<32x128xf32, #tpu.memory_space<vmem>>
      %dma_wait3A_1076 = arith.constant 0 : i32
      %dma_wait3A_1077 = arith.constant 0 : i32
      %dma_wait3A_1078 = tpu.memref_slice %arg5[%dma_wait3A_1076, %dma_wait3A_1077] : memref<32x1000000xf32, #tpu.memory_space<hbm>> -> memref<32x128xf32, #tpu.memory_space<hbm>>
      %dma_wait3A_1079 = arith.constant 0 : i32
      %dma_wait3A_1080 = arith.constant 0 : i32
      %dma_wait3A_1081 = tpu.memref_slice %arg10[%dma_wait3A_1070, %dma_wait3A_1071, %dma_wait3A_1079, %dma_wait3A_1080] : memref<4x2x32x128xf32, #tpu.memory_space<vmem>> -> memref<1x1x32x128xf32, #tpu.memory_space<vmem>>
      %dma_wait3A_1082 = tpu.memref_squeeze %dma_wait3A_1081 : memref<1x1x32x128xf32, #tpu.memory_space<vmem>> -> memref<32x128xf32, #tpu.memory_space<vmem>>
      %dma_wait3A_1083 = arith.constant 0 : i32
      %dma_wait3A_1084 = arith.constant 0 : i32
      %dma_wait3A_1085 = tpu.memref_slice %arg5[%dma_wait3A_1083, %dma_wait3A_1084] : memref<32x1000000xf32, #tpu.memory_space<hbm>> -> memref<32x128xf32, #tpu.memory_space<hbm>>
      tpu.wait_dma2 semaphore(%arg20 : memref<!tpu.dma_semaphore, #tpu.memory_space<semaphore_mem>>) src(%dma_wait3A_1085 : memref<32x128xf32, #tpu.memory_space<hbm>>) dst(%dma_wait3A_1082 : memref<32x128xf32, #tpu.memory_space<vmem>>)
      %dma_wait3A_1086 = arith.constant 3 : i32
      %dma_wait3A_1087 = arith.constant 1 : i32
      %dma_wait3A_1088 = arith.constant 0 : i32
      %dma_wait3A_1089 = arith.constant 0 : i32
      %dma_wait3A_1090 = tpu.memref_slice %arg9[%dma_wait3A_1086, %dma_wait3A_1087, %dma_wait3A_1088, %dma_wait3A_1089] : memref<4x2x32x128xf32, #tpu.memory_space<vmem>> -> memref<1x1x32x128xf32, #tpu.memory_space<vmem>>
      %dma_wait3A_1091 = tpu.memref_squeeze %dma_wait3A_1090 : memref<1x1x32x128xf32, #tpu.memory_space<vmem>> -> memref<32x128xf32, #tpu.memory_space<vmem>>
      %dma_wait3A_1092 = arith.constant 0 : i32
      %dma_wait3A_1093 = arith.constant 0 : i32
      %dma_wait3A_1094 = tpu.memref_slice %arg4[%dma_wait3A_1092, %dma_wait3A_1093] : memref<32x1000000xf32, #tpu.memory_space<hbm>> -> memref<32x128xf32, #tpu.memory_space<hbm>>
      %dma_wait3A_1095 = arith.constant 0 : i32
      %dma_wait3A_1096 = arith.constant 0 : i32
      %dma_wait3A_1097 = tpu.memref_slice %arg9[%dma_wait3A_1086, %dma_wait3A_1087, %dma_wait3A_1095, %dma_wait3A_1096] : memref<4x2x32x128xf32, #tpu.memory_space<vmem>> -> memref<1x1x32x128xf32, #tpu.memory_space<vmem>>
      %dma_wait3A_1098 = tpu.memref_squeeze %dma_wait3A_1097 : memref<1x1x32x128xf32, #tpu.memory_space<vmem>> -> memref<32x128xf32, #tpu.memory_space<vmem>>
      %dma_wait3A_1099 = arith.constant 0 : i32
      %dma_wait3A_1100 = arith.constant 0 : i32
      %dma_wait3A_1101 = tpu.memref_slice %arg4[%dma_wait3A_1099, %dma_wait3A_1100] : memref<32x1000000xf32, #tpu.memory_space<hbm>> -> memref<32x128xf32, #tpu.memory_space<hbm>>
      tpu.wait_dma2 semaphore(%arg16 : memref<!tpu.dma_semaphore, #tpu.memory_space<semaphore_mem>>) src(%dma_wait3A_1101 : memref<32x128xf32, #tpu.memory_space<hbm>>) dst(%dma_wait3A_1098 : memref<32x128xf32, #tpu.memory_space<vmem>>)
      %dma_wait3A_1102 = arith.constant 3 : i32
      %dma_wait3A_1103 = arith.constant 1 : i32
      %dma_wait3A_1104 = arith.constant 0 : i32
      %dma_wait3A_1105 = arith.constant 0 : i32
      %dma_wait3A_1106 = tpu.memref_slice %arg10[%dma_wait3A_1102, %dma_wait3A_1103, %dma_wait3A_1104, %dma_wait3A_1105] : memref<4x2x32x128xf32, #tpu.memory_space<vmem>> -> memref<1x1x32x128xf32, #tpu.memory_space<vmem>>
      %dma_wait3A_1107 = tpu.memref_squeeze %dma_wait3A_1106 : memref<1x1x32x128xf32, #tpu.memory_space<vmem>> -> memref<32x128xf32, #tpu.memory_space<vmem>>
      %dma_wait3A_1108 = arith.constant 0 : i32
      %dma_wait3A_1109 = arith.constant 0 : i32
      %dma_wait3A_1110 = tpu.memref_slice %arg5[%dma_wait3A_1108, %dma_wait3A_1109] : memref<32x1000000xf32, #tpu.memory_space<hbm>> -> memref<32x128xf32, #tpu.memory_space<hbm>>
      %dma_wait3A_1111 = arith.constant 0 : i32
      %dma_wait3A_1112 = arith.constant 0 : i32
      %dma_wait3A_1113 = tpu.memref_slice %arg10[%dma_wait3A_1102, %dma_wait3A_1103, %dma_wait3A_1111, %dma_wait3A_1112] : memref<4x2x32x128xf32, #tpu.memory_space<vmem>> -> memref<1x1x32x128xf32, #tpu.memory_space<vmem>>
      %dma_wait3A_1114 = tpu.memref_squeeze %dma_wait3A_1113 : memref<1x1x32x128xf32, #tpu.memory_space<vmem>> -> memref<32x128xf32, #tpu.memory_space<vmem>>
      %dma_wait3A_1115 = arith.constant 0 : i32
      %dma_wait3A_1116 = arith.constant 0 : i32
      %dma_wait3A_1117 = tpu.memref_slice %arg5[%dma_wait3A_1115, %dma_wait3A_1116] : memref<32x1000000xf32, #tpu.memory_space<hbm>> -> memref<32x128xf32, #tpu.memory_space<hbm>>
      tpu.wait_dma2 semaphore(%arg20 : memref<!tpu.dma_semaphore, #tpu.memory_space<semaphore_mem>>) src(%dma_wait3A_1117 : memref<32x128xf32, #tpu.memory_space<hbm>>) dst(%dma_wait3A_1114 : memref<32x128xf32, #tpu.memory_space<vmem>>)
      %slice3A_1118 = vector.extract_strided_slice %get3A_280 {offsets = [6], sizes = [1], strides = [1]} : vector<16xi32> to vector<1xi32>
      %squeeze3A_1119 = vector.extract %slice3A_1118[0] : i32 from vector<1xi32>
      %and3A_1120 = arith.constant 127 : i32
      %and3A_1121 = arith.andi %squeeze3A_1119, %and3A_1120 : i32
      %broadcast_in_dim3A_1122 = vector.broadcast %and3A_1121 : i32 to vector<16xi32>
      %slice3A_1123 = vector.extract_strided_slice %get3A_282 {offsets = [6], sizes = [1], strides = [1]} : vector<16xi32> to vector<1xi32>
      %squeeze3A_1124 = vector.extract %slice3A_1123[0] : i32 from vector<1xi32>
      %and3A_1125 = arith.constant 127 : i32
      %and3A_1126 = arith.andi %squeeze3A_1124, %and3A_1125 : i32
      %broadcast_in_dim3A_1127 = vector.broadcast %and3A_1126 : i32 to vector<16xi32>
      %add3A_1128 = arith.constant 6 : i32
      %add3A_1129 = arith.addi %mul3A_278, %add3A_1128 : i32
      %broadcast_in_dim3A_1130 = vector.broadcast %add3A_1129 : i32 to vector<16xi32>
      %gather3A_1131 = arith.constant 3 : i32
      %gather3A_1132 = arith.constant 0 : i32
      %gather3A_1133 = arith.constant 0 : i32
      %gather3A_1134 = arith.constant 0 : i32
      %gather3A_1135 = tpu.memref_slice %arg9[%gather3A_1131, %gather3A_1132, %gather3A_1133, %gather3A_1134] : memref<4x2x32x128xf32, #tpu.memory_space<vmem>> -> memref<1x1x32x128xf32, #tpu.memory_space<vmem>>
      %gather3A_1136 = tpu.memref_squeeze %gather3A_1135 : memref<1x1x32x128xf32, #tpu.memory_space<vmem>> -> memref<32x128xf32, #tpu.memory_space<vmem>>
      %gather3A_1137 = tpu.vector_load_idx %gather3A_1136[%iota3A, %broadcast_in_dim3A_1122] : memref<32x128xf32, #tpu.memory_space<vmem>>[vector<16xi32>, vector<16xi32>], vector<16xf32>,
      %gather3A_1138 = arith.constant 3 : i32
      %gather3A_1139 = arith.constant 0 : i32
      %gather3A_1140 = arith.constant 0 : i32
      %gather3A_1141 = arith.constant 0 : i32
      %gather3A_1142 = tpu.memref_slice %arg9[%gather3A_1138, %gather3A_1139, %gather3A_1140, %gather3A_1141] : memref<4x2x32x128xf32, #tpu.memory_space<vmem>> -> memref<1x1x32x128xf32, #tpu.memory_space<vmem>>
      %gather3A_1143 = tpu.memref_squeeze %gather3A_1142 : memref<1x1x32x128xf32, #tpu.memory_space<vmem>> -> memref<32x128xf32, #tpu.memory_space<vmem>>
      %gather3A_1144 = tpu.vector_load_idx %gather3A_1143[%add3A_5, %broadcast_in_dim3A_1122] : memref<32x128xf32, #tpu.memory_space<vmem>>[vector<16xi32>, vector<16xi32>], vector<16xf32>,
      tpu.vector_store_idx %arg11[%iota3A, %broadcast_in_dim3A_1130], %gather3A_1137 : memref<32x384xf32, #tpu.memory_space<vmem>>[vector<16xi32>, vector<16xi32>], vector<16xf32>,
      tpu.vector_store_idx %arg11[%add3A_5, %broadcast_in_dim3A_1130], %gather3A_1144 : memref<32x384xf32, #tpu.memory_space<vmem>>[vector<16xi32>, vector<16xi32>], vector<16xf32>,
      %gather3A_1145 = arith.constant 3 : i32
      %gather3A_1146 = arith.constant 0 : i32
      %gather3A_1147 = arith.constant 0 : i32
      %gather3A_1148 = arith.constant 0 : i32
      %gather3A_1149 = tpu.memref_slice %arg10[%gather3A_1145, %gather3A_1146, %gather3A_1147, %gather3A_1148] : memref<4x2x32x128xf32, #tpu.memory_space<vmem>> -> memref<1x1x32x128xf32, #tpu.memory_space<vmem>>
      %gather3A_1150 = tpu.memref_squeeze %gather3A_1149 : memref<1x1x32x128xf32, #tpu.memory_space<vmem>> -> memref<32x128xf32, #tpu.memory_space<vmem>>
      %gather3A_1151 = tpu.vector_load_idx %gather3A_1150[%iota3A, %broadcast_in_dim3A_1127] : memref<32x128xf32, #tpu.memory_space<vmem>>[vector<16xi32>, vector<16xi32>], vector<16xf32>,
      %gather3A_1152 = arith.constant 3 : i32
      %gather3A_1153 = arith.constant 0 : i32
      %gather3A_1154 = arith.constant 0 : i32
      %gather3A_1155 = arith.constant 0 : i32
      %gather3A_1156 = tpu.memref_slice %arg10[%gather3A_1152, %gather3A_1153, %gather3A_1154, %gather3A_1155] : memref<4x2x32x128xf32, #tpu.memory_space<vmem>> -> memref<1x1x32x128xf32, #tpu.memory_space<vmem>>
      %gather3A_1157 = tpu.memref_squeeze %gather3A_1156 : memref<1x1x32x128xf32, #tpu.memory_space<vmem>> -> memref<32x128xf32, #tpu.memory_space<vmem>>
      %gather3A_1158 = tpu.vector_load_idx %gather3A_1157[%add3A_5, %broadcast_in_dim3A_1127] : memref<32x128xf32, #tpu.memory_space<vmem>>[vector<16xi32>, vector<16xi32>], vector<16xf32>,
      tpu.vector_store_idx %arg12[%iota3A, %broadcast_in_dim3A_1130], %gather3A_1151 : memref<32x384xf32, #tpu.memory_space<vmem>>[vector<16xi32>, vector<16xi32>], vector<16xf32>,
      tpu.vector_store_idx %arg12[%add3A_5, %broadcast_in_dim3A_1130], %gather3A_1158 : memref<32x384xf32, #tpu.memory_space<vmem>>[vector<16xi32>, vector<16xi32>], vector<16xf32>,
      %slice3A_1159 = vector.extract_strided_slice %get3A_280 {offsets = [7], sizes = [1], strides = [1]} : vector<16xi32> to vector<1xi32>
      %squeeze3A_1160 = vector.extract %slice3A_1159[0] : i32 from vector<1xi32>
      %and3A_1161 = arith.constant 127 : i32
      %and3A_1162 = arith.andi %squeeze3A_1160, %and3A_1161 : i32
      %broadcast_in_dim3A_1163 = vector.broadcast %and3A_1162 : i32 to vector<16xi32>
      %slice3A_1164 = vector.extract_strided_slice %get3A_282 {offsets = [7], sizes = [1], strides = [1]} : vector<16xi32> to vector<1xi32>
      %squeeze3A_1165 = vector.extract %slice3A_1164[0] : i32 from vector<1xi32>
      %and3A_1166 = arith.constant 127 : i32
      %and3A_1167 = arith.andi %squeeze3A_1165, %and3A_1166 : i32
      %broadcast_in_dim3A_1168 = vector.broadcast %and3A_1167 : i32 to vector<16xi32>
      %add3A_1169 = arith.constant 7 : i32
      %add3A_1170 = arith.addi %mul3A_278, %add3A_1169 : i32
      %broadcast_in_dim3A_1171 = vector.broadcast %add3A_1170 : i32 to vector<16xi32>
      %gather3A_1172 = arith.constant 3 : i32
      %gather3A_1173 = arith.constant 1 : i32
      %gather3A_1174 = arith.constant 0 : i32
      %gather3A_1175 = arith.constant 0 : i32
      %gather3A_1176 = tpu.memref_slice %arg9[%gather3A_1172, %gather3A_1173, %gather3A_1174, %gather3A_1175] : memref<4x2x32x128xf32, #tpu.memory_space<vmem>> -> memref<1x1x32x128xf32, #tpu.memory_space<vmem>>
      %gather3A_1177 = tpu.memref_squeeze %gather3A_1176 : memref<1x1x32x128xf32, #tpu.memory_space<vmem>> -> memref<32x128xf32, #tpu.memory_space<vmem>>
      %gather3A_1178 = tpu.vector_load_idx %gather3A_1177[%iota3A, %broadcast_in_dim3A_1163] : memref<32x128xf32, #tpu.memory_space<vmem>>[vector<16xi32>, vector<16xi32>], vector<16xf32>,
      %gather3A_1179 = arith.constant 3 : i32
      %gather3A_1180 = arith.constant 1 : i32
      %gather3A_1181 = arith.constant 0 : i32
      %gather3A_1182 = arith.constant 0 : i32
      %gather3A_1183 = tpu.memref_slice %arg9[%gather3A_1179, %gather3A_1180, %gather3A_1181, %gather3A_1182] : memref<4x2x32x128xf32, #tpu.memory_space<vmem>> -> memref<1x1x32x128xf32, #tpu.memory_space<vmem>>
      %gather3A_1184 = tpu.memref_squeeze %gather3A_1183 : memref<1x1x32x128xf32, #tpu.memory_space<vmem>> -> memref<32x128xf32, #tpu.memory_space<vmem>>
      %gather3A_1185 = tpu.vector_load_idx %gather3A_1184[%add3A_5, %broadcast_in_dim3A_1163] : memref<32x128xf32, #tpu.memory_space<vmem>>[vector<16xi32>, vector<16xi32>], vector<16xf32>,
      tpu.vector_store_idx %arg11[%iota3A, %broadcast_in_dim3A_1171], %gather3A_1178 : memref<32x384xf32, #tpu.memory_space<vmem>>[vector<16xi32>, vector<16xi32>], vector<16xf32>,
      tpu.vector_store_idx %arg11[%add3A_5, %broadcast_in_dim3A_1171], %gather3A_1185 : memref<32x384xf32, #tpu.memory_space<vmem>>[vector<16xi32>, vector<16xi32>], vector<16xf32>,
      %gather3A_1186 = arith.constant 3 : i32
      %gather3A_1187 = arith.constant 1 : i32
      %gather3A_1188 = arith.constant 0 : i32
      %gather3A_1189 = arith.constant 0 : i32
      %gather3A_1190 = tpu.memref_slice %arg10[%gather3A_1186, %gather3A_1187, %gather3A_1188, %gather3A_1189] : memref<4x2x32x128xf32, #tpu.memory_space<vmem>> -> memref<1x1x32x128xf32, #tpu.memory_space<vmem>>
      %gather3A_1191 = tpu.memref_squeeze %gather3A_1190 : memref<1x1x32x128xf32, #tpu.memory_space<vmem>> -> memref<32x128xf32, #tpu.memory_space<vmem>>
      %gather3A_1192 = tpu.vector_load_idx %gather3A_1191[%iota3A, %broadcast_in_dim3A_1168] : memref<32x128xf32, #tpu.memory_space<vmem>>[vector<16xi32>, vector<16xi32>], vector<16xf32>,
      %gather3A_1193 = arith.constant 3 : i32
      %gather3A_1194 = arith.constant 1 : i32
      %gather3A_1195 = arith.constant 0 : i32
      %gather3A_1196 = arith.constant 0 : i32
      %gather3A_1197 = tpu.memref_slice %arg10[%gather3A_1193, %gather3A_1194, %gather3A_1195, %gather3A_1196] : memref<4x2x32x128xf32, #tpu.memory_space<vmem>> -> memref<1x1x32x128xf32, #tpu.memory_space<vmem>>
      %gather3A_1198 = tpu.memref_squeeze %gather3A_1197 : memref<1x1x32x128xf32, #tpu.memory_space<vmem>> -> memref<32x128xf32, #tpu.memory_space<vmem>>
      %gather3A_1199 = tpu.vector_load_idx %gather3A_1198[%add3A_5, %broadcast_in_dim3A_1168] : memref<32x128xf32, #tpu.memory_space<vmem>>[vector<16xi32>, vector<16xi32>], vector<16xf32>,
      tpu.vector_store_idx %arg12[%iota3A, %broadcast_in_dim3A_1171], %gather3A_1192 : memref<32x384xf32, #tpu.memory_space<vmem>>[vector<16xi32>, vector<16xi32>], vector<16xf32>,
      tpu.vector_store_idx %arg12[%add3A_5, %broadcast_in_dim3A_1171], %gather3A_1199 : memref<32x384xf32, #tpu.memory_space<vmem>>[vector<16xi32>, vector<16xi32>], vector<16xf32>,
      %slice3A_1200 = vector.extract_strided_slice %get3A_280 {offsets = [14], sizes = [1], strides = [1]} : vector<16xi32> to vector<1xi32>
      %squeeze3A_1201 = vector.extract %slice3A_1200[0] : i32 from vector<1xi32>
      %shift_right_arithmetic3A_1202 = arith.constant 7 : i32
      %shift_right_arithmetic3A_1203 = arith.shrsi %squeeze3A_1201, %shift_right_arithmetic3A_1202 : i32
      %mul3A_1204 = arith.constant 128 : i32
      %mul3A_1205 = arith.muli %shift_right_arithmetic3A_1203, %mul3A_1204 : i32
      %multiple_of3A_1206 = tpu.assume_multiple %mul3A_1205, 128 : i32
      %slice3A_1207 = vector.extract_strided_slice %get3A_282 {offsets = [14], sizes = [1], strides = [1]} : vector<16xi32> to vector<1xi32>
      %squeeze3A_1208 = vector.extract %slice3A_1207[0] : i32 from vector<1xi32>
      %shift_right_arithmetic3A_1209 = arith.constant 7 : i32
      %shift_right_arithmetic3A_1210 = arith.shrsi %squeeze3A_1208, %shift_right_arithmetic3A_1209 : i32
      %mul3A_1211 = arith.constant 128 : i32
      %mul3A_1212 = arith.muli %shift_right_arithmetic3A_1210, %mul3A_1211 : i32
      %multiple_of3A_1213 = tpu.assume_multiple %mul3A_1212, 128 : i32
      %dma_start3A_1214 = arith.constant 3 : i32
      %dma_start3A_1215 = arith.constant 0 : i32
      %dma_start3A_1216 = arith.constant 0 : i32
      %dma_start3A_1217 = arith.constant 0 : i32
      %dma_start3A_1218 = tpu.memref_slice %arg9[%dma_start3A_1214, %dma_start3A_1215, %dma_start3A_1216, %dma_start3A_1217] : memref<4x2x32x128xf32, #tpu.memory_space<vmem>> -> memref<1x1x32x128xf32, #tpu.memory_space<vmem>>
      %dma_start3A_1219 = tpu.memref_squeeze %dma_start3A_1218 : memref<1x1x32x128xf32, #tpu.memory_space<vmem>> -> memref<32x128xf32, #tpu.memory_space<vmem>>
      %dma_start3A_1220 = arith.constant 0 : i32
      %dma_start3A_1221 = tpu.memref_slice %arg4[%dma_start3A_1220, %multiple_of3A_1206] : memref<32x1000000xf32, #tpu.memory_space<hbm>> -> memref<32x128xf32, #tpu.memory_space<hbm>>
      %dma_start3A_1222 = arith.constant 0 : i32
      %dma_start3A_1223 = arith.constant 0 : i32
      %dma_start3A_1224 = tpu.memref_slice %arg9[%dma_start3A_1214, %dma_start3A_1215, %dma_start3A_1222, %dma_start3A_1223] : memref<4x2x32x128xf32, #tpu.memory_space<vmem>> -> memref<1x1x32x128xf32, #tpu.memory_space<vmem>>
      %dma_start3A_1225 = tpu.memref_squeeze %dma_start3A_1224 : memref<1x1x32x128xf32, #tpu.memory_space<vmem>> -> memref<32x128xf32, #tpu.memory_space<vmem>>
      %dma_start3A_1226 = arith.constant 0 : i32
      %dma_start3A_1227 = tpu.memref_slice %arg4[%dma_start3A_1226, %multiple_of3A_1206] : memref<32x1000000xf32, #tpu.memory_space<hbm>> -> memref<32x128xf32, #tpu.memory_space<hbm>>
      tpu.enqueue_dma source(%dma_start3A_1227 : memref<32x128xf32, #tpu.memory_space<hbm>>) target(%dma_start3A_1225 : memref<32x128xf32, #tpu.memory_space<vmem>>) target_semaphore(%arg16 : memref<!tpu.dma_semaphore, #tpu.memory_space<semaphore_mem>>)
      %dma_start3A_1228 = arith.constant 3 : i32
      %dma_start3A_1229 = arith.constant 0 : i32
      %dma_start3A_1230 = arith.constant 0 : i32
      %dma_start3A_1231 = arith.constant 0 : i32
      %dma_start3A_1232 = tpu.memref_slice %arg10[%dma_start3A_1228, %dma_start3A_1229, %dma_start3A_1230, %dma_start3A_1231] : memref<4x2x32x128xf32, #tpu.memory_space<vmem>> -> memref<1x1x32x128xf32, #tpu.memory_space<vmem>>
      %dma_start3A_1233 = tpu.memref_squeeze %dma_start3A_1232 : memref<1x1x32x128xf32, #tpu.memory_space<vmem>> -> memref<32x128xf32, #tpu.memory_space<vmem>>
      %dma_start3A_1234 = arith.constant 0 : i32
      %dma_start3A_1235 = tpu.memref_slice %arg5[%dma_start3A_1234, %multiple_of3A_1213] : memref<32x1000000xf32, #tpu.memory_space<hbm>> -> memref<32x128xf32, #tpu.memory_space<hbm>>
      %dma_start3A_1236 = arith.constant 0 : i32
      %dma_start3A_1237 = arith.constant 0 : i32
      %dma_start3A_1238 = tpu.memref_slice %arg10[%dma_start3A_1228, %dma_start3A_1229, %dma_start3A_1236, %dma_start3A_1237] : memref<4x2x32x128xf32, #tpu.memory_space<vmem>> -> memref<1x1x32x128xf32, #tpu.memory_space<vmem>>
      %dma_start3A_1239 = tpu.memref_squeeze %dma_start3A_1238 : memref<1x1x32x128xf32, #tpu.memory_space<vmem>> -> memref<32x128xf32, #tpu.memory_space<vmem>>
      %dma_start3A_1240 = arith.constant 0 : i32
      %dma_start3A_1241 = tpu.memref_slice %arg5[%dma_start3A_1240, %multiple_of3A_1213] : memref<32x1000000xf32, #tpu.memory_space<hbm>> -> memref<32x128xf32, #tpu.memory_space<hbm>>
      tpu.enqueue_dma source(%dma_start3A_1241 : memref<32x128xf32, #tpu.memory_space<hbm>>) target(%dma_start3A_1239 : memref<32x128xf32, #tpu.memory_space<vmem>>) target_semaphore(%arg20 : memref<!tpu.dma_semaphore, #tpu.memory_space<semaphore_mem>>)
      %slice3A_1242 = vector.extract_strided_slice %get3A_280 {offsets = [15], sizes = [1], strides = [1]} : vector<16xi32> to vector<1xi32>
      %squeeze3A_1243 = vector.extract %slice3A_1242[0] : i32 from vector<1xi32>
      %shift_right_arithmetic3A_1244 = arith.constant 7 : i32
      %shift_right_arithmetic3A_1245 = arith.shrsi %squeeze3A_1243, %shift_right_arithmetic3A_1244 : i32
      %mul3A_1246 = arith.constant 128 : i32
      %mul3A_1247 = arith.muli %shift_right_arithmetic3A_1245, %mul3A_1246 : i32
      %multiple_of3A_1248 = tpu.assume_multiple %mul3A_1247, 128 : i32
      %slice3A_1249 = vector.extract_strided_slice %get3A_282 {offsets = [15], sizes = [1], strides = [1]} : vector<16xi32> to vector<1xi32>
      %squeeze3A_1250 = vector.extract %slice3A_1249[0] : i32 from vector<1xi32>
      %shift_right_arithmetic3A_1251 = arith.constant 7 : i32
      %shift_right_arithmetic3A_1252 = arith.shrsi %squeeze3A_1250, %shift_right_arithmetic3A_1251 : i32
      %mul3A_1253 = arith.constant 128 : i32
      %mul3A_1254 = arith.muli %shift_right_arithmetic3A_1252, %mul3A_1253 : i32
      %multiple_of3A_1255 = tpu.assume_multiple %mul3A_1254, 128 : i32
      %dma_start3A_1256 = arith.constant 3 : i32
      %dma_start3A_1257 = arith.constant 1 : i32
      %dma_start3A_1258 = arith.constant 0 : i32
      %dma_start3A_1259 = arith.constant 0 : i32
      %dma_start3A_1260 = tpu.memref_slice %arg9[%dma_start3A_1256, %dma_start3A_1257, %dma_start3A_1258, %dma_start3A_1259] : memref<4x2x32x128xf32, #tpu.memory_space<vmem>> -> memref<1x1x32x128xf32, #tpu.memory_space<vmem>>
      %dma_start3A_1261 = tpu.memref_squeeze %dma_start3A_1260 : memref<1x1x32x128xf32, #tpu.memory_space<vmem>> -> memref<32x128xf32, #tpu.memory_space<vmem>>
      %dma_start3A_1262 = arith.constant 0 : i32
      %dma_start3A_1263 = tpu.memref_slice %arg4[%dma_start3A_1262, %multiple_of3A_1248] : memref<32x1000000xf32, #tpu.memory_space<hbm>> -> memref<32x128xf32, #tpu.memory_space<hbm>>
      %dma_start3A_1264 = arith.constant 0 : i32
      %dma_start3A_1265 = arith.constant 0 : i32
      %dma_start3A_1266 = tpu.memref_slice %arg9[%dma_start3A_1256, %dma_start3A_1257, %dma_start3A_1264, %dma_start3A_1265] : memref<4x2x32x128xf32, #tpu.memory_space<vmem>> -> memref<1x1x32x128xf32, #tpu.memory_space<vmem>>
      %dma_start3A_1267 = tpu.memref_squeeze %dma_start3A_1266 : memref<1x1x32x128xf32, #tpu.memory_space<vmem>> -> memref<32x128xf32, #tpu.memory_space<vmem>>
      %dma_start3A_1268 = arith.constant 0 : i32
      %dma_start3A_1269 = tpu.memref_slice %arg4[%dma_start3A_1268, %multiple_of3A_1248] : memref<32x1000000xf32, #tpu.memory_space<hbm>> -> memref<32x128xf32, #tpu.memory_space<hbm>>
      tpu.enqueue_dma source(%dma_start3A_1269 : memref<32x128xf32, #tpu.memory_space<hbm>>) target(%dma_start3A_1267 : memref<32x128xf32, #tpu.memory_space<vmem>>) target_semaphore(%arg16 : memref<!tpu.dma_semaphore, #tpu.memory_space<semaphore_mem>>)
      %dma_start3A_1270 = arith.constant 3 : i32
      %dma_start3A_1271 = arith.constant 1 : i32
      %dma_start3A_1272 = arith.constant 0 : i32
      %dma_start3A_1273 = arith.constant 0 : i32
      %dma_start3A_1274 = tpu.memref_slice %arg10[%dma_start3A_1270, %dma_start3A_1271, %dma_start3A_1272, %dma_start3A_1273] : memref<4x2x32x128xf32, #tpu.memory_space<vmem>> -> memref<1x1x32x128xf32, #tpu.memory_space<vmem>>
      %dma_start3A_1275 = tpu.memref_squeeze %dma_start3A_1274 : memref<1x1x32x128xf32, #tpu.memory_space<vmem>> -> memref<32x128xf32, #tpu.memory_space<vmem>>
      %dma_start3A_1276 = arith.constant 0 : i32
      %dma_start3A_1277 = tpu.memref_slice %arg5[%dma_start3A_1276, %multiple_of3A_1255] : memref<32x1000000xf32, #tpu.memory_space<hbm>> -> memref<32x128xf32, #tpu.memory_space<hbm>>
      %dma_start3A_1278 = arith.constant 0 : i32
      %dma_start3A_1279 = arith.constant 0 : i32
      %dma_start3A_1280 = tpu.memref_slice %arg10[%dma_start3A_1270, %dma_start3A_1271, %dma_start3A_1278, %dma_start3A_1279] : memref<4x2x32x128xf32, #tpu.memory_space<vmem>> -> memref<1x1x32x128xf32, #tpu.memory_space<vmem>>
      %dma_start3A_1281 = tpu.memref_squeeze %dma_start3A_1280 : memref<1x1x32x128xf32, #tpu.memory_space<vmem>> -> memref<32x128xf32, #tpu.memory_space<vmem>>
      %dma_start3A_1282 = arith.constant 0 : i32
      %dma_start3A_1283 = tpu.memref_slice %arg5[%dma_start3A_1282, %multiple_of3A_1255] : memref<32x1000000xf32, #tpu.memory_space<hbm>> -> memref<32x128xf32, #tpu.memory_space<hbm>>
      tpu.enqueue_dma source(%dma_start3A_1283 : memref<32x128xf32, #tpu.memory_space<hbm>>) target(%dma_start3A_1281 : memref<32x128xf32, #tpu.memory_space<vmem>>) target_semaphore(%arg20 : memref<!tpu.dma_semaphore, #tpu.memory_space<semaphore_mem>>)
      %dma_wait3A_1284 = arith.constant 0 : i32
      %dma_wait3A_1285 = arith.constant 0 : i32
      %dma_wait3A_1286 = arith.constant 0 : i32
      %dma_wait3A_1287 = arith.constant 0 : i32
      %dma_wait3A_1288 = tpu.memref_slice %arg9[%dma_wait3A_1284, %dma_wait3A_1285, %dma_wait3A_1286, %dma_wait3A_1287] : memref<4x2x32x128xf32, #tpu.memory_space<vmem>> -> memref<1x1x32x128xf32, #tpu.memory_space<vmem>>
      %dma_wait3A_1289 = tpu.memref_squeeze %dma_wait3A_1288 : memref<1x1x32x128xf32, #tpu.memory_space<vmem>> -> memref<32x128xf32, #tpu.memory_space<vmem>>
      %dma_wait3A_1290 = arith.constant 0 : i32
      %dma_wait3A_1291 = arith.constant 0 : i32
      %dma_wait3A_1292 = tpu.memref_slice %arg4[%dma_wait3A_1290, %dma_wait3A_1291] : memref<32x1000000xf32, #tpu.memory_space<hbm>> -> memref<32x128xf32, #tpu.memory_space<hbm>>
      %dma_wait3A_1293 = arith.constant 0 : i32
      %dma_wait3A_1294 = arith.constant 0 : i32
      %dma_wait3A_1295 = tpu.memref_slice %arg9[%dma_wait3A_1284, %dma_wait3A_1285, %dma_wait3A_1293, %dma_wait3A_1294] : memref<4x2x32x128xf32, #tpu.memory_space<vmem>> -> memref<1x1x32x128xf32, #tpu.memory_space<vmem>>
      %dma_wait3A_1296 = tpu.memref_squeeze %dma_wait3A_1295 : memref<1x1x32x128xf32, #tpu.memory_space<vmem>> -> memref<32x128xf32, #tpu.memory_space<vmem>>
      %dma_wait3A_1297 = arith.constant 0 : i32
      %dma_wait3A_1298 = arith.constant 0 : i32
      %dma_wait3A_1299 = tpu.memref_slice %arg4[%dma_wait3A_1297, %dma_wait3A_1298] : memref<32x1000000xf32, #tpu.memory_space<hbm>> -> memref<32x128xf32, #tpu.memory_space<hbm>>
      tpu.wait_dma2 semaphore(%arg13 : memref<!tpu.dma_semaphore, #tpu.memory_space<semaphore_mem>>) src(%dma_wait3A_1299 : memref<32x128xf32, #tpu.memory_space<hbm>>) dst(%dma_wait3A_1296 : memref<32x128xf32, #tpu.memory_space<vmem>>)
      %dma_wait3A_1300 = arith.constant 0 : i32
      %dma_wait3A_1301 = arith.constant 0 : i32
      %dma_wait3A_1302 = arith.constant 0 : i32
      %dma_wait3A_1303 = arith.constant 0 : i32
      %dma_wait3A_1304 = tpu.memref_slice %arg10[%dma_wait3A_1300, %dma_wait3A_1301, %dma_wait3A_1302, %dma_wait3A_1303] : memref<4x2x32x128xf32, #tpu.memory_space<vmem>> -> memref<1x1x32x128xf32, #tpu.memory_space<vmem>>
      %dma_wait3A_1305 = tpu.memref_squeeze %dma_wait3A_1304 : memref<1x1x32x128xf32, #tpu.memory_space<vmem>> -> memref<32x128xf32, #tpu.memory_space<vmem>>
      %dma_wait3A_1306 = arith.constant 0 : i32
      %dma_wait3A_1307 = arith.constant 0 : i32
      %dma_wait3A_1308 = tpu.memref_slice %arg5[%dma_wait3A_1306, %dma_wait3A_1307] : memref<32x1000000xf32, #tpu.memory_space<hbm>> -> memref<32x128xf32, #tpu.memory_space<hbm>>
      %dma_wait3A_1309 = arith.constant 0 : i32
      %dma_wait3A_1310 = arith.constant 0 : i32
      %dma_wait3A_1311 = tpu.memref_slice %arg10[%dma_wait3A_1300, %dma_wait3A_1301, %dma_wait3A_1309, %dma_wait3A_1310] : memref<4x2x32x128xf32, #tpu.memory_space<vmem>> -> memref<1x1x32x128xf32, #tpu.memory_space<vmem>>
      %dma_wait3A_1312 = tpu.memref_squeeze %dma_wait3A_1311 : memref<1x1x32x128xf32, #tpu.memory_space<vmem>> -> memref<32x128xf32, #tpu.memory_space<vmem>>
      %dma_wait3A_1313 = arith.constant 0 : i32
      %dma_wait3A_1314 = arith.constant 0 : i32
      %dma_wait3A_1315 = tpu.memref_slice %arg5[%dma_wait3A_1313, %dma_wait3A_1314] : memref<32x1000000xf32, #tpu.memory_space<hbm>> -> memref<32x128xf32, #tpu.memory_space<hbm>>
      tpu.wait_dma2 semaphore(%arg17 : memref<!tpu.dma_semaphore, #tpu.memory_space<semaphore_mem>>) src(%dma_wait3A_1315 : memref<32x128xf32, #tpu.memory_space<hbm>>) dst(%dma_wait3A_1312 : memref<32x128xf32, #tpu.memory_space<vmem>>)
      %dma_wait3A_1316 = arith.constant 0 : i32
      %dma_wait3A_1317 = arith.constant 1 : i32
      %dma_wait3A_1318 = arith.constant 0 : i32
      %dma_wait3A_1319 = arith.constant 0 : i32
      %dma_wait3A_1320 = tpu.memref_slice %arg9[%dma_wait3A_1316, %dma_wait3A_1317, %dma_wait3A_1318, %dma_wait3A_1319] : memref<4x2x32x128xf32, #tpu.memory_space<vmem>> -> memref<1x1x32x128xf32, #tpu.memory_space<vmem>>
      %dma_wait3A_1321 = tpu.memref_squeeze %dma_wait3A_1320 : memref<1x1x32x128xf32, #tpu.memory_space<vmem>> -> memref<32x128xf32, #tpu.memory_space<vmem>>
      %dma_wait3A_1322 = arith.constant 0 : i32
      %dma_wait3A_1323 = arith.constant 0 : i32
      %dma_wait3A_1324 = tpu.memref_slice %arg4[%dma_wait3A_1322, %dma_wait3A_1323] : memref<32x1000000xf32, #tpu.memory_space<hbm>> -> memref<32x128xf32, #tpu.memory_space<hbm>>
      %dma_wait3A_1325 = arith.constant 0 : i32
      %dma_wait3A_1326 = arith.constant 0 : i32
      %dma_wait3A_1327 = tpu.memref_slice %arg9[%dma_wait3A_1316, %dma_wait3A_1317, %dma_wait3A_1325, %dma_wait3A_1326] : memref<4x2x32x128xf32, #tpu.memory_space<vmem>> -> memref<1x1x32x128xf32, #tpu.memory_space<vmem>>
      %dma_wait3A_1328 = tpu.memref_squeeze %dma_wait3A_1327 : memref<1x1x32x128xf32, #tpu.memory_space<vmem>> -> memref<32x128xf32, #tpu.memory_space<vmem>>
      %dma_wait3A_1329 = arith.constant 0 : i32
      %dma_wait3A_1330 = arith.constant 0 : i32
      %dma_wait3A_1331 = tpu.memref_slice %arg4[%dma_wait3A_1329, %dma_wait3A_1330] : memref<32x1000000xf32, #tpu.memory_space<hbm>> -> memref<32x128xf32, #tpu.memory_space<hbm>>
      tpu.wait_dma2 semaphore(%arg13 : memref<!tpu.dma_semaphore, #tpu.memory_space<semaphore_mem>>) src(%dma_wait3A_1331 : memref<32x128xf32, #tpu.memory_space<hbm>>) dst(%dma_wait3A_1328 : memref<32x128xf32, #tpu.memory_space<vmem>>)
      %dma_wait3A_1332 = arith.constant 0 : i32
      %dma_wait3A_1333 = arith.constant 1 : i32
      %dma_wait3A_1334 = arith.constant 0 : i32
      %dma_wait3A_1335 = arith.constant 0 : i32
      %dma_wait3A_1336 = tpu.memref_slice %arg10[%dma_wait3A_1332, %dma_wait3A_1333, %dma_wait3A_1334, %dma_wait3A_1335] : memref<4x2x32x128xf32, #tpu.memory_space<vmem>> -> memref<1x1x32x128xf32, #tpu.memory_space<vmem>>
      %dma_wait3A_1337 = tpu.memref_squeeze %dma_wait3A_1336 : memref<1x1x32x128xf32, #tpu.memory_space<vmem>> -> memref<32x128xf32, #tpu.memory_space<vmem>>
      %dma_wait3A_1338 = arith.constant 0 : i32
      %dma_wait3A_1339 = arith.constant 0 : i32
      %dma_wait3A_1340 = tpu.memref_slice %arg5[%dma_wait3A_1338, %dma_wait3A_1339] : memref<32x1000000xf32, #tpu.memory_space<hbm>> -> memref<32x128xf32, #tpu.memory_space<hbm>>
      %dma_wait3A_1341 = arith.constant 0 : i32
      %dma_wait3A_1342 = arith.constant 0 : i32
      %dma_wait3A_1343 = tpu.memref_slice %arg10[%dma_wait3A_1332, %dma_wait3A_1333, %dma_wait3A_1341, %dma_wait3A_1342] : memref<4x2x32x128xf32, #tpu.memory_space<vmem>> -> memref<1x1x32x128xf32, #tpu.memory_space<vmem>>
      %dma_wait3A_1344 = tpu.memref_squeeze %dma_wait3A_1343 : memref<1x1x32x128xf32, #tpu.memory_space<vmem>> -> memref<32x128xf32, #tpu.memory_space<vmem>>
      %dma_wait3A_1345 = arith.constant 0 : i32
      %dma_wait3A_1346 = arith.constant 0 : i32
      %dma_wait3A_1347 = tpu.memref_slice %arg5[%dma_wait3A_1345, %dma_wait3A_1346] : memref<32x1000000xf32, #tpu.memory_space<hbm>> -> memref<32x128xf32, #tpu.memory_space<hbm>>
      tpu.wait_dma2 semaphore(%arg17 : memref<!tpu.dma_semaphore, #tpu.memory_space<semaphore_mem>>) src(%dma_wait3A_1347 : memref<32x128xf32, #tpu.memory_space<hbm>>) dst(%dma_wait3A_1344 : memref<32x128xf32, #tpu.memory_space<vmem>>)
      %slice3A_1348 = vector.extract_strided_slice %get3A_280 {offsets = [8], sizes = [1], strides = [1]} : vector<16xi32> to vector<1xi32>
      %squeeze3A_1349 = vector.extract %slice3A_1348[0] : i32 from vector<1xi32>
      %and3A_1350 = arith.constant 127 : i32
      %and3A_1351 = arith.andi %squeeze3A_1349, %and3A_1350 : i32
      %broadcast_in_dim3A_1352 = vector.broadcast %and3A_1351 : i32 to vector<16xi32>
      %slice3A_1353 = vector.extract_strided_slice %get3A_282 {offsets = [8], sizes = [1], strides = [1]} : vector<16xi32> to vector<1xi32>
      %squeeze3A_1354 = vector.extract %slice3A_1353[0] : i32 from vector<1xi32>
      %and3A_1355 = arith.constant 127 : i32
      %and3A_1356 = arith.andi %squeeze3A_1354, %and3A_1355 : i32
      %broadcast_in_dim3A_1357 = vector.broadcast %and3A_1356 : i32 to vector<16xi32>
      %add3A_1358 = arith.constant 8 : i32
      %add3A_1359 = arith.addi %mul3A_278, %add3A_1358 : i32
      %broadcast_in_dim3A_1360 = vector.broadcast %add3A_1359 : i32 to vector<16xi32>
      %gather3A_1361 = arith.constant 0 : i32
      %gather3A_1362 = arith.constant 0 : i32
      %gather3A_1363 = arith.constant 0 : i32
      %gather3A_1364 = arith.constant 0 : i32
      %gather3A_1365 = tpu.memref_slice %arg9[%gather3A_1361, %gather3A_1362, %gather3A_1363, %gather3A_1364] : memref<4x2x32x128xf32, #tpu.memory_space<vmem>> -> memref<1x1x32x128xf32, #tpu.memory_space<vmem>>
      %gather3A_1366 = tpu.memref_squeeze %gather3A_1365 : memref<1x1x32x128xf32, #tpu.memory_space<vmem>> -> memref<32x128xf32, #tpu.memory_space<vmem>>
      %gather3A_1367 = tpu.vector_load_idx %gather3A_1366[%iota3A, %broadcast_in_dim3A_1352] : memref<32x128xf32, #tpu.memory_space<vmem>>[vector<16xi32>, vector<16xi32>], vector<16xf32>,
      %gather3A_1368 = arith.constant 0 : i32
      %gather3A_1369 = arith.constant 0 : i32
      %gather3A_1370 = arith.constant 0 : i32
      %gather3A_1371 = arith.constant 0 : i32
      %gather3A_1372 = tpu.memref_slice %arg9[%gather3A_1368, %gather3A_1369, %gather3A_1370, %gather3A_1371] : memref<4x2x32x128xf32, #tpu.memory_space<vmem>> -> memref<1x1x32x128xf32, #tpu.memory_space<vmem>>
      %gather3A_1373 = tpu.memref_squeeze %gather3A_1372 : memref<1x1x32x128xf32, #tpu.memory_space<vmem>> -> memref<32x128xf32, #tpu.memory_space<vmem>>
      %gather3A_1374 = tpu.vector_load_idx %gather3A_1373[%add3A_5, %broadcast_in_dim3A_1352] : memref<32x128xf32, #tpu.memory_space<vmem>>[vector<16xi32>, vector<16xi32>], vector<16xf32>,
      tpu.vector_store_idx %arg11[%iota3A, %broadcast_in_dim3A_1360], %gather3A_1367 : memref<32x384xf32, #tpu.memory_space<vmem>>[vector<16xi32>, vector<16xi32>], vector<16xf32>,
      tpu.vector_store_idx %arg11[%add3A_5, %broadcast_in_dim3A_1360], %gather3A_1374 : memref<32x384xf32, #tpu.memory_space<vmem>>[vector<16xi32>, vector<16xi32>], vector<16xf32>,
      %gather3A_1375 = arith.constant 0 : i32
      %gather3A_1376 = arith.constant 0 : i32
      %gather3A_1377 = arith.constant 0 : i32
      %gather3A_1378 = arith.constant 0 : i32
      %gather3A_1379 = tpu.memref_slice %arg10[%gather3A_1375, %gather3A_1376, %gather3A_1377, %gather3A_1378] : memref<4x2x32x128xf32, #tpu.memory_space<vmem>> -> memref<1x1x32x128xf32, #tpu.memory_space<vmem>>
      %gather3A_1380 = tpu.memref_squeeze %gather3A_1379 : memref<1x1x32x128xf32, #tpu.memory_space<vmem>> -> memref<32x128xf32, #tpu.memory_space<vmem>>
      %gather3A_1381 = tpu.vector_load_idx %gather3A_1380[%iota3A, %broadcast_in_dim3A_1357] : memref<32x128xf32, #tpu.memory_space<vmem>>[vector<16xi32>, vector<16xi32>], vector<16xf32>,
      %gather3A_1382 = arith.constant 0 : i32
      %gather3A_1383 = arith.constant 0 : i32
      %gather3A_1384 = arith.constant 0 : i32
      %gather3A_1385 = arith.constant 0 : i32
      %gather3A_1386 = tpu.memref_slice %arg10[%gather3A_1382, %gather3A_1383, %gather3A_1384, %gather3A_1385] : memref<4x2x32x128xf32, #tpu.memory_space<vmem>> -> memref<1x1x32x128xf32, #tpu.memory_space<vmem>>
      %gather3A_1387 = tpu.memref_squeeze %gather3A_1386 : memref<1x1x32x128xf32, #tpu.memory_space<vmem>> -> memref<32x128xf32, #tpu.memory_space<vmem>>
      %gather3A_1388 = tpu.vector_load_idx %gather3A_1387[%add3A_5, %broadcast_in_dim3A_1357] : memref<32x128xf32, #tpu.memory_space<vmem>>[vector<16xi32>, vector<16xi32>], vector<16xf32>,
      tpu.vector_store_idx %arg12[%iota3A, %broadcast_in_dim3A_1360], %gather3A_1381 : memref<32x384xf32, #tpu.memory_space<vmem>>[vector<16xi32>, vector<16xi32>], vector<16xf32>,
      tpu.vector_store_idx %arg12[%add3A_5, %broadcast_in_dim3A_1360], %gather3A_1388 : memref<32x384xf32, #tpu.memory_space<vmem>>[vector<16xi32>, vector<16xi32>], vector<16xf32>,
      %slice3A_1389 = vector.extract_strided_slice %get3A_280 {offsets = [9], sizes = [1], strides = [1]} : vector<16xi32> to vector<1xi32>
      %squeeze3A_1390 = vector.extract %slice3A_1389[0] : i32 from vector<1xi32>
      %and3A_1391 = arith.constant 127 : i32
      %and3A_1392 = arith.andi %squeeze3A_1390, %and3A_1391 : i32
      %broadcast_in_dim3A_1393 = vector.broadcast %and3A_1392 : i32 to vector<16xi32>
      %slice3A_1394 = vector.extract_strided_slice %get3A_282 {offsets = [9], sizes = [1], strides = [1]} : vector<16xi32> to vector<1xi32>
      %squeeze3A_1395 = vector.extract %slice3A_1394[0] : i32 from vector<1xi32>
      %and3A_1396 = arith.constant 127 : i32
      %and3A_1397 = arith.andi %squeeze3A_1395, %and3A_1396 : i32
      %broadcast_in_dim3A_1398 = vector.broadcast %and3A_1397 : i32 to vector<16xi32>
      %add3A_1399 = arith.constant 9 : i32
      %add3A_1400 = arith.addi %mul3A_278, %add3A_1399 : i32
      %broadcast_in_dim3A_1401 = vector.broadcast %add3A_1400 : i32 to vector<16xi32>
      %gather3A_1402 = arith.constant 0 : i32
      %gather3A_1403 = arith.constant 1 : i32
      %gather3A_1404 = arith.constant 0 : i32
      %gather3A_1405 = arith.constant 0 : i32
      %gather3A_1406 = tpu.memref_slice %arg9[%gather3A_1402, %gather3A_1403, %gather3A_1404, %gather3A_1405] : memref<4x2x32x128xf32, #tpu.memory_space<vmem>> -> memref<1x1x32x128xf32, #tpu.memory_space<vmem>>
      %gather3A_1407 = tpu.memref_squeeze %gather3A_1406 : memref<1x1x32x128xf32, #tpu.memory_space<vmem>> -> memref<32x128xf32, #tpu.memory_space<vmem>>
      %gather3A_1408 = tpu.vector_load_idx %gather3A_1407[%iota3A, %broadcast_in_dim3A_1393] : memref<32x128xf32, #tpu.memory_space<vmem>>[vector<16xi32>, vector<16xi32>], vector<16xf32>,
      %gather3A_1409 = arith.constant 0 : i32
      %gather3A_1410 = arith.constant 1 : i32
      %gather3A_1411 = arith.constant 0 : i32
      %gather3A_1412 = arith.constant 0 : i32
      %gather3A_1413 = tpu.memref_slice %arg9[%gather3A_1409, %gather3A_1410, %gather3A_1411, %gather3A_1412] : memref<4x2x32x128xf32, #tpu.memory_space<vmem>> -> memref<1x1x32x128xf32, #tpu.memory_space<vmem>>
      %gather3A_1414 = tpu.memref_squeeze %gather3A_1413 : memref<1x1x32x128xf32, #tpu.memory_space<vmem>> -> memref<32x128xf32, #tpu.memory_space<vmem>>
      %gather3A_1415 = tpu.vector_load_idx %gather3A_1414[%add3A_5, %broadcast_in_dim3A_1393] : memref<32x128xf32, #tpu.memory_space<vmem>>[vector<16xi32>, vector<16xi32>], vector<16xf32>,
      tpu.vector_store_idx %arg11[%iota3A, %broadcast_in_dim3A_1401], %gather3A_1408 : memref<32x384xf32, #tpu.memory_space<vmem>>[vector<16xi32>, vector<16xi32>], vector<16xf32>,
      tpu.vector_store_idx %arg11[%add3A_5, %broadcast_in_dim3A_1401], %gather3A_1415 : memref<32x384xf32, #tpu.memory_space<vmem>>[vector<16xi32>, vector<16xi32>], vector<16xf32>,
      %gather3A_1416 = arith.constant 0 : i32
      %gather3A_1417 = arith.constant 1 : i32
      %gather3A_1418 = arith.constant 0 : i32
      %gather3A_1419 = arith.constant 0 : i32
      %gather3A_1420 = tpu.memref_slice %arg10[%gather3A_1416, %gather3A_1417, %gather3A_1418, %gather3A_1419] : memref<4x2x32x128xf32, #tpu.memory_space<vmem>> -> memref<1x1x32x128xf32, #tpu.memory_space<vmem>>
      %gather3A_1421 = tpu.memref_squeeze %gather3A_1420 : memref<1x1x32x128xf32, #tpu.memory_space<vmem>> -> memref<32x128xf32, #tpu.memory_space<vmem>>
      %gather3A_1422 = tpu.vector_load_idx %gather3A_1421[%iota3A, %broadcast_in_dim3A_1398] : memref<32x128xf32, #tpu.memory_space<vmem>>[vector<16xi32>, vector<16xi32>], vector<16xf32>,
      %gather3A_1423 = arith.constant 0 : i32
      %gather3A_1424 = arith.constant 1 : i32
      %gather3A_1425 = arith.constant 0 : i32
      %gather3A_1426 = arith.constant 0 : i32
      %gather3A_1427 = tpu.memref_slice %arg10[%gather3A_1423, %gather3A_1424, %gather3A_1425, %gather3A_1426] : memref<4x2x32x128xf32, #tpu.memory_space<vmem>> -> memref<1x1x32x128xf32, #tpu.memory_space<vmem>>
      %gather3A_1428 = tpu.memref_squeeze %gather3A_1427 : memref<1x1x32x128xf32, #tpu.memory_space<vmem>> -> memref<32x128xf32, #tpu.memory_space<vmem>>
      %gather3A_1429 = tpu.vector_load_idx %gather3A_1428[%add3A_5, %broadcast_in_dim3A_1398] : memref<32x128xf32, #tpu.memory_space<vmem>>[vector<16xi32>, vector<16xi32>], vector<16xf32>,
      tpu.vector_store_idx %arg12[%iota3A, %broadcast_in_dim3A_1401], %gather3A_1422 : memref<32x384xf32, #tpu.memory_space<vmem>>[vector<16xi32>, vector<16xi32>], vector<16xf32>,
      tpu.vector_store_idx %arg12[%add3A_5, %broadcast_in_dim3A_1401], %gather3A_1429 : memref<32x384xf32, #tpu.memory_space<vmem>>[vector<16xi32>, vector<16xi32>], vector<16xf32>,
      %add3A_1430 = arith.constant 1 : i32
      %add3A_1431 = arith.addi %scan3A_276, %add3A_1430 : i32
      %lt3A = arith.constant 24 : i32
      %lt3A_1432 = arith.cmpi slt, %add3A_1431, %lt3A : i32
      %convert_element_type3A = arith.extui %lt3A_1432 : i1 to i32
      %cond3A = arith.constant 0 : i32
      %cond3A_1433 = arith.cmpi ne, %convert_element_type3A, %cond3A : i32
      scf.if %cond3A_1433 {
        %add3A_1886 = arith.constant 1 : i32
        %add3A_1887 = arith.addi %scan3A_276, %add3A_1886 : i32
        %mul3A_1888 = arith.constant 16 : i32
        %mul3A_1889 = arith.muli %add3A_1887, %mul3A_1888 : i32
        %get3A_1890 = arith.index_cast %mul3A_1889 : i32 to index
        %get3A_1891 = tpu.vector_load %arg7[%get3A_1890] {strides = array<i32>} : memref<384xi32, #tpu.memory_space<vmem>>, vector<16xi32>,
        %add3A_1892 = arith.constant 1 : i32
        %add3A_1893 = arith.addi %scan3A_276, %add3A_1892 : i32
        %mul3A_1894 = arith.constant 16 : i32
        %mul3A_1895 = arith.muli %add3A_1893, %mul3A_1894 : i32
        %get3A_1896 = arith.index_cast %mul3A_1895 : i32 to index
        %get3A_1897 = tpu.vector_load %arg8[%get3A_1896] {strides = array<i32>} : memref<384xi32, #tpu.memory_space<vmem>>, vector<16xi32>,
        %slice3A_1898 = vector.extract_strided_slice %get3A_1891 {offsets = [0], sizes = [1], strides = [1]} : vector<16xi32> to vector<1xi32>
        %squeeze3A_1899 = vector.extract %slice3A_1898[0] : i32 from vector<1xi32>
        %shift_right_arithmetic3A_1900 = arith.constant 7 : i32
        %shift_right_arithmetic3A_1901 = arith.shrsi %squeeze3A_1899, %shift_right_arithmetic3A_1900 : i32
        %mul3A_1902 = arith.constant 128 : i32
        %mul3A_1903 = arith.muli %shift_right_arithmetic3A_1901, %mul3A_1902 : i32
        %multiple_of3A_1904 = tpu.assume_multiple %mul3A_1903, 128 : i32
        %slice3A_1905 = vector.extract_strided_slice %get3A_1897 {offsets = [0], sizes = [1], strides = [1]} : vector<16xi32> to vector<1xi32>
        %squeeze3A_1906 = vector.extract %slice3A_1905[0] : i32 from vector<1xi32>
        %shift_right_arithmetic3A_1907 = arith.constant 7 : i32
        %shift_right_arithmetic3A_1908 = arith.shrsi %squeeze3A_1906, %shift_right_arithmetic3A_1907 : i32
        %mul3A_1909 = arith.constant 128 : i32
        %mul3A_1910 = arith.muli %shift_right_arithmetic3A_1908, %mul3A_1909 : i32
        %multiple_of3A_1911 = tpu.assume_multiple %mul3A_1910, 128 : i32
        %dma_start3A_1912 = arith.constant 0 : i32
        %dma_start3A_1913 = arith.constant 0 : i32
        %dma_start3A_1914 = arith.constant 0 : i32
        %dma_start3A_1915 = arith.constant 0 : i32
        %dma_start3A_1916 = tpu.memref_slice %arg9[%dma_start3A_1912, %dma_start3A_1913, %dma_start3A_1914, %dma_start3A_1915] : memref<4x2x32x128xf32, #tpu.memory_space<vmem>> -> memref<1x1x32x128xf32, #tpu.memory_space<vmem>>
        %dma_start3A_1917 = tpu.memref_squeeze %dma_start3A_1916 : memref<1x1x32x128xf32, #tpu.memory_space<vmem>> -> memref<32x128xf32, #tpu.memory_space<vmem>>
        %dma_start3A_1918 = arith.constant 0 : i32
        %dma_start3A_1919 = tpu.memref_slice %arg4[%dma_start3A_1918, %multiple_of3A_1904] : memref<32x1000000xf32, #tpu.memory_space<hbm>> -> memref<32x128xf32, #tpu.memory_space<hbm>>
        %dma_start3A_1920 = arith.constant 0 : i32
        %dma_start3A_1921 = arith.constant 0 : i32
        %dma_start3A_1922 = tpu.memref_slice %arg9[%dma_start3A_1912, %dma_start3A_1913, %dma_start3A_1920, %dma_start3A_1921] : memref<4x2x32x128xf32, #tpu.memory_space<vmem>> -> memref<1x1x32x128xf32, #tpu.memory_space<vmem>>
        %dma_start3A_1923 = tpu.memref_squeeze %dma_start3A_1922 : memref<1x1x32x128xf32, #tpu.memory_space<vmem>> -> memref<32x128xf32, #tpu.memory_space<vmem>>
        %dma_start3A_1924 = arith.constant 0 : i32
        %dma_start3A_1925 = tpu.memref_slice %arg4[%dma_start3A_1924, %multiple_of3A_1904] : memref<32x1000000xf32, #tpu.memory_space<hbm>> -> memref<32x128xf32, #tpu.memory_space<hbm>>
        tpu.enqueue_dma source(%dma_start3A_1925 : memref<32x128xf32, #tpu.memory_space<hbm>>) target(%dma_start3A_1923 : memref<32x128xf32, #tpu.memory_space<vmem>>) target_semaphore(%arg13 : memref<!tpu.dma_semaphore, #tpu.memory_space<semaphore_mem>>)
        %dma_start3A_1926 = arith.constant 0 : i32
        %dma_start3A_1927 = arith.constant 0 : i32
        %dma_start3A_1928 = arith.constant 0 : i32
        %dma_start3A_1929 = arith.constant 0 : i32
        %dma_start3A_1930 = tpu.memref_slice %arg10[%dma_start3A_1926, %dma_start3A_1927, %dma_start3A_1928, %dma_start3A_1929] : memref<4x2x32x128xf32, #tpu.memory_space<vmem>> -> memref<1x1x32x128xf32, #tpu.memory_space<vmem>>
        %dma_start3A_1931 = tpu.memref_squeeze %dma_start3A_1930 : memref<1x1x32x128xf32, #tpu.memory_space<vmem>> -> memref<32x128xf32, #tpu.memory_space<vmem>>
        %dma_start3A_1932 = arith.constant 0 : i32
        %dma_start3A_1933 = tpu.memref_slice %arg5[%dma_start3A_1932, %multiple_of3A_1911] : memref<32x1000000xf32, #tpu.memory_space<hbm>> -> memref<32x128xf32, #tpu.memory_space<hbm>>
        %dma_start3A_1934 = arith.constant 0 : i32
        %dma_start3A_1935 = arith.constant 0 : i32
        %dma_start3A_1936 = tpu.memref_slice %arg10[%dma_start3A_1926, %dma_start3A_1927, %dma_start3A_1934, %dma_start3A_1935] : memref<4x2x32x128xf32, #tpu.memory_space<vmem>> -> memref<1x1x32x128xf32, #tpu.memory_space<vmem>>
        %dma_start3A_1937 = tpu.memref_squeeze %dma_start3A_1936 : memref<1x1x32x128xf32, #tpu.memory_space<vmem>> -> memref<32x128xf32, #tpu.memory_space<vmem>>
        %dma_start3A_1938 = arith.constant 0 : i32
        %dma_start3A_1939 = tpu.memref_slice %arg5[%dma_start3A_1938, %multiple_of3A_1911] : memref<32x1000000xf32, #tpu.memory_space<hbm>> -> memref<32x128xf32, #tpu.memory_space<hbm>>
        tpu.enqueue_dma source(%dma_start3A_1939 : memref<32x128xf32, #tpu.memory_space<hbm>>) target(%dma_start3A_1937 : memref<32x128xf32, #tpu.memory_space<vmem>>) target_semaphore(%arg17 : memref<!tpu.dma_semaphore, #tpu.memory_space<semaphore_mem>>)
        %slice3A_1940 = vector.extract_strided_slice %get3A_1891 {offsets = [1], sizes = [1], strides = [1]} : vector<16xi32> to vector<1xi32>
        %squeeze3A_1941 = vector.extract %slice3A_1940[0] : i32 from vector<1xi32>
        %shift_right_arithmetic3A_1942 = arith.constant 7 : i32
        %shift_right_arithmetic3A_1943 = arith.shrsi %squeeze3A_1941, %shift_right_arithmetic3A_1942 : i32
        %mul3A_1944 = arith.constant 128 : i32
        %mul3A_1945 = arith.muli %shift_right_arithmetic3A_1943, %mul3A_1944 : i32
        %multiple_of3A_1946 = tpu.assume_multiple %mul3A_1945, 128 : i32
        %slice3A_1947 = vector.extract_strided_slice %get3A_1897 {offsets = [1], sizes = [1], strides = [1]} : vector<16xi32> to vector<1xi32>
        %squeeze3A_1948 = vector.extract %slice3A_1947[0] : i32 from vector<1xi32>
        %shift_right_arithmetic3A_1949 = arith.constant 7 : i32
        %shift_right_arithmetic3A_1950 = arith.shrsi %squeeze3A_1948, %shift_right_arithmetic3A_1949 : i32
        %mul3A_1951 = arith.constant 128 : i32
        %mul3A_1952 = arith.muli %shift_right_arithmetic3A_1950, %mul3A_1951 : i32
        %multiple_of3A_1953 = tpu.assume_multiple %mul3A_1952, 128 : i32
        %dma_start3A_1954 = arith.constant 0 : i32
        %dma_start3A_1955 = arith.constant 1 : i32
        %dma_start3A_1956 = arith.constant 0 : i32
        %dma_start3A_1957 = arith.constant 0 : i32
        %dma_start3A_1958 = tpu.memref_slice %arg9[%dma_start3A_1954, %dma_start3A_1955, %dma_start3A_1956, %dma_start3A_1957] : memref<4x2x32x128xf32, #tpu.memory_space<vmem>> -> memref<1x1x32x128xf32, #tpu.memory_space<vmem>>
        %dma_start3A_1959 = tpu.memref_squeeze %dma_start3A_1958 : memref<1x1x32x128xf32, #tpu.memory_space<vmem>> -> memref<32x128xf32, #tpu.memory_space<vmem>>
        %dma_start3A_1960 = arith.constant 0 : i32
        %dma_start3A_1961 = tpu.memref_slice %arg4[%dma_start3A_1960, %multiple_of3A_1946] : memref<32x1000000xf32, #tpu.memory_space<hbm>> -> memref<32x128xf32, #tpu.memory_space<hbm>>
        %dma_start3A_1962 = arith.constant 0 : i32
        %dma_start3A_1963 = arith.constant 0 : i32
        %dma_start3A_1964 = tpu.memref_slice %arg9[%dma_start3A_1954, %dma_start3A_1955, %dma_start3A_1962, %dma_start3A_1963] : memref<4x2x32x128xf32, #tpu.memory_space<vmem>> -> memref<1x1x32x128xf32, #tpu.memory_space<vmem>>
        %dma_start3A_1965 = tpu.memref_squeeze %dma_start3A_1964 : memref<1x1x32x128xf32, #tpu.memory_space<vmem>> -> memref<32x128xf32, #tpu.memory_space<vmem>>
        %dma_start3A_1966 = arith.constant 0 : i32
        %dma_start3A_1967 = tpu.memref_slice %arg4[%dma_start3A_1966, %multiple_of3A_1946] : memref<32x1000000xf32, #tpu.memory_space<hbm>> -> memref<32x128xf32, #tpu.memory_space<hbm>>
        tpu.enqueue_dma source(%dma_start3A_1967 : memref<32x128xf32, #tpu.memory_space<hbm>>) target(%dma_start3A_1965 : memref<32x128xf32, #tpu.memory_space<vmem>>) target_semaphore(%arg13 : memref<!tpu.dma_semaphore, #tpu.memory_space<semaphore_mem>>)
        %dma_start3A_1968 = arith.constant 0 : i32
        %dma_start3A_1969 = arith.constant 1 : i32
        %dma_start3A_1970 = arith.constant 0 : i32
        %dma_start3A_1971 = arith.constant 0 : i32
        %dma_start3A_1972 = tpu.memref_slice %arg10[%dma_start3A_1968, %dma_start3A_1969, %dma_start3A_1970, %dma_start3A_1971] : memref<4x2x32x128xf32, #tpu.memory_space<vmem>> -> memref<1x1x32x128xf32, #tpu.memory_space<vmem>>
        %dma_start3A_1973 = tpu.memref_squeeze %dma_start3A_1972 : memref<1x1x32x128xf32, #tpu.memory_space<vmem>> -> memref<32x128xf32, #tpu.memory_space<vmem>>
        %dma_start3A_1974 = arith.constant 0 : i32
        %dma_start3A_1975 = tpu.memref_slice %arg5[%dma_start3A_1974, %multiple_of3A_1953] : memref<32x1000000xf32, #tpu.memory_space<hbm>> -> memref<32x128xf32, #tpu.memory_space<hbm>>
        %dma_start3A_1976 = arith.constant 0 : i32
        %dma_start3A_1977 = arith.constant 0 : i32
        %dma_start3A_1978 = tpu.memref_slice %arg10[%dma_start3A_1968, %dma_start3A_1969, %dma_start3A_1976, %dma_start3A_1977] : memref<4x2x32x128xf32, #tpu.memory_space<vmem>> -> memref<1x1x32x128xf32, #tpu.memory_space<vmem>>
        %dma_start3A_1979 = tpu.memref_squeeze %dma_start3A_1978 : memref<1x1x32x128xf32, #tpu.memory_space<vmem>> -> memref<32x128xf32, #tpu.memory_space<vmem>>
        %dma_start3A_1980 = arith.constant 0 : i32
        %dma_start3A_1981 = tpu.memref_slice %arg5[%dma_start3A_1980, %multiple_of3A_1953] : memref<32x1000000xf32, #tpu.memory_space<hbm>> -> memref<32x128xf32, #tpu.memory_space<hbm>>
        tpu.enqueue_dma source(%dma_start3A_1981 : memref<32x128xf32, #tpu.memory_space<hbm>>) target(%dma_start3A_1979 : memref<32x128xf32, #tpu.memory_space<vmem>>) target_semaphore(%arg17 : memref<!tpu.dma_semaphore, #tpu.memory_space<semaphore_mem>>)
      } else {
      }
      %dma_wait3A_1434 = arith.constant 1 : i32
      %dma_wait3A_1435 = arith.constant 0 : i32
      %dma_wait3A_1436 = arith.constant 0 : i32
      %dma_wait3A_1437 = arith.constant 0 : i32
      %dma_wait3A_1438 = tpu.memref_slice %arg9[%dma_wait3A_1434, %dma_wait3A_1435, %dma_wait3A_1436, %dma_wait3A_1437] : memref<4x2x32x128xf32, #tpu.memory_space<vmem>> -> memref<1x1x32x128xf32, #tpu.memory_space<vmem>>
      %dma_wait3A_1439 = tpu.memref_squeeze %dma_wait3A_1438 : memref<1x1x32x128xf32, #tpu.memory_space<vmem>> -> memref<32x128xf32, #tpu.memory_space<vmem>>
      %dma_wait3A_1440 = arith.constant 0 : i32
      %dma_wait3A_1441 = arith.constant 0 : i32
      %dma_wait3A_1442 = tpu.memref_slice %arg4[%dma_wait3A_1440, %dma_wait3A_1441] : memref<32x1000000xf32, #tpu.memory_space<hbm>> -> memref<32x128xf32, #tpu.memory_space<hbm>>
      %dma_wait3A_1443 = arith.constant 0 : i32
      %dma_wait3A_1444 = arith.constant 0 : i32
      %dma_wait3A_1445 = tpu.memref_slice %arg9[%dma_wait3A_1434, %dma_wait3A_1435, %dma_wait3A_1443, %dma_wait3A_1444] : memref<4x2x32x128xf32, #tpu.memory_space<vmem>> -> memref<1x1x32x128xf32, #tpu.memory_space<vmem>>
      %dma_wait3A_1446 = tpu.memref_squeeze %dma_wait3A_1445 : memref<1x1x32x128xf32, #tpu.memory_space<vmem>> -> memref<32x128xf32, #tpu.memory_space<vmem>>
      %dma_wait3A_1447 = arith.constant 0 : i32
      %dma_wait3A_1448 = arith.constant 0 : i32
      %dma_wait3A_1449 = tpu.memref_slice %arg4[%dma_wait3A_1447, %dma_wait3A_1448] : memref<32x1000000xf32, #tpu.memory_space<hbm>> -> memref<32x128xf32, #tpu.memory_space<hbm>>
      tpu.wait_dma2 semaphore(%arg14 : memref<!tpu.dma_semaphore, #tpu.memory_space<semaphore_mem>>) src(%dma_wait3A_1449 : memref<32x128xf32, #tpu.memory_space<hbm>>) dst(%dma_wait3A_1446 : memref<32x128xf32, #tpu.memory_space<vmem>>)
      %dma_wait3A_1450 = arith.constant 1 : i32
      %dma_wait3A_1451 = arith.constant 0 : i32
      %dma_wait3A_1452 = arith.constant 0 : i32
      %dma_wait3A_1453 = arith.constant 0 : i32
      %dma_wait3A_1454 = tpu.memref_slice %arg10[%dma_wait3A_1450, %dma_wait3A_1451, %dma_wait3A_1452, %dma_wait3A_1453] : memref<4x2x32x128xf32, #tpu.memory_space<vmem>> -> memref<1x1x32x128xf32, #tpu.memory_space<vmem>>
      %dma_wait3A_1455 = tpu.memref_squeeze %dma_wait3A_1454 : memref<1x1x32x128xf32, #tpu.memory_space<vmem>> -> memref<32x128xf32, #tpu.memory_space<vmem>>
      %dma_wait3A_1456 = arith.constant 0 : i32
      %dma_wait3A_1457 = arith.constant 0 : i32
      %dma_wait3A_1458 = tpu.memref_slice %arg5[%dma_wait3A_1456, %dma_wait3A_1457] : memref<32x1000000xf32, #tpu.memory_space<hbm>> -> memref<32x128xf32, #tpu.memory_space<hbm>>
      %dma_wait3A_1459 = arith.constant 0 : i32
      %dma_wait3A_1460 = arith.constant 0 : i32
      %dma_wait3A_1461 = tpu.memref_slice %arg10[%dma_wait3A_1450, %dma_wait3A_1451, %dma_wait3A_1459, %dma_wait3A_1460] : memref<4x2x32x128xf32, #tpu.memory_space<vmem>> -> memref<1x1x32x128xf32, #tpu.memory_space<vmem>>
      %dma_wait3A_1462 = tpu.memref_squeeze %dma_wait3A_1461 : memref<1x1x32x128xf32, #tpu.memory_space<vmem>> -> memref<32x128xf32, #tpu.memory_space<vmem>>
      %dma_wait3A_1463 = arith.constant 0 : i32
      %dma_wait3A_1464 = arith.constant 0 : i32
      %dma_wait3A_1465 = tpu.memref_slice %arg5[%dma_wait3A_1463, %dma_wait3A_1464] : memref<32x1000000xf32, #tpu.memory_space<hbm>> -> memref<32x128xf32, #tpu.memory_space<hbm>>
      tpu.wait_dma2 semaphore(%arg18 : memref<!tpu.dma_semaphore, #tpu.memory_space<semaphore_mem>>) src(%dma_wait3A_1465 : memref<32x128xf32, #tpu.memory_space<hbm>>) dst(%dma_wait3A_1462 : memref<32x128xf32, #tpu.memory_space<vmem>>)
      %dma_wait3A_1466 = arith.constant 1 : i32
      %dma_wait3A_1467 = arith.constant 1 : i32
      %dma_wait3A_1468 = arith.constant 0 : i32
      %dma_wait3A_1469 = arith.constant 0 : i32
      %dma_wait3A_1470 = tpu.memref_slice %arg9[%dma_wait3A_1466, %dma_wait3A_1467, %dma_wait3A_1468, %dma_wait3A_1469] : memref<4x2x32x128xf32, #tpu.memory_space<vmem>> -> memref<1x1x32x128xf32, #tpu.memory_space<vmem>>
      %dma_wait3A_1471 = tpu.memref_squeeze %dma_wait3A_1470 : memref<1x1x32x128xf32, #tpu.memory_space<vmem>> -> memref<32x128xf32, #tpu.memory_space<vmem>>
      %dma_wait3A_1472 = arith.constant 0 : i32
      %dma_wait3A_1473 = arith.constant 0 : i32
      %dma_wait3A_1474 = tpu.memref_slice %arg4[%dma_wait3A_1472, %dma_wait3A_1473] : memref<32x1000000xf32, #tpu.memory_space<hbm>> -> memref<32x128xf32, #tpu.memory_space<hbm>>
      %dma_wait3A_1475 = arith.constant 0 : i32
      %dma_wait3A_1476 = arith.constant 0 : i32
      %dma_wait3A_1477 = tpu.memref_slice %arg9[%dma_wait3A_1466, %dma_wait3A_1467, %dma_wait3A_1475, %dma_wait3A_1476] : memref<4x2x32x128xf32, #tpu.memory_space<vmem>> -> memref<1x1x32x128xf32, #tpu.memory_space<vmem>>
      %dma_wait3A_1478 = tpu.memref_squeeze %dma_wait3A_1477 : memref<1x1x32x128xf32, #tpu.memory_space<vmem>> -> memref<32x128xf32, #tpu.memory_space<vmem>>
      %dma_wait3A_1479 = arith.constant 0 : i32
      %dma_wait3A_1480 = arith.constant 0 : i32
      %dma_wait3A_1481 = tpu.memref_slice %arg4[%dma_wait3A_1479, %dma_wait3A_1480] : memref<32x1000000xf32, #tpu.memory_space<hbm>> -> memref<32x128xf32, #tpu.memory_space<hbm>>
      tpu.wait_dma2 semaphore(%arg14 : memref<!tpu.dma_semaphore, #tpu.memory_space<semaphore_mem>>) src(%dma_wait3A_1481 : memref<32x128xf32, #tpu.memory_space<hbm>>) dst(%dma_wait3A_1478 : memref<32x128xf32, #tpu.memory_space<vmem>>)
      %dma_wait3A_1482 = arith.constant 1 : i32
      %dma_wait3A_1483 = arith.constant 1 : i32
      %dma_wait3A_1484 = arith.constant 0 : i32
      %dma_wait3A_1485 = arith.constant 0 : i32
      %dma_wait3A_1486 = tpu.memref_slice %arg10[%dma_wait3A_1482, %dma_wait3A_1483, %dma_wait3A_1484, %dma_wait3A_1485] : memref<4x2x32x128xf32, #tpu.memory_space<vmem>> -> memref<1x1x32x128xf32, #tpu.memory_space<vmem>>
      %dma_wait3A_1487 = tpu.memref_squeeze %dma_wait3A_1486 : memref<1x1x32x128xf32, #tpu.memory_space<vmem>> -> memref<32x128xf32, #tpu.memory_space<vmem>>
      %dma_wait3A_1488 = arith.constant 0 : i32
      %dma_wait3A_1489 = arith.constant 0 : i32
      %dma_wait3A_1490 = tpu.memref_slice %arg5[%dma_wait3A_1488, %dma_wait3A_1489] : memref<32x1000000xf32, #tpu.memory_space<hbm>> -> memref<32x128xf32, #tpu.memory_space<hbm>>
      %dma_wait3A_1491 = arith.constant 0 : i32
      %dma_wait3A_1492 = arith.constant 0 : i32
      %dma_wait3A_1493 = tpu.memref_slice %arg10[%dma_wait3A_1482, %dma_wait3A_1483, %dma_wait3A_1491, %dma_wait3A_1492] : memref<4x2x32x128xf32, #tpu.memory_space<vmem>> -> memref<1x1x32x128xf32, #tpu.memory_space<vmem>>
      %dma_wait3A_1494 = tpu.memref_squeeze %dma_wait3A_1493 : memref<1x1x32x128xf32, #tpu.memory_space<vmem>> -> memref<32x128xf32, #tpu.memory_space<vmem>>
      %dma_wait3A_1495 = arith.constant 0 : i32
      %dma_wait3A_1496 = arith.constant 0 : i32
      %dma_wait3A_1497 = tpu.memref_slice %arg5[%dma_wait3A_1495, %dma_wait3A_1496] : memref<32x1000000xf32, #tpu.memory_space<hbm>> -> memref<32x128xf32, #tpu.memory_space<hbm>>
      tpu.wait_dma2 semaphore(%arg18 : memref<!tpu.dma_semaphore, #tpu.memory_space<semaphore_mem>>) src(%dma_wait3A_1497 : memref<32x128xf32, #tpu.memory_space<hbm>>) dst(%dma_wait3A_1494 : memref<32x128xf32, #tpu.memory_space<vmem>>)
      %slice3A_1498 = vector.extract_strided_slice %get3A_280 {offsets = [10], sizes = [1], strides = [1]} : vector<16xi32> to vector<1xi32>
      %squeeze3A_1499 = vector.extract %slice3A_1498[0] : i32 from vector<1xi32>
      %and3A_1500 = arith.constant 127 : i32
      %and3A_1501 = arith.andi %squeeze3A_1499, %and3A_1500 : i32
      %broadcast_in_dim3A_1502 = vector.broadcast %and3A_1501 : i32 to vector<16xi32>
      %slice3A_1503 = vector.extract_strided_slice %get3A_282 {offsets = [10], sizes = [1], strides = [1]} : vector<16xi32> to vector<1xi32>
      %squeeze3A_1504 = vector.extract %slice3A_1503[0] : i32 from vector<1xi32>
      %and3A_1505 = arith.constant 127 : i32
      %and3A_1506 = arith.andi %squeeze3A_1504, %and3A_1505 : i32
      %broadcast_in_dim3A_1507 = vector.broadcast %and3A_1506 : i32 to vector<16xi32>
      %add3A_1508 = arith.constant 10 : i32
      %add3A_1509 = arith.addi %mul3A_278, %add3A_1508 : i32
      %broadcast_in_dim3A_1510 = vector.broadcast %add3A_1509 : i32 to vector<16xi32>
      %gather3A_1511 = arith.constant 1 : i32
      %gather3A_1512 = arith.constant 0 : i32
      %gather3A_1513 = arith.constant 0 : i32
      %gather3A_1514 = arith.constant 0 : i32
      %gather3A_1515 = tpu.memref_slice %arg9[%gather3A_1511, %gather3A_1512, %gather3A_1513, %gather3A_1514] : memref<4x2x32x128xf32, #tpu.memory_space<vmem>> -> memref<1x1x32x128xf32, #tpu.memory_space<vmem>>
      %gather3A_1516 = tpu.memref_squeeze %gather3A_1515 : memref<1x1x32x128xf32, #tpu.memory_space<vmem>> -> memref<32x128xf32, #tpu.memory_space<vmem>>
      %gather3A_1517 = tpu.vector_load_idx %gather3A_1516[%iota3A, %broadcast_in_dim3A_1502] : memref<32x128xf32, #tpu.memory_space<vmem>>[vector<16xi32>, vector<16xi32>], vector<16xf32>,
      %gather3A_1518 = arith.constant 1 : i32
      %gather3A_1519 = arith.constant 0 : i32
      %gather3A_1520 = arith.constant 0 : i32
      %gather3A_1521 = arith.constant 0 : i32
      %gather3A_1522 = tpu.memref_slice %arg9[%gather3A_1518, %gather3A_1519, %gather3A_1520, %gather3A_1521] : memref<4x2x32x128xf32, #tpu.memory_space<vmem>> -> memref<1x1x32x128xf32, #tpu.memory_space<vmem>>
      %gather3A_1523 = tpu.memref_squeeze %gather3A_1522 : memref<1x1x32x128xf32, #tpu.memory_space<vmem>> -> memref<32x128xf32, #tpu.memory_space<vmem>>
      %gather3A_1524 = tpu.vector_load_idx %gather3A_1523[%add3A_5, %broadcast_in_dim3A_1502] : memref<32x128xf32, #tpu.memory_space<vmem>>[vector<16xi32>, vector<16xi32>], vector<16xf32>,
      tpu.vector_store_idx %arg11[%iota3A, %broadcast_in_dim3A_1510], %gather3A_1517 : memref<32x384xf32, #tpu.memory_space<vmem>>[vector<16xi32>, vector<16xi32>], vector<16xf32>,
      tpu.vector_store_idx %arg11[%add3A_5, %broadcast_in_dim3A_1510], %gather3A_1524 : memref<32x384xf32, #tpu.memory_space<vmem>>[vector<16xi32>, vector<16xi32>], vector<16xf32>,
      %gather3A_1525 = arith.constant 1 : i32
      %gather3A_1526 = arith.constant 0 : i32
      %gather3A_1527 = arith.constant 0 : i32
      %gather3A_1528 = arith.constant 0 : i32
      %gather3A_1529 = tpu.memref_slice %arg10[%gather3A_1525, %gather3A_1526, %gather3A_1527, %gather3A_1528] : memref<4x2x32x128xf32, #tpu.memory_space<vmem>> -> memref<1x1x32x128xf32, #tpu.memory_space<vmem>>
      %gather3A_1530 = tpu.memref_squeeze %gather3A_1529 : memref<1x1x32x128xf32, #tpu.memory_space<vmem>> -> memref<32x128xf32, #tpu.memory_space<vmem>>
      %gather3A_1531 = tpu.vector_load_idx %gather3A_1530[%iota3A, %broadcast_in_dim3A_1507] : memref<32x128xf32, #tpu.memory_space<vmem>>[vector<16xi32>, vector<16xi32>], vector<16xf32>,
      %gather3A_1532 = arith.constant 1 : i32
      %gather3A_1533 = arith.constant 0 : i32
      %gather3A_1534 = arith.constant 0 : i32
      %gather3A_1535 = arith.constant 0 : i32
      %gather3A_1536 = tpu.memref_slice %arg10[%gather3A_1532, %gather3A_1533, %gather3A_1534, %gather3A_1535] : memref<4x2x32x128xf32, #tpu.memory_space<vmem>> -> memref<1x1x32x128xf32, #tpu.memory_space<vmem>>
      %gather3A_1537 = tpu.memref_squeeze %gather3A_1536 : memref<1x1x32x128xf32, #tpu.memory_space<vmem>> -> memref<32x128xf32, #tpu.memory_space<vmem>>
      %gather3A_1538 = tpu.vector_load_idx %gather3A_1537[%add3A_5, %broadcast_in_dim3A_1507] : memref<32x128xf32, #tpu.memory_space<vmem>>[vector<16xi32>, vector<16xi32>], vector<16xf32>,
      tpu.vector_store_idx %arg12[%iota3A, %broadcast_in_dim3A_1510], %gather3A_1531 : memref<32x384xf32, #tpu.memory_space<vmem>>[vector<16xi32>, vector<16xi32>], vector<16xf32>,
      tpu.vector_store_idx %arg12[%add3A_5, %broadcast_in_dim3A_1510], %gather3A_1538 : memref<32x384xf32, #tpu.memory_space<vmem>>[vector<16xi32>, vector<16xi32>], vector<16xf32>,
      %slice3A_1539 = vector.extract_strided_slice %get3A_280 {offsets = [11], sizes = [1], strides = [1]} : vector<16xi32> to vector<1xi32>
      %squeeze3A_1540 = vector.extract %slice3A_1539[0] : i32 from vector<1xi32>
      %and3A_1541 = arith.constant 127 : i32
      %and3A_1542 = arith.andi %squeeze3A_1540, %and3A_1541 : i32
      %broadcast_in_dim3A_1543 = vector.broadcast %and3A_1542 : i32 to vector<16xi32>
      %slice3A_1544 = vector.extract_strided_slice %get3A_282 {offsets = [11], sizes = [1], strides = [1]} : vector<16xi32> to vector<1xi32>
      %squeeze3A_1545 = vector.extract %slice3A_1544[0] : i32 from vector<1xi32>
      %and3A_1546 = arith.constant 127 : i32
      %and3A_1547 = arith.andi %squeeze3A_1545, %and3A_1546 : i32
      %broadcast_in_dim3A_1548 = vector.broadcast %and3A_1547 : i32 to vector<16xi32>
      %add3A_1549 = arith.constant 11 : i32
      %add3A_1550 = arith.addi %mul3A_278, %add3A_1549 : i32
      %broadcast_in_dim3A_1551 = vector.broadcast %add3A_1550 : i32 to vector<16xi32>
      %gather3A_1552 = arith.constant 1 : i32
      %gather3A_1553 = arith.constant 1 : i32
      %gather3A_1554 = arith.constant 0 : i32
      %gather3A_1555 = arith.constant 0 : i32
      %gather3A_1556 = tpu.memref_slice %arg9[%gather3A_1552, %gather3A_1553, %gather3A_1554, %gather3A_1555] : memref<4x2x32x128xf32, #tpu.memory_space<vmem>> -> memref<1x1x32x128xf32, #tpu.memory_space<vmem>>
      %gather3A_1557 = tpu.memref_squeeze %gather3A_1556 : memref<1x1x32x128xf32, #tpu.memory_space<vmem>> -> memref<32x128xf32, #tpu.memory_space<vmem>>
      %gather3A_1558 = tpu.vector_load_idx %gather3A_1557[%iota3A, %broadcast_in_dim3A_1543] : memref<32x128xf32, #tpu.memory_space<vmem>>[vector<16xi32>, vector<16xi32>], vector<16xf32>,
      %gather3A_1559 = arith.constant 1 : i32
      %gather3A_1560 = arith.constant 1 : i32
      %gather3A_1561 = arith.constant 0 : i32
      %gather3A_1562 = arith.constant 0 : i32
      %gather3A_1563 = tpu.memref_slice %arg9[%gather3A_1559, %gather3A_1560, %gather3A_1561, %gather3A_1562] : memref<4x2x32x128xf32, #tpu.memory_space<vmem>> -> memref<1x1x32x128xf32, #tpu.memory_space<vmem>>
      %gather3A_1564 = tpu.memref_squeeze %gather3A_1563 : memref<1x1x32x128xf32, #tpu.memory_space<vmem>> -> memref<32x128xf32, #tpu.memory_space<vmem>>
      %gather3A_1565 = tpu.vector_load_idx %gather3A_1564[%add3A_5, %broadcast_in_dim3A_1543] : memref<32x128xf32, #tpu.memory_space<vmem>>[vector<16xi32>, vector<16xi32>], vector<16xf32>,
      tpu.vector_store_idx %arg11[%iota3A, %broadcast_in_dim3A_1551], %gather3A_1558 : memref<32x384xf32, #tpu.memory_space<vmem>>[vector<16xi32>, vector<16xi32>], vector<16xf32>,
      tpu.vector_store_idx %arg11[%add3A_5, %broadcast_in_dim3A_1551], %gather3A_1565 : memref<32x384xf32, #tpu.memory_space<vmem>>[vector<16xi32>, vector<16xi32>], vector<16xf32>,
      %gather3A_1566 = arith.constant 1 : i32
      %gather3A_1567 = arith.constant 1 : i32
      %gather3A_1568 = arith.constant 0 : i32
      %gather3A_1569 = arith.constant 0 : i32
      %gather3A_1570 = tpu.memref_slice %arg10[%gather3A_1566, %gather3A_1567, %gather3A_1568, %gather3A_1569] : memref<4x2x32x128xf32, #tpu.memory_space<vmem>> -> memref<1x1x32x128xf32, #tpu.memory_space<vmem>>
      %gather3A_1571 = tpu.memref_squeeze %gather3A_1570 : memref<1x1x32x128xf32, #tpu.memory_space<vmem>> -> memref<32x128xf32, #tpu.memory_space<vmem>>
      %gather3A_1572 = tpu.vector_load_idx %gather3A_1571[%iota3A, %broadcast_in_dim3A_1548] : memref<32x128xf32, #tpu.memory_space<vmem>>[vector<16xi32>, vector<16xi32>], vector<16xf32>,
      %gather3A_1573 = arith.constant 1 : i32
      %gather3A_1574 = arith.constant 1 : i32
      %gather3A_1575 = arith.constant 0 : i32
      %gather3A_1576 = arith.constant 0 : i32
      %gather3A_1577 = tpu.memref_slice %arg10[%gather3A_1573, %gather3A_1574, %gather3A_1575, %gather3A_1576] : memref<4x2x32x128xf32, #tpu.memory_space<vmem>> -> memref<1x1x32x128xf32, #tpu.memory_space<vmem>>
      %gather3A_1578 = tpu.memref_squeeze %gather3A_1577 : memref<1x1x32x128xf32, #tpu.memory_space<vmem>> -> memref<32x128xf32, #tpu.memory_space<vmem>>
      %gather3A_1579 = tpu.vector_load_idx %gather3A_1578[%add3A_5, %broadcast_in_dim3A_1548] : memref<32x128xf32, #tpu.memory_space<vmem>>[vector<16xi32>, vector<16xi32>], vector<16xf32>,
      tpu.vector_store_idx %arg12[%iota3A, %broadcast_in_dim3A_1551], %gather3A_1572 : memref<32x384xf32, #tpu.memory_space<vmem>>[vector<16xi32>, vector<16xi32>], vector<16xf32>,
      tpu.vector_store_idx %arg12[%add3A_5, %broadcast_in_dim3A_1551], %gather3A_1579 : memref<32x384xf32, #tpu.memory_space<vmem>>[vector<16xi32>, vector<16xi32>], vector<16xf32>,
      %add3A_1580 = arith.constant 1 : i32
      %add3A_1581 = arith.addi %scan3A_276, %add3A_1580 : i32
      %lt3A_1582 = arith.constant 24 : i32
      %lt3A_1583 = arith.cmpi slt, %add3A_1581, %lt3A_1582 : i32
      %convert_element_type3A_1584 = arith.extui %lt3A_1583 : i1 to i32
      %cond3A_1585 = arith.constant 0 : i32
      %cond3A_1586 = arith.cmpi ne, %convert_element_type3A_1584, %cond3A_1585 : i32
      scf.if %cond3A_1586 {
        %add3A_1886 = arith.constant 1 : i32
        %add3A_1887 = arith.addi %scan3A_276, %add3A_1886 : i32
        %mul3A_1888 = arith.constant 16 : i32
        %mul3A_1889 = arith.muli %add3A_1887, %mul3A_1888 : i32
        %get3A_1890 = arith.index_cast %mul3A_1889 : i32 to index
        %get3A_1891 = tpu.vector_load %arg7[%get3A_1890] {strides = array<i32>} : memref<384xi32, #tpu.memory_space<vmem>>, vector<16xi32>,
        %add3A_1892 = arith.constant 1 : i32
        %add3A_1893 = arith.addi %scan3A_276, %add3A_1892 : i32
        %mul3A_1894 = arith.constant 16 : i32
        %mul3A_1895 = arith.muli %add3A_1893, %mul3A_1894 : i32
        %get3A_1896 = arith.index_cast %mul3A_1895 : i32 to index
        %get3A_1897 = tpu.vector_load %arg8[%get3A_1896] {strides = array<i32>} : memref<384xi32, #tpu.memory_space<vmem>>, vector<16xi32>,
        %slice3A_1898 = vector.extract_strided_slice %get3A_1891 {offsets = [2], sizes = [1], strides = [1]} : vector<16xi32> to vector<1xi32>
        %squeeze3A_1899 = vector.extract %slice3A_1898[0] : i32 from vector<1xi32>
        %shift_right_arithmetic3A_1900 = arith.constant 7 : i32
        %shift_right_arithmetic3A_1901 = arith.shrsi %squeeze3A_1899, %shift_right_arithmetic3A_1900 : i32
        %mul3A_1902 = arith.constant 128 : i32
        %mul3A_1903 = arith.muli %shift_right_arithmetic3A_1901, %mul3A_1902 : i32
        %multiple_of3A_1904 = tpu.assume_multiple %mul3A_1903, 128 : i32
        %slice3A_1905 = vector.extract_strided_slice %get3A_1897 {offsets = [2], sizes = [1], strides = [1]} : vector<16xi32> to vector<1xi32>
        %squeeze3A_1906 = vector.extract %slice3A_1905[0] : i32 from vector<1xi32>
        %shift_right_arithmetic3A_1907 = arith.constant 7 : i32
        %shift_right_arithmetic3A_1908 = arith.shrsi %squeeze3A_1906, %shift_right_arithmetic3A_1907 : i32
        %mul3A_1909 = arith.constant 128 : i32
        %mul3A_1910 = arith.muli %shift_right_arithmetic3A_1908, %mul3A_1909 : i32
        %multiple_of3A_1911 = tpu.assume_multiple %mul3A_1910, 128 : i32
        %dma_start3A_1912 = arith.constant 1 : i32
        %dma_start3A_1913 = arith.constant 0 : i32
        %dma_start3A_1914 = arith.constant 0 : i32
        %dma_start3A_1915 = arith.constant 0 : i32
        %dma_start3A_1916 = tpu.memref_slice %arg9[%dma_start3A_1912, %dma_start3A_1913, %dma_start3A_1914, %dma_start3A_1915] : memref<4x2x32x128xf32, #tpu.memory_space<vmem>> -> memref<1x1x32x128xf32, #tpu.memory_space<vmem>>
        %dma_start3A_1917 = tpu.memref_squeeze %dma_start3A_1916 : memref<1x1x32x128xf32, #tpu.memory_space<vmem>> -> memref<32x128xf32, #tpu.memory_space<vmem>>
        %dma_start3A_1918 = arith.constant 0 : i32
        %dma_start3A_1919 = tpu.memref_slice %arg4[%dma_start3A_1918, %multiple_of3A_1904] : memref<32x1000000xf32, #tpu.memory_space<hbm>> -> memref<32x128xf32, #tpu.memory_space<hbm>>
        %dma_start3A_1920 = arith.constant 0 : i32
        %dma_start3A_1921 = arith.constant 0 : i32
        %dma_start3A_1922 = tpu.memref_slice %arg9[%dma_start3A_1912, %dma_start3A_1913, %dma_start3A_1920, %dma_start3A_1921] : memref<4x2x32x128xf32, #tpu.memory_space<vmem>> -> memref<1x1x32x128xf32, #tpu.memory_space<vmem>>
        %dma_start3A_1923 = tpu.memref_squeeze %dma_start3A_1922 : memref<1x1x32x128xf32, #tpu.memory_space<vmem>> -> memref<32x128xf32, #tpu.memory_space<vmem>>
        %dma_start3A_1924 = arith.constant 0 : i32
        %dma_start3A_1925 = tpu.memref_slice %arg4[%dma_start3A_1924, %multiple_of3A_1904] : memref<32x1000000xf32, #tpu.memory_space<hbm>> -> memref<32x128xf32, #tpu.memory_space<hbm>>
        tpu.enqueue_dma source(%dma_start3A_1925 : memref<32x128xf32, #tpu.memory_space<hbm>>) target(%dma_start3A_1923 : memref<32x128xf32, #tpu.memory_space<vmem>>) target_semaphore(%arg14 : memref<!tpu.dma_semaphore, #tpu.memory_space<semaphore_mem>>)
        %dma_start3A_1926 = arith.constant 1 : i32
        %dma_start3A_1927 = arith.constant 0 : i32
        %dma_start3A_1928 = arith.constant 0 : i32
        %dma_start3A_1929 = arith.constant 0 : i32
        %dma_start3A_1930 = tpu.memref_slice %arg10[%dma_start3A_1926, %dma_start3A_1927, %dma_start3A_1928, %dma_start3A_1929] : memref<4x2x32x128xf32, #tpu.memory_space<vmem>> -> memref<1x1x32x128xf32, #tpu.memory_space<vmem>>
        %dma_start3A_1931 = tpu.memref_squeeze %dma_start3A_1930 : memref<1x1x32x128xf32, #tpu.memory_space<vmem>> -> memref<32x128xf32, #tpu.memory_space<vmem>>
        %dma_start3A_1932 = arith.constant 0 : i32
        %dma_start3A_1933 = tpu.memref_slice %arg5[%dma_start3A_1932, %multiple_of3A_1911] : memref<32x1000000xf32, #tpu.memory_space<hbm>> -> memref<32x128xf32, #tpu.memory_space<hbm>>
        %dma_start3A_1934 = arith.constant 0 : i32
        %dma_start3A_1935 = arith.constant 0 : i32
        %dma_start3A_1936 = tpu.memref_slice %arg10[%dma_start3A_1926, %dma_start3A_1927, %dma_start3A_1934, %dma_start3A_1935] : memref<4x2x32x128xf32, #tpu.memory_space<vmem>> -> memref<1x1x32x128xf32, #tpu.memory_space<vmem>>
        %dma_start3A_1937 = tpu.memref_squeeze %dma_start3A_1936 : memref<1x1x32x128xf32, #tpu.memory_space<vmem>> -> memref<32x128xf32, #tpu.memory_space<vmem>>
        %dma_start3A_1938 = arith.constant 0 : i32
        %dma_start3A_1939 = tpu.memref_slice %arg5[%dma_start3A_1938, %multiple_of3A_1911] : memref<32x1000000xf32, #tpu.memory_space<hbm>> -> memref<32x128xf32, #tpu.memory_space<hbm>>
        tpu.enqueue_dma source(%dma_start3A_1939 : memref<32x128xf32, #tpu.memory_space<hbm>>) target(%dma_start3A_1937 : memref<32x128xf32, #tpu.memory_space<vmem>>) target_semaphore(%arg18 : memref<!tpu.dma_semaphore, #tpu.memory_space<semaphore_mem>>)
        %slice3A_1940 = vector.extract_strided_slice %get3A_1891 {offsets = [3], sizes = [1], strides = [1]} : vector<16xi32> to vector<1xi32>
        %squeeze3A_1941 = vector.extract %slice3A_1940[0] : i32 from vector<1xi32>
        %shift_right_arithmetic3A_1942 = arith.constant 7 : i32
        %shift_right_arithmetic3A_1943 = arith.shrsi %squeeze3A_1941, %shift_right_arithmetic3A_1942 : i32
        %mul3A_1944 = arith.constant 128 : i32
        %mul3A_1945 = arith.muli %shift_right_arithmetic3A_1943, %mul3A_1944 : i32
        %multiple_of3A_1946 = tpu.assume_multiple %mul3A_1945, 128 : i32
        %slice3A_1947 = vector.extract_strided_slice %get3A_1897 {offsets = [3], sizes = [1], strides = [1]} : vector<16xi32> to vector<1xi32>
        %squeeze3A_1948 = vector.extract %slice3A_1947[0] : i32 from vector<1xi32>
        %shift_right_arithmetic3A_1949 = arith.constant 7 : i32
        %shift_right_arithmetic3A_1950 = arith.shrsi %squeeze3A_1948, %shift_right_arithmetic3A_1949 : i32
        %mul3A_1951 = arith.constant 128 : i32
        %mul3A_1952 = arith.muli %shift_right_arithmetic3A_1950, %mul3A_1951 : i32
        %multiple_of3A_1953 = tpu.assume_multiple %mul3A_1952, 128 : i32
        %dma_start3A_1954 = arith.constant 1 : i32
        %dma_start3A_1955 = arith.constant 1 : i32
        %dma_start3A_1956 = arith.constant 0 : i32
        %dma_start3A_1957 = arith.constant 0 : i32
        %dma_start3A_1958 = tpu.memref_slice %arg9[%dma_start3A_1954, %dma_start3A_1955, %dma_start3A_1956, %dma_start3A_1957] : memref<4x2x32x128xf32, #tpu.memory_space<vmem>> -> memref<1x1x32x128xf32, #tpu.memory_space<vmem>>
        %dma_start3A_1959 = tpu.memref_squeeze %dma_start3A_1958 : memref<1x1x32x128xf32, #tpu.memory_space<vmem>> -> memref<32x128xf32, #tpu.memory_space<vmem>>
        %dma_start3A_1960 = arith.constant 0 : i32
        %dma_start3A_1961 = tpu.memref_slice %arg4[%dma_start3A_1960, %multiple_of3A_1946] : memref<32x1000000xf32, #tpu.memory_space<hbm>> -> memref<32x128xf32, #tpu.memory_space<hbm>>
        %dma_start3A_1962 = arith.constant 0 : i32
        %dma_start3A_1963 = arith.constant 0 : i32
        %dma_start3A_1964 = tpu.memref_slice %arg9[%dma_start3A_1954, %dma_start3A_1955, %dma_start3A_1962, %dma_start3A_1963] : memref<4x2x32x128xf32, #tpu.memory_space<vmem>> -> memref<1x1x32x128xf32, #tpu.memory_space<vmem>>
        %dma_start3A_1965 = tpu.memref_squeeze %dma_start3A_1964 : memref<1x1x32x128xf32, #tpu.memory_space<vmem>> -> memref<32x128xf32, #tpu.memory_space<vmem>>
        %dma_start3A_1966 = arith.constant 0 : i32
        %dma_start3A_1967 = tpu.memref_slice %arg4[%dma_start3A_1966, %multiple_of3A_1946] : memref<32x1000000xf32, #tpu.memory_space<hbm>> -> memref<32x128xf32, #tpu.memory_space<hbm>>
        tpu.enqueue_dma source(%dma_start3A_1967 : memref<32x128xf32, #tpu.memory_space<hbm>>) target(%dma_start3A_1965 : memref<32x128xf32, #tpu.memory_space<vmem>>) target_semaphore(%arg14 : memref<!tpu.dma_semaphore, #tpu.memory_space<semaphore_mem>>)
        %dma_start3A_1968 = arith.constant 1 : i32
        %dma_start3A_1969 = arith.constant 1 : i32
        %dma_start3A_1970 = arith.constant 0 : i32
        %dma_start3A_1971 = arith.constant 0 : i32
        %dma_start3A_1972 = tpu.memref_slice %arg10[%dma_start3A_1968, %dma_start3A_1969, %dma_start3A_1970, %dma_start3A_1971] : memref<4x2x32x128xf32, #tpu.memory_space<vmem>> -> memref<1x1x32x128xf32, #tpu.memory_space<vmem>>
        %dma_start3A_1973 = tpu.memref_squeeze %dma_start3A_1972 : memref<1x1x32x128xf32, #tpu.memory_space<vmem>> -> memref<32x128xf32, #tpu.memory_space<vmem>>
        %dma_start3A_1974 = arith.constant 0 : i32
        %dma_start3A_1975 = tpu.memref_slice %arg5[%dma_start3A_1974, %multiple_of3A_1953] : memref<32x1000000xf32, #tpu.memory_space<hbm>> -> memref<32x128xf32, #tpu.memory_space<hbm>>
        %dma_start3A_1976 = arith.constant 0 : i32
        %dma_start3A_1977 = arith.constant 0 : i32
        %dma_start3A_1978 = tpu.memref_slice %arg10[%dma_start3A_1968, %dma_start3A_1969, %dma_start3A_1976, %dma_start3A_1977] : memref<4x2x32x128xf32, #tpu.memory_space<vmem>> -> memref<1x1x32x128xf32, #tpu.memory_space<vmem>>
        %dma_start3A_1979 = tpu.memref_squeeze %dma_start3A_1978 : memref<1x1x32x128xf32, #tpu.memory_space<vmem>> -> memref<32x128xf32, #tpu.memory_space<vmem>>
        %dma_start3A_1980 = arith.constant 0 : i32
        %dma_start3A_1981 = tpu.memref_slice %arg5[%dma_start3A_1980, %multiple_of3A_1953] : memref<32x1000000xf32, #tpu.memory_space<hbm>> -> memref<32x128xf32, #tpu.memory_space<hbm>>
        tpu.enqueue_dma source(%dma_start3A_1981 : memref<32x128xf32, #tpu.memory_space<hbm>>) target(%dma_start3A_1979 : memref<32x128xf32, #tpu.memory_space<vmem>>) target_semaphore(%arg18 : memref<!tpu.dma_semaphore, #tpu.memory_space<semaphore_mem>>)
      } else {
      }
      %dma_wait3A_1587 = arith.constant 2 : i32
      %dma_wait3A_1588 = arith.constant 0 : i32
      %dma_wait3A_1589 = arith.constant 0 : i32
      %dma_wait3A_1590 = arith.constant 0 : i32
      %dma_wait3A_1591 = tpu.memref_slice %arg9[%dma_wait3A_1587, %dma_wait3A_1588, %dma_wait3A_1589, %dma_wait3A_1590] : memref<4x2x32x128xf32, #tpu.memory_space<vmem>> -> memref<1x1x32x128xf32, #tpu.memory_space<vmem>>
      %dma_wait3A_1592 = tpu.memref_squeeze %dma_wait3A_1591 : memref<1x1x32x128xf32, #tpu.memory_space<vmem>> -> memref<32x128xf32, #tpu.memory_space<vmem>>
      %dma_wait3A_1593 = arith.constant 0 : i32
      %dma_wait3A_1594 = arith.constant 0 : i32
      %dma_wait3A_1595 = tpu.memref_slice %arg4[%dma_wait3A_1593, %dma_wait3A_1594] : memref<32x1000000xf32, #tpu.memory_space<hbm>> -> memref<32x128xf32, #tpu.memory_space<hbm>>
      %dma_wait3A_1596 = arith.constant 0 : i32
      %dma_wait3A_1597 = arith.constant 0 : i32
      %dma_wait3A_1598 = tpu.memref_slice %arg9[%dma_wait3A_1587, %dma_wait3A_1588, %dma_wait3A_1596, %dma_wait3A_1597] : memref<4x2x32x128xf32, #tpu.memory_space<vmem>> -> memref<1x1x32x128xf32, #tpu.memory_space<vmem>>
      %dma_wait3A_1599 = tpu.memref_squeeze %dma_wait3A_1598 : memref<1x1x32x128xf32, #tpu.memory_space<vmem>> -> memref<32x128xf32, #tpu.memory_space<vmem>>
      %dma_wait3A_1600 = arith.constant 0 : i32
      %dma_wait3A_1601 = arith.constant 0 : i32
      %dma_wait3A_1602 = tpu.memref_slice %arg4[%dma_wait3A_1600, %dma_wait3A_1601] : memref<32x1000000xf32, #tpu.memory_space<hbm>> -> memref<32x128xf32, #tpu.memory_space<hbm>>
      tpu.wait_dma2 semaphore(%arg15 : memref<!tpu.dma_semaphore, #tpu.memory_space<semaphore_mem>>) src(%dma_wait3A_1602 : memref<32x128xf32, #tpu.memory_space<hbm>>) dst(%dma_wait3A_1599 : memref<32x128xf32, #tpu.memory_space<vmem>>)
      %dma_wait3A_1603 = arith.constant 2 : i32
      %dma_wait3A_1604 = arith.constant 0 : i32
      %dma_wait3A_1605 = arith.constant 0 : i32
      %dma_wait3A_1606 = arith.constant 0 : i32
      %dma_wait3A_1607 = tpu.memref_slice %arg10[%dma_wait3A_1603, %dma_wait3A_1604, %dma_wait3A_1605, %dma_wait3A_1606] : memref<4x2x32x128xf32, #tpu.memory_space<vmem>> -> memref<1x1x32x128xf32, #tpu.memory_space<vmem>>
      %dma_wait3A_1608 = tpu.memref_squeeze %dma_wait3A_1607 : memref<1x1x32x128xf32, #tpu.memory_space<vmem>> -> memref<32x128xf32, #tpu.memory_space<vmem>>
      %dma_wait3A_1609 = arith.constant 0 : i32
      %dma_wait3A_1610 = arith.constant 0 : i32
      %dma_wait3A_1611 = tpu.memref_slice %arg5[%dma_wait3A_1609, %dma_wait3A_1610] : memref<32x1000000xf32, #tpu.memory_space<hbm>> -> memref<32x128xf32, #tpu.memory_space<hbm>>
      %dma_wait3A_1612 = arith.constant 0 : i32
      %dma_wait3A_1613 = arith.constant 0 : i32
      %dma_wait3A_1614 = tpu.memref_slice %arg10[%dma_wait3A_1603, %dma_wait3A_1604, %dma_wait3A_1612, %dma_wait3A_1613] : memref<4x2x32x128xf32, #tpu.memory_space<vmem>> -> memref<1x1x32x128xf32, #tpu.memory_space<vmem>>
      %dma_wait3A_1615 = tpu.memref_squeeze %dma_wait3A_1614 : memref<1x1x32x128xf32, #tpu.memory_space<vmem>> -> memref<32x128xf32, #tpu.memory_space<vmem>>
      %dma_wait3A_1616 = arith.constant 0 : i32
      %dma_wait3A_1617 = arith.constant 0 : i32
      %dma_wait3A_1618 = tpu.memref_slice %arg5[%dma_wait3A_1616, %dma_wait3A_1617] : memref<32x1000000xf32, #tpu.memory_space<hbm>> -> memref<32x128xf32, #tpu.memory_space<hbm>>
      tpu.wait_dma2 semaphore(%arg19 : memref<!tpu.dma_semaphore, #tpu.memory_space<semaphore_mem>>) src(%dma_wait3A_1618 : memref<32x128xf32, #tpu.memory_space<hbm>>) dst(%dma_wait3A_1615 : memref<32x128xf32, #tpu.memory_space<vmem>>)
      %dma_wait3A_1619 = arith.constant 2 : i32
      %dma_wait3A_1620 = arith.constant 1 : i32
      %dma_wait3A_1621 = arith.constant 0 : i32
      %dma_wait3A_1622 = arith.constant 0 : i32
      %dma_wait3A_1623 = tpu.memref_slice %arg9[%dma_wait3A_1619, %dma_wait3A_1620, %dma_wait3A_1621, %dma_wait3A_1622] : memref<4x2x32x128xf32, #tpu.memory_space<vmem>> -> memref<1x1x32x128xf32, #tpu.memory_space<vmem>>
      %dma_wait3A_1624 = tpu.memref_squeeze %dma_wait3A_1623 : memref<1x1x32x128xf32, #tpu.memory_space<vmem>> -> memref<32x128xf32, #tpu.memory_space<vmem>>
      %dma_wait3A_1625 = arith.constant 0 : i32
      %dma_wait3A_1626 = arith.constant 0 : i32
      %dma_wait3A_1627 = tpu.memref_slice %arg4[%dma_wait3A_1625, %dma_wait3A_1626] : memref<32x1000000xf32, #tpu.memory_space<hbm>> -> memref<32x128xf32, #tpu.memory_space<hbm>>
      %dma_wait3A_1628 = arith.constant 0 : i32
      %dma_wait3A_1629 = arith.constant 0 : i32
      %dma_wait3A_1630 = tpu.memref_slice %arg9[%dma_wait3A_1619, %dma_wait3A_1620, %dma_wait3A_1628, %dma_wait3A_1629] : memref<4x2x32x128xf32, #tpu.memory_space<vmem>> -> memref<1x1x32x128xf32, #tpu.memory_space<vmem>>
      %dma_wait3A_1631 = tpu.memref_squeeze %dma_wait3A_1630 : memref<1x1x32x128xf32, #tpu.memory_space<vmem>> -> memref<32x128xf32, #tpu.memory_space<vmem>>
      %dma_wait3A_1632 = arith.constant 0 : i32
      %dma_wait3A_1633 = arith.constant 0 : i32
      %dma_wait3A_1634 = tpu.memref_slice %arg4[%dma_wait3A_1632, %dma_wait3A_1633] : memref<32x1000000xf32, #tpu.memory_space<hbm>> -> memref<32x128xf32, #tpu.memory_space<hbm>>
      tpu.wait_dma2 semaphore(%arg15 : memref<!tpu.dma_semaphore, #tpu.memory_space<semaphore_mem>>) src(%dma_wait3A_1634 : memref<32x128xf32, #tpu.memory_space<hbm>>) dst(%dma_wait3A_1631 : memref<32x128xf32, #tpu.memory_space<vmem>>)
      %dma_wait3A_1635 = arith.constant 2 : i32
      %dma_wait3A_1636 = arith.constant 1 : i32
      %dma_wait3A_1637 = arith.constant 0 : i32
      %dma_wait3A_1638 = arith.constant 0 : i32
      %dma_wait3A_1639 = tpu.memref_slice %arg10[%dma_wait3A_1635, %dma_wait3A_1636, %dma_wait3A_1637, %dma_wait3A_1638] : memref<4x2x32x128xf32, #tpu.memory_space<vmem>> -> memref<1x1x32x128xf32, #tpu.memory_space<vmem>>
      %dma_wait3A_1640 = tpu.memref_squeeze %dma_wait3A_1639 : memref<1x1x32x128xf32, #tpu.memory_space<vmem>> -> memref<32x128xf32, #tpu.memory_space<vmem>>
      %dma_wait3A_1641 = arith.constant 0 : i32
      %dma_wait3A_1642 = arith.constant 0 : i32
      %dma_wait3A_1643 = tpu.memref_slice %arg5[%dma_wait3A_1641, %dma_wait3A_1642] : memref<32x1000000xf32, #tpu.memory_space<hbm>> -> memref<32x128xf32, #tpu.memory_space<hbm>>
      %dma_wait3A_1644 = arith.constant 0 : i32
      %dma_wait3A_1645 = arith.constant 0 : i32
      %dma_wait3A_1646 = tpu.memref_slice %arg10[%dma_wait3A_1635, %dma_wait3A_1636, %dma_wait3A_1644, %dma_wait3A_1645] : memref<4x2x32x128xf32, #tpu.memory_space<vmem>> -> memref<1x1x32x128xf32, #tpu.memory_space<vmem>>
      %dma_wait3A_1647 = tpu.memref_squeeze %dma_wait3A_1646 : memref<1x1x32x128xf32, #tpu.memory_space<vmem>> -> memref<32x128xf32, #tpu.memory_space<vmem>>
      %dma_wait3A_1648 = arith.constant 0 : i32
      %dma_wait3A_1649 = arith.constant 0 : i32
      %dma_wait3A_1650 = tpu.memref_slice %arg5[%dma_wait3A_1648, %dma_wait3A_1649] : memref<32x1000000xf32, #tpu.memory_space<hbm>> -> memref<32x128xf32, #tpu.memory_space<hbm>>
      tpu.wait_dma2 semaphore(%arg19 : memref<!tpu.dma_semaphore, #tpu.memory_space<semaphore_mem>>) src(%dma_wait3A_1650 : memref<32x128xf32, #tpu.memory_space<hbm>>) dst(%dma_wait3A_1647 : memref<32x128xf32, #tpu.memory_space<vmem>>)
      %slice3A_1651 = vector.extract_strided_slice %get3A_280 {offsets = [12], sizes = [1], strides = [1]} : vector<16xi32> to vector<1xi32>
      %squeeze3A_1652 = vector.extract %slice3A_1651[0] : i32 from vector<1xi32>
      %and3A_1653 = arith.constant 127 : i32
      %and3A_1654 = arith.andi %squeeze3A_1652, %and3A_1653 : i32
      %broadcast_in_dim3A_1655 = vector.broadcast %and3A_1654 : i32 to vector<16xi32>
      %slice3A_1656 = vector.extract_strided_slice %get3A_282 {offsets = [12], sizes = [1], strides = [1]} : vector<16xi32> to vector<1xi32>
      %squeeze3A_1657 = vector.extract %slice3A_1656[0] : i32 from vector<1xi32>
      %and3A_1658 = arith.constant 127 : i32
      %and3A_1659 = arith.andi %squeeze3A_1657, %and3A_1658 : i32
      %broadcast_in_dim3A_1660 = vector.broadcast %and3A_1659 : i32 to vector<16xi32>
      %add3A_1661 = arith.constant 12 : i32
      %add3A_1662 = arith.addi %mul3A_278, %add3A_1661 : i32
      %broadcast_in_dim3A_1663 = vector.broadcast %add3A_1662 : i32 to vector<16xi32>
      %gather3A_1664 = arith.constant 2 : i32
      %gather3A_1665 = arith.constant 0 : i32
      %gather3A_1666 = arith.constant 0 : i32
      %gather3A_1667 = arith.constant 0 : i32
      %gather3A_1668 = tpu.memref_slice %arg9[%gather3A_1664, %gather3A_1665, %gather3A_1666, %gather3A_1667] : memref<4x2x32x128xf32, #tpu.memory_space<vmem>> -> memref<1x1x32x128xf32, #tpu.memory_space<vmem>>
      %gather3A_1669 = tpu.memref_squeeze %gather3A_1668 : memref<1x1x32x128xf32, #tpu.memory_space<vmem>> -> memref<32x128xf32, #tpu.memory_space<vmem>>
      %gather3A_1670 = tpu.vector_load_idx %gather3A_1669[%iota3A, %broadcast_in_dim3A_1655] : memref<32x128xf32, #tpu.memory_space<vmem>>[vector<16xi32>, vector<16xi32>], vector<16xf32>,
      %gather3A_1671 = arith.constant 2 : i32
      %gather3A_1672 = arith.constant 0 : i32
      %gather3A_1673 = arith.constant 0 : i32
      %gather3A_1674 = arith.constant 0 : i32
      %gather3A_1675 = tpu.memref_slice %arg9[%gather3A_1671, %gather3A_1672, %gather3A_1673, %gather3A_1674] : memref<4x2x32x128xf32, #tpu.memory_space<vmem>> -> memref<1x1x32x128xf32, #tpu.memory_space<vmem>>
      %gather3A_1676 = tpu.memref_squeeze %gather3A_1675 : memref<1x1x32x128xf32, #tpu.memory_space<vmem>> -> memref<32x128xf32, #tpu.memory_space<vmem>>
      %gather3A_1677 = tpu.vector_load_idx %gather3A_1676[%add3A_5, %broadcast_in_dim3A_1655] : memref<32x128xf32, #tpu.memory_space<vmem>>[vector<16xi32>, vector<16xi32>], vector<16xf32>,
      tpu.vector_store_idx %arg11[%iota3A, %broadcast_in_dim3A_1663], %gather3A_1670 : memref<32x384xf32, #tpu.memory_space<vmem>>[vector<16xi32>, vector<16xi32>], vector<16xf32>,
      tpu.vector_store_idx %arg11[%add3A_5, %broadcast_in_dim3A_1663], %gather3A_1677 : memref<32x384xf32, #tpu.memory_space<vmem>>[vector<16xi32>, vector<16xi32>], vector<16xf32>,
      %gather3A_1678 = arith.constant 2 : i32
      %gather3A_1679 = arith.constant 0 : i32
      %gather3A_1680 = arith.constant 0 : i32
      %gather3A_1681 = arith.constant 0 : i32
      %gather3A_1682 = tpu.memref_slice %arg10[%gather3A_1678, %gather3A_1679, %gather3A_1680, %gather3A_1681] : memref<4x2x32x128xf32, #tpu.memory_space<vmem>> -> memref<1x1x32x128xf32, #tpu.memory_space<vmem>>
      %gather3A_1683 = tpu.memref_squeeze %gather3A_1682 : memref<1x1x32x128xf32, #tpu.memory_space<vmem>> -> memref<32x128xf32, #tpu.memory_space<vmem>>
      %gather3A_1684 = tpu.vector_load_idx %gather3A_1683[%iota3A, %broadcast_in_dim3A_1660] : memref<32x128xf32, #tpu.memory_space<vmem>>[vector<16xi32>, vector<16xi32>], vector<16xf32>,
      %gather3A_1685 = arith.constant 2 : i32
      %gather3A_1686 = arith.constant 0 : i32
      %gather3A_1687 = arith.constant 0 : i32
      %gather3A_1688 = arith.constant 0 : i32
      %gather3A_1689 = tpu.memref_slice %arg10[%gather3A_1685, %gather3A_1686, %gather3A_1687, %gather3A_1688] : memref<4x2x32x128xf32, #tpu.memory_space<vmem>> -> memref<1x1x32x128xf32, #tpu.memory_space<vmem>>
      %gather3A_1690 = tpu.memref_squeeze %gather3A_1689 : memref<1x1x32x128xf32, #tpu.memory_space<vmem>> -> memref<32x128xf32, #tpu.memory_space<vmem>>
      %gather3A_1691 = tpu.vector_load_idx %gather3A_1690[%add3A_5, %broadcast_in_dim3A_1660] : memref<32x128xf32, #tpu.memory_space<vmem>>[vector<16xi32>, vector<16xi32>], vector<16xf32>,
      tpu.vector_store_idx %arg12[%iota3A, %broadcast_in_dim3A_1663], %gather3A_1684 : memref<32x384xf32, #tpu.memory_space<vmem>>[vector<16xi32>, vector<16xi32>], vector<16xf32>,
      tpu.vector_store_idx %arg12[%add3A_5, %broadcast_in_dim3A_1663], %gather3A_1691 : memref<32x384xf32, #tpu.memory_space<vmem>>[vector<16xi32>, vector<16xi32>], vector<16xf32>,
      %slice3A_1692 = vector.extract_strided_slice %get3A_280 {offsets = [13], sizes = [1], strides = [1]} : vector<16xi32> to vector<1xi32>
      %squeeze3A_1693 = vector.extract %slice3A_1692[0] : i32 from vector<1xi32>
      %and3A_1694 = arith.constant 127 : i32
      %and3A_1695 = arith.andi %squeeze3A_1693, %and3A_1694 : i32
      %broadcast_in_dim3A_1696 = vector.broadcast %and3A_1695 : i32 to vector<16xi32>
      %slice3A_1697 = vector.extract_strided_slice %get3A_282 {offsets = [13], sizes = [1], strides = [1]} : vector<16xi32> to vector<1xi32>
      %squeeze3A_1698 = vector.extract %slice3A_1697[0] : i32 from vector<1xi32>
      %and3A_1699 = arith.constant 127 : i32
      %and3A_1700 = arith.andi %squeeze3A_1698, %and3A_1699 : i32
      %broadcast_in_dim3A_1701 = vector.broadcast %and3A_1700 : i32 to vector<16xi32>
      %add3A_1702 = arith.constant 13 : i32
      %add3A_1703 = arith.addi %mul3A_278, %add3A_1702 : i32
      %broadcast_in_dim3A_1704 = vector.broadcast %add3A_1703 : i32 to vector<16xi32>
      %gather3A_1705 = arith.constant 2 : i32
      %gather3A_1706 = arith.constant 1 : i32
      %gather3A_1707 = arith.constant 0 : i32
      %gather3A_1708 = arith.constant 0 : i32
      %gather3A_1709 = tpu.memref_slice %arg9[%gather3A_1705, %gather3A_1706, %gather3A_1707, %gather3A_1708] : memref<4x2x32x128xf32, #tpu.memory_space<vmem>> -> memref<1x1x32x128xf32, #tpu.memory_space<vmem>>
      %gather3A_1710 = tpu.memref_squeeze %gather3A_1709 : memref<1x1x32x128xf32, #tpu.memory_space<vmem>> -> memref<32x128xf32, #tpu.memory_space<vmem>>
      %gather3A_1711 = tpu.vector_load_idx %gather3A_1710[%iota3A, %broadcast_in_dim3A_1696] : memref<32x128xf32, #tpu.memory_space<vmem>>[vector<16xi32>, vector<16xi32>], vector<16xf32>,
      %gather3A_1712 = arith.constant 2 : i32
      %gather3A_1713 = arith.constant 1 : i32
      %gather3A_1714 = arith.constant 0 : i32
      %gather3A_1715 = arith.constant 0 : i32
      %gather3A_1716 = tpu.memref_slice %arg9[%gather3A_1712, %gather3A_1713, %gather3A_1714, %gather3A_1715] : memref<4x2x32x128xf32, #tpu.memory_space<vmem>> -> memref<1x1x32x128xf32, #tpu.memory_space<vmem>>
      %gather3A_1717 = tpu.memref_squeeze %gather3A_1716 : memref<1x1x32x128xf32, #tpu.memory_space<vmem>> -> memref<32x128xf32, #tpu.memory_space<vmem>>
      %gather3A_1718 = tpu.vector_load_idx %gather3A_1717[%add3A_5, %broadcast_in_dim3A_1696] : memref<32x128xf32, #tpu.memory_space<vmem>>[vector<16xi32>, vector<16xi32>], vector<16xf32>,
      tpu.vector_store_idx %arg11[%iota3A, %broadcast_in_dim3A_1704], %gather3A_1711 : memref<32x384xf32, #tpu.memory_space<vmem>>[vector<16xi32>, vector<16xi32>], vector<16xf32>,
      tpu.vector_store_idx %arg11[%add3A_5, %broadcast_in_dim3A_1704], %gather3A_1718 : memref<32x384xf32, #tpu.memory_space<vmem>>[vector<16xi32>, vector<16xi32>], vector<16xf32>,
      %gather3A_1719 = arith.constant 2 : i32
      %gather3A_1720 = arith.constant 1 : i32
      %gather3A_1721 = arith.constant 0 : i32
      %gather3A_1722 = arith.constant 0 : i32
      %gather3A_1723 = tpu.memref_slice %arg10[%gather3A_1719, %gather3A_1720, %gather3A_1721, %gather3A_1722] : memref<4x2x32x128xf32, #tpu.memory_space<vmem>> -> memref<1x1x32x128xf32, #tpu.memory_space<vmem>>
      %gather3A_1724 = tpu.memref_squeeze %gather3A_1723 : memref<1x1x32x128xf32, #tpu.memory_space<vmem>> -> memref<32x128xf32, #tpu.memory_space<vmem>>
      %gather3A_1725 = tpu.vector_load_idx %gather3A_1724[%iota3A, %broadcast_in_dim3A_1701] : memref<32x128xf32, #tpu.memory_space<vmem>>[vector<16xi32>, vector<16xi32>], vector<16xf32>,
      %gather3A_1726 = arith.constant 2 : i32
      %gather3A_1727 = arith.constant 1 : i32
      %gather3A_1728 = arith.constant 0 : i32
      %gather3A_1729 = arith.constant 0 : i32
      %gather3A_1730 = tpu.memref_slice %arg10[%gather3A_1726, %gather3A_1727, %gather3A_1728, %gather3A_1729] : memref<4x2x32x128xf32, #tpu.memory_space<vmem>> -> memref<1x1x32x128xf32, #tpu.memory_space<vmem>>
      %gather3A_1731 = tpu.memref_squeeze %gather3A_1730 : memref<1x1x32x128xf32, #tpu.memory_space<vmem>> -> memref<32x128xf32, #tpu.memory_space<vmem>>
      %gather3A_1732 = tpu.vector_load_idx %gather3A_1731[%add3A_5, %broadcast_in_dim3A_1701] : memref<32x128xf32, #tpu.memory_space<vmem>>[vector<16xi32>, vector<16xi32>], vector<16xf32>,
      tpu.vector_store_idx %arg12[%iota3A, %broadcast_in_dim3A_1704], %gather3A_1725 : memref<32x384xf32, #tpu.memory_space<vmem>>[vector<16xi32>, vector<16xi32>], vector<16xf32>,
      tpu.vector_store_idx %arg12[%add3A_5, %broadcast_in_dim3A_1704], %gather3A_1732 : memref<32x384xf32, #tpu.memory_space<vmem>>[vector<16xi32>, vector<16xi32>], vector<16xf32>,
      %add3A_1733 = arith.constant 1 : i32
      %add3A_1734 = arith.addi %scan3A_276, %add3A_1733 : i32
      %lt3A_1735 = arith.constant 24 : i32
      %lt3A_1736 = arith.cmpi slt, %add3A_1734, %lt3A_1735 : i32
      %convert_element_type3A_1737 = arith.extui %lt3A_1736 : i1 to i32
      %cond3A_1738 = arith.constant 0 : i32
      %cond3A_1739 = arith.cmpi ne, %convert_element_type3A_1737, %cond3A_1738 : i32
      scf.if %cond3A_1739 {
        %add3A_1886 = arith.constant 1 : i32
        %add3A_1887 = arith.addi %scan3A_276, %add3A_1886 : i32
        %mul3A_1888 = arith.constant 16 : i32
        %mul3A_1889 = arith.muli %add3A_1887, %mul3A_1888 : i32
        %get3A_1890 = arith.index_cast %mul3A_1889 : i32 to index
        %get3A_1891 = tpu.vector_load %arg7[%get3A_1890] {strides = array<i32>} : memref<384xi32, #tpu.memory_space<vmem>>, vector<16xi32>,
        %add3A_1892 = arith.constant 1 : i32
        %add3A_1893 = arith.addi %scan3A_276, %add3A_1892 : i32
        %mul3A_1894 = arith.constant 16 : i32
        %mul3A_1895 = arith.muli %add3A_1893, %mul3A_1894 : i32
        %get3A_1896 = arith.index_cast %mul3A_1895 : i32 to index
        %get3A_1897 = tpu.vector_load %arg8[%get3A_1896] {strides = array<i32>} : memref<384xi32, #tpu.memory_space<vmem>>, vector<16xi32>,
        %slice3A_1898 = vector.extract_strided_slice %get3A_1891 {offsets = [4], sizes = [1], strides = [1]} : vector<16xi32> to vector<1xi32>
        %squeeze3A_1899 = vector.extract %slice3A_1898[0] : i32 from vector<1xi32>
        %shift_right_arithmetic3A_1900 = arith.constant 7 : i32
        %shift_right_arithmetic3A_1901 = arith.shrsi %squeeze3A_1899, %shift_right_arithmetic3A_1900 : i32
        %mul3A_1902 = arith.constant 128 : i32
        %mul3A_1903 = arith.muli %shift_right_arithmetic3A_1901, %mul3A_1902 : i32
        %multiple_of3A_1904 = tpu.assume_multiple %mul3A_1903, 128 : i32
        %slice3A_1905 = vector.extract_strided_slice %get3A_1897 {offsets = [4], sizes = [1], strides = [1]} : vector<16xi32> to vector<1xi32>
        %squeeze3A_1906 = vector.extract %slice3A_1905[0] : i32 from vector<1xi32>
        %shift_right_arithmetic3A_1907 = arith.constant 7 : i32
        %shift_right_arithmetic3A_1908 = arith.shrsi %squeeze3A_1906, %shift_right_arithmetic3A_1907 : i32
        %mul3A_1909 = arith.constant 128 : i32
        %mul3A_1910 = arith.muli %shift_right_arithmetic3A_1908, %mul3A_1909 : i32
        %multiple_of3A_1911 = tpu.assume_multiple %mul3A_1910, 128 : i32
        %dma_start3A_1912 = arith.constant 2 : i32
        %dma_start3A_1913 = arith.constant 0 : i32
        %dma_start3A_1914 = arith.constant 0 : i32
        %dma_start3A_1915 = arith.constant 0 : i32
        %dma_start3A_1916 = tpu.memref_slice %arg9[%dma_start3A_1912, %dma_start3A_1913, %dma_start3A_1914, %dma_start3A_1915] : memref<4x2x32x128xf32, #tpu.memory_space<vmem>> -> memref<1x1x32x128xf32, #tpu.memory_space<vmem>>
        %dma_start3A_1917 = tpu.memref_squeeze %dma_start3A_1916 : memref<1x1x32x128xf32, #tpu.memory_space<vmem>> -> memref<32x128xf32, #tpu.memory_space<vmem>>
        %dma_start3A_1918 = arith.constant 0 : i32
        %dma_start3A_1919 = tpu.memref_slice %arg4[%dma_start3A_1918, %multiple_of3A_1904] : memref<32x1000000xf32, #tpu.memory_space<hbm>> -> memref<32x128xf32, #tpu.memory_space<hbm>>
        %dma_start3A_1920 = arith.constant 0 : i32
        %dma_start3A_1921 = arith.constant 0 : i32
        %dma_start3A_1922 = tpu.memref_slice %arg9[%dma_start3A_1912, %dma_start3A_1913, %dma_start3A_1920, %dma_start3A_1921] : memref<4x2x32x128xf32, #tpu.memory_space<vmem>> -> memref<1x1x32x128xf32, #tpu.memory_space<vmem>>
        %dma_start3A_1923 = tpu.memref_squeeze %dma_start3A_1922 : memref<1x1x32x128xf32, #tpu.memory_space<vmem>> -> memref<32x128xf32, #tpu.memory_space<vmem>>
        %dma_start3A_1924 = arith.constant 0 : i32
        %dma_start3A_1925 = tpu.memref_slice %arg4[%dma_start3A_1924, %multiple_of3A_1904] : memref<32x1000000xf32, #tpu.memory_space<hbm>> -> memref<32x128xf32, #tpu.memory_space<hbm>>
        tpu.enqueue_dma source(%dma_start3A_1925 : memref<32x128xf32, #tpu.memory_space<hbm>>) target(%dma_start3A_1923 : memref<32x128xf32, #tpu.memory_space<vmem>>) target_semaphore(%arg15 : memref<!tpu.dma_semaphore, #tpu.memory_space<semaphore_mem>>)
        %dma_start3A_1926 = arith.constant 2 : i32
        %dma_start3A_1927 = arith.constant 0 : i32
        %dma_start3A_1928 = arith.constant 0 : i32
        %dma_start3A_1929 = arith.constant 0 : i32
        %dma_start3A_1930 = tpu.memref_slice %arg10[%dma_start3A_1926, %dma_start3A_1927, %dma_start3A_1928, %dma_start3A_1929] : memref<4x2x32x128xf32, #tpu.memory_space<vmem>> -> memref<1x1x32x128xf32, #tpu.memory_space<vmem>>
        %dma_start3A_1931 = tpu.memref_squeeze %dma_start3A_1930 : memref<1x1x32x128xf32, #tpu.memory_space<vmem>> -> memref<32x128xf32, #tpu.memory_space<vmem>>
        %dma_start3A_1932 = arith.constant 0 : i32
        %dma_start3A_1933 = tpu.memref_slice %arg5[%dma_start3A_1932, %multiple_of3A_1911] : memref<32x1000000xf32, #tpu.memory_space<hbm>> -> memref<32x128xf32, #tpu.memory_space<hbm>>
        %dma_start3A_1934 = arith.constant 0 : i32
        %dma_start3A_1935 = arith.constant 0 : i32
        %dma_start3A_1936 = tpu.memref_slice %arg10[%dma_start3A_1926, %dma_start3A_1927, %dma_start3A_1934, %dma_start3A_1935] : memref<4x2x32x128xf32, #tpu.memory_space<vmem>> -> memref<1x1x32x128xf32, #tpu.memory_space<vmem>>
        %dma_start3A_1937 = tpu.memref_squeeze %dma_start3A_1936 : memref<1x1x32x128xf32, #tpu.memory_space<vmem>> -> memref<32x128xf32, #tpu.memory_space<vmem>>
        %dma_start3A_1938 = arith.constant 0 : i32
        %dma_start3A_1939 = tpu.memref_slice %arg5[%dma_start3A_1938, %multiple_of3A_1911] : memref<32x1000000xf32, #tpu.memory_space<hbm>> -> memref<32x128xf32, #tpu.memory_space<hbm>>
        tpu.enqueue_dma source(%dma_start3A_1939 : memref<32x128xf32, #tpu.memory_space<hbm>>) target(%dma_start3A_1937 : memref<32x128xf32, #tpu.memory_space<vmem>>) target_semaphore(%arg19 : memref<!tpu.dma_semaphore, #tpu.memory_space<semaphore_mem>>)
        %slice3A_1940 = vector.extract_strided_slice %get3A_1891 {offsets = [5], sizes = [1], strides = [1]} : vector<16xi32> to vector<1xi32>
        %squeeze3A_1941 = vector.extract %slice3A_1940[0] : i32 from vector<1xi32>
        %shift_right_arithmetic3A_1942 = arith.constant 7 : i32
        %shift_right_arithmetic3A_1943 = arith.shrsi %squeeze3A_1941, %shift_right_arithmetic3A_1942 : i32
        %mul3A_1944 = arith.constant 128 : i32
        %mul3A_1945 = arith.muli %shift_right_arithmetic3A_1943, %mul3A_1944 : i32
        %multiple_of3A_1946 = tpu.assume_multiple %mul3A_1945, 128 : i32
        %slice3A_1947 = vector.extract_strided_slice %get3A_1897 {offsets = [5], sizes = [1], strides = [1]} : vector<16xi32> to vector<1xi32>
        %squeeze3A_1948 = vector.extract %slice3A_1947[0] : i32 from vector<1xi32>
        %shift_right_arithmetic3A_1949 = arith.constant 7 : i32
        %shift_right_arithmetic3A_1950 = arith.shrsi %squeeze3A_1948, %shift_right_arithmetic3A_1949 : i32
        %mul3A_1951 = arith.constant 128 : i32
        %mul3A_1952 = arith.muli %shift_right_arithmetic3A_1950, %mul3A_1951 : i32
        %multiple_of3A_1953 = tpu.assume_multiple %mul3A_1952, 128 : i32
        %dma_start3A_1954 = arith.constant 2 : i32
        %dma_start3A_1955 = arith.constant 1 : i32
        %dma_start3A_1956 = arith.constant 0 : i32
        %dma_start3A_1957 = arith.constant 0 : i32
        %dma_start3A_1958 = tpu.memref_slice %arg9[%dma_start3A_1954, %dma_start3A_1955, %dma_start3A_1956, %dma_start3A_1957] : memref<4x2x32x128xf32, #tpu.memory_space<vmem>> -> memref<1x1x32x128xf32, #tpu.memory_space<vmem>>
        %dma_start3A_1959 = tpu.memref_squeeze %dma_start3A_1958 : memref<1x1x32x128xf32, #tpu.memory_space<vmem>> -> memref<32x128xf32, #tpu.memory_space<vmem>>
        %dma_start3A_1960 = arith.constant 0 : i32
        %dma_start3A_1961 = tpu.memref_slice %arg4[%dma_start3A_1960, %multiple_of3A_1946] : memref<32x1000000xf32, #tpu.memory_space<hbm>> -> memref<32x128xf32, #tpu.memory_space<hbm>>
        %dma_start3A_1962 = arith.constant 0 : i32
        %dma_start3A_1963 = arith.constant 0 : i32
        %dma_start3A_1964 = tpu.memref_slice %arg9[%dma_start3A_1954, %dma_start3A_1955, %dma_start3A_1962, %dma_start3A_1963] : memref<4x2x32x128xf32, #tpu.memory_space<vmem>> -> memref<1x1x32x128xf32, #tpu.memory_space<vmem>>
        %dma_start3A_1965 = tpu.memref_squeeze %dma_start3A_1964 : memref<1x1x32x128xf32, #tpu.memory_space<vmem>> -> memref<32x128xf32, #tpu.memory_space<vmem>>
        %dma_start3A_1966 = arith.constant 0 : i32
        %dma_start3A_1967 = tpu.memref_slice %arg4[%dma_start3A_1966, %multiple_of3A_1946] : memref<32x1000000xf32, #tpu.memory_space<hbm>> -> memref<32x128xf32, #tpu.memory_space<hbm>>
        tpu.enqueue_dma source(%dma_start3A_1967 : memref<32x128xf32, #tpu.memory_space<hbm>>) target(%dma_start3A_1965 : memref<32x128xf32, #tpu.memory_space<vmem>>) target_semaphore(%arg15 : memref<!tpu.dma_semaphore, #tpu.memory_space<semaphore_mem>>)
        %dma_start3A_1968 = arith.constant 2 : i32
        %dma_start3A_1969 = arith.constant 1 : i32
        %dma_start3A_1970 = arith.constant 0 : i32
        %dma_start3A_1971 = arith.constant 0 : i32
        %dma_start3A_1972 = tpu.memref_slice %arg10[%dma_start3A_1968, %dma_start3A_1969, %dma_start3A_1970, %dma_start3A_1971] : memref<4x2x32x128xf32, #tpu.memory_space<vmem>> -> memref<1x1x32x128xf32, #tpu.memory_space<vmem>>
        %dma_start3A_1973 = tpu.memref_squeeze %dma_start3A_1972 : memref<1x1x32x128xf32, #tpu.memory_space<vmem>> -> memref<32x128xf32, #tpu.memory_space<vmem>>
        %dma_start3A_1974 = arith.constant 0 : i32
        %dma_start3A_1975 = tpu.memref_slice %arg5[%dma_start3A_1974, %multiple_of3A_1953] : memref<32x1000000xf32, #tpu.memory_space<hbm>> -> memref<32x128xf32, #tpu.memory_space<hbm>>
        %dma_start3A_1976 = arith.constant 0 : i32
        %dma_start3A_1977 = arith.constant 0 : i32
        %dma_start3A_1978 = tpu.memref_slice %arg10[%dma_start3A_1968, %dma_start3A_1969, %dma_start3A_1976, %dma_start3A_1977] : memref<4x2x32x128xf32, #tpu.memory_space<vmem>> -> memref<1x1x32x128xf32, #tpu.memory_space<vmem>>
        %dma_start3A_1979 = tpu.memref_squeeze %dma_start3A_1978 : memref<1x1x32x128xf32, #tpu.memory_space<vmem>> -> memref<32x128xf32, #tpu.memory_space<vmem>>
        %dma_start3A_1980 = arith.constant 0 : i32
        %dma_start3A_1981 = tpu.memref_slice %arg5[%dma_start3A_1980, %multiple_of3A_1953] : memref<32x1000000xf32, #tpu.memory_space<hbm>> -> memref<32x128xf32, #tpu.memory_space<hbm>>
        tpu.enqueue_dma source(%dma_start3A_1981 : memref<32x128xf32, #tpu.memory_space<hbm>>) target(%dma_start3A_1979 : memref<32x128xf32, #tpu.memory_space<vmem>>) target_semaphore(%arg19 : memref<!tpu.dma_semaphore, #tpu.memory_space<semaphore_mem>>)
      } else {
      }
      %dma_wait3A_1740 = arith.constant 3 : i32
      %dma_wait3A_1741 = arith.constant 0 : i32
      %dma_wait3A_1742 = arith.constant 0 : i32
      %dma_wait3A_1743 = arith.constant 0 : i32
      %dma_wait3A_1744 = tpu.memref_slice %arg9[%dma_wait3A_1740, %dma_wait3A_1741, %dma_wait3A_1742, %dma_wait3A_1743] : memref<4x2x32x128xf32, #tpu.memory_space<vmem>> -> memref<1x1x32x128xf32, #tpu.memory_space<vmem>>
      %dma_wait3A_1745 = tpu.memref_squeeze %dma_wait3A_1744 : memref<1x1x32x128xf32, #tpu.memory_space<vmem>> -> memref<32x128xf32, #tpu.memory_space<vmem>>
      %dma_wait3A_1746 = arith.constant 0 : i32
      %dma_wait3A_1747 = arith.constant 0 : i32
      %dma_wait3A_1748 = tpu.memref_slice %arg4[%dma_wait3A_1746, %dma_wait3A_1747] : memref<32x1000000xf32, #tpu.memory_space<hbm>> -> memref<32x128xf32, #tpu.memory_space<hbm>>
      %dma_wait3A_1749 = arith.constant 0 : i32
      %dma_wait3A_1750 = arith.constant 0 : i32
      %dma_wait3A_1751 = tpu.memref_slice %arg9[%dma_wait3A_1740, %dma_wait3A_1741, %dma_wait3A_1749, %dma_wait3A_1750] : memref<4x2x32x128xf32, #tpu.memory_space<vmem>> -> memref<1x1x32x128xf32, #tpu.memory_space<vmem>>
      %dma_wait3A_1752 = tpu.memref_squeeze %dma_wait3A_1751 : memref<1x1x32x128xf32, #tpu.memory_space<vmem>> -> memref<32x128xf32, #tpu.memory_space<vmem>>
      %dma_wait3A_1753 = arith.constant 0 : i32
      %dma_wait3A_1754 = arith.constant 0 : i32
      %dma_wait3A_1755 = tpu.memref_slice %arg4[%dma_wait3A_1753, %dma_wait3A_1754] : memref<32x1000000xf32, #tpu.memory_space<hbm>> -> memref<32x128xf32, #tpu.memory_space<hbm>>
      tpu.wait_dma2 semaphore(%arg16 : memref<!tpu.dma_semaphore, #tpu.memory_space<semaphore_mem>>) src(%dma_wait3A_1755 : memref<32x128xf32, #tpu.memory_space<hbm>>) dst(%dma_wait3A_1752 : memref<32x128xf32, #tpu.memory_space<vmem>>)
      %dma_wait3A_1756 = arith.constant 3 : i32
      %dma_wait3A_1757 = arith.constant 0 : i32
      %dma_wait3A_1758 = arith.constant 0 : i32
      %dma_wait3A_1759 = arith.constant 0 : i32
      %dma_wait3A_1760 = tpu.memref_slice %arg10[%dma_wait3A_1756, %dma_wait3A_1757, %dma_wait3A_1758, %dma_wait3A_1759] : memref<4x2x32x128xf32, #tpu.memory_space<vmem>> -> memref<1x1x32x128xf32, #tpu.memory_space<vmem>>
      %dma_wait3A_1761 = tpu.memref_squeeze %dma_wait3A_1760 : memref<1x1x32x128xf32, #tpu.memory_space<vmem>> -> memref<32x128xf32, #tpu.memory_space<vmem>>
      %dma_wait3A_1762 = arith.constant 0 : i32
      %dma_wait3A_1763 = arith.constant 0 : i32
      %dma_wait3A_1764 = tpu.memref_slice %arg5[%dma_wait3A_1762, %dma_wait3A_1763] : memref<32x1000000xf32, #tpu.memory_space<hbm>> -> memref<32x128xf32, #tpu.memory_space<hbm>>
      %dma_wait3A_1765 = arith.constant 0 : i32
      %dma_wait3A_1766 = arith.constant 0 : i32
      %dma_wait3A_1767 = tpu.memref_slice %arg10[%dma_wait3A_1756, %dma_wait3A_1757, %dma_wait3A_1765, %dma_wait3A_1766] : memref<4x2x32x128xf32, #tpu.memory_space<vmem>> -> memref<1x1x32x128xf32, #tpu.memory_space<vmem>>
      %dma_wait3A_1768 = tpu.memref_squeeze %dma_wait3A_1767 : memref<1x1x32x128xf32, #tpu.memory_space<vmem>> -> memref<32x128xf32, #tpu.memory_space<vmem>>
      %dma_wait3A_1769 = arith.constant 0 : i32
      %dma_wait3A_1770 = arith.constant 0 : i32
      %dma_wait3A_1771 = tpu.memref_slice %arg5[%dma_wait3A_1769, %dma_wait3A_1770] : memref<32x1000000xf32, #tpu.memory_space<hbm>> -> memref<32x128xf32, #tpu.memory_space<hbm>>
      tpu.wait_dma2 semaphore(%arg20 : memref<!tpu.dma_semaphore, #tpu.memory_space<semaphore_mem>>) src(%dma_wait3A_1771 : memref<32x128xf32, #tpu.memory_space<hbm>>) dst(%dma_wait3A_1768 : memref<32x128xf32, #tpu.memory_space<vmem>>)
      %dma_wait3A_1772 = arith.constant 3 : i32
      %dma_wait3A_1773 = arith.constant 1 : i32
      %dma_wait3A_1774 = arith.constant 0 : i32
      %dma_wait3A_1775 = arith.constant 0 : i32
      %dma_wait3A_1776 = tpu.memref_slice %arg9[%dma_wait3A_1772, %dma_wait3A_1773, %dma_wait3A_1774, %dma_wait3A_1775] : memref<4x2x32x128xf32, #tpu.memory_space<vmem>> -> memref<1x1x32x128xf32, #tpu.memory_space<vmem>>
      %dma_wait3A_1777 = tpu.memref_squeeze %dma_wait3A_1776 : memref<1x1x32x128xf32, #tpu.memory_space<vmem>> -> memref<32x128xf32, #tpu.memory_space<vmem>>
      %dma_wait3A_1778 = arith.constant 0 : i32
      %dma_wait3A_1779 = arith.constant 0 : i32
      %dma_wait3A_1780 = tpu.memref_slice %arg4[%dma_wait3A_1778, %dma_wait3A_1779] : memref<32x1000000xf32, #tpu.memory_space<hbm>> -> memref<32x128xf32, #tpu.memory_space<hbm>>
      %dma_wait3A_1781 = arith.constant 0 : i32
      %dma_wait3A_1782 = arith.constant 0 : i32
      %dma_wait3A_1783 = tpu.memref_slice %arg9[%dma_wait3A_1772, %dma_wait3A_1773, %dma_wait3A_1781, %dma_wait3A_1782] : memref<4x2x32x128xf32, #tpu.memory_space<vmem>> -> memref<1x1x32x128xf32, #tpu.memory_space<vmem>>
      %dma_wait3A_1784 = tpu.memref_squeeze %dma_wait3A_1783 : memref<1x1x32x128xf32, #tpu.memory_space<vmem>> -> memref<32x128xf32, #tpu.memory_space<vmem>>
      %dma_wait3A_1785 = arith.constant 0 : i32
      %dma_wait3A_1786 = arith.constant 0 : i32
      %dma_wait3A_1787 = tpu.memref_slice %arg4[%dma_wait3A_1785, %dma_wait3A_1786] : memref<32x1000000xf32, #tpu.memory_space<hbm>> -> memref<32x128xf32, #tpu.memory_space<hbm>>
      tpu.wait_dma2 semaphore(%arg16 : memref<!tpu.dma_semaphore, #tpu.memory_space<semaphore_mem>>) src(%dma_wait3A_1787 : memref<32x128xf32, #tpu.memory_space<hbm>>) dst(%dma_wait3A_1784 : memref<32x128xf32, #tpu.memory_space<vmem>>)
      %dma_wait3A_1788 = arith.constant 3 : i32
      %dma_wait3A_1789 = arith.constant 1 : i32
      %dma_wait3A_1790 = arith.constant 0 : i32
      %dma_wait3A_1791 = arith.constant 0 : i32
      %dma_wait3A_1792 = tpu.memref_slice %arg10[%dma_wait3A_1788, %dma_wait3A_1789, %dma_wait3A_1790, %dma_wait3A_1791] : memref<4x2x32x128xf32, #tpu.memory_space<vmem>> -> memref<1x1x32x128xf32, #tpu.memory_space<vmem>>
      %dma_wait3A_1793 = tpu.memref_squeeze %dma_wait3A_1792 : memref<1x1x32x128xf32, #tpu.memory_space<vmem>> -> memref<32x128xf32, #tpu.memory_space<vmem>>
      %dma_wait3A_1794 = arith.constant 0 : i32
      %dma_wait3A_1795 = arith.constant 0 : i32
      %dma_wait3A_1796 = tpu.memref_slice %arg5[%dma_wait3A_1794, %dma_wait3A_1795] : memref<32x1000000xf32, #tpu.memory_space<hbm>> -> memref<32x128xf32, #tpu.memory_space<hbm>>
      %dma_wait3A_1797 = arith.constant 0 : i32
      %dma_wait3A_1798 = arith.constant 0 : i32
      %dma_wait3A_1799 = tpu.memref_slice %arg10[%dma_wait3A_1788, %dma_wait3A_1789, %dma_wait3A_1797, %dma_wait3A_1798] : memref<4x2x32x128xf32, #tpu.memory_space<vmem>> -> memref<1x1x32x128xf32, #tpu.memory_space<vmem>>
      %dma_wait3A_1800 = tpu.memref_squeeze %dma_wait3A_1799 : memref<1x1x32x128xf32, #tpu.memory_space<vmem>> -> memref<32x128xf32, #tpu.memory_space<vmem>>
      %dma_wait3A_1801 = arith.constant 0 : i32
      %dma_wait3A_1802 = arith.constant 0 : i32
      %dma_wait3A_1803 = tpu.memref_slice %arg5[%dma_wait3A_1801, %dma_wait3A_1802] : memref<32x1000000xf32, #tpu.memory_space<hbm>> -> memref<32x128xf32, #tpu.memory_space<hbm>>
      tpu.wait_dma2 semaphore(%arg20 : memref<!tpu.dma_semaphore, #tpu.memory_space<semaphore_mem>>) src(%dma_wait3A_1803 : memref<32x128xf32, #tpu.memory_space<hbm>>) dst(%dma_wait3A_1800 : memref<32x128xf32, #tpu.memory_space<vmem>>)
      %slice3A_1804 = vector.extract_strided_slice %get3A_280 {offsets = [14], sizes = [1], strides = [1]} : vector<16xi32> to vector<1xi32>
      %squeeze3A_1805 = vector.extract %slice3A_1804[0] : i32 from vector<1xi32>
      %and3A_1806 = arith.constant 127 : i32
      %and3A_1807 = arith.andi %squeeze3A_1805, %and3A_1806 : i32
      %broadcast_in_dim3A_1808 = vector.broadcast %and3A_1807 : i32 to vector<16xi32>
      %slice3A_1809 = vector.extract_strided_slice %get3A_282 {offsets = [14], sizes = [1], strides = [1]} : vector<16xi32> to vector<1xi32>
      %squeeze3A_1810 = vector.extract %slice3A_1809[0] : i32 from vector<1xi32>
      %and3A_1811 = arith.constant 127 : i32
      %and3A_1812 = arith.andi %squeeze3A_1810, %and3A_1811 : i32
      %broadcast_in_dim3A_1813 = vector.broadcast %and3A_1812 : i32 to vector<16xi32>
      %add3A_1814 = arith.constant 14 : i32
      %add3A_1815 = arith.addi %mul3A_278, %add3A_1814 : i32
      %broadcast_in_dim3A_1816 = vector.broadcast %add3A_1815 : i32 to vector<16xi32>
      %gather3A_1817 = arith.constant 3 : i32
      %gather3A_1818 = arith.constant 0 : i32
      %gather3A_1819 = arith.constant 0 : i32
      %gather3A_1820 = arith.constant 0 : i32
      %gather3A_1821 = tpu.memref_slice %arg9[%gather3A_1817, %gather3A_1818, %gather3A_1819, %gather3A_1820] : memref<4x2x32x128xf32, #tpu.memory_space<vmem>> -> memref<1x1x32x128xf32, #tpu.memory_space<vmem>>
      %gather3A_1822 = tpu.memref_squeeze %gather3A_1821 : memref<1x1x32x128xf32, #tpu.memory_space<vmem>> -> memref<32x128xf32, #tpu.memory_space<vmem>>
      %gather3A_1823 = tpu.vector_load_idx %gather3A_1822[%iota3A, %broadcast_in_dim3A_1808] : memref<32x128xf32, #tpu.memory_space<vmem>>[vector<16xi32>, vector<16xi32>], vector<16xf32>,
      %gather3A_1824 = arith.constant 3 : i32
      %gather3A_1825 = arith.constant 0 : i32
      %gather3A_1826 = arith.constant 0 : i32
      %gather3A_1827 = arith.constant 0 : i32
      %gather3A_1828 = tpu.memref_slice %arg9[%gather3A_1824, %gather3A_1825, %gather3A_1826, %gather3A_1827] : memref<4x2x32x128xf32, #tpu.memory_space<vmem>> -> memref<1x1x32x128xf32, #tpu.memory_space<vmem>>
      %gather3A_1829 = tpu.memref_squeeze %gather3A_1828 : memref<1x1x32x128xf32, #tpu.memory_space<vmem>> -> memref<32x128xf32, #tpu.memory_space<vmem>>
      %gather3A_1830 = tpu.vector_load_idx %gather3A_1829[%add3A_5, %broadcast_in_dim3A_1808] : memref<32x128xf32, #tpu.memory_space<vmem>>[vector<16xi32>, vector<16xi32>], vector<16xf32>,
      tpu.vector_store_idx %arg11[%iota3A, %broadcast_in_dim3A_1816], %gather3A_1823 : memref<32x384xf32, #tpu.memory_space<vmem>>[vector<16xi32>, vector<16xi32>], vector<16xf32>,
      tpu.vector_store_idx %arg11[%add3A_5, %broadcast_in_dim3A_1816], %gather3A_1830 : memref<32x384xf32, #tpu.memory_space<vmem>>[vector<16xi32>, vector<16xi32>], vector<16xf32>,
      %gather3A_1831 = arith.constant 3 : i32
      %gather3A_1832 = arith.constant 0 : i32
      %gather3A_1833 = arith.constant 0 : i32
      %gather3A_1834 = arith.constant 0 : i32
      %gather3A_1835 = tpu.memref_slice %arg10[%gather3A_1831, %gather3A_1832, %gather3A_1833, %gather3A_1834] : memref<4x2x32x128xf32, #tpu.memory_space<vmem>> -> memref<1x1x32x128xf32, #tpu.memory_space<vmem>>
      %gather3A_1836 = tpu.memref_squeeze %gather3A_1835 : memref<1x1x32x128xf32, #tpu.memory_space<vmem>> -> memref<32x128xf32, #tpu.memory_space<vmem>>
      %gather3A_1837 = tpu.vector_load_idx %gather3A_1836[%iota3A, %broadcast_in_dim3A_1813] : memref<32x128xf32, #tpu.memory_space<vmem>>[vector<16xi32>, vector<16xi32>], vector<16xf32>,
      %gather3A_1838 = arith.constant 3 : i32
      %gather3A_1839 = arith.constant 0 : i32
      %gather3A_1840 = arith.constant 0 : i32
      %gather3A_1841 = arith.constant 0 : i32
      %gather3A_1842 = tpu.memref_slice %arg10[%gather3A_1838, %gather3A_1839, %gather3A_1840, %gather3A_1841] : memref<4x2x32x128xf32, #tpu.memory_space<vmem>> -> memref<1x1x32x128xf32, #tpu.memory_space<vmem>>
      %gather3A_1843 = tpu.memref_squeeze %gather3A_1842 : memref<1x1x32x128xf32, #tpu.memory_space<vmem>> -> memref<32x128xf32, #tpu.memory_space<vmem>>
      %gather3A_1844 = tpu.vector_load_idx %gather3A_1843[%add3A_5, %broadcast_in_dim3A_1813] : memref<32x128xf32, #tpu.memory_space<vmem>>[vector<16xi32>, vector<16xi32>], vector<16xf32>,
      tpu.vector_store_idx %arg12[%iota3A, %broadcast_in_dim3A_1816], %gather3A_1837 : memref<32x384xf32, #tpu.memory_space<vmem>>[vector<16xi32>, vector<16xi32>], vector<16xf32>,
      tpu.vector_store_idx %arg12[%add3A_5, %broadcast_in_dim3A_1816], %gather3A_1844 : memref<32x384xf32, #tpu.memory_space<vmem>>[vector<16xi32>, vector<16xi32>], vector<16xf32>,
      %slice3A_1845 = vector.extract_strided_slice %get3A_280 {offsets = [15], sizes = [1], strides = [1]} : vector<16xi32> to vector<1xi32>
      %squeeze3A_1846 = vector.extract %slice3A_1845[0] : i32 from vector<1xi32>
      %and3A_1847 = arith.constant 127 : i32
      %and3A_1848 = arith.andi %squeeze3A_1846, %and3A_1847 : i32
      %broadcast_in_dim3A_1849 = vector.broadcast %and3A_1848 : i32 to vector<16xi32>
      %slice3A_1850 = vector.extract_strided_slice %get3A_282 {offsets = [15], sizes = [1], strides = [1]} : vector<16xi32> to vector<1xi32>
      %squeeze3A_1851 = vector.extract %slice3A_1850[0] : i32 from vector<1xi32>
      %and3A_1852 = arith.constant 127 : i32
      %and3A_1853 = arith.andi %squeeze3A_1851, %and3A_1852 : i32
      %broadcast_in_dim3A_1854 = vector.broadcast %and3A_1853 : i32 to vector<16xi32>
      %add3A_1855 = arith.constant 15 : i32
      %add3A_1856 = arith.addi %mul3A_278, %add3A_1855 : i32
      %broadcast_in_dim3A_1857 = vector.broadcast %add3A_1856 : i32 to vector<16xi32>
      %gather3A_1858 = arith.constant 3 : i32
      %gather3A_1859 = arith.constant 1 : i32
      %gather3A_1860 = arith.constant 0 : i32
      %gather3A_1861 = arith.constant 0 : i32
      %gather3A_1862 = tpu.memref_slice %arg9[%gather3A_1858, %gather3A_1859, %gather3A_1860, %gather3A_1861] : memref<4x2x32x128xf32, #tpu.memory_space<vmem>> -> memref<1x1x32x128xf32, #tpu.memory_space<vmem>>
      %gather3A_1863 = tpu.memref_squeeze %gather3A_1862 : memref<1x1x32x128xf32, #tpu.memory_space<vmem>> -> memref<32x128xf32, #tpu.memory_space<vmem>>
      %gather3A_1864 = tpu.vector_load_idx %gather3A_1863[%iota3A, %broadcast_in_dim3A_1849] : memref<32x128xf32, #tpu.memory_space<vmem>>[vector<16xi32>, vector<16xi32>], vector<16xf32>,
      %gather3A_1865 = arith.constant 3 : i32
      %gather3A_1866 = arith.constant 1 : i32
      %gather3A_1867 = arith.constant 0 : i32
      %gather3A_1868 = arith.constant 0 : i32
      %gather3A_1869 = tpu.memref_slice %arg9[%gather3A_1865, %gather3A_1866, %gather3A_1867, %gather3A_1868] : memref<4x2x32x128xf32, #tpu.memory_space<vmem>> -> memref<1x1x32x128xf32, #tpu.memory_space<vmem>>
      %gather3A_1870 = tpu.memref_squeeze %gather3A_1869 : memref<1x1x32x128xf32, #tpu.memory_space<vmem>> -> memref<32x128xf32, #tpu.memory_space<vmem>>
      %gather3A_1871 = tpu.vector_load_idx %gather3A_1870[%add3A_5, %broadcast_in_dim3A_1849] : memref<32x128xf32, #tpu.memory_space<vmem>>[vector<16xi32>, vector<16xi32>], vector<16xf32>,
      tpu.vector_store_idx %arg11[%iota3A, %broadcast_in_dim3A_1857], %gather3A_1864 : memref<32x384xf32, #tpu.memory_space<vmem>>[vector<16xi32>, vector<16xi32>], vector<16xf32>,
      tpu.vector_store_idx %arg11[%add3A_5, %broadcast_in_dim3A_1857], %gather3A_1871 : memref<32x384xf32, #tpu.memory_space<vmem>>[vector<16xi32>, vector<16xi32>], vector<16xf32>,
      %gather3A_1872 = arith.constant 3 : i32
      %gather3A_1873 = arith.constant 1 : i32
      %gather3A_1874 = arith.constant 0 : i32
      %gather3A_1875 = arith.constant 0 : i32
      %gather3A_1876 = tpu.memref_slice %arg10[%gather3A_1872, %gather3A_1873, %gather3A_1874, %gather3A_1875] : memref<4x2x32x128xf32, #tpu.memory_space<vmem>> -> memref<1x1x32x128xf32, #tpu.memory_space<vmem>>
      %gather3A_1877 = tpu.memref_squeeze %gather3A_1876 : memref<1x1x32x128xf32, #tpu.memory_space<vmem>> -> memref<32x128xf32, #tpu.memory_space<vmem>>
      %gather3A_1878 = tpu.vector_load_idx %gather3A_1877[%iota3A, %broadcast_in_dim3A_1854] : memref<32x128xf32, #tpu.memory_space<vmem>>[vector<16xi32>, vector<16xi32>], vector<16xf32>,
      %gather3A_1879 = arith.constant 3 : i32
      %gather3A_1880 = arith.constant 1 : i32
      %gather3A_1881 = arith.constant 0 : i32
      %gather3A_1882 = arith.constant 0 : i32
      %gather3A_1883 = tpu.memref_slice %arg10[%gather3A_1879, %gather3A_1880, %gather3A_1881, %gather3A_1882] : memref<4x2x32x128xf32, #tpu.memory_space<vmem>> -> memref<1x1x32x128xf32, #tpu.memory_space<vmem>>
      %gather3A_1884 = tpu.memref_squeeze %gather3A_1883 : memref<1x1x32x128xf32, #tpu.memory_space<vmem>> -> memref<32x128xf32, #tpu.memory_space<vmem>>
      %gather3A_1885 = tpu.vector_load_idx %gather3A_1884[%add3A_5, %broadcast_in_dim3A_1854] : memref<32x128xf32, #tpu.memory_space<vmem>>[vector<16xi32>, vector<16xi32>], vector<16xf32>,
      tpu.vector_store_idx %arg12[%iota3A, %broadcast_in_dim3A_1857], %gather3A_1878 : memref<32x384xf32, #tpu.memory_space<vmem>>[vector<16xi32>, vector<16xi32>], vector<16xf32>,
      tpu.vector_store_idx %arg12[%add3A_5, %broadcast_in_dim3A_1857], %gather3A_1885 : memref<32x384xf32, #tpu.memory_space<vmem>>[vector<16xi32>, vector<16xi32>], vector<16xf32>,
    }
    %scan3A_260 = arith.constant 24 : i32
    %dma_start3A_261 = arith.constant 0 : i32
    %dma_start3A_262 = tpu.memref_slice %arg6[%dma_start3A_261, %mul3A_2] : memref<64x12288xf32, #tpu.memory_space<hbm>> -> memref<32x384xf32, #tpu.memory_space<hbm>>
    %dma_start3A_263 = arith.constant 0 : i32
    %dma_start3A_264 = tpu.memref_slice %arg6[%dma_start3A_263, %mul3A_2] : memref<64x12288xf32, #tpu.memory_space<hbm>> -> memref<32x384xf32, #tpu.memory_space<hbm>>
    tpu.enqueue_dma source(%arg11 : memref<32x384xf32, #tpu.memory_space<vmem>>) target(%dma_start3A_264 : memref<32x384xf32, #tpu.memory_space<hbm>>) target_semaphore(%arg21 : memref<!tpu.dma_semaphore, #tpu.memory_space<semaphore_mem>>)
    %dma_wait3A = arith.constant 0 : i32
    %dma_wait3A_265 = tpu.memref_slice %arg6[%dma_wait3A, %mul3A_2] : memref<64x12288xf32, #tpu.memory_space<hbm>> -> memref<32x384xf32, #tpu.memory_space<hbm>>
    %dma_wait3A_266 = arith.constant 0 : i32
    %dma_wait3A_267 = tpu.memref_slice %arg6[%dma_wait3A_266, %mul3A_2] : memref<64x12288xf32, #tpu.memory_space<hbm>> -> memref<32x384xf32, #tpu.memory_space<hbm>>
    tpu.wait_dma2 semaphore(%arg21 : memref<!tpu.dma_semaphore, #tpu.memory_space<semaphore_mem>>) src(%arg11 : memref<32x384xf32, #tpu.memory_space<vmem>>) dst(%dma_wait3A_267 : memref<32x384xf32, #tpu.memory_space<hbm>>)
    %dma_start3A_268 = arith.constant 32 : i32
    %dma_start3A_269 = tpu.memref_slice %arg6[%dma_start3A_268, %mul3A_2] : memref<64x12288xf32, #tpu.memory_space<hbm>> -> memref<32x384xf32, #tpu.memory_space<hbm>>
    %dma_start3A_270 = arith.constant 32 : i32
    %dma_start3A_271 = tpu.memref_slice %arg6[%dma_start3A_270, %mul3A_2] : memref<64x12288xf32, #tpu.memory_space<hbm>> -> memref<32x384xf32, #tpu.memory_space<hbm>>
    tpu.enqueue_dma source(%arg12 : memref<32x384xf32, #tpu.memory_space<vmem>>) target(%dma_start3A_271 : memref<32x384xf32, #tpu.memory_space<hbm>>) target_semaphore(%arg21 : memref<!tpu.dma_semaphore, #tpu.memory_space<semaphore_mem>>)
    %dma_wait3A_272 = arith.constant 32 : i32
    %dma_wait3A_273 = tpu.memref_slice %arg6[%dma_wait3A_272, %mul3A_2] : memref<64x12288xf32, #tpu.memory_space<hbm>> -> memref<32x384xf32, #tpu.memory_space<hbm>>
    %dma_wait3A_274 = arith.constant 32 : i32
    %dma_wait3A_275 = tpu.memref_slice %arg6[%dma_wait3A_274, %mul3A_2] : memref<64x12288xf32, #tpu.memory_space<hbm>> -> memref<32x384xf32, #tpu.memory_space<hbm>>
    tpu.wait_dma2 semaphore(%arg21 : memref<!tpu.dma_semaphore, #tpu.memory_space<semaphore_mem>>) src(%arg12 : memref<32x384xf32, #tpu.memory_space<vmem>>) dst(%dma_wait3A_275 : memref<32x384xf32, #tpu.memory_space<hbm>>)
    return
  }
}

module attributes {stable_mosaic.version = 14 : i64} {
  func.func @body(%arg0: i32, %arg1: memref<4096xi32, #tpu.memory_space<smem>>, %arg2: memref<4096xi32, #tpu.memory_space<smem>>, %arg3: memref<32x128xf32, #tpu.memory_space<vmem>>, %arg4: memref<32x128xf32, #tpu.memory_space<vmem>>, %arg5: memref<32x128xf32, #tpu.memory_space<vmem>>, %arg6: memref<32x128xf32, #tpu.memory_space<vmem>>, %arg7: memref<32x128xf32, #tpu.memory_space<vmem>>, %arg8: memref<32x128xf32, #tpu.memory_space<vmem>>, %arg9: memref<32x128xf32, #tpu.memory_space<vmem>>, %arg10: memref<32x128xf32, #tpu.memory_space<vmem>>, %arg11: memref<32x128xf32, #tpu.memory_space<vmem>>, %arg12: memref<32x128xf32, #tpu.memory_space<vmem>>, %arg13: memref<32x128xf32, #tpu.memory_space<vmem>>, %arg14: memref<32x128xf32, #tpu.memory_space<vmem>>, %arg15: memref<32x128xf32, #tpu.memory_space<vmem>>, %arg16: memref<32x128xf32, #tpu.memory_space<vmem>>, %arg17: memref<32x128xf32, #tpu.memory_space<vmem>>, %arg18: memref<32x128xf32, #tpu.memory_space<vmem>>, %arg19: memref<64x128xf32, #tpu.memory_space<vmem>>) attributes {dimension_semantics = [#tpu.dimension_semantics<arbitrary>], iteration_bounds = array<i64: 512>, scalar_prefetch = 2 : i64, scratch_operands = 0 : i64, tpu.core_type = #tpu.core_type<tc>, window_params = [{transform_indices = @transform_0, window_bounds = array<i64: 32, 128>}, {transform_indices = @transform_1, window_bounds = array<i64: 32, 128>}, {transform_indices = @transform_2, window_bounds = array<i64: 32, 128>}, {transform_indices = @transform_3, window_bounds = array<i64: 32, 128>}, {transform_indices = @transform_4, window_bounds = array<i64: 32, 128>}, {transform_indices = @transform_5, window_bounds = array<i64: 32, 128>}, {transform_indices = @transform_6, window_bounds = array<i64: 32, 128>}, {transform_indices = @transform_7, window_bounds = array<i64: 32, 128>}, {transform_indices = @transform_8, window_bounds = array<i64: 32, 128>}, {transform_indices = @transform_9, window_bounds = array<i64: 32, 128>}, {transform_indices = @transform_10, window_bounds = array<i64: 32, 128>}, {transform_indices = @transform_11, window_bounds = array<i64: 32, 128>}, {transform_indices = @transform_12, window_bounds = array<i64: 32, 128>}, {transform_indices = @transform_13, window_bounds = array<i64: 32, 128>}, {transform_indices = @transform_14, window_bounds = array<i64: 32, 128>}, {transform_indices = @transform_15, window_bounds = array<i64: 32, 128>}, {transform_indices = @transform_16, window_bounds = array<i64: 64, 128>}]} {
    %iota3A = tpu.iota {dimensions = array<i32: 1>} : vector<32x128xi32>
    %get3A = arith.constant 0 : index
    %get3A_0 = arith.constant 0 : index
    %get3A_1 = vector.load %arg19[%get3A, %get3A_0] : memref<64x128xf32, #tpu.memory_space<vmem>>, vector<32x128xf32>
    %get3A_2 = arith.constant 32 : index
    %get3A_3 = arith.constant 0 : index
    %get3A_4 = vector.load %arg19[%get3A_2, %get3A_3] : memref<64x128xf32, #tpu.memory_space<vmem>>, vector<32x128xf32>
    %jit3A = arith.constant 16 : i32
    %eq3A = arith.constant 0 : i32
    %eq3A_5 = arith.cmpi eq, %jit3A, %eq3A : i32
    %jit3A_6 = arith.constant 1 : i32
    %select_n3A = arith.select %eq3A_5, %jit3A_6, %jit3A : i32
    %rem3A = arith.remsi %arg0, %select_n3A : i32
    %ne3A = arith.constant 0 : i32
    %ne3A_7 = arith.cmpi ne, %rem3A, %ne3A : i32
    %lt3A = arith.constant 0 : i32
    %lt3A_8 = arith.cmpi slt, %rem3A, %lt3A : i32
    %lt3A_9 = arith.constant 0 : i32
    %lt3A_10 = arith.cmpi slt, %select_n3A, %lt3A_9 : i32
    %ne3A_11 = arith.xori %lt3A_8, %lt3A_10 : i1
    %and3A = arith.andi %ne3A_11, %ne3A_7 : i1
    %add3A = arith.addi %rem3A, %select_n3A : i32
    %select_n3A_12 = arith.select %and3A, %add3A, %rem3A : i32
    %mul3A = arith.constant 8 : i32
    %mul3A_13 = arith.muli %select_n3A_12, %mul3A : i32
    %add3A_14 = arith.constant 0 : i32
    %add3A_15 = arith.addi %mul3A_13, %add3A_14 : i32
    %mul3A_16 = arith.constant 8 : i32
    %mul3A_17 = arith.muli %arg0, %mul3A_16 : i32
    %add3A_18 = arith.constant 0 : i32
    %add3A_19 = arith.addi %mul3A_17, %add3A_18 : i32
    %get3A_20 = arith.index_cast %add3A_19 : i32 to index
    %get3A_21 = memref.load %arg1[%get3A_20] : memref<4096xi32, #tpu.memory_space<smem>>
    %and3A_22 = arith.constant 127 : i32
    %and3A_23 = arith.andi %get3A_21, %and3A_22 : i32
    %mul3A_24 = arith.constant 8 : i32
    %mul3A_25 = arith.muli %arg0, %mul3A_24 : i32
    %add3A_26 = arith.constant 0 : i32
    %add3A_27 = arith.addi %mul3A_25, %add3A_26 : i32
    %get3A_28 = arith.index_cast %add3A_27 : i32 to index
    %get3A_29 = memref.load %arg2[%get3A_28] : memref<4096xi32, #tpu.memory_space<smem>>
    %and3A_30 = arith.constant 127 : i32
    %and3A_31 = arith.andi %get3A_29, %and3A_30 : i32
    %get3A_32 = arith.constant 0 : index
    %get3A_33 = arith.constant 0 : index
    %get3A_34 = vector.load %arg3[%get3A_32, %get3A_33] : memref<32x128xf32, #tpu.memory_space<vmem>>, vector<32x128xf32>
    %sub3A = arith.subi %add3A_15, %and3A_23 : i32
    %and3A_35 = arith.constant 127 : i32
    %and3A_36 = arith.andi %sub3A, %and3A_35 : i32
    %roll3A = tpu.dynamic_rotate %get3A_34 by %and3A_36 dim 1 : vector<32x128xf32>, i32 -> vector<32x128xf32>
    %get3A_37 = arith.constant 0 : index
    %get3A_38 = arith.constant 0 : index
    %get3A_39 = vector.load %arg11[%get3A_37, %get3A_38] : memref<32x128xf32, #tpu.memory_space<vmem>>, vector<32x128xf32>
    %sub3A_40 = arith.subi %add3A_15, %and3A_31 : i32
    %and3A_41 = arith.constant 127 : i32
    %and3A_42 = arith.andi %sub3A_40, %and3A_41 : i32
    %roll3A_43 = tpu.dynamic_rotate %get3A_39 by %and3A_42 dim 1 : vector<32x128xf32>, i32 -> vector<32x128xf32>
    %eq3A_44 = vector.broadcast %add3A_15 : i32 to vector<32x128xi32>
    %eq3A_45 = arith.cmpi eq, %iota3A, %eq3A_44 : vector<32x128xi32>
    %select_n3A_46 = arith.select %eq3A_45, %roll3A, %get3A_1 : vector<32x128xi1>, vector<32x128xf32>
    %select_n3A_47 = arith.select %eq3A_45, %roll3A_43, %get3A_4 : vector<32x128xi1>, vector<32x128xf32>
    %jit3A_48 = arith.constant 16 : i32
    %eq3A_49 = arith.constant 0 : i32
    %eq3A_50 = arith.cmpi eq, %jit3A_48, %eq3A_49 : i32
    %jit3A_51 = arith.constant 1 : i32
    %select_n3A_52 = arith.select %eq3A_50, %jit3A_51, %jit3A_48 : i32
    %rem3A_53 = arith.remsi %arg0, %select_n3A_52 : i32
    %ne3A_54 = arith.constant 0 : i32
    %ne3A_55 = arith.cmpi ne, %rem3A_53, %ne3A_54 : i32
    %lt3A_56 = arith.constant 0 : i32
    %lt3A_57 = arith.cmpi slt, %rem3A_53, %lt3A_56 : i32
    %lt3A_58 = arith.constant 0 : i32
    %lt3A_59 = arith.cmpi slt, %select_n3A_52, %lt3A_58 : i32
    %ne3A_60 = arith.xori %lt3A_57, %lt3A_59 : i1
    %and3A_61 = arith.andi %ne3A_60, %ne3A_55 : i1
    %add3A_62 = arith.addi %rem3A_53, %select_n3A_52 : i32
    %select_n3A_63 = arith.select %and3A_61, %add3A_62, %rem3A_53 : i32
    %mul3A_64 = arith.constant 8 : i32
    %mul3A_65 = arith.muli %select_n3A_63, %mul3A_64 : i32
    %add3A_66 = arith.constant 1 : i32
    %add3A_67 = arith.addi %mul3A_65, %add3A_66 : i32
    %mul3A_68 = arith.constant 8 : i32
    %mul3A_69 = arith.muli %arg0, %mul3A_68 : i32
    %add3A_70 = arith.constant 1 : i32
    %add3A_71 = arith.addi %mul3A_69, %add3A_70 : i32
    %get3A_72 = arith.index_cast %add3A_71 : i32 to index
    %get3A_73 = memref.load %arg1[%get3A_72] : memref<4096xi32, #tpu.memory_space<smem>>
    %and3A_74 = arith.constant 127 : i32
    %and3A_75 = arith.andi %get3A_73, %and3A_74 : i32
    %mul3A_76 = arith.constant 8 : i32
    %mul3A_77 = arith.muli %arg0, %mul3A_76 : i32
    %add3A_78 = arith.constant 1 : i32
    %add3A_79 = arith.addi %mul3A_77, %add3A_78 : i32
    %get3A_80 = arith.index_cast %add3A_79 : i32 to index
    %get3A_81 = memref.load %arg2[%get3A_80] : memref<4096xi32, #tpu.memory_space<smem>>
    %and3A_82 = arith.constant 127 : i32
    %and3A_83 = arith.andi %get3A_81, %and3A_82 : i32
    %get3A_84 = arith.constant 0 : index
    %get3A_85 = arith.constant 0 : index
    %get3A_86 = vector.load %arg4[%get3A_84, %get3A_85] : memref<32x128xf32, #tpu.memory_space<vmem>>, vector<32x128xf32>
    %sub3A_87 = arith.subi %add3A_67, %and3A_75 : i32
    %and3A_88 = arith.constant 127 : i32
    %and3A_89 = arith.andi %sub3A_87, %and3A_88 : i32
    %roll3A_90 = tpu.dynamic_rotate %get3A_86 by %and3A_89 dim 1 : vector<32x128xf32>, i32 -> vector<32x128xf32>
    %get3A_91 = arith.constant 0 : index
    %get3A_92 = arith.constant 0 : index
    %get3A_93 = vector.load %arg12[%get3A_91, %get3A_92] : memref<32x128xf32, #tpu.memory_space<vmem>>, vector<32x128xf32>
    %sub3A_94 = arith.subi %add3A_67, %and3A_83 : i32
    %and3A_95 = arith.constant 127 : i32
    %and3A_96 = arith.andi %sub3A_94, %and3A_95 : i32
    %roll3A_97 = tpu.dynamic_rotate %get3A_93 by %and3A_96 dim 1 : vector<32x128xf32>, i32 -> vector<32x128xf32>
    %eq3A_98 = vector.broadcast %add3A_67 : i32 to vector<32x128xi32>
    %eq3A_99 = arith.cmpi eq, %iota3A, %eq3A_98 : vector<32x128xi32>
    %select_n3A_100 = arith.select %eq3A_99, %roll3A_90, %select_n3A_46 : vector<32x128xi1>, vector<32x128xf32>
    %select_n3A_101 = arith.select %eq3A_99, %roll3A_97, %select_n3A_47 : vector<32x128xi1>, vector<32x128xf32>
    %jit3A_102 = arith.constant 16 : i32
    %eq3A_103 = arith.constant 0 : i32
    %eq3A_104 = arith.cmpi eq, %jit3A_102, %eq3A_103 : i32
    %jit3A_105 = arith.constant 1 : i32
    %select_n3A_106 = arith.select %eq3A_104, %jit3A_105, %jit3A_102 : i32
    %rem3A_107 = arith.remsi %arg0, %select_n3A_106 : i32
    %ne3A_108 = arith.constant 0 : i32
    %ne3A_109 = arith.cmpi ne, %rem3A_107, %ne3A_108 : i32
    %lt3A_110 = arith.constant 0 : i32
    %lt3A_111 = arith.cmpi slt, %rem3A_107, %lt3A_110 : i32
    %lt3A_112 = arith.constant 0 : i32
    %lt3A_113 = arith.cmpi slt, %select_n3A_106, %lt3A_112 : i32
    %ne3A_114 = arith.xori %lt3A_111, %lt3A_113 : i1
    %and3A_115 = arith.andi %ne3A_114, %ne3A_109 : i1
    %add3A_116 = arith.addi %rem3A_107, %select_n3A_106 : i32
    %select_n3A_117 = arith.select %and3A_115, %add3A_116, %rem3A_107 : i32
    %mul3A_118 = arith.constant 8 : i32
    %mul3A_119 = arith.muli %select_n3A_117, %mul3A_118 : i32
    %add3A_120 = arith.constant 2 : i32
    %add3A_121 = arith.addi %mul3A_119, %add3A_120 : i32
    %mul3A_122 = arith.constant 8 : i32
    %mul3A_123 = arith.muli %arg0, %mul3A_122 : i32
    %add3A_124 = arith.constant 2 : i32
    %add3A_125 = arith.addi %mul3A_123, %add3A_124 : i32
    %get3A_126 = arith.index_cast %add3A_125 : i32 to index
    %get3A_127 = memref.load %arg1[%get3A_126] : memref<4096xi32, #tpu.memory_space<smem>>
    %and3A_128 = arith.constant 127 : i32
    %and3A_129 = arith.andi %get3A_127, %and3A_128 : i32
    %mul3A_130 = arith.constant 8 : i32
    %mul3A_131 = arith.muli %arg0, %mul3A_130 : i32
    %add3A_132 = arith.constant 2 : i32
    %add3A_133 = arith.addi %mul3A_131, %add3A_132 : i32
    %get3A_134 = arith.index_cast %add3A_133 : i32 to index
    %get3A_135 = memref.load %arg2[%get3A_134] : memref<4096xi32, #tpu.memory_space<smem>>
    %and3A_136 = arith.constant 127 : i32
    %and3A_137 = arith.andi %get3A_135, %and3A_136 : i32
    %get3A_138 = arith.constant 0 : index
    %get3A_139 = arith.constant 0 : index
    %get3A_140 = vector.load %arg5[%get3A_138, %get3A_139] : memref<32x128xf32, #tpu.memory_space<vmem>>, vector<32x128xf32>
    %sub3A_141 = arith.subi %add3A_121, %and3A_129 : i32
    %and3A_142 = arith.constant 127 : i32
    %and3A_143 = arith.andi %sub3A_141, %and3A_142 : i32
    %roll3A_144 = tpu.dynamic_rotate %get3A_140 by %and3A_143 dim 1 : vector<32x128xf32>, i32 -> vector<32x128xf32>
    %get3A_145 = arith.constant 0 : index
    %get3A_146 = arith.constant 0 : index
    %get3A_147 = vector.load %arg13[%get3A_145, %get3A_146] : memref<32x128xf32, #tpu.memory_space<vmem>>, vector<32x128xf32>
    %sub3A_148 = arith.subi %add3A_121, %and3A_137 : i32
    %and3A_149 = arith.constant 127 : i32
    %and3A_150 = arith.andi %sub3A_148, %and3A_149 : i32
    %roll3A_151 = tpu.dynamic_rotate %get3A_147 by %and3A_150 dim 1 : vector<32x128xf32>, i32 -> vector<32x128xf32>
    %eq3A_152 = vector.broadcast %add3A_121 : i32 to vector<32x128xi32>
    %eq3A_153 = arith.cmpi eq, %iota3A, %eq3A_152 : vector<32x128xi32>
    %select_n3A_154 = arith.select %eq3A_153, %roll3A_144, %select_n3A_100 : vector<32x128xi1>, vector<32x128xf32>
    %select_n3A_155 = arith.select %eq3A_153, %roll3A_151, %select_n3A_101 : vector<32x128xi1>, vector<32x128xf32>
    %jit3A_156 = arith.constant 16 : i32
    %eq3A_157 = arith.constant 0 : i32
    %eq3A_158 = arith.cmpi eq, %jit3A_156, %eq3A_157 : i32
    %jit3A_159 = arith.constant 1 : i32
    %select_n3A_160 = arith.select %eq3A_158, %jit3A_159, %jit3A_156 : i32
    %rem3A_161 = arith.remsi %arg0, %select_n3A_160 : i32
    %ne3A_162 = arith.constant 0 : i32
    %ne3A_163 = arith.cmpi ne, %rem3A_161, %ne3A_162 : i32
    %lt3A_164 = arith.constant 0 : i32
    %lt3A_165 = arith.cmpi slt, %rem3A_161, %lt3A_164 : i32
    %lt3A_166 = arith.constant 0 : i32
    %lt3A_167 = arith.cmpi slt, %select_n3A_160, %lt3A_166 : i32
    %ne3A_168 = arith.xori %lt3A_165, %lt3A_167 : i1
    %and3A_169 = arith.andi %ne3A_168, %ne3A_163 : i1
    %add3A_170 = arith.addi %rem3A_161, %select_n3A_160 : i32
    %select_n3A_171 = arith.select %and3A_169, %add3A_170, %rem3A_161 : i32
    %mul3A_172 = arith.constant 8 : i32
    %mul3A_173 = arith.muli %select_n3A_171, %mul3A_172 : i32
    %add3A_174 = arith.constant 3 : i32
    %add3A_175 = arith.addi %mul3A_173, %add3A_174 : i32
    %mul3A_176 = arith.constant 8 : i32
    %mul3A_177 = arith.muli %arg0, %mul3A_176 : i32
    %add3A_178 = arith.constant 3 : i32
    %add3A_179 = arith.addi %mul3A_177, %add3A_178 : i32
    %get3A_180 = arith.index_cast %add3A_179 : i32 to index
    %get3A_181 = memref.load %arg1[%get3A_180] : memref<4096xi32, #tpu.memory_space<smem>>
    %and3A_182 = arith.constant 127 : i32
    %and3A_183 = arith.andi %get3A_181, %and3A_182 : i32
    %mul3A_184 = arith.constant 8 : i32
    %mul3A_185 = arith.muli %arg0, %mul3A_184 : i32
    %add3A_186 = arith.constant 3 : i32
    %add3A_187 = arith.addi %mul3A_185, %add3A_186 : i32
    %get3A_188 = arith.index_cast %add3A_187 : i32 to index
    %get3A_189 = memref.load %arg2[%get3A_188] : memref<4096xi32, #tpu.memory_space<smem>>
    %and3A_190 = arith.constant 127 : i32
    %and3A_191 = arith.andi %get3A_189, %and3A_190 : i32
    %get3A_192 = arith.constant 0 : index
    %get3A_193 = arith.constant 0 : index
    %get3A_194 = vector.load %arg6[%get3A_192, %get3A_193] : memref<32x128xf32, #tpu.memory_space<vmem>>, vector<32x128xf32>
    %sub3A_195 = arith.subi %add3A_175, %and3A_183 : i32
    %and3A_196 = arith.constant 127 : i32
    %and3A_197 = arith.andi %sub3A_195, %and3A_196 : i32
    %roll3A_198 = tpu.dynamic_rotate %get3A_194 by %and3A_197 dim 1 : vector<32x128xf32>, i32 -> vector<32x128xf32>
    %get3A_199 = arith.constant 0 : index
    %get3A_200 = arith.constant 0 : index
    %get3A_201 = vector.load %arg14[%get3A_199, %get3A_200] : memref<32x128xf32, #tpu.memory_space<vmem>>, vector<32x128xf32>
    %sub3A_202 = arith.subi %add3A_175, %and3A_191 : i32
    %and3A_203 = arith.constant 127 : i32
    %and3A_204 = arith.andi %sub3A_202, %and3A_203 : i32
    %roll3A_205 = tpu.dynamic_rotate %get3A_201 by %and3A_204 dim 1 : vector<32x128xf32>, i32 -> vector<32x128xf32>
    %eq3A_206 = vector.broadcast %add3A_175 : i32 to vector<32x128xi32>
    %eq3A_207 = arith.cmpi eq, %iota3A, %eq3A_206 : vector<32x128xi32>
    %select_n3A_208 = arith.select %eq3A_207, %roll3A_198, %select_n3A_154 : vector<32x128xi1>, vector<32x128xf32>
    %select_n3A_209 = arith.select %eq3A_207, %roll3A_205, %select_n3A_155 : vector<32x128xi1>, vector<32x128xf32>
    %jit3A_210 = arith.constant 16 : i32
    %eq3A_211 = arith.constant 0 : i32
    %eq3A_212 = arith.cmpi eq, %jit3A_210, %eq3A_211 : i32
    %jit3A_213 = arith.constant 1 : i32
    %select_n3A_214 = arith.select %eq3A_212, %jit3A_213, %jit3A_210 : i32
    %rem3A_215 = arith.remsi %arg0, %select_n3A_214 : i32
    %ne3A_216 = arith.constant 0 : i32
    %ne3A_217 = arith.cmpi ne, %rem3A_215, %ne3A_216 : i32
    %lt3A_218 = arith.constant 0 : i32
    %lt3A_219 = arith.cmpi slt, %rem3A_215, %lt3A_218 : i32
    %lt3A_220 = arith.constant 0 : i32
    %lt3A_221 = arith.cmpi slt, %select_n3A_214, %lt3A_220 : i32
    %ne3A_222 = arith.xori %lt3A_219, %lt3A_221 : i1
    %and3A_223 = arith.andi %ne3A_222, %ne3A_217 : i1
    %add3A_224 = arith.addi %rem3A_215, %select_n3A_214 : i32
    %select_n3A_225 = arith.select %and3A_223, %add3A_224, %rem3A_215 : i32
    %mul3A_226 = arith.constant 8 : i32
    %mul3A_227 = arith.muli %select_n3A_225, %mul3A_226 : i32
    %add3A_228 = arith.constant 4 : i32
    %add3A_229 = arith.addi %mul3A_227, %add3A_228 : i32
    %mul3A_230 = arith.constant 8 : i32
    %mul3A_231 = arith.muli %arg0, %mul3A_230 : i32
    %add3A_232 = arith.constant 4 : i32
    %add3A_233 = arith.addi %mul3A_231, %add3A_232 : i32
    %get3A_234 = arith.index_cast %add3A_233 : i32 to index
    %get3A_235 = memref.load %arg1[%get3A_234] : memref<4096xi32, #tpu.memory_space<smem>>
    %and3A_236 = arith.constant 127 : i32
    %and3A_237 = arith.andi %get3A_235, %and3A_236 : i32
    %mul3A_238 = arith.constant 8 : i32
    %mul3A_239 = arith.muli %arg0, %mul3A_238 : i32
    %add3A_240 = arith.constant 4 : i32
    %add3A_241 = arith.addi %mul3A_239, %add3A_240 : i32
    %get3A_242 = arith.index_cast %add3A_241 : i32 to index
    %get3A_243 = memref.load %arg2[%get3A_242] : memref<4096xi32, #tpu.memory_space<smem>>
    %and3A_244 = arith.constant 127 : i32
    %and3A_245 = arith.andi %get3A_243, %and3A_244 : i32
    %get3A_246 = arith.constant 0 : index
    %get3A_247 = arith.constant 0 : index
    %get3A_248 = vector.load %arg7[%get3A_246, %get3A_247] : memref<32x128xf32, #tpu.memory_space<vmem>>, vector<32x128xf32>
    %sub3A_249 = arith.subi %add3A_229, %and3A_237 : i32
    %and3A_250 = arith.constant 127 : i32
    %and3A_251 = arith.andi %sub3A_249, %and3A_250 : i32
    %roll3A_252 = tpu.dynamic_rotate %get3A_248 by %and3A_251 dim 1 : vector<32x128xf32>, i32 -> vector<32x128xf32>
    %get3A_253 = arith.constant 0 : index
    %get3A_254 = arith.constant 0 : index
    %get3A_255 = vector.load %arg15[%get3A_253, %get3A_254] : memref<32x128xf32, #tpu.memory_space<vmem>>, vector<32x128xf32>
    %sub3A_256 = arith.subi %add3A_229, %and3A_245 : i32
    %and3A_257 = arith.constant 127 : i32
    %and3A_258 = arith.andi %sub3A_256, %and3A_257 : i32
    %roll3A_259 = tpu.dynamic_rotate %get3A_255 by %and3A_258 dim 1 : vector<32x128xf32>, i32 -> vector<32x128xf32>
    %eq3A_260 = vector.broadcast %add3A_229 : i32 to vector<32x128xi32>
    %eq3A_261 = arith.cmpi eq, %iota3A, %eq3A_260 : vector<32x128xi32>
    %select_n3A_262 = arith.select %eq3A_261, %roll3A_252, %select_n3A_208 : vector<32x128xi1>, vector<32x128xf32>
    %select_n3A_263 = arith.select %eq3A_261, %roll3A_259, %select_n3A_209 : vector<32x128xi1>, vector<32x128xf32>
    %jit3A_264 = arith.constant 16 : i32
    %eq3A_265 = arith.constant 0 : i32
    %eq3A_266 = arith.cmpi eq, %jit3A_264, %eq3A_265 : i32
    %jit3A_267 = arith.constant 1 : i32
    %select_n3A_268 = arith.select %eq3A_266, %jit3A_267, %jit3A_264 : i32
    %rem3A_269 = arith.remsi %arg0, %select_n3A_268 : i32
    %ne3A_270 = arith.constant 0 : i32
    %ne3A_271 = arith.cmpi ne, %rem3A_269, %ne3A_270 : i32
    %lt3A_272 = arith.constant 0 : i32
    %lt3A_273 = arith.cmpi slt, %rem3A_269, %lt3A_272 : i32
    %lt3A_274 = arith.constant 0 : i32
    %lt3A_275 = arith.cmpi slt, %select_n3A_268, %lt3A_274 : i32
    %ne3A_276 = arith.xori %lt3A_273, %lt3A_275 : i1
    %and3A_277 = arith.andi %ne3A_276, %ne3A_271 : i1
    %add3A_278 = arith.addi %rem3A_269, %select_n3A_268 : i32
    %select_n3A_279 = arith.select %and3A_277, %add3A_278, %rem3A_269 : i32
    %mul3A_280 = arith.constant 8 : i32
    %mul3A_281 = arith.muli %select_n3A_279, %mul3A_280 : i32
    %add3A_282 = arith.constant 5 : i32
    %add3A_283 = arith.addi %mul3A_281, %add3A_282 : i32
    %mul3A_284 = arith.constant 8 : i32
    %mul3A_285 = arith.muli %arg0, %mul3A_284 : i32
    %add3A_286 = arith.constant 5 : i32
    %add3A_287 = arith.addi %mul3A_285, %add3A_286 : i32
    %get3A_288 = arith.index_cast %add3A_287 : i32 to index
    %get3A_289 = memref.load %arg1[%get3A_288] : memref<4096xi32, #tpu.memory_space<smem>>
    %and3A_290 = arith.constant 127 : i32
    %and3A_291 = arith.andi %get3A_289, %and3A_290 : i32
    %mul3A_292 = arith.constant 8 : i32
    %mul3A_293 = arith.muli %arg0, %mul3A_292 : i32
    %add3A_294 = arith.constant 5 : i32
    %add3A_295 = arith.addi %mul3A_293, %add3A_294 : i32
    %get3A_296 = arith.index_cast %add3A_295 : i32 to index
    %get3A_297 = memref.load %arg2[%get3A_296] : memref<4096xi32, #tpu.memory_space<smem>>
    %and3A_298 = arith.constant 127 : i32
    %and3A_299 = arith.andi %get3A_297, %and3A_298 : i32
    %get3A_300 = arith.constant 0 : index
    %get3A_301 = arith.constant 0 : index
    %get3A_302 = vector.load %arg8[%get3A_300, %get3A_301] : memref<32x128xf32, #tpu.memory_space<vmem>>, vector<32x128xf32>
    %sub3A_303 = arith.subi %add3A_283, %and3A_291 : i32
    %and3A_304 = arith.constant 127 : i32
    %and3A_305 = arith.andi %sub3A_303, %and3A_304 : i32
    %roll3A_306 = tpu.dynamic_rotate %get3A_302 by %and3A_305 dim 1 : vector<32x128xf32>, i32 -> vector<32x128xf32>
    %get3A_307 = arith.constant 0 : index
    %get3A_308 = arith.constant 0 : index
    %get3A_309 = vector.load %arg16[%get3A_307, %get3A_308] : memref<32x128xf32, #tpu.memory_space<vmem>>, vector<32x128xf32>
    %sub3A_310 = arith.subi %add3A_283, %and3A_299 : i32
    %and3A_311 = arith.constant 127 : i32
    %and3A_312 = arith.andi %sub3A_310, %and3A_311 : i32
    %roll3A_313 = tpu.dynamic_rotate %get3A_309 by %and3A_312 dim 1 : vector<32x128xf32>, i32 -> vector<32x128xf32>
    %eq3A_314 = vector.broadcast %add3A_283 : i32 to vector<32x128xi32>
    %eq3A_315 = arith.cmpi eq, %iota3A, %eq3A_314 : vector<32x128xi32>
    %select_n3A_316 = arith.select %eq3A_315, %roll3A_306, %select_n3A_262 : vector<32x128xi1>, vector<32x128xf32>
    %select_n3A_317 = arith.select %eq3A_315, %roll3A_313, %select_n3A_263 : vector<32x128xi1>, vector<32x128xf32>
    %jit3A_318 = arith.constant 16 : i32
    %eq3A_319 = arith.constant 0 : i32
    %eq3A_320 = arith.cmpi eq, %jit3A_318, %eq3A_319 : i32
    %jit3A_321 = arith.constant 1 : i32
    %select_n3A_322 = arith.select %eq3A_320, %jit3A_321, %jit3A_318 : i32
    %rem3A_323 = arith.remsi %arg0, %select_n3A_322 : i32
    %ne3A_324 = arith.constant 0 : i32
    %ne3A_325 = arith.cmpi ne, %rem3A_323, %ne3A_324 : i32
    %lt3A_326 = arith.constant 0 : i32
    %lt3A_327 = arith.cmpi slt, %rem3A_323, %lt3A_326 : i32
    %lt3A_328 = arith.constant 0 : i32
    %lt3A_329 = arith.cmpi slt, %select_n3A_322, %lt3A_328 : i32
    %ne3A_330 = arith.xori %lt3A_327, %lt3A_329 : i1
    %and3A_331 = arith.andi %ne3A_330, %ne3A_325 : i1
    %add3A_332 = arith.addi %rem3A_323, %select_n3A_322 : i32
    %select_n3A_333 = arith.select %and3A_331, %add3A_332, %rem3A_323 : i32
    %mul3A_334 = arith.constant 8 : i32
    %mul3A_335 = arith.muli %select_n3A_333, %mul3A_334 : i32
    %add3A_336 = arith.constant 6 : i32
    %add3A_337 = arith.addi %mul3A_335, %add3A_336 : i32
    %mul3A_338 = arith.constant 8 : i32
    %mul3A_339 = arith.muli %arg0, %mul3A_338 : i32
    %add3A_340 = arith.constant 6 : i32
    %add3A_341 = arith.addi %mul3A_339, %add3A_340 : i32
    %get3A_342 = arith.index_cast %add3A_341 : i32 to index
    %get3A_343 = memref.load %arg1[%get3A_342] : memref<4096xi32, #tpu.memory_space<smem>>
    %and3A_344 = arith.constant 127 : i32
    %and3A_345 = arith.andi %get3A_343, %and3A_344 : i32
    %mul3A_346 = arith.constant 8 : i32
    %mul3A_347 = arith.muli %arg0, %mul3A_346 : i32
    %add3A_348 = arith.constant 6 : i32
    %add3A_349 = arith.addi %mul3A_347, %add3A_348 : i32
    %get3A_350 = arith.index_cast %add3A_349 : i32 to index
    %get3A_351 = memref.load %arg2[%get3A_350] : memref<4096xi32, #tpu.memory_space<smem>>
    %and3A_352 = arith.constant 127 : i32
    %and3A_353 = arith.andi %get3A_351, %and3A_352 : i32
    %get3A_354 = arith.constant 0 : index
    %get3A_355 = arith.constant 0 : index
    %get3A_356 = vector.load %arg9[%get3A_354, %get3A_355] : memref<32x128xf32, #tpu.memory_space<vmem>>, vector<32x128xf32>
    %sub3A_357 = arith.subi %add3A_337, %and3A_345 : i32
    %and3A_358 = arith.constant 127 : i32
    %and3A_359 = arith.andi %sub3A_357, %and3A_358 : i32
    %roll3A_360 = tpu.dynamic_rotate %get3A_356 by %and3A_359 dim 1 : vector<32x128xf32>, i32 -> vector<32x128xf32>
    %get3A_361 = arith.constant 0 : index
    %get3A_362 = arith.constant 0 : index
    %get3A_363 = vector.load %arg17[%get3A_361, %get3A_362] : memref<32x128xf32, #tpu.memory_space<vmem>>, vector<32x128xf32>
    %sub3A_364 = arith.subi %add3A_337, %and3A_353 : i32
    %and3A_365 = arith.constant 127 : i32
    %and3A_366 = arith.andi %sub3A_364, %and3A_365 : i32
    %roll3A_367 = tpu.dynamic_rotate %get3A_363 by %and3A_366 dim 1 : vector<32x128xf32>, i32 -> vector<32x128xf32>
    %eq3A_368 = vector.broadcast %add3A_337 : i32 to vector<32x128xi32>
    %eq3A_369 = arith.cmpi eq, %iota3A, %eq3A_368 : vector<32x128xi32>
    %select_n3A_370 = arith.select %eq3A_369, %roll3A_360, %select_n3A_316 : vector<32x128xi1>, vector<32x128xf32>
    %select_n3A_371 = arith.select %eq3A_369, %roll3A_367, %select_n3A_317 : vector<32x128xi1>, vector<32x128xf32>
    %jit3A_372 = arith.constant 16 : i32
    %eq3A_373 = arith.constant 0 : i32
    %eq3A_374 = arith.cmpi eq, %jit3A_372, %eq3A_373 : i32
    %jit3A_375 = arith.constant 1 : i32
    %select_n3A_376 = arith.select %eq3A_374, %jit3A_375, %jit3A_372 : i32
    %rem3A_377 = arith.remsi %arg0, %select_n3A_376 : i32
    %ne3A_378 = arith.constant 0 : i32
    %ne3A_379 = arith.cmpi ne, %rem3A_377, %ne3A_378 : i32
    %lt3A_380 = arith.constant 0 : i32
    %lt3A_381 = arith.cmpi slt, %rem3A_377, %lt3A_380 : i32
    %lt3A_382 = arith.constant 0 : i32
    %lt3A_383 = arith.cmpi slt, %select_n3A_376, %lt3A_382 : i32
    %ne3A_384 = arith.xori %lt3A_381, %lt3A_383 : i1
    %and3A_385 = arith.andi %ne3A_384, %ne3A_379 : i1
    %add3A_386 = arith.addi %rem3A_377, %select_n3A_376 : i32
    %select_n3A_387 = arith.select %and3A_385, %add3A_386, %rem3A_377 : i32
    %mul3A_388 = arith.constant 8 : i32
    %mul3A_389 = arith.muli %select_n3A_387, %mul3A_388 : i32
    %add3A_390 = arith.constant 7 : i32
    %add3A_391 = arith.addi %mul3A_389, %add3A_390 : i32
    %mul3A_392 = arith.constant 8 : i32
    %mul3A_393 = arith.muli %arg0, %mul3A_392 : i32
    %add3A_394 = arith.constant 7 : i32
    %add3A_395 = arith.addi %mul3A_393, %add3A_394 : i32
    %get3A_396 = arith.index_cast %add3A_395 : i32 to index
    %get3A_397 = memref.load %arg1[%get3A_396] : memref<4096xi32, #tpu.memory_space<smem>>
    %and3A_398 = arith.constant 127 : i32
    %and3A_399 = arith.andi %get3A_397, %and3A_398 : i32
    %mul3A_400 = arith.constant 8 : i32
    %mul3A_401 = arith.muli %arg0, %mul3A_400 : i32
    %add3A_402 = arith.constant 7 : i32
    %add3A_403 = arith.addi %mul3A_401, %add3A_402 : i32
    %get3A_404 = arith.index_cast %add3A_403 : i32 to index
    %get3A_405 = memref.load %arg2[%get3A_404] : memref<4096xi32, #tpu.memory_space<smem>>
    %and3A_406 = arith.constant 127 : i32
    %and3A_407 = arith.andi %get3A_405, %and3A_406 : i32
    %get3A_408 = arith.constant 0 : index
    %get3A_409 = arith.constant 0 : index
    %get3A_410 = vector.load %arg10[%get3A_408, %get3A_409] : memref<32x128xf32, #tpu.memory_space<vmem>>, vector<32x128xf32>
    %sub3A_411 = arith.subi %add3A_391, %and3A_399 : i32
    %and3A_412 = arith.constant 127 : i32
    %and3A_413 = arith.andi %sub3A_411, %and3A_412 : i32
    %roll3A_414 = tpu.dynamic_rotate %get3A_410 by %and3A_413 dim 1 : vector<32x128xf32>, i32 -> vector<32x128xf32>
    %get3A_415 = arith.constant 0 : index
    %get3A_416 = arith.constant 0 : index
    %get3A_417 = vector.load %arg18[%get3A_415, %get3A_416] : memref<32x128xf32, #tpu.memory_space<vmem>>, vector<32x128xf32>
    %sub3A_418 = arith.subi %add3A_391, %and3A_407 : i32
    %and3A_419 = arith.constant 127 : i32
    %and3A_420 = arith.andi %sub3A_418, %and3A_419 : i32
    %roll3A_421 = tpu.dynamic_rotate %get3A_417 by %and3A_420 dim 1 : vector<32x128xf32>, i32 -> vector<32x128xf32>
    %eq3A_422 = vector.broadcast %add3A_391 : i32 to vector<32x128xi32>
    %eq3A_423 = arith.cmpi eq, %iota3A, %eq3A_422 : vector<32x128xi32>
    %select_n3A_424 = arith.select %eq3A_423, %roll3A_414, %select_n3A_370 : vector<32x128xi1>, vector<32x128xf32>
    %select_n3A_425 = arith.select %eq3A_423, %roll3A_421, %select_n3A_371 : vector<32x128xi1>, vector<32x128xf32>
    %swap3A = arith.constant 0 : index
    %swap3A_426 = arith.constant 0 : index
    %swap3A_427 = vector.load %arg19[%swap3A, %swap3A_426] : memref<64x128xf32, #tpu.memory_space<vmem>>, vector<32x128xf32>
    tpu.vector_store %arg19[%swap3A, %swap3A_426], %select_n3A_424 {strides = array<i32>} : memref<64x128xf32, #tpu.memory_space<vmem>>, vector<32x128xf32>,
    %swap3A_428 = arith.constant 32 : index
    %swap3A_429 = arith.constant 0 : index
    %swap3A_430 = vector.load %arg19[%swap3A_428, %swap3A_429] : memref<64x128xf32, #tpu.memory_space<vmem>>, vector<32x128xf32>
    tpu.vector_store %arg19[%swap3A_428, %swap3A_429], %select_n3A_425 {strides = array<i32>} : memref<64x128xf32, #tpu.memory_space<vmem>>, vector<32x128xf32>,
    return
  }
  func.func @transform_0(%arg0: i32, %arg1: memref<4096xi32, #tpu.memory_space<smem>>, %arg2: memref<4096xi32, #tpu.memory_space<smem>>) -> (i32, i32) {
    %mul3A = arith.constant 8 : i32
    %mul3A_0 = arith.muli %arg0, %mul3A : i32
    %add3A = arith.constant 0 : i32
    %add3A_1 = arith.addi %mul3A_0, %add3A : i32
    %get3A = arith.index_cast %add3A_1 : i32 to index
    %get3A_2 = memref.load %arg1[%get3A] : memref<4096xi32, #tpu.memory_space<smem>>
    %shift_right_arithmetic3A = arith.constant 7 : i32
    %shift_right_arithmetic3A_3 = arith.shrsi %get3A_2, %shift_right_arithmetic3A : i32
    %c0_i32 = arith.constant 0 : i32
    %c0_i32_4 = arith.constant 0 : i32
    return %c0_i32, %shift_right_arithmetic3A_3 : i32, i32
  }
  func.func @transform_1(%arg0: i32, %arg1: memref<4096xi32, #tpu.memory_space<smem>>, %arg2: memref<4096xi32, #tpu.memory_space<smem>>) -> (i32, i32) {
    %mul3A = arith.constant 8 : i32
    %mul3A_0 = arith.muli %arg0, %mul3A : i32
    %add3A = arith.constant 1 : i32
    %add3A_1 = arith.addi %mul3A_0, %add3A : i32
    %get3A = arith.index_cast %add3A_1 : i32 to index
    %get3A_2 = memref.load %arg1[%get3A] : memref<4096xi32, #tpu.memory_space<smem>>
    %shift_right_arithmetic3A = arith.constant 7 : i32
    %shift_right_arithmetic3A_3 = arith.shrsi %get3A_2, %shift_right_arithmetic3A : i32
    %c0_i32 = arith.constant 0 : i32
    %c0_i32_4 = arith.constant 0 : i32
    return %c0_i32, %shift_right_arithmetic3A_3 : i32, i32
  }
  func.func @transform_2(%arg0: i32, %arg1: memref<4096xi32, #tpu.memory_space<smem>>, %arg2: memref<4096xi32, #tpu.memory_space<smem>>) -> (i32, i32) {
    %mul3A = arith.constant 8 : i32
    %mul3A_0 = arith.muli %arg0, %mul3A : i32
    %add3A = arith.constant 2 : i32
    %add3A_1 = arith.addi %mul3A_0, %add3A : i32
    %get3A = arith.index_cast %add3A_1 : i32 to index
    %get3A_2 = memref.load %arg1[%get3A] : memref<4096xi32, #tpu.memory_space<smem>>
    %shift_right_arithmetic3A = arith.constant 7 : i32
    %shift_right_arithmetic3A_3 = arith.shrsi %get3A_2, %shift_right_arithmetic3A : i32
    %c0_i32 = arith.constant 0 : i32
    %c0_i32_4 = arith.constant 0 : i32
    return %c0_i32, %shift_right_arithmetic3A_3 : i32, i32
  }
  func.func @transform_3(%arg0: i32, %arg1: memref<4096xi32, #tpu.memory_space<smem>>, %arg2: memref<4096xi32, #tpu.memory_space<smem>>) -> (i32, i32) {
    %mul3A = arith.constant 8 : i32
    %mul3A_0 = arith.muli %arg0, %mul3A : i32
    %add3A = arith.constant 3 : i32
    %add3A_1 = arith.addi %mul3A_0, %add3A : i32
    %get3A = arith.index_cast %add3A_1 : i32 to index
    %get3A_2 = memref.load %arg1[%get3A] : memref<4096xi32, #tpu.memory_space<smem>>
    %shift_right_arithmetic3A = arith.constant 7 : i32
    %shift_right_arithmetic3A_3 = arith.shrsi %get3A_2, %shift_right_arithmetic3A : i32
    %c0_i32 = arith.constant 0 : i32
    %c0_i32_4 = arith.constant 0 : i32
    return %c0_i32, %shift_right_arithmetic3A_3 : i32, i32
  }
  func.func @transform_4(%arg0: i32, %arg1: memref<4096xi32, #tpu.memory_space<smem>>, %arg2: memref<4096xi32, #tpu.memory_space<smem>>) -> (i32, i32) {
    %mul3A = arith.constant 8 : i32
    %mul3A_0 = arith.muli %arg0, %mul3A : i32
    %add3A = arith.constant 4 : i32
    %add3A_1 = arith.addi %mul3A_0, %add3A : i32
    %get3A = arith.index_cast %add3A_1 : i32 to index
    %get3A_2 = memref.load %arg1[%get3A] : memref<4096xi32, #tpu.memory_space<smem>>
    %shift_right_arithmetic3A = arith.constant 7 : i32
    %shift_right_arithmetic3A_3 = arith.shrsi %get3A_2, %shift_right_arithmetic3A : i32
    %c0_i32 = arith.constant 0 : i32
    %c0_i32_4 = arith.constant 0 : i32
    return %c0_i32, %shift_right_arithmetic3A_3 : i32, i32
  }
  func.func @transform_5(%arg0: i32, %arg1: memref<4096xi32, #tpu.memory_space<smem>>, %arg2: memref<4096xi32, #tpu.memory_space<smem>>) -> (i32, i32) {
    %mul3A = arith.constant 8 : i32
    %mul3A_0 = arith.muli %arg0, %mul3A : i32
    %add3A = arith.constant 5 : i32
    %add3A_1 = arith.addi %mul3A_0, %add3A : i32
    %get3A = arith.index_cast %add3A_1 : i32 to index
    %get3A_2 = memref.load %arg1[%get3A] : memref<4096xi32, #tpu.memory_space<smem>>
    %shift_right_arithmetic3A = arith.constant 7 : i32
    %shift_right_arithmetic3A_3 = arith.shrsi %get3A_2, %shift_right_arithmetic3A : i32
    %c0_i32 = arith.constant 0 : i32
    %c0_i32_4 = arith.constant 0 : i32
    return %c0_i32, %shift_right_arithmetic3A_3 : i32, i32
  }
  func.func @transform_6(%arg0: i32, %arg1: memref<4096xi32, #tpu.memory_space<smem>>, %arg2: memref<4096xi32, #tpu.memory_space<smem>>) -> (i32, i32) {
    %mul3A = arith.constant 8 : i32
    %mul3A_0 = arith.muli %arg0, %mul3A : i32
    %add3A = arith.constant 6 : i32
    %add3A_1 = arith.addi %mul3A_0, %add3A : i32
    %get3A = arith.index_cast %add3A_1 : i32 to index
    %get3A_2 = memref.load %arg1[%get3A] : memref<4096xi32, #tpu.memory_space<smem>>
    %shift_right_arithmetic3A = arith.constant 7 : i32
    %shift_right_arithmetic3A_3 = arith.shrsi %get3A_2, %shift_right_arithmetic3A : i32
    %c0_i32 = arith.constant 0 : i32
    %c0_i32_4 = arith.constant 0 : i32
    return %c0_i32, %shift_right_arithmetic3A_3 : i32, i32
  }
  func.func @transform_7(%arg0: i32, %arg1: memref<4096xi32, #tpu.memory_space<smem>>, %arg2: memref<4096xi32, #tpu.memory_space<smem>>) -> (i32, i32) {
    %mul3A = arith.constant 8 : i32
    %mul3A_0 = arith.muli %arg0, %mul3A : i32
    %add3A = arith.constant 7 : i32
    %add3A_1 = arith.addi %mul3A_0, %add3A : i32
    %get3A = arith.index_cast %add3A_1 : i32 to index
    %get3A_2 = memref.load %arg1[%get3A] : memref<4096xi32, #tpu.memory_space<smem>>
    %shift_right_arithmetic3A = arith.constant 7 : i32
    %shift_right_arithmetic3A_3 = arith.shrsi %get3A_2, %shift_right_arithmetic3A : i32
    %c0_i32 = arith.constant 0 : i32
    %c0_i32_4 = arith.constant 0 : i32
    return %c0_i32, %shift_right_arithmetic3A_3 : i32, i32
  }
  func.func @transform_8(%arg0: i32, %arg1: memref<4096xi32, #tpu.memory_space<smem>>, %arg2: memref<4096xi32, #tpu.memory_space<smem>>) -> (i32, i32) {
    %mul3A = arith.constant 8 : i32
    %mul3A_0 = arith.muli %arg0, %mul3A : i32
    %add3A = arith.constant 0 : i32
    %add3A_1 = arith.addi %mul3A_0, %add3A : i32
    %get3A = arith.index_cast %add3A_1 : i32 to index
    %get3A_2 = memref.load %arg2[%get3A] : memref<4096xi32, #tpu.memory_space<smem>>
    %shift_right_arithmetic3A = arith.constant 7 : i32
    %shift_right_arithmetic3A_3 = arith.shrsi %get3A_2, %shift_right_arithmetic3A : i32
    %c0_i32 = arith.constant 0 : i32
    %c0_i32_4 = arith.constant 0 : i32
    return %c0_i32, %shift_right_arithmetic3A_3 : i32, i32
  }
  func.func @transform_9(%arg0: i32, %arg1: memref<4096xi32, #tpu.memory_space<smem>>, %arg2: memref<4096xi32, #tpu.memory_space<smem>>) -> (i32, i32) {
    %mul3A = arith.constant 8 : i32
    %mul3A_0 = arith.muli %arg0, %mul3A : i32
    %add3A = arith.constant 1 : i32
    %add3A_1 = arith.addi %mul3A_0, %add3A : i32
    %get3A = arith.index_cast %add3A_1 : i32 to index
    %get3A_2 = memref.load %arg2[%get3A] : memref<4096xi32, #tpu.memory_space<smem>>
    %shift_right_arithmetic3A = arith.constant 7 : i32
    %shift_right_arithmetic3A_3 = arith.shrsi %get3A_2, %shift_right_arithmetic3A : i32
    %c0_i32 = arith.constant 0 : i32
    %c0_i32_4 = arith.constant 0 : i32
    return %c0_i32, %shift_right_arithmetic3A_3 : i32, i32
  }
  func.func @transform_10(%arg0: i32, %arg1: memref<4096xi32, #tpu.memory_space<smem>>, %arg2: memref<4096xi32, #tpu.memory_space<smem>>) -> (i32, i32) {
    %mul3A = arith.constant 8 : i32
    %mul3A_0 = arith.muli %arg0, %mul3A : i32
    %add3A = arith.constant 2 : i32
    %add3A_1 = arith.addi %mul3A_0, %add3A : i32
    %get3A = arith.index_cast %add3A_1 : i32 to index
    %get3A_2 = memref.load %arg2[%get3A] : memref<4096xi32, #tpu.memory_space<smem>>
    %shift_right_arithmetic3A = arith.constant 7 : i32
    %shift_right_arithmetic3A_3 = arith.shrsi %get3A_2, %shift_right_arithmetic3A : i32
    %c0_i32 = arith.constant 0 : i32
    %c0_i32_4 = arith.constant 0 : i32
    return %c0_i32, %shift_right_arithmetic3A_3 : i32, i32
  }
  func.func @transform_11(%arg0: i32, %arg1: memref<4096xi32, #tpu.memory_space<smem>>, %arg2: memref<4096xi32, #tpu.memory_space<smem>>) -> (i32, i32) {
    %mul3A = arith.constant 8 : i32
    %mul3A_0 = arith.muli %arg0, %mul3A : i32
    %add3A = arith.constant 3 : i32
    %add3A_1 = arith.addi %mul3A_0, %add3A : i32
    %get3A = arith.index_cast %add3A_1 : i32 to index
    %get3A_2 = memref.load %arg2[%get3A] : memref<4096xi32, #tpu.memory_space<smem>>
    %shift_right_arithmetic3A = arith.constant 7 : i32
    %shift_right_arithmetic3A_3 = arith.shrsi %get3A_2, %shift_right_arithmetic3A : i32
    %c0_i32 = arith.constant 0 : i32
    %c0_i32_4 = arith.constant 0 : i32
    return %c0_i32, %shift_right_arithmetic3A_3 : i32, i32
  }
  func.func @transform_12(%arg0: i32, %arg1: memref<4096xi32, #tpu.memory_space<smem>>, %arg2: memref<4096xi32, #tpu.memory_space<smem>>) -> (i32, i32) {
    %mul3A = arith.constant 8 : i32
    %mul3A_0 = arith.muli %arg0, %mul3A : i32
    %add3A = arith.constant 4 : i32
    %add3A_1 = arith.addi %mul3A_0, %add3A : i32
    %get3A = arith.index_cast %add3A_1 : i32 to index
    %get3A_2 = memref.load %arg2[%get3A] : memref<4096xi32, #tpu.memory_space<smem>>
    %shift_right_arithmetic3A = arith.constant 7 : i32
    %shift_right_arithmetic3A_3 = arith.shrsi %get3A_2, %shift_right_arithmetic3A : i32
    %c0_i32 = arith.constant 0 : i32
    %c0_i32_4 = arith.constant 0 : i32
    return %c0_i32, %shift_right_arithmetic3A_3 : i32, i32
  }
  func.func @transform_13(%arg0: i32, %arg1: memref<4096xi32, #tpu.memory_space<smem>>, %arg2: memref<4096xi32, #tpu.memory_space<smem>>) -> (i32, i32) {
    %mul3A = arith.constant 8 : i32
    %mul3A_0 = arith.muli %arg0, %mul3A : i32
    %add3A = arith.constant 5 : i32
    %add3A_1 = arith.addi %mul3A_0, %add3A : i32
    %get3A = arith.index_cast %add3A_1 : i32 to index
    %get3A_2 = memref.load %arg2[%get3A] : memref<4096xi32, #tpu.memory_space<smem>>
    %shift_right_arithmetic3A = arith.constant 7 : i32
    %shift_right_arithmetic3A_3 = arith.shrsi %get3A_2, %shift_right_arithmetic3A : i32
    %c0_i32 = arith.constant 0 : i32
    %c0_i32_4 = arith.constant 0 : i32
    return %c0_i32, %shift_right_arithmetic3A_3 : i32, i32
  }
  func.func @transform_14(%arg0: i32, %arg1: memref<4096xi32, #tpu.memory_space<smem>>, %arg2: memref<4096xi32, #tpu.memory_space<smem>>) -> (i32, i32) {
    %mul3A = arith.constant 8 : i32
    %mul3A_0 = arith.muli %arg0, %mul3A : i32
    %add3A = arith.constant 6 : i32
    %add3A_1 = arith.addi %mul3A_0, %add3A : i32
    %get3A = arith.index_cast %add3A_1 : i32 to index
    %get3A_2 = memref.load %arg2[%get3A] : memref<4096xi32, #tpu.memory_space<smem>>
    %shift_right_arithmetic3A = arith.constant 7 : i32
    %shift_right_arithmetic3A_3 = arith.shrsi %get3A_2, %shift_right_arithmetic3A : i32
    %c0_i32 = arith.constant 0 : i32
    %c0_i32_4 = arith.constant 0 : i32
    return %c0_i32, %shift_right_arithmetic3A_3 : i32, i32
  }
  func.func @transform_15(%arg0: i32, %arg1: memref<4096xi32, #tpu.memory_space<smem>>, %arg2: memref<4096xi32, #tpu.memory_space<smem>>) -> (i32, i32) {
    %mul3A = arith.constant 8 : i32
    %mul3A_0 = arith.muli %arg0, %mul3A : i32
    %add3A = arith.constant 7 : i32
    %add3A_1 = arith.addi %mul3A_0, %add3A : i32
    %get3A = arith.index_cast %add3A_1 : i32 to index
    %get3A_2 = memref.load %arg2[%get3A] : memref<4096xi32, #tpu.memory_space<smem>>
    %shift_right_arithmetic3A = arith.constant 7 : i32
    %shift_right_arithmetic3A_3 = arith.shrsi %get3A_2, %shift_right_arithmetic3A : i32
    %c0_i32 = arith.constant 0 : i32
    %c0_i32_4 = arith.constant 0 : i32
    return %c0_i32, %shift_right_arithmetic3A_3 : i32, i32
  }
  func.func @transform_16(%arg0: i32, %arg1: memref<4096xi32, #tpu.memory_space<smem>>, %arg2: memref<4096xi32, #tpu.memory_space<smem>>) -> (i32, i32) {
    %jit3A = arith.constant 16 : i32
    %div3A = arith.divsi %arg0, %jit3A : i32
    %sign3A = arith.constant 0 : i32
    %sign3A_0 = arith.cmpi sgt, %arg0, %sign3A : i32
    %sign3A_1 = arith.extui %sign3A_0 : i1 to i32
    %sign3A_2 = arith.constant 0 : i32
    %sign3A_3 = arith.cmpi slt, %arg0, %sign3A_2 : i32
    %sign3A_4 = arith.extui %sign3A_3 : i1 to i32
    %sign3A_5 = arith.subi %sign3A_1, %sign3A_4 : i32
    %sign3A_6 = arith.constant 0 : i32
    %sign3A_7 = arith.cmpi sgt, %jit3A, %sign3A_6 : i32
    %sign3A_8 = arith.extui %sign3A_7 : i1 to i32
    %sign3A_9 = arith.constant 0 : i32
    %sign3A_10 = arith.cmpi slt, %jit3A, %sign3A_9 : i32
    %sign3A_11 = arith.extui %sign3A_10 : i1 to i32
    %sign3A_12 = arith.subi %sign3A_8, %sign3A_11 : i32
    %ne3A = arith.cmpi ne, %sign3A_5, %sign3A_12 : i32
    %rem3A = arith.remsi %arg0, %jit3A : i32
    %ne3A_13 = arith.constant 0 : i32
    %ne3A_14 = arith.cmpi ne, %rem3A, %ne3A_13 : i32
    %and3A = arith.andi %ne3A, %ne3A_14 : i1
    %sub3A = arith.constant 1 : i32
    %sub3A_15 = arith.subi %div3A, %sub3A : i32
    %select_n3A = arith.select %and3A, %sub3A_15, %div3A : i32
    %c0_i32 = arith.constant 0 : i32
    %c0_i32_16 = arith.constant 0 : i32
    return %c0_i32, %select_n3A : i32, i32
  }
}

</mosaic_0001>

<sc_bundles>
// kernel: kernel.4.cloned.1.call-start
scs
__scs_entry_jumppad:
0x0: {  	(pc) =	sbr.rel $0x88, $3  }
0x1: {  	(tag) =	ssettag $0x0;
	lr =	simm.s32 $0x1  }
0x2: {  	[smem:$0x3F9E] =	sst lr;
	_ =	strace $0xD0000000  }
0x3: {  	_ = 	snop  }
0x4: {  	_ = 	snop  }
0x5: {  	_ = 	snop  }
0x6: {  	_ = 	snop  }
0x7: {  	_ = 	snop  }
__scs_overlays_trampoline_lowered:
0x8: {  	[smem:$0x3FAD] =	sst s0  }
0x9: {  	[smem:$0x3FAE] =	sst s1  }
0xa: {  	[smem:$0x3FAF] =	sst s2  }
0xb: {  	[smem:$0x3FB0] =	sst s3  }
0xc: {  	[smem:$0x3FB1] =	sst s4  }
0xd: {  	[smem:$0x3FB2] =	sst s5  }
0xe: {  	[smem:$0x3FB3] =	sst s6  }
0xf: {  	[smem:$0x3FB4] =	sst s7  }
0x10: {  	[smem:$0x3FB5] =	sst s8  }
0x11: {  	[smem:$0x3FB6] =	sst s9;
	s0 =	simm.s32 @!p0 $0x0  }
0x12: {  	s1 =	sld [smem:$0x3F9C];
	s0 =	simm.s32 @p0 $0x1  }
0x13: {  	[smem:$0x3FB7] =	sst s0;
	s0 =	simm.s32 @!p1 $0x0  }
0x14: {  	s2 =	sld [smem:$0x3F9B];
	s0 =	simm.s32 @p1 $0x1  }
0x15: {  	[smem:$0x3FB8] =	sst s0;
	s0 =	simm.s32 @!p2 $0x0  }
0x16: {  	s3 =	sld [smem:$0x3FDB];
	s0 =	simm.s32 @p2 $0x1  }
0x17: {  	s4 =	simm.s32 $0x1BF5;
	[smem:$0x3FBA] =	sst s0  }
0x18: {  	s0 =	sld [smem:$0x3F9D];
	_ =	swait.ge [sflag:s4], $0x0  }
0x19: {  	s7 =	sld [smem:$0x3F9E]  }
0x1a: {  	s8 =	sadd.s32 $0xFFFFE003, lr  }
0x1b: {  	s9 =	sadd.s32 $0xFFFFFEF7, lr;
	s5 =	simm.s32 $0xFFFFFFFF;
	p2 =	slt.u32 s8, $0xFFFFF086  }
0x1c: {  	p1 =	slt.u32 s9, $0xF7A;
	s5 =	simm.s32 @!p2 $0x0  }
0x1d: {  	s5 =	simm.s32 @p1 $0x1;
	p0 =	seq.s32 s7, s2  }
0x1e: {  	s7 =	smul.u32 @!p0 $0xF7A, s2;
	p2 =	seq.s32 @!p0 s5, $0x0  }
0x1f: {  	s9 =	smul.u32 $0xF7A, s1;
	s8 =	simm.s32 @!p0 $0x1BF5;
	p2 =	por !p2, p0  }
0x20: {  	[sflag:s8] =	ssyncset.s32 @!p0 $0xFFFFF086;
	s6 =	sadd.s32 @!p0 s3, s7;
	s7 =	simm.s32 @!p0 $0x108  }
0x21: {  	s3 =	sadd.s32 s3, s9;
	s6 =	sadd.s32 @!p0 $0x88, s6;
	s7 =	simm.s32 @p2 $0x1082  }
0x22: {  	[simem:s7], [sflag:s8] =	dma.local @!p0 [hbm:s6], $0xF7A  }
0x23: {  	s9 =	sor.u32 $0xD0000000, s2;
	s6 =	simm.s32 $0x108;
	_ =	swait.ge @!p0 [sflag:s8], $0x0  }
0x24: {  	s3 =	sadd.s32 $0x88, s3;
	s6 =	simm.s32 @!p1 $0x1082;
	[sflag:s4] =	ssyncset.s32 $0xFFFFF086  }
0x25: {  	[simem:s6], [sflag:s4] =	dma.local [hbm:s3], $0xF7A  }
0x26: {  	[smem:$0x3F9E] =	sst s1;
	(tag) =	ssettag s2;
	_ =	strace s9  }
0x27: {  	s1 =	sld [smem:$0x3FAE]  }
0x28: {  	s2 =	sld [smem:$0x3FAF]  }
0x29: {  	s4 =	sld [smem:$0x3FB1]  }
0x2a: {  	p0 =	seq.s32 s5, $0x0;
	s5 =	sld [smem:$0x3FB2]  }
0x2b: {  	s6 =	sld [smem:$0x3FB3]  }
0x2c: {  	s7 =	sld [smem:$0x3FB4]  }
0x2d: {  	s3 =	simm.s32 $0x108;
	s8 =	sld [smem:$0x3FB5]  }
0x2e: {  	s3 =	simm.s32 @!p0 $0x1082;
	s9 =	sld [smem:$0x3FB6]  }
0x2f: {  	lr =	sadd.s32 s0, s3;
	s0 =	sld [smem:$0x3FAD]  }
0x30: {  	s3 =	sld [smem:$0x3FB0]  }
0x31: {  	[smem:$0x3FB9] =	sst s10  }
0x32: {  	s10 =	sld [smem:$0x3FB7];
	_ =	sdelay $0x3  }
0x33: {  	p0 =	seq.s32 s10, $0x1;
	s10 =	sld [smem:$0x3FB9];
	_ =	sdelay $0x3  }
0x34: {  	[smem:$0x3FB9] =	sst s10  }
0x35: {  	s10 =	sld [smem:$0x3FB8];
	_ =	sdelay $0x3  }
0x36: {  	p1 =	seq.s32 s10, $0x1;
	s10 =	sld [smem:$0x3FB9];
	_ =	sdelay $0x3  }
0x37: {  	[smem:$0x3FB9] =	sst s10  }
0x38: {  	s10 =	sld [smem:$0x3FBA]  }
0x39: {  	_ = 	snop;
	(pc) =	sbr.ind lr, $3  }
0x3a: {  	_ = 	snop  }
0x3b: {  	_ = 	snop  }
0x3c: {  	p2 =	seq.s32 s10, $0x1;
	s10 =	sld [smem:$0x3FB9]  }
0x3d: {  	_ =	shalt  }
0x3e: {  	_ =	shalt  }
0x3f: {  	_ =	shalt  }
0x40: {  	_ =	shalt  }
0x41: {  	_ =	shalt  }
0x42: {  	_ =	shalt  }
0x43: {  	_ =	shalt  }
0x44: {  	_ =	shalt  }
0x45: {  	_ =	shalt  }
0x46: {  	_ =	shalt  }
0x47: {  	_ =	shalt  }
0x48: {  	_ =	shalt  }
0x49: {  	_ =	shalt  }
0x4a: {  	_ =	shalt  }
0x4b: {  	_ =	shalt  }
0x4c: {  	_ =	shalt  }
0x4d: {  	_ =	shalt  }
0x4e: {  	_ =	shalt  }
0x4f: {  	_ =	shalt  }
0x50: {  	_ =	shalt  }
0x51: {  	_ =	shalt  }
0x52: {  	_ =	shalt  }
0x53: {  	_ =	shalt  }
0x54: {  	_ =	shalt  }
0x55: {  	_ =	shalt  }
0x56: {  	_ =	shalt  }
0x57: {  	_ =	shalt  }
0x58: {  	_ =	shalt  }
0x59: {  	_ =	shalt  }
0x5a: {  	_ =	shalt  }
0x5b: {  	_ =	shalt  }
0x5c: {  	_ =	shalt  }
0x5d: {  	_ =	shalt  }
0x5e: {  	_ =	shalt  }
0x5f: {  	_ =	shalt  }
0x60: {  	_ =	shalt  }
0x61: {  	_ =	shalt  }
0x62: {  	_ =	shalt  }
0x63: {  	_ =	shalt  }
0x64: {  	_ =	shalt  }
0x65: {  	_ =	shalt  }
0x66: {  	_ =	shalt  }
0x67: {  	_ =	shalt  }
0x68: {  	_ =	shalt  }
0x69: {  	_ =	shalt  }
0x6a: {  	_ =	shalt  }
0x6b: {  	_ =	shalt  }
0x6c: {  	_ =	shalt  }
0x6d: {  	_ =	shalt  }
0x6e: {  	_ =	shalt  }
0x6f: {  	_ =	shalt  }
0x70: {  	_ =	shalt  }
0x71: {  	_ =	shalt  }
0x72: {  	_ =	shalt  }
0x73: {  	_ =	shalt  }
0x74: {  	_ =	shalt  }
0x75: {  	_ =	shalt  }
0x76: {  	_ =	shalt  }
0x77: {  	_ =	shalt  }
0x78: {  	_ =	shalt  }
0x79: {  	_ =	shalt  }
0x7a: {  	_ =	shalt  }
0x7b: {  	_ =	shalt  }
0x7c: {  	_ =	shalt  }
0x7d: {  	_ =	shalt  }
0x7e: {  	_ =	shalt  }
0x7f: {  	_ =	shalt  }
0x80: {  	_ =	shalt  }
0x81: {  	_ =	shalt  }
0x82: {  	_ =	shalt  }
0x83: {  	_ =	shalt  }
0x84: {  	_ =	shalt  }
0x85: {  	_ =	shalt  }
0x86: {  	_ =	shalt  }
0x87: {  	_ =	shalt  }
.Lfunc_end0:
.L_simem_size_0:
called_computation_lowered:
.L_overlay_start_0:
0x88: {  	s2 =	sld [smem:$0x3FD9]  }
0x89: {  	s3 =	sld [smem:$0x3FFE];
	_ =	sdelay $0x1  }
0x8a: {  	s1 =	srdreg.scid  }
0x8b: {  	s0 =	sand.u32 $0x1, s1  }
0x8c: {  	s17 =	sshll.u32 s0, $0xA;
	s2 =	sadd.s32 s3, s2  }
0x8d: {  	s2 =	sadd.s32 s2, s17  }
0x8e: {  	[smem:$0x3FC5] =	sst s2  }
0x8f: {  	_ = 	snop  }
0x90: {  	s2 =	sld [smem:$0x3FC8]  }
0x91: {  	s18 =	sld [smem:$0x3FC7]  }
0x92: {  	s4 =	sld [smem:$0x3FD0];
	(tm) =	ssettm $0x1  }
0x93: {  	s5 =	sld [smem:$0x3FFB];
	_ =	sdelay $0x3  }
0x94: {  	_ =	strace s5  }
0x95: {  	s5 =	sld [smem:$0x3FFC];
	_ =	sdelay $0x3  }
0x96: {  	_ =	strace s5  }
0x97: {  	s5 =	sld [smem:$0x3FFD];
	_ =	sdelay $0x3  }
0x98: {  	_ =	strace s5  }
0x99: {  	_ =	strace $0x8FFFFFFF  }
0x9a: {  	s19 =	sld [smem:$0x3FDB];
	_ =	sdelay $0x1  }
0x9b: {  	s6 =	simm.s32 $_scs_section_size  }
0x9c: {  	s7 =	simm.s32 $_size__tile_overlayer_lowered;
	s8 =	simm.s32 $_tile_overlayer_lowered  }
0x9d: {  	s22 =	simm.s32 $0x1BFF;
	s21 =	sshll.u32 s8, $0x1;
	s5 =	sadd.s32 s6, s19  }
0x9e: {  	s9 =	simm.s32 $0x0;
	s20 =	sshll.u32 s7, $0x1;
	s7 =	sadd.s32 s21, s5  }
0x9f: {  	[timem:s9], [sflag:s22] =	dma.local [hbm:s7], s20  }
0xa0: {  	_ =	swait.ge [sflag:s22], s20  }
0xa1: {  	s6 =	ssub.s32 $0x0, s20;
	[sflag:s22] =	ssyncset.done $0x0  }
0xa2: {  	[sflag:s22] =	ssyncadd.s32 s6;
	_ =	sdelay $0x1  }
0xa3: {  	s23 =	simm.s32 $0x1B8B  }
0xa4: {  	_ =	swait.ge [sflag:s23], $0x1  }
0xa5: {  	[sflag:s23] =	ssyncset.done $0x0  }
0xa6: {  	s25 =	simm.s32 $0x1B8E;
	s24 =	sld [smem:$0x3FFE];
	[sflag:s23] =	ssyncadd.s32 $0xFFFFFFFF  }
0xa7: {  	s26 =	simm.s32 $execute0_lowered;
	[smem:$0x3FD2] =	sst s25  }
0xa8: {  	s7 =	sshll.u32 s26, $0x1;
	_ =	strace $0x80000046;
	[dreg:$0x1] =	wrdreg $0xFFFFFFFF  }
0xa9: {  	s28 =	simm.s32 $_size_execute0_lowered;
	s5 =	sadd.s32 s5, s7;
	[dreg:$0x0] =	wrdreg $0x0  }
0xaa: {  	s7 =	sshll.u32 s28, $0x1;
	[dreg:$0x2] =	wrdreg s5  }
0xab: {  	[dreg:$0x3] =	wrdreg s7  }
0xac: {  	[dreg:$0x4] =	wrdreg $0xC0  }
0xad: {  	_ =	task [dreg:s9], $0x5FFFF  }
0xae: {  	[dreg:$0x1] =	wrdreg $0xFFFFFFFF  }
0xaf: {  	[dreg:$0x0] =	wrdreg $0x60  }
0xb0: {  	[dreg:$0x2] =	wrdreg s24  }
0xb1: {  	[dreg:$0x3] =	wrdreg s4  }
0xb2: {  	[dreg:$0x4] =	wrdreg s2  }
0xb3: {  	[dreg:$0x5] =	wrdreg s18  }
0xb4: {  	[dreg:$0x6] =	wrdreg $0x9  }
0xb5: {  	_ =	task.clear_ibuf [dreg:s9], $0x7FFFF;
	_ =	strace $0x90000046  }
0xb6: {  	s29 =	simm.s32 $0x9;
	_ =	strace $0x80000048  }
0xb7: {  	_ =	swait.ge [sflag:s29], $0x1  }
0xb8: {  	[sflag:s29] =	ssyncadd.s32 $0xFFFFFFFF  }
0xb9: {  	_ =	strace $0x90000048  }
0xba: {  	_ =	sfence  }
0xbb: {  	s30 =	sld [smem:$0x0];
	_ =	sdelay $0x2  }
0xbc: {  	s31 =	sshll.u32 s1, $0xD;
	s1 =	sshrl.u32 s1, $0x2  }
0xbd: {  	s3 =	sand.u32 $0x4000, s31;
	s1 =	sadd.s32 s1, s30  }
0xbe: {  	s0 =	sor.u32 s3, s0;
	s1 =	sshll.u32 s1, $0x11  }
0xbf: {  	s0 =	sor.u32 s1, s0  }
0xc0: {  	s0 =	sadd.s32 $0x8F2B, s0  }
0xc1: {  	[sflag:s0] =	ssyncadd.remote.s32 $0x1  }
0xc2: {  	_ =	sfence.sel $0xFFFF  }
0xc3: {  	[dreg:$0x0] =	wrdreg $0xFFFFFFFF;
	(pc) =	sbr.abs _section_cstart, $3  }
0xc4: {  	[dreg:$0x1] =	wrdreg $0xFFFFFFFF  }
0xc5: {  	_ =	task.clear_ibuf [dreg:s9], $0x2FFFF;
	_ =	strace $0x9FFFFFFF  }
0xc6: {  	(tm) =	ssettm $0x7FFFFFFF  }
0xc7: {  	_ =	shalt  }
tec
execute0_lowered:
.L_overlay_start_1:
0x0: {  	(tag) =	ssettag $0x1  }
0x1: {  	s0 =	rddreg [dreg:$0x0]  }
0x2: {  	s1 =	rddreg [dreg:$0x1];
	s3 =	srdreg.scid  }
0x3: {  	s5 =	stileid.u32;
	s2 =	rddreg [dreg:$0x2];
	v1 =	vimm.s32 $0xF80;
	vm0 =	vcmask $0x300  }
0x4: {  	s7 =	simm.s32 $0x0;
	v2 =	vimm.s32 $0x2780;
	vm1 =	vcmask $0x704;
	vm15 =	vcmask $0xB08;
	s11 =	simm.s32 $0x7A1400;
	s31 =	simm.s32 $0x300  }
0x5: {  	vm4 =	vcmask $0xF0C;
	s15 =	simm.s32 $0x8300;
	s17 =	simm.s32 $0x9300;
	s16 =	simm.s32 $0x2300;
	v1 =	vsel vm0, $0x0, v1;
	v2 =	vsel vm0, $0x1800, v2  }
0x6: {  	vm5 =	vcmask $0x1310;
	s19 =	simm.s32 $0xA300;
	s22 =	simm.s32 $0x3300;
	s18 =	simm.s32 $0xB300;
	v1 =	vsel vm1, $0x80, v1;
	v2 =	vsel vm1, $0x1880, v2  }
0x7: {  	vm6 =	vcmask $0x1714;
	s20 =	simm.s32 $0x4300;
	s12 =	simm.s32 $0xC300;
	s23 =	simm.s32 $0x6300;
	v1 =	vsel vm15, $0x100, v1;
	v2 =	vsel vm15, $0x1900, v2  }
0x8: {  	v0 =	vlaneseq.u32;
	s10 =	simm.s32 $0x13300;
	s30 =	simm.s32 $0x7A1400;
	s13 =	simm.s32 $0x400;
	v1 =	vsel vm4, $0x180, v1;
	v2 =	vsel vm4, $0x1980, v2  }
0x9: {  	vm7 =	vcmask $0x1B18;
	s4 =	sand.u32 $0x1, s3;
	s5 =	sshll.u32 s5, $0x1;
	s3 =	rddreg [dreg:$0x3];
	v1 =	vsel vm5, $0x200, v1;
	v2 =	vsel vm5, $0x1A00, v2  }
0xa: {  	vm8 =	vcmask $0x1F1C;
	s28 =	simm.s32 $0x7;
	[smem:$0x7FF] =	sst s7;
	s5 =	sor.u32 s4, s5;
	v1 =	vsel vm6, $0x280, v1;
	v2 =	vsel vm6, $0x1A80, v2  }
0xb: {  	vm9 =	vcmask $0x2320;
	s7 =	simm.s32 $0x1300;
	s4 =	ssub.s32 $0x2, s4;
	s6 =	smul.u32 $0x30, s5;
	v1 =	vsel vm7, $0x300, v1;
	v2 =	vsel vm7, $0x1B00, v2  }
0xc: {  	vm10 =	vcmask $0x2724;
	_ =	strace $0x80000047;
	s5 =	smul.u32 $0x180, s5;
	s24 =	sshrl.u32 s4, $0x1;
	v1 =	vsel vm8, $0x380, v1;
	v2 =	vsel vm8, $0x1B80, v2  }
0xd: {  	vm11 =	vcmask $0x2B28;
	s4 =	ssub.s32 s4, s24;
	s24 =	simm.s32 $0x5300;
	s1 =	sadd.s32 s1, s6;
	v1 =	vsel vm9, $0xC00, v1;
	v2 =	vsel vm9, $0x2400, v2  }
0xe: {  	vm12 =	vcmask $0x2F2C;
	s8 =	sadd.s32 s6, s0;
	s29 =	smax.u32 s4, $0x1;
	[dreg:$0x6] =	wrdreg s1;
	v1 =	vsel vm10, $0xC80, v1;
	v2 =	vsel vm10, $0x2480, v2  }
0xf: {  	vm13 =	vcmask $0x3330;
	s0 =	sadd.s32 s5, s0;
	s25 =	sadd.s32 $0xA00, s8;
	[dreg:$0x9] =	wrdreg s29;
	v1 =	vsel vm11, $0xD00, v1;
	v2 =	vsel vm11, $0x2500, v2  }
0x10: {  	vm14 =	vcmask $0x3734;
	s5 =	simm.s32 $0xD300;
	s26 =	sadd.s32 $0x1000, s0;
	[dreg:$0x5] =	wrdreg s25;
	v1 =	vsel vm12, $0xD80, v1;
	v2 =	vsel vm12, $0x2580, v2  }
0x11: {  	v0 =	vmul.u32 $0x80, v0;
	s6 =	simm.s32 $0xF300;
	s0 =	sadd.s32 $0xD000, s0;
	[dreg:$0x7] =	wrdreg s26;
	v1 =	vsel vm13, $0xE00, v1;
	v2 =	vsel vm13, $0x2600, v2  }
0x12: {  	vm15 =	vcmask $0x3B38;
	s4 =	simm.s32 $0x0;
	s8 =	simm.s32 $0x400;
	[dreg:$0x8] =	wrdreg s0;
	v3 =	vsel vm14, $0xE80, v1;
	v4 =	vsel vm14, $0x2680, v2  }
0x13: {  	s26 =	simm.s32 $0xE300;
	s0 =	simm.s32 $0x10300;
	s25 =	simm.s32 $0x3;
	v1 =	vor.u32 $0x800, v0;
	v2 =	vsel vm15, $0xF00, v3;
	v3 =	vsel vm15, $0x2700, v4  }
.LBB2_1:
0x14: {  	[dreg:$0xa] =	wrdreg s4  }
0x15: {  	s1 =	simm.s32 $0x0;
	s21 =	rddreg [dreg:$0x5];
	s9 =	simm.s32 $0xA  }
0x16: {  	[tilespmem:s1], [sflag:$0xA] =	stream.linear.gather [hbm4b:s21+s1], $0x180, $0x38;
	[tilespmem:$0x16300] =	vst v63  }
0x17: {  	_ =	swait.ge [sflag:s9], $0x180  }
0x18: {  	[sflag:s9] =	ssyncset.done $0x0  }
0x19: {  	s14 =	simm.s32 $0x180;
	s29 =	rddreg [dreg:$0x6];
	[sflag:s9] =	ssyncadd.s32 $0xFFFFFE80  }
0x1a: {  	[tilespmem:s14], [sflag:$0xA] =	stream.linear.gather [hbm4b:s29+s1], $0x180, $0x38;
	[tilespmem:$0x16300] =	vst v63  }
0x1b: {  	_ =	swait.ge [sflag:s9], $0x180  }
0x1c: {  	[sflag:s9] =	ssyncset.done $0x0  }
0x1d: {  	[sflag:s9] =	ssyncadd.s32 $0xFFFFFE80  }
0x1e: {  	v4 =	vld [tilespmem:$0x0]  }
0x1f: {  	v5 =	vld [tilespmem:$0x180];
	_ =	sdelay $0x3  }
0x20: {  	(v2sf) =	vpush v4, $0x0  }
0x21: {  	(v2sf) =	vpush v5, $0x0;
	_ =	sdelay $0x1  }
0x22: {  	(v2sf) =	vpush v4, $0x1;
	_ =	sdelay $0x5  }
0x23: {  	(v2sf) =	vpush v5, $0x1;
	_ =	sdelay $0x5  }
0x24: {  	s14 =	spop (v2sf);
	(v2sf) =	vpush v4, $0x2  }
0x25: {  	s21 =	spop (v2sf);
	(v2sf) =	vpush v5, $0x2;
	_ =	sdelay $0x1  }
0x26: {  	s1 =	sand.u32 $0xFFFFF80, s14;
	s29 =	spop (v2sf);
	(v2sf) =	vpush v4, $0x3  }
0x27: {  	s1 =	sadd.s32 s2, s1  }
0x28: {  	[tilespmem:s31], [sflag:$0x1] =	stream.strided.gather [hbm4b:s1+s8], $0x1000, s11, s8, $0x38;
	[tilespmem:$0x16300] =	vst v63  }
0x29: {  	s1 =	sand.u32 $0xFFFFF80, s21  }
0x2a: {  	s1 =	sadd.s32 s3, s1  }
0x2b: {  	(v2sf) =	vpush v5, $0x3;
	[tilespmem:s15], [sflag:$0x5] =	stream.strided.gather [hbm4b:s1+s8], $0x1000, s11, s8, $0x38;
	[tilespmem:$0x16300] =	vst v63  }
0x2c: {  	s9 =	spop (v2sf);
	(v2sf) =	vpush v4, $0x4;
	s1 =	sand.u32 $0xFFFFF80, s29  }
0x2d: {  	s1 =	sadd.s32 s2, s1  }
0x2e: {  	[tilespmem:s7], [sflag:$0x1] =	stream.strided.gather [hbm4b:s1+s8], $0x1000, s11, s8, $0x38;
	[tilespmem:$0x16300] =	vst v63  }
0x2f: {  	s1 =	sand.u32 $0xFFFFF80, s9  }
0x30: {  	s1 =	sadd.s32 s3, s1  }
0x31: {  	[tilespmem:s17], [sflag:$0x5] =	stream.strided.gather [hbm4b:s1+s8], $0x1000, s11, s8, $0x38;
	[tilespmem:$0x16300] =	vst v63  }
0x32: {  	s14 =	spop (v2sf);
	(v2sf) =	vpush v5, $0x4  }
0x33: {  	s15 =	spop (v2sf);
	(v2sf) =	vpush v4, $0x5  }
0x34: {  	s1 =	sand.u32 $0xFFFFF80, s14  }
0x35: {  	s1 =	sadd.s32 s2, s1;
	s17 =	spop (v2sf)  }
0x36: {  	(v2sf) =	vpush v5, $0x5;
	[tilespmem:s16], [sflag:$0x2] =	stream.strided.gather [hbm4b:s1+s8], $0x1000, s11, s8, $0x38;
	[tilespmem:$0x16300] =	vst v63  }
0x37: {  	s1 =	sand.u32 $0xFFFFF80, s15  }
0x38: {  	s1 =	sadd.s32 s3, s1  }
0x39: {  	[tilespmem:s19], [sflag:$0x6] =	stream.strided.gather [hbm4b:s1+s8], $0x1000, s11, s8, $0x38;
	[tilespmem:$0x16300] =	vst v63  }
0x3a: {  	s21 =	spop (v2sf);
	s1 =	sand.u32 $0xFFFFF80, s17  }
0x3b: {  	s29 =	sand.u32 $0xFFFFF80, s21;
	s7 =	spop (v2sf);
	s1 =	sadd.s32 s2, s1  }
0x3c: {  	[tilespmem:s22], [sflag:$0x2] =	stream.strided.gather [hbm4b:s1+s8], $0x1000, s11, s8, $0x38;
	[tilespmem:$0x16300] =	vst v63  }
0x3d: {  	s14 =	sand.u32 $0xFFFFF80, s7;
	s1 =	sadd.s32 s3, s29  }
0x3e: {  	[tilespmem:s18], [sflag:$0x6] =	stream.strided.gather [hbm4b:s1+s8], $0x1000, s11, s8, $0x38;
	[tilespmem:$0x16300] =	vst v63  }
0x3f: {  	s1 =	sadd.s32 s2, s14  }
0x40: {  	[tilespmem:s20], [sflag:$0x3] =	stream.strided.gather [hbm4b:s1+s8], $0x1000, s11, s8, $0x38;
	[tilespmem:$0x16300] =	vst v63  }
0x41: {  	s15 =	spop (v2sf)  }
0x42: {  	s17 =	sand.u32 $0xFFFFF80, s15;
	s18 =	spop (v2sf)  }
0x43: {  	s1 =	sadd.s32 s3, s17;
	s21 =	sand.u32 $0xFFFFF80, s18  }
0x44: {  	[tilespmem:s12], [sflag:$0x7] =	stream.strided.gather [hbm4b:s1+s8], $0x1000, s11, s8, $0x38;
	[tilespmem:$0x16300] =	vst v63  }
0x45: {  	s29 =	spop (v2sf);
	s1 =	sadd.s32 s2, s21  }
0x46: {  	[tilespmem:s24], [sflag:$0x3] =	stream.strided.gather [hbm4b:s1+s8], $0x1000, s11, s8, $0x38;
	[tilespmem:$0x16300] =	vst v63  }
0x47: {  	s4 =	simm.s32 $0x7300;
	s9 =	simm.s32 $0xF;
	s1 =	sand.u32 $0xFFFFF80, s29  }
0x48: {  	s14 =	simm.s32 $0x10;
	s15 =	simm.s32 $0x190;
	s1 =	sadd.s32 s3, s1  }
0x49: {  	[tilespmem:s5], [sflag:$0x7] =	stream.strided.gather [hbm4b:s1+s8], $0x1000, s11, s8, $0x38;
	[tilespmem:$0x16300] =	vst v63  }
.LBB2_2:
0x4a: {  	v5 =	vld [tilespmem:s14+$0xFFFFFFF0];
	_ =	sdelay $0x1  }
0x4b: {  	v4 =	vld [tilespmem:s15+$0xFFFFFFF0];
	_ =	sdelay $0x2  }
0x4c: {  	(v2sf) =	vpush v5, $0x6;
	_ =	sdelay $0x1  }
0x4d: {  	(v2sf) =	vpush v4, $0x6;
	_ =	sdelay $0x2  }
0x4e: {  	(v2sf) =	vpush v5, $0x7;
	_ =	sdelay $0x2  }
0x4f: {  	(v2sf) =	vpush v4, $0x7;
	_ =	sdelay $0x6  }
0x50: {  	s29 =	spop (v2sf)  }
0x51: {  	s1 =	sand.u32 $0xFFFFF80, s29  }
0x52: {  	s21 =	spop (v2sf);
	s1 =	sadd.s32 s2, s1  }
0x53: {  	[tilespmem:s23], [sflag:$0x4] =	stream.strided.gather [hbm4b:s1+s13], $0x1000, s30, s13, $0x38;
	[tilespmem:$0x16300] =	vst v63  }
0x54: {  	s23 =	sand.u32 $0xFFFFF80, s21  }
0x55: {  	s18 =	spop (v2sf);
	s1 =	sadd.s32 s3, s23  }
0x56: {  	[tilespmem:s26], [sflag:$0x8] =	stream.strided.gather [hbm4b:s1+s13], $0x1000, s30, s13, $0x38;
	[tilespmem:$0x16300] =	vst v63  }
0x57: {  	s26 =	sand.u32 $0xFFFFF80, s18  }
0x58: {  	s7 =	spop (v2sf);
	s1 =	sadd.s32 s2, s26  }
0x59: {  	[tilespmem:s4], [sflag:$0x4] =	stream.strided.gather [hbm4b:s1+s13], $0x1000, s30, s13, $0x38;
	[tilespmem:$0x16300] =	vst v63  }
0x5a: {  	s4 =	sand.u32 $0xFFFFF80, s7  }
0x5b: {  	s8 =	simm.s32 $0x1;
	[dreg:$0xb] =	wrdreg s7;
	s1 =	sadd.s32 s3, s4  }
0x5c: {  	[tilespmem:s6], [sflag:$0x8] =	stream.strided.gather [hbm4b:s1+s13], $0x1000, s30, s13, $0x38;
	[tilespmem:$0x16300] =	vst v63  }
0x5d: {  	_ =	swait.ge [sflag:s8], $0x1000  }
0x5e: {  	[sflag:s8] =	ssyncset.done $0x0  }
0x5f: {  	s11 =	simm.s32 $0x5;
	[sflag:s8] =	ssyncadd.s32 $0xFFFFF000  }
0x60: {  	_ =	swait.ge [sflag:s11], $0x1000  }
0x61: {  	[sflag:s11] =	ssyncset.done $0x0  }
0x62: {  	[sflag:s11] =	ssyncadd.s32 $0xFFFFF000  }
0x63: {  	_ =	swait.ge [sflag:s8], $0x1000  }
0x64: {  	[sflag:s8] =	ssyncset.done $0x0  }
0x65: {  	[sflag:s8] =	ssyncadd.s32 $0xFFFFF000  }
0x66: {  	_ =	swait.ge [sflag:s11], $0x1000  }
0x67: {  	(v2sf) =	vpush v5, $0x0;
	_ =	sdelay $0x6  }
0x68: {  	(v2sf) =	vpush v4, $0x0;
	_ =	sdelay $0x6  }
0x69: {  	(v2sf) =	vpush v5, $0x1  }
0x6a: {  	s7 =	spop (v2sf)  }
0x6b: {  	s1 =	sand.u32 $0x7F, s7  }
0x6c: {  	s17 =	sadd.s32 $0xFFFFFFF1, s9;
	v6 =	vor.u32 s1, v0  }
0x6d: {  	v7 =	vmov s17;
	v8 =	vor.u32 s1, v1  }
0x6e: {  	v9 =	vshll.u32 v7, $0x3  }
0x6f: {  	v7 =	vand.u32 $0x70, v7;
	v9 =	vand.u32 $0xC00, v9;
	[sflag:s11] =	ssyncset.done $0x0  }
0x70: {  	v7 =	vor.u32 v7, v9;
	[sflag:s11] =	ssyncadd.s32 $0xFFFFF000;
	(v2sf) =	vpush v4, $0x1  }
0x71: {  	v9 =	vadd.s32 v2, v7;
	s12 =	spop (v2sf);
	v6 =	vld.idx.msk [tilespmem:v6+s31+$0x0], $0xffff  }
0x72: {  	v7 =	vadd.s32 v3, v7;
	s1 =	sand.u32 $0x7F, s12;
	v8 =	vld.idx.msk [tilespmem:v8+s31+$0x0], $0xffff  }
0x73: {  	v10 =	vor.u32 s1, v0  }
0x74: {  	v11 =	vor.u32 s1, v1;
	_ =	sdelay $0x1  }
0x75: {  	[tilespmem:v9+s0+$0x0] =	vst.idx.msk $0xffff, v6  }
0x76: {  	s17 =	simm.s32 $0x8300;
	[tilespmem:v7+s0+$0x0] =	vst.idx.msk $0xffff, v8  }
0x77: {  	s23 =	spop (v2sf);
	v6 =	vld.idx.msk [tilespmem:v10+s17+$0x0], $0xffff  }
0x78: {  	s1 =	sand.u32 $0x7F, s23;
	v8 =	vld.idx.msk [tilespmem:v11+s17+$0x0], $0xffff  }
0x79: {  	s26 =	sadd.s32 $0xFFFFFFF2, s9;
	v59 =	vor.u32 s1, v0  }
0x7a: {  	v60 =	vmov s26;
	(v2sf) =	vpush v5, $0x8;
	v12 =	vor.u32 s1, v1  }
0x7b: {  	v13 =	vshll.u32 v60, $0x3;
	(v2sf) =	vpush v4, $0x8  }
0x7c: {  	v61 =	vand.u32 $0x71, v60;
	v62 =	vand.u32 $0xC00, v13;
	[tilespmem:v9+s10+$0x0] =	vst.idx.msk $0xffff, v6  }
0x7d: {  	s12 =	simm.s32 $0x1300;
	v6 =	vor.u32 v61, v62;
	[tilespmem:v7+s10+$0x0] =	vst.idx.msk $0xffff, v8  }
0x7e: {  	(v2sf) =	vpush v5, $0x9;
	s4 =	spop (v2sf);
	v63 =	vadd.s32 v2, v6;
	v7 =	vld.idx.msk [tilespmem:v59+s12+$0x0], $0xffff  }
0x7f: {  	s1 =	sand.u32 $0x7F, s4;
	v6 =	vadd.s32 v3, v6;
	v13 =	vld.idx.msk [tilespmem:v12+s12+$0x0], $0xffff  }
0x80: {  	v14 =	vor.u32 s1, v0  }
0x81: {  	(v2sf) =	vpush v4, $0x9;
	v15 =	vor.u32 s1, v1;
	_ =	sdelay $0x1  }
0x82: {  	[tilespmem:v63+s0+$0x0] =	vst.idx.msk $0xffff, v7  }
0x83: {  	s17 =	simm.s32 $0x9300;
	[tilespmem:v6+s0+$0x0] =	vst.idx.msk $0xffff, v13  }
0x84: {  	v7 =	vld.idx.msk [tilespmem:v14+s17+$0x0], $0xffff  }
0x85: {  	v9 =	vld.idx.msk [tilespmem:v15+s17+$0x0], $0xffff;
	_ =	sdelay $0x2  }
0x86: {  	s31 =	spop (v2sf)  }
0x87: {  	s23 =	sand.u32 $0xFFFFF80, s31;
	s26 =	spop (v2sf);
	[tilespmem:v63+s10+$0x0] =	vst.idx.msk $0xffff, v7  }
0x88: {  	s4 =	simm.s32 $0x300;
	s1 =	sadd.s32 s2, s23;
	s23 =	sand.u32 $0xFFFFF80, s26;
	[tilespmem:v6+s10+$0x0] =	vst.idx.msk $0xffff, v9  }
0x89: {  	[tilespmem:s4], [sflag:$0x1] =	stream.strided.gather [hbm4b:s1+s13], $0x1000, s30, s13, $0x38;
	[tilespmem:$0x16300] =	vst v63  }
0x8a: {  	s1 =	sadd.s32 s3, s23;
	s23 =	spop (v2sf)  }
0x8b: {  	s7 =	simm.s32 $0x8300;
	s4 =	sand.u32 $0xFFFFF80, s23  }
0x8c: {  	[tilespmem:s7], [sflag:$0x5] =	stream.strided.gather [hbm4b:s1+s13], $0x1000, s30, s13, $0x38;
	[tilespmem:$0x16300] =	vst v63  }
0x8d: {  	s12 =	simm.s32 $0x1300;
	s7 =	spop (v2sf);
	s1 =	sadd.s32 s2, s4  }
0x8e: {  	[tilespmem:s12], [sflag:$0x1] =	stream.strided.gather [hbm4b:s1+s13], $0x1000, s30, s13, $0x38;
	[tilespmem:$0x16300] =	vst v63  }
0x8f: {  	s17 =	simm.s32 $0x9300;
	s12 =	sand.u32 $0xFFFFF80, s7  }
0x90: {  	[dreg:$0xe] =	wrdreg s7;
	s7 =	simm.s32 $0x2;
	s1 =	sadd.s32 s3, s12  }
0x91: {  	[tilespmem:s17], [sflag:$0x5] =	stream.strided.gather [hbm4b:s1+s13], $0x1000, s30, s13, $0x38;
	[tilespmem:$0x16300] =	vst v63  }
0x92: {  	_ =	swait.ge [sflag:s7], $0x1000  }
0x93: {  	[sflag:s7] =	ssyncset.done $0x0  }
0x94: {  	s12 =	simm.s32 $0x6;
	[sflag:s7] =	ssyncadd.s32 $0xFFFFF000  }
0x95: {  	_ =	swait.ge [sflag:s12], $0x1000  }
0x96: {  	[sflag:s12] =	ssyncset.done $0x0  }
0x97: {  	[sflag:s12] =	ssyncadd.s32 $0xFFFFF000  }
0x98: {  	_ =	swait.ge [sflag:s7], $0x1000  }
0x99: {  	[sflag:s7] =	ssyncset.done $0x0  }
0x9a: {  	[sflag:s7] =	ssyncadd.s32 $0xFFFFF000  }
0x9b: {  	_ =	swait.ge [sflag:s12], $0x1000  }
0x9c: {  	(v2sf) =	vpush v5, $0x2;
	_ =	sdelay $0x6  }
0x9d: {  	(v2sf) =	vpush v4, $0x2;
	_ =	sdelay $0x6  }
0x9e: {  	(v2sf) =	vpush v5, $0x3  }
0x9f: {  	s17 =	spop (v2sf)  }
0xa0: {  	s1 =	sand.u32 $0x7F, s17  }
0xa1: {  	s4 =	sadd.s32 $0xFFFFFFF3, s9;
	v16 =	vor.u32 s1, v0  }
0xa2: {  	v17 =	vmov s4;
	v18 =	vor.u32 s1, v1  }
0xa3: {  	v19 =	vshll.u32 v17, $0x3  }
0xa4: {  	v7 =	vand.u32 $0x72, v17;
	v9 =	vand.u32 $0xC00, v19;
	[sflag:s12] =	ssyncset.done $0x0  }
0xa5: {  	v7 =	vor.u32 v7, v9;
	[sflag:s12] =	ssyncadd.s32 $0xFFFFF000;
	(v2sf) =	vpush v4, $0x3  }
0xa6: {  	v9 =	vadd.s32 v2, v7;
	s17 =	spop (v2sf);
	v6 =	vld.idx.msk [tilespmem:v16+s16+$0x0], $0xffff  }
0xa7: {  	v7 =	vadd.s32 v3, v7;
	s1 =	sand.u32 $0x7F, s17;
	v8 =	vld.idx.msk [tilespmem:v18+s16+$0x0], $0xffff  }
0xa8: {  	v20 =	vor.u32 s1, v0  }
0xa9: {  	v21 =	vor.u32 s1, v1;
	_ =	sdelay $0x1  }
0xaa: {  	[tilespmem:v9+s0+$0x0] =	vst.idx.msk $0xffff, v6  }
0xab: {  	[tilespmem:v7+s0+$0x0] =	vst.idx.msk $0xffff, v8  }
0xac: {  	s4 =	spop (v2sf);
	v6 =	vld.idx.msk [tilespmem:v20+s19+$0x0], $0xffff  }
0xad: {  	s1 =	sand.u32 $0x7F, s4;
	v8 =	vld.idx.msk [tilespmem:v21+s19+$0x0], $0xffff  }
0xae: {  	v22 =	vor.u32 s1, v0;
	s16 =	sadd.s32 $0xFFFFFFF4, s9  }
0xaf: {  	(v2sf) =	vpush v5, $0xA;
	v24 =	vor.u32 s1, v1;
	v23 =	vmov s16  }
0xb0: {  	v25 =	vshll.u32 v23, $0x3  }
0xb1: {  	(v2sf) =	vpush v4, $0xA;
	v26 =	vand.u32 $0x73, v23;
	v27 =	vand.u32 $0xC00, v25;
	[tilespmem:v9+s10+$0x0] =	vst.idx.msk $0xffff, v6  }
0xb2: {  	v6 =	vor.u32 v26, v27;
	[tilespmem:v7+s10+$0x0] =	vst.idx.msk $0xffff, v8  }
0xb3: {  	s19 =	spop (v2sf);
	v28 =	vadd.s32 v2, v6;
	v7 =	vld.idx.msk [tilespmem:v22+s22+$0x0], $0xffff  }
0xb4: {  	s1 =	sand.u32 $0x7F, s19;
	v6 =	vadd.s32 v3, v6;
	v29 =	vld.idx.msk [tilespmem:v24+s22+$0x0], $0xffff  }
0xb5: {  	v30 =	vor.u32 s1, v0  }
0xb6: {  	(v2sf) =	vpush v5, $0xB;
	v31 =	vor.u32 s1, v1  }
0xb7: {  	(v2sf) =	vpush v4, $0xB  }
0xb8: {  	[tilespmem:v28+s0+$0x0] =	vst.idx.msk $0xffff, v7  }
0xb9: {  	s22 =	simm.s32 $0xB300;
	[tilespmem:v6+s0+$0x0] =	vst.idx.msk $0xffff, v29  }
0xba: {  	v7 =	vld.idx.msk [tilespmem:v30+s22+$0x0], $0xffff  }
0xbb: {  	v9 =	vld.idx.msk [tilespmem:v31+s22+$0x0], $0xffff;
	_ =	sdelay $0x2  }
0xbc: {  	s22 =	spop (v2sf)  }
0xbd: {  	s4 =	sand.u32 $0xFFFFF80, s22;
	[tilespmem:v28+s10+$0x0] =	vst.idx.msk $0xffff, v7  }
0xbe: {  	s19 =	spop (v2sf);
	s1 =	sadd.s32 s2, s4;
	s4 =	simm.s32 $0x2300;
	[tilespmem:v6+s10+$0x0] =	vst.idx.msk $0xffff, v9  }
0xbf: {  	[tilespmem:s4], [sflag:$0x2] =	stream.strided.gather [hbm4b:s1+s13], $0x1000, s30, s13, $0x38;
	[tilespmem:$0x16300] =	vst v63  }
0xc0: {  	s4 =	sand.u32 $0xFFFFF80, s19  }
0xc1: {  	s17 =	simm.s32 $0xA300;
	s1 =	sadd.s32 s3, s4  }
0xc2: {  	[tilespmem:s17], [sflag:$0x6] =	stream.strided.gather [hbm4b:s1+s13], $0x1000, s30, s13, $0x38;
	[tilespmem:$0x16300] =	vst v63  }
0xc3: {  	[dreg:$0x12] =	wrdreg s19;
	s17 =	spop (v2sf)  }
0xc4: {  	s4 =	simm.s32 $0x3300;
	s1 =	sand.u32 $0xFFFFF80, s17;
	s19 =	spop (v2sf)  }
0xc5: {  	[dreg:$0xd] =	wrdreg s19;
	s1 =	sadd.s32 s2, s1;
	s19 =	sand.u32 $0xFFFFF80, s19  }
0xc6: {  	[tilespmem:s4], [sflag:$0x2] =	stream.strided.gather [hbm4b:s1+s13], $0x1000, s30, s13, $0x38;
	[tilespmem:$0x16300] =	vst v63  }
0xc7: {  	s16 =	simm.s32 $0xB300;
	s1 =	sadd.s32 s3, s19  }
0xc8: {  	[tilespmem:s16], [sflag:$0x6] =	stream.strided.gather [hbm4b:s1+s13], $0x1000, s30, s13, $0x38;
	[tilespmem:$0x16300] =	vst v63  }
0xc9: {  	_ =	swait.ge [sflag:s25], $0x1000  }
0xca: {  	[sflag:s25] =	ssyncset.done $0x0  }
0xcb: {  	[sflag:s25] =	ssyncadd.s32 $0xFFFFF000  }
0xcc: {  	_ =	swait.ge [sflag:s28], $0x1000  }
0xcd: {  	[sflag:s28] =	ssyncset.done $0x0  }
0xce: {  	[sflag:s28] =	ssyncadd.s32 $0xFFFFF000  }
0xcf: {  	_ =	swait.ge [sflag:s25], $0x1000  }
0xd0: {  	[sflag:s25] =	ssyncset.done $0x0  }
0xd1: {  	[sflag:s25] =	ssyncadd.s32 $0xFFFFF000  }
0xd2: {  	_ =	swait.ge [sflag:s28], $0x1000  }
0xd3: {  	(v2sf) =	vpush v5, $0x4;
	_ =	sdelay $0x6  }
0xd4: {  	(v2sf) =	vpush v4, $0x4;
	_ =	sdelay $0x6  }
0xd5: {  	(v2sf) =	vpush v5, $0x5  }
0xd6: {  	s4 =	spop (v2sf)  }
0xd7: {  	s1 =	sand.u32 $0x7F, s4  }
0xd8: {  	s16 =	sadd.s32 $0xFFFFFFF5, s9;
	v32 =	vor.u32 s1, v0  }
0xd9: {  	v33 =	vmov s16;
	v34 =	vor.u32 s1, v1  }
0xda: {  	v35 =	vshll.u32 v33, $0x3  }
0xdb: {  	v7 =	vand.u32 $0x74, v33;
	v9 =	vand.u32 $0xC00, v35;
	[sflag:s28] =	ssyncset.done $0x0  }
0xdc: {  	v7 =	vor.u32 v7, v9;
	[sflag:s28] =	ssyncadd.s32 $0xFFFFF000;
	(v2sf) =	vpush v4, $0x5  }
0xdd: {  	v9 =	vadd.s32 v2, v7;
	s4 =	spop (v2sf);
	v6 =	vld.idx.msk [tilespmem:v32+s20+$0x0], $0xffff  }
0xde: {  	v7 =	vadd.s32 v3, v7;
	s1 =	sand.u32 $0x7F, s4;
	v8 =	vld.idx.msk [tilespmem:v34+s20+$0x0], $0xffff  }
0xdf: {  	v36 =	vor.u32 s1, v0  }
0xe0: {  	v37 =	vor.u32 s1, v1;
	_ =	sdelay $0x1  }
0xe1: {  	[tilespmem:v9+s0+$0x0] =	vst.idx.msk $0xffff, v6  }
0xe2: {  	s16 =	simm.s32 $0xC300;
	[tilespmem:v7+s0+$0x0] =	vst.idx.msk $0xffff, v8  }
0xe3: {  	s19 =	spop (v2sf);
	v6 =	vld.idx.msk [tilespmem:v36+s16+$0x0], $0xffff  }
0xe4: {  	s1 =	sand.u32 $0x7F, s19;
	v8 =	vld.idx.msk [tilespmem:v37+s16+$0x0], $0xffff  }
0xe5: {  	v38 =	vor.u32 s1, v0;
	s20 =	sadd.s32 $0xFFFFFFF6, s9  }
0xe6: {  	(v2sf) =	vpush v5, $0xC;
	v40 =	vor.u32 s1, v1;
	v39 =	vmov s20  }
0xe7: {  	(v2sf) =	vpush v4, $0xC;
	v41 =	vshll.u32 v39, $0x3  }
0xe8: {  	v42 =	vand.u32 $0x75, v39;
	v43 =	vand.u32 $0xC00, v41;
	[tilespmem:v9+s10+$0x0] =	vst.idx.msk $0xffff, v6  }
0xe9: {  	v6 =	vor.u32 v42, v43;
	[tilespmem:v7+s10+$0x0] =	vst.idx.msk $0xffff, v8  }
0xea: {  	s4 =	spop (v2sf);
	v44 =	vadd.s32 v2, v6;
	v7 =	vld.idx.msk [tilespmem:v38+s24+$0x0], $0xffff  }
0xeb: {  	s1 =	sand.u32 $0x7F, s4;
	v6 =	vadd.s32 v3, v6;
	v45 =	vld.idx.msk [tilespmem:v40+s24+$0x0], $0xffff  }
0xec: {  	(v2sf) =	vpush v5, $0xD;
	v46 =	vor.u32 s1, v0  }
0xed: {  	(v2sf) =	vpush v4, $0xD;
	v47 =	vor.u32 s1, v1;
	_ =	sdelay $0x1  }
0xee: {  	[tilespmem:v44+s0+$0x0] =	vst.idx.msk $0xffff, v7  }
0xef: {  	[tilespmem:v6+s0+$0x0] =	vst.idx.msk $0xffff, v45  }
0xf0: {  	v7 =	vld.idx.msk [tilespmem:v46+s5+$0x0], $0xffff  }
0xf1: {  	v9 =	vld.idx.msk [tilespmem:v47+s5+$0x0], $0xffff;
	_ =	sdelay $0x2  }
0xf2: {  	s1 =	spop (v2sf)  }
0xf3: {  	s24 =	spop (v2sf);
	s5 =	sand.u32 $0xFFFFF80, s1;
	[tilespmem:v44+s10+$0x0] =	vst.idx.msk $0xffff, v7  }
0xf4: {  	s20 =	simm.s32 $0x4300;
	s19 =	sadd.s32 s2, s5;
	s5 =	sand.u32 $0xFFFFF80, s24;
	[tilespmem:v6+s10+$0x0] =	vst.idx.msk $0xffff, v9  }
0xf5: {  	[tilespmem:s20], [sflag:$0x3] =	stream.strided.gather [hbm4b:s19+s13], $0x1000, s30, s13, $0x38;
	[tilespmem:$0x16300] =	vst v63  }
0xf6: {  	s16 =	simm.s32 $0xC300;
	s19 =	sadd.s32 s3, s5  }
0xf7: {  	[tilespmem:s16], [sflag:$0x7] =	stream.strided.gather [hbm4b:s19+s13], $0x1000, s30, s13, $0x38;
	[tilespmem:$0x16300] =	vst v63  }
0xf8: {  	s5 =	simm.s32 $0xD300;
	s19 =	spop (v2sf)  }
0xf9: {  	s16 =	simm.s32 $0x5300;
	s4 =	sand.u32 $0xFFFFF80, s19;
	s20 =	spop (v2sf)  }
0xfa: {  	[dreg:$0x11] =	wrdreg s19;
	s4 =	sadd.s32 s2, s4;
	s19 =	sand.u32 $0xFFFFF80, s20  }
0xfb: {  	[tilespmem:s16], [sflag:$0x3] =	stream.strided.gather [hbm4b:s4+s13], $0x1000, s30, s13, $0x38;
	[tilespmem:$0x16300] =	vst v63  }
0xfc: {  	[dreg:$0xf] =	wrdreg s20;
	s20 =	simm.s32 $0x4;
	s4 =	sadd.s32 s3, s19  }
0xfd: {  	[tilespmem:s5], [sflag:$0x7] =	stream.strided.gather [hbm4b:s4+s13], $0x1000, s30, s13, $0x38;
	[tilespmem:$0x16300] =	vst v63  }
0xfe: {  	s16 =	simm.s32 $0x4;
	_ =	swait.ge [sflag:s20], $0x1000  }
0xff: {  	s19 =	simm.s32 $0x4;
	[sflag:s16] =	ssyncset.done $0x0  }
0x100: {  	s20 =	simm.s32 $0x8;
	[sflag:s19] =	ssyncadd.s32 $0xFFFFF000  }
0x101: {  	s16 =	simm.s32 $0x8;
	_ =	swait.ge [sflag:s20], $0x1000  }
0x102: {  	s19 =	simm.s32 $0x8;
	[sflag:s16] =	ssyncset.done $0x0  }
0x103: {  	s20 =	simm.s32 $0x4;
	[sflag:s19] =	ssyncadd.s32 $0xFFFFF000  }
0x104: {  	s4 =	sand.u32 $0x7F, s29;
	s16 =	simm.s32 $0x4;
	_ =	swait.ge [sflag:s20], $0x1000  }
0x105: {  	v48 =	vor.u32 s4, v0;
	s19 =	sadd.s32 $0xFFFFFFF7, s9;
	s20 =	simm.s32 $0x4;
	[sflag:s16] =	ssyncset.done $0x0  }
0x106: {  	s29 =	simm.s32 $0x8;
	v50 =	vor.u32 s4, v1;
	v49 =	vmov s19;
	[sflag:s20] =	ssyncadd.s32 $0xFFFFF000  }
0x107: {  	v51 =	vshll.u32 v49, $0x3;
	s16 =	simm.s32 $0x8;
	_ =	swait.ge [sflag:s29], $0x1000  }
0x108: {  	s19 =	simm.s32 $0x8;
	v7 =	vand.u32 $0x76, v49;
	v9 =	vand.u32 $0xC00, v51;
	[sflag:s16] =	ssyncset.done $0x0  }
0x109: {  	s20 =	simm.s32 $0x6300;
	v7 =	vor.u32 v7, v9;
	[sflag:s19] =	ssyncadd.s32 $0xFFFFF000  }
0x10a: {  	v9 =	vadd.s32 v2, v7;
	s16 =	simm.s32 $0x6300;
	v6 =	vld.idx.msk [tilespmem:v48+s20+$0x0], $0xffff  }
0x10b: {  	s29 =	sand.u32 $0x7F, s21;
	v7 =	vadd.s32 v3, v7;
	v8 =	vld.idx.msk [tilespmem:v50+s16+$0x0], $0xffff  }
0x10c: {  	v52 =	vor.u32 s29, v0  }
0x10d: {  	v53 =	vor.u32 s29, v1;
	_ =	sdelay $0x1  }
0x10e: {  	[tilespmem:v9+s0+$0x0] =	vst.idx.msk $0xffff, v6  }
0x10f: {  	s19 =	simm.s32 $0xE300;
	[tilespmem:v7+s0+$0x0] =	vst.idx.msk $0xffff, v8  }
0x110: {  	s20 =	simm.s32 $0xE300;
	v6 =	vld.idx.msk [tilespmem:v52+s19+$0x0], $0xffff  }
0x111: {  	s21 =	sand.u32 $0x7F, s18;
	v8 =	vld.idx.msk [tilespmem:v53+s20+$0x0], $0xffff  }
0x112: {  	s29 =	sadd.s32 $0xFFFFFFF8, s9;
	v54 =	vor.u32 s21, v0  }
0x113: {  	v56 =	vor.u32 s21, v1;
	(v2sf) =	vpush v5, $0xE;
	v55 =	vmov s29  }
0x114: {  	(v2sf) =	vpush v4, $0xE;
	v57 =	vshll.u32 v55, $0x3  }
0x115: {  	v58 =	vand.u32 $0x77, v55;
	v59 =	vand.u32 $0xC00, v57;
	[tilespmem:v9+s10+$0x0] =	vst.idx.msk $0xffff, v6  }
0x116: {  	s16 =	simm.s32 $0x7300;
	v6 =	vor.u32 v58, v59;
	[tilespmem:v7+s10+$0x0] =	vst.idx.msk $0xffff, v8  }
0x117: {  	s18 =	rddreg [dreg:$0xb];
	(v2sf) =	vpush v5, $0xF;
	s19 =	simm.s32 $0x7300;
	v60 =	vadd.s32 v2, v6;
	v7 =	vld.idx.msk [tilespmem:v54+s16+$0x0], $0xffff  }
0x118: {  	s4 =	sand.u32 $0x7F, s18;
	v6 =	vadd.s32 v3, v6;
	v61 =	vld.idx.msk [tilespmem:v56+s19+$0x0], $0xffff  }
0x119: {  	v62 =	vor.u32 s4, v0;
	(v2sf) =	vpush v4, $0xF  }
0x11a: {  	v63 =	vor.u32 s4, v1;
	_ =	sdelay $0x1  }
0x11b: {  	[tilespmem:v60+s0+$0x0] =	vst.idx.msk $0xffff, v7  }
0x11c: {  	[tilespmem:v6+s0+$0x0] =	vst.idx.msk $0xffff, v61  }
0x11d: {  	v4 =	vld.idx.msk [tilespmem:v62+s6+$0x0], $0xffff  }
0x11e: {  	v5 =	vld.idx.msk [tilespmem:v63+s6+$0x0], $0xffff;
	_ =	sdelay $0x2  }
0x11f: {  	s29 =	spop (v2sf)  }
0x120: {  	s20 =	sand.u32 $0xFFFFF80, s29;
	s21 =	spop (v2sf);
	[tilespmem:v60+s10+$0x0] =	vst.idx.msk $0xffff, v4  }
0x121: {  	s4 =	sadd.s32 s2, s20;
	s16 =	sand.u32 $0xFFFFF80, s21;
	s6 =	simm.s32 $0x6300;
	[tilespmem:v6+s10+$0x0] =	vst.idx.msk $0xffff, v5  }
0x122: {  	[tilespmem:s6], [sflag:$0x4] =	stream.strided.gather [hbm4b:s4+s13], $0x1000, s30, s13, $0x38;
	[tilespmem:$0x16300] =	vst v63  }
0x123: {  	s18 =	simm.s32 $0xE300;
	s19 =	spop (v2sf);
	s4 =	sadd.s32 s3, s16  }
0x124: {  	[tilespmem:s18], [sflag:$0x8] =	stream.strided.gather [hbm4b:s4+s13], $0x1000, s30, s13, $0x38;
	[tilespmem:$0x16300] =	vst v63  }
0x125: {  	[dreg:$0x10] =	wrdreg s19;
	s20 =	spop (v2sf);
	s4 =	sand.u32 $0xFFFFF80, s19  }
0x126: {  	s18 =	simm.s32 $0x7300;
	s19 =	sand.u32 $0xFFFFF80, s20;
	s4 =	sadd.s32 s2, s4  }
0x127: {  	[tilespmem:s18], [sflag:$0x4] =	stream.strided.gather [hbm4b:s4+s13], $0x1000, s30, s13, $0x38;
	[tilespmem:$0x16300] =	vst v63  }
0x128: {  	[dreg:$0xc] =	wrdreg s20;
	s6 =	simm.s32 $0xF300;
	s4 =	sadd.s32 s3, s19  }
0x129: {  	[tilespmem:s6], [sflag:$0x8] =	stream.strided.gather [hbm4b:s4+s13], $0x1000, s30, s13, $0x38;
	[tilespmem:$0x16300] =	vst v63  }
0x12a: {  	_ =	swait.ge [sflag:s8], $0x1000  }
0x12b: {  	[sflag:s8] =	ssyncset.done $0x0  }
0x12c: {  	[sflag:s8] =	ssyncadd.s32 $0xFFFFF000  }
0x12d: {  	_ =	swait.ge [sflag:s11], $0x1000  }
0x12e: {  	[sflag:s11] =	ssyncset.done $0x0  }
0x12f: {  	[sflag:s11] =	ssyncadd.s32 $0xFFFFF000  }
0x130: {  	s20 =	sand.u32 $0x7F, s31;
	_ =	swait.ge [sflag:s8], $0x1000  }
0x131: {  	s31 =	sadd.s32 $0xFFFFFFF9, s9;
	v4 =	vor.u32 s20, v0;
	[sflag:s8] =	ssyncset.done $0x0  }
0x132: {  	v5 =	vmov s31;
	v12 =	vor.u32 s20, v1;
	[sflag:s8] =	ssyncadd.s32 $0xFFFFF000  }
0x133: {  	v13 =	vshll.u32 v5, $0x3;
	_ =	swait.ge [sflag:s11], $0x1000  }
0x134: {  	v5 =	vand.u32 $0x78, v5;
	v7 =	vand.u32 $0xC00, v13;
	[sflag:s11] =	ssyncset.done $0x0  }
0x135: {  	s31 =	simm.s32 $0x300;
	v5 =	vor.u32 v5, v7;
	[sflag:s11] =	ssyncadd.s32 $0xFFFFF000  }
0x136: {  	v7 =	vadd.s32 v2, v5;
	v4 =	vld.idx.msk [tilespmem:v4+s31+$0x0], $0xffff  }
0x137: {  	s16 =	sand.u32 $0x7F, s26;
	v5 =	vadd.s32 v3, v5;
	v6 =	vld.idx.msk [tilespmem:v12+s31+$0x0], $0xffff  }
0x138: {  	v14 =	vor.u32 s16, v0  }
0x139: {  	v15 =	vor.u32 s16, v1;
	_ =	sdelay $0x1  }
0x13a: {  	[tilespmem:v7+s0+$0x0] =	vst.idx.msk $0xffff, v4  }
0x13b: {  	s18 =	simm.s32 $0x8300;
	[tilespmem:v5+s0+$0x0] =	vst.idx.msk $0xffff, v6  }
0x13c: {  	v4 =	vld.idx.msk [tilespmem:v14+s18+$0x0], $0xffff  }
0x13d: {  	s19 =	sand.u32 $0x7F, s23;
	v6 =	vld.idx.msk [tilespmem:v15+s18+$0x0], $0xffff  }
0x13e: {  	s20 =	sadd.s32 $0xFFFFFFFA, s9;
	v16 =	vor.u32 s19, v0  }
0x13f: {  	v17 =	vmov s20;
	v18 =	vor.u32 s19, v1  }
0x140: {  	v19 =	vshll.u32 v17, $0x3  }
0x141: {  	v20 =	vand.u32 $0xC00, v19;
	[tilespmem:v7+s10+$0x0] =	vst.idx.msk $0xffff, v4;
	v4 =	vand.u32 $0x79, v17  }
0x142: {  	s23 =	simm.s32 $0x1300;
	[tilespmem:v5+s10+$0x0] =	vst.idx.msk $0xffff, v6;
	v4 =	vor.u32 v4, v20  }
0x143: {  	s26 =	rddreg [dreg:$0xe];
	v5 =	vld.idx.msk [tilespmem:v16+s23+$0x0], $0xffff;
	v21 =	vadd.s32 v2, v4  }
0x144: {  	s4 =	sand.u32 $0x7F, s26;
	v22 =	vld.idx.msk [tilespmem:v18+s23+$0x0], $0xffff;
	v4 =	vadd.s32 v3, v4  }
0x145: {  	v23 =	vor.u32 s4, v0  }
0x146: {  	v24 =	vor.u32 s4, v1;
	_ =	sdelay $0x1  }
0x147: {  	[tilespmem:v21+s0+$0x0] =	vst.idx.msk $0xffff, v5  }
0x148: {  	s11 =	simm.s32 $0x9300;
	[tilespmem:v4+s0+$0x0] =	vst.idx.msk $0xffff, v22  }
0x149: {  	v5 =	vld.idx.msk [tilespmem:v23+s11+$0x0], $0xffff  }
0x14a: {  	v7 =	vld.idx.msk [tilespmem:v24+s11+$0x0], $0xffff;
	_ =	sdelay $0x3  }
0x14b: {  	[tilespmem:v21+s10+$0x0] =	vst.idx.msk $0xffff, v5  }
0x14c: {  	p0 =	seq.s32 s9, $0x17F;
	[tilespmem:v4+s10+$0x0] =	vst.idx.msk $0xffff, v7  }
0x14d: {  	v4 =	vld @!p0 [tilespmem:s14+$0x0];
	_ =	sdelay $0x3  }
0x14e: {  	v5 =	vld @!p0 [tilespmem:s15+$0x0]  }
0x14f: {  	(v2sf) =	vpush @!p0 v4, $0x0;
	_ =	sdelay $0x3  }
0x150: {  	(v2sf) =	vpush @!p0 v5, $0x0;
	_ =	sdelay $0x3  }
0x151: {  	(v2sf) =	vpush @!p0 v4, $0x1;
	_ =	sdelay $0x3  }
0x152: {  	(v2sf) =	vpush @!p0 v5, $0x1;
	_ =	sdelay $0x2  }
0x153: {  	s4 =	spop @!p0 (v2sf)  }
0x154: {  	s26 =	simm.s32 @!p0 $0x300;
	s4 =	sand.u32 @!p0 $0xFFFFF80, s4  }
0x155: {  	s18 =	simm.s32 @!p0 $0x400;
	s23 =	simm.s32 @!p0 $0x7A1400;
	s4 =	sadd.s32 @!p0 s2, s4  }
0x156: {  	[tilespmem:s26], [sflag:$0x1] =	stream.strided.gather @!p0 [hbm4b:s4+s18], $0x1000, s23, s18, $0x38;
	[tilespmem:$0x16300] =	vst v63  }
0x157: {  	s4 =	spop @!p0 (v2sf)  }
0x158: {  	s4 =	sand.u32 @!p0 $0xFFFFF80, s4  }
0x159: {  	s26 =	simm.s32 @!p0 $0x8300;
	s4 =	sadd.s32 @!p0 s3, s4  }
0x15a: {  	[tilespmem:s26], [sflag:$0x5] =	stream.strided.gather @!p0 [hbm4b:s4+s18], $0x1000, s23, s18, $0x38;
	[tilespmem:$0x16300] =	vst v63  }
0x15b: {  	s4 =	spop @!p0 (v2sf)  }
0x15c: {  	s4 =	sand.u32 @!p0 $0xFFFFF80, s4  }
0x15d: {  	s26 =	simm.s32 @!p0 $0x1300;
	s4 =	sadd.s32 @!p0 s2, s4  }
0x15e: {  	[tilespmem:s26], [sflag:$0x1] =	stream.strided.gather @!p0 [hbm4b:s4+s18], $0x1000, s23, s18, $0x38;
	[tilespmem:$0x16300] =	vst v63  }
0x15f: {  	s4 =	spop @!p0 (v2sf)  }
0x160: {  	s4 =	sand.u32 @!p0 $0xFFFFF80, s4  }
0x161: {  	s26 =	simm.s32 @!p0 $0x9300;
	s4 =	sadd.s32 @!p0 s3, s4  }
0x162: {  	[tilespmem:s26], [sflag:$0x5] =	stream.strided.gather @!p0 [hbm4b:s4+s18], $0x1000, s23, s18, $0x38;
	[tilespmem:$0x16300] =	vst v63  }
0x163: {  	_ =	swait.ge [sflag:s7], $0x1000  }
0x164: {  	[sflag:s7] =	ssyncset.done $0x0  }
0x165: {  	[sflag:s7] =	ssyncadd.s32 $0xFFFFF000  }
0x166: {  	_ =	swait.ge [sflag:s12], $0x1000  }
0x167: {  	[sflag:s12] =	ssyncset.done $0x0  }
0x168: {  	[sflag:s12] =	ssyncadd.s32 $0xFFFFF000  }
0x169: {  	s16 =	sand.u32 $0x7F, s22;
	_ =	swait.ge [sflag:s7], $0x1000  }
0x16a: {  	s20 =	sadd.s32 $0xFFFFFFFB, s9;
	v4 =	vor.u32 s16, v0;
	[sflag:s7] =	ssyncset.done $0x0  }
0x16b: {  	v25 =	vor.u32 s16, v1;
	v5 =	vmov s20;
	[sflag:s7] =	ssyncadd.s32 $0xFFFFF000  }
0x16c: {  	v26 =	vshll.u32 v5, $0x3;
	_ =	swait.ge [sflag:s12], $0x1000  }
0x16d: {  	v5 =	vand.u32 $0x7A, v5;
	v7 =	vand.u32 $0xC00, v26;
	[sflag:s12] =	ssyncset.done $0x0  }
0x16e: {  	s22 =	simm.s32 $0x2300;
	v5 =	vor.u32 v5, v7;
	[sflag:s12] =	ssyncadd.s32 $0xFFFFF000  }
0x16f: {  	s16 =	simm.s32 $0x2300;
	v7 =	vadd.s32 v2, v5;
	s7 =	rddreg [dreg:$0x12];
	v4 =	vld.idx.msk [tilespmem:v4+s22+$0x0], $0xffff  }
0x170: {  	v5 =	vadd.s32 v3, v5;
	s4 =	sand.u32 $0x7F, s7;
	v6 =	vld.idx.msk [tilespmem:v25+s16+$0x0], $0xffff  }
0x171: {  	v27 =	vor.u32 s4, v0  }
0x172: {  	v28 =	vor.u32 s4, v1;
	_ =	sdelay $0x1  }
0x173: {  	[tilespmem:v7+s0+$0x0] =	vst.idx.msk $0xffff, v4  }
0x174: {  	s19 =	simm.s32 $0xA300;
	[tilespmem:v5+s0+$0x0] =	vst.idx.msk $0xffff, v6  }
0x175: {  	v4 =	vld.idx.msk [tilespmem:v27+s19+$0x0], $0xffff  }
0x176: {  	s8 =	sand.u32 $0x7F, s17;
	v6 =	vld.idx.msk [tilespmem:v28+s19+$0x0], $0xffff  }
0x177: {  	v29 =	vor.u32 s8, v0;
	s11 =	sadd.s32 $0xFFFFFFFC, s9  }
0x178: {  	v31 =	vor.u32 s8, v1;
	v30 =	vmov s11  }
0x179: {  	v32 =	vshll.u32 v30, $0x3  }
0x17a: {  	v33 =	vand.u32 $0xC00, v32;
	[tilespmem:v7+s10+$0x0] =	vst.idx.msk $0xffff, v4;
	v4 =	vand.u32 $0x7B, v30  }
0x17b: {  	s22 =	simm.s32 $0x3300;
	[tilespmem:v5+s10+$0x0] =	vst.idx.msk $0xffff, v6;
	v4 =	vor.u32 v4, v33  }
0x17c: {  	s12 =	rddreg [dreg:$0xd];
	v5 =	vld.idx.msk [tilespmem:v29+s22+$0x0], $0xffff;
	v34 =	vadd.s32 v2, v4  }
0x17d: {  	s4 =	sand.u32 $0x7F, s12;
	v35 =	vld.idx.msk [tilespmem:v31+s22+$0x0], $0xffff;
	v4 =	vadd.s32 v3, v4  }
0x17e: {  	v36 =	vor.u32 s4, v0  }
0x17f: {  	v37 =	vor.u32 s4, v1;
	_ =	sdelay $0x1  }
0x180: {  	[tilespmem:v34+s0+$0x0] =	vst.idx.msk $0xffff, v5  }
0x181: {  	s17 =	simm.s32 $0xB300;
	[tilespmem:v4+s0+$0x0] =	vst.idx.msk $0xffff, v35  }
0x182: {  	v5 =	vld.idx.msk [tilespmem:v36+s17+$0x0], $0xffff  }
0x183: {  	v7 =	vld.idx.msk [tilespmem:v37+s17+$0x0], $0xffff;
	_ =	sdelay $0x3  }
0x184: {  	[tilespmem:v34+s10+$0x0] =	vst.idx.msk $0xffff, v5  }
0x185: {  	[tilespmem:v4+s10+$0x0] =	vst.idx.msk $0xffff, v7  }
0x186: {  	v4 =	vld @!p0 [tilespmem:s14+$0x0];
	_ =	sdelay $0x3  }
0x187: {  	v5 =	vld @!p0 [tilespmem:s15+$0x0]  }
0x188: {  	(v2sf) =	vpush @!p0 v4, $0x2;
	_ =	sdelay $0x3  }
0x189: {  	(v2sf) =	vpush @!p0 v5, $0x2;
	_ =	sdelay $0x3  }
0x18a: {  	(v2sf) =	vpush @!p0 v4, $0x3;
	_ =	sdelay $0x3  }
0x18b: {  	(v2sf) =	vpush @!p0 v5, $0x3;
	_ =	sdelay $0x2  }
0x18c: {  	s4 =	spop @!p0 (v2sf)  }
0x18d: {  	s4 =	sand.u32 @!p0 $0xFFFFF80, s4  }
0x18e: {  	s17 =	simm.s32 @!p0 $0x2300;
	s4 =	sadd.s32 @!p0 s2, s4  }
0x18f: {  	[tilespmem:s17], [sflag:$0x2] =	stream.strided.gather @!p0 [hbm4b:s4+s18], $0x1000, s23, s18, $0x38;
	[tilespmem:$0x16300] =	vst v63  }
0x190: {  	s4 =	spop @!p0 (v2sf)  }
0x191: {  	s4 =	sand.u32 @!p0 $0xFFFFF80, s4  }
0x192: {  	s17 =	simm.s32 @!p0 $0xA300;
	s4 =	sadd.s32 @!p0 s3, s4  }
0x193: {  	[tilespmem:s17], [sflag:$0x6] =	stream.strided.gather @!p0 [hbm4b:s4+s18], $0x1000, s23, s18, $0x38;
	[tilespmem:$0x16300] =	vst v63  }
0x194: {  	s4 =	spop @!p0 (v2sf)  }
0x195: {  	s4 =	sand.u32 @!p0 $0xFFFFF80, s4  }
0x196: {  	s17 =	simm.s32 @!p0 $0x3300;
	s4 =	sadd.s32 @!p0 s2, s4  }
0x197: {  	[tilespmem:s17], [sflag:$0x2] =	stream.strided.gather @!p0 [hbm4b:s4+s18], $0x1000, s23, s18, $0x38;
	[tilespmem:$0x16300] =	vst v63  }
0x198: {  	s4 =	spop @!p0 (v2sf)  }
0x199: {  	s4 =	sand.u32 @!p0 $0xFFFFF80, s4  }
0x19a: {  	s17 =	simm.s32 @!p0 $0xB300;
	s4 =	sadd.s32 @!p0 s3, s4  }
0x19b: {  	[tilespmem:s17], [sflag:$0x6] =	stream.strided.gather @!p0 [hbm4b:s4+s18], $0x1000, s23, s18, $0x38;
	[tilespmem:$0x16300] =	vst v63  }
0x19c: {  	_ =	swait.ge [sflag:s25], $0x1000  }
0x19d: {  	[sflag:s25] =	ssyncset.done $0x0  }
0x19e: {  	[sflag:s25] =	ssyncadd.s32 $0xFFFFF000  }
0x19f: {  	_ =	swait.ge [sflag:s28], $0x1000  }
0x1a0: {  	[sflag:s28] =	ssyncset.done $0x0  }
0x1a1: {  	[sflag:s28] =	ssyncadd.s32 $0xFFFFF000  }
0x1a2: {  	s1 =	sand.u32 $0x7F, s1;
	_ =	swait.ge [sflag:s25], $0x1000  }
0x1a3: {  	s20 =	sadd.s32 $0xFFFFFFFD, s9;
	v4 =	vor.u32 s1, v0;
	[sflag:s25] =	ssyncset.done $0x0  }
0x1a4: {  	v38 =	vor.u32 s1, v1;
	v5 =	vmov s20;
	[sflag:s25] =	ssyncadd.s32 $0xFFFFF000  }
0x1a5: {  	v39 =	vshll.u32 v5, $0x3;
	_ =	swait.ge [sflag:s28], $0x1000  }
0x1a6: {  	v5 =	vand.u32 $0x7C, v5;
	v7 =	vand.u32 $0xC00, v39;
	[sflag:s28] =	ssyncset.done $0x0  }
0x1a7: {  	s7 =	simm.s32 $0x4300;
	v5 =	vor.u32 v5, v7;
	[sflag:s28] =	ssyncadd.s32 $0xFFFFF000  }
0x1a8: {  	s20 =	simm.s32 $0x4300;
	v7 =	vadd.s32 v2, v5;
	v4 =	vld.idx.msk [tilespmem:v4+s7+$0x0], $0xffff  }
0x1a9: {  	s8 =	sand.u32 $0x7F, s24;
	v5 =	vadd.s32 v3, v5;
	v6 =	vld.idx.msk [tilespmem:v38+s20+$0x0], $0xffff  }
0x1aa: {  	v40 =	vor.u32 s8, v0  }
0x1ab: {  	v41 =	vor.u32 s8, v1;
	_ =	sdelay $0x1  }
0x1ac: {  	[tilespmem:v7+s0+$0x0] =	vst.idx.msk $0xffff, v4  }
0x1ad: {  	s11 =	simm.s32 $0xC300;
	[tilespmem:v5+s0+$0x0] =	vst.idx.msk $0xffff, v6  }
0x1ae: {  	s12 =	rddreg [dreg:$0x11];
	v4 =	vld.idx.msk [tilespmem:v40+s11+$0x0], $0xffff  }
0x1af: {  	s1 =	sand.u32 $0x7F, s12;
	v6 =	vld.idx.msk [tilespmem:v41+s11+$0x0], $0xffff  }
0x1b0: {  	s17 =	sadd.s32 $0xFFFFFFFE, s9;
	v42 =	vor.u32 s1, v0  }
0x1b1: {  	v43 =	vmov s17;
	v44 =	vor.u32 s1, v1  }
0x1b2: {  	v45 =	vshll.u32 v43, $0x3  }
0x1b3: {  	v46 =	vand.u32 $0xC00, v45;
	[tilespmem:v7+s10+$0x0] =	vst.idx.msk $0xffff, v4;
	v4 =	vand.u32 $0x7D, v43  }
0x1b4: {  	s24 =	simm.s32 $0x5300;
	[tilespmem:v5+s10+$0x0] =	vst.idx.msk $0xffff, v6;
	v4 =	vor.u32 v4, v46  }
0x1b5: {  	s7 =	rddreg [dreg:$0xf];
	v5 =	vld.idx.msk [tilespmem:v42+s24+$0x0], $0xffff;
	v47 =	vadd.s32 v2, v4  }
0x1b6: {  	s1 =	sand.u32 $0x7F, s7;
	v48 =	vld.idx.msk [tilespmem:v44+s24+$0x0], $0xffff;
	v4 =	vadd.s32 v3, v4  }
0x1b7: {  	v49 =	vor.u32 s1, v0  }
0x1b8: {  	v50 =	vor.u32 s1, v1;
	_ =	sdelay $0x1  }
0x1b9: {  	[tilespmem:v47+s0+$0x0] =	vst.idx.msk $0xffff, v5  }
0x1ba: {  	[tilespmem:v4+s0+$0x0] =	vst.idx.msk $0xffff, v48  }
0x1bb: {  	v5 =	vld.idx.msk [tilespmem:v49+s5+$0x0], $0xffff  }
0x1bc: {  	v7 =	vld.idx.msk [tilespmem:v50+s5+$0x0], $0xffff;
	_ =	sdelay $0x3  }
0x1bd: {  	[tilespmem:v47+s10+$0x0] =	vst.idx.msk $0xffff, v5  }
0x1be: {  	[tilespmem:v4+s10+$0x0] =	vst.idx.msk $0xffff, v7  }
0x1bf: {  	v4 =	vld @!p0 [tilespmem:s14+$0x0];
	_ =	sdelay $0x3  }
0x1c0: {  	v5 =	vld @!p0 [tilespmem:s15+$0x0]  }
0x1c1: {  	(v2sf) =	vpush @!p0 v4, $0x4;
	_ =	sdelay $0x3  }
0x1c2: {  	(v2sf) =	vpush @!p0 v5, $0x4;
	_ =	sdelay $0x3  }
0x1c3: {  	(v2sf) =	vpush @!p0 v4, $0x5;
	_ =	sdelay $0x3  }
0x1c4: {  	(v2sf) =	vpush @!p0 v5, $0x5;
	_ =	sdelay $0x2  }
0x1c5: {  	s1 =	spop @!p0 (v2sf)  }
0x1c6: {  	s1 =	sand.u32 @!p0 $0xFFFFF80, s1  }
0x1c7: {  	s4 =	simm.s32 @!p0 $0x4300;
	s1 =	sadd.s32 @!p0 s2, s1  }
0x1c8: {  	[tilespmem:s4], [sflag:$0x3] =	stream.strided.gather @!p0 [hbm4b:s1+s18], $0x1000, s23, s18, $0x38;
	[tilespmem:$0x16300] =	vst v63  }
0x1c9: {  	s1 =	spop @!p0 (v2sf)  }
0x1ca: {  	s1 =	sand.u32 @!p0 $0xFFFFF80, s1  }
0x1cb: {  	s4 =	simm.s32 @!p0 $0xC300;
	s1 =	sadd.s32 @!p0 s3, s1  }
0x1cc: {  	[tilespmem:s4], [sflag:$0x7] =	stream.strided.gather @!p0 [hbm4b:s1+s18], $0x1000, s23, s18, $0x38;
	[tilespmem:$0x16300] =	vst v63  }
0x1cd: {  	s1 =	spop @!p0 (v2sf)  }
0x1ce: {  	s1 =	sand.u32 @!p0 $0xFFFFF80, s1  }
0x1cf: {  	s4 =	simm.s32 @!p0 $0x5300;
	s1 =	sadd.s32 @!p0 s2, s1  }
0x1d0: {  	[tilespmem:s4], [sflag:$0x3] =	stream.strided.gather @!p0 [hbm4b:s1+s18], $0x1000, s23, s18, $0x38;
	[tilespmem:$0x16300] =	vst v63  }
0x1d1: {  	s1 =	spop @!p0 (v2sf)  }
0x1d2: {  	s1 =	sand.u32 @!p0 $0xFFFFF80, s1  }
0x1d3: {  	s8 =	simm.s32 $0x4;
	s4 =	simm.s32 @!p0 $0xD300;
	s1 =	sadd.s32 @!p0 s3, s1  }
0x1d4: {  	[tilespmem:s4], [sflag:$0x7] =	stream.strided.gather @!p0 [hbm4b:s1+s18], $0x1000, s23, s18, $0x38;
	[tilespmem:$0x16300] =	vst v63  }
0x1d5: {  	s11 =	simm.s32 $0x4;
	_ =	swait.ge [sflag:s8], $0x1000  }
0x1d6: {  	s12 =	simm.s32 $0x4;
	[sflag:s11] =	ssyncset.done $0x0  }
0x1d7: {  	s17 =	simm.s32 $0x8;
	[sflag:s12] =	ssyncadd.s32 $0xFFFFF000  }
0x1d8: {  	s18 =	simm.s32 $0x8;
	_ =	swait.ge [sflag:s17], $0x1000  }
0x1d9: {  	s4 =	simm.s32 $0x8;
	[sflag:s18] =	ssyncset.done $0x0  }
0x1da: {  	s7 =	simm.s32 $0x4;
	[sflag:s4] =	ssyncadd.s32 $0xFFFFF000  }
0x1db: {  	s8 =	sand.u32 $0x7F, s29;
	s11 =	simm.s32 $0x4;
	_ =	swait.ge [sflag:s7], $0x1000  }
0x1dc: {  	v4 =	vor.u32 s8, v0;
	s12 =	sadd.s32 $0xFFFFFFFF, s9;
	[sflag:s11] =	ssyncset.done $0x0  }
0x1dd: {  	v51 =	vor.u32 s8, v1;
	v5 =	vmov s12;
	s17 =	simm.s32 $0x8;
	[sflag:s11] =	ssyncadd.s32 $0xFFFFF000  }
0x1de: {  	v52 =	vshll.u32 v5, $0x3;
	_ =	swait.ge [sflag:s17], $0x1000  }
0x1df: {  	v5 =	vand.u32 $0x7E, v5;
	v7 =	vand.u32 $0xC00, v52;
	[sflag:s17] =	ssyncset.done $0x0  }
0x1e0: {  	s23 =	simm.s32 $0x6300;
	v5 =	vor.u32 v5, v7;
	[sflag:s17] =	ssyncadd.s32 $0xFFFFF000  }
0x1e1: {  	v7 =	vadd.s32 v2, v5;
	v4 =	vld.idx.msk [tilespmem:v4+s23+$0x0], $0xffff  }
0x1e2: {  	s18 =	sand.u32 $0x7F, s21;
	v5 =	vadd.s32 v3, v5;
	v6 =	vld.idx.msk [tilespmem:v51+s23+$0x0], $0xffff  }
0x1e3: {  	v53 =	vor.u32 s18, v0  }
0x1e4: {  	v54 =	vor.u32 s18, v1;
	_ =	sdelay $0x1  }
0x1e5: {  	[tilespmem:v7+s0+$0x0] =	vst.idx.msk $0xffff, v4  }
0x1e6: {  	s26 =	simm.s32 $0xE300;
	[tilespmem:v5+s0+$0x0] =	vst.idx.msk $0xffff, v6  }
0x1e7: {  	s21 =	rddreg [dreg:$0x10];
	v4 =	vld.idx.msk [tilespmem:v53+s26+$0x0], $0xffff  }
0x1e8: {  	s1 =	sand.u32 $0x7F, s21;
	v6 =	vld.idx.msk [tilespmem:v54+s26+$0x0], $0xffff  }
0x1e9: {  	v55 =	vor.u32 s1, v0  }
0x1ea: {  	v57 =	vmov s9;
	v56 =	vor.u32 s1, v1  }
0x1eb: {  	v58 =	vshll.u32 v57, $0x3  }
0x1ec: {  	v59 =	vand.u32 $0xC00, v58;
	[tilespmem:v7+s10+$0x0] =	vst.idx.msk $0xffff, v4;
	v4 =	vand.u32 $0x7F, v57  }
0x1ed: {  	s4 =	simm.s32 $0x7300;
	[tilespmem:v5+s10+$0x0] =	vst.idx.msk $0xffff, v6;
	v4 =	vor.u32 v4, v59  }
0x1ee: {  	s29 =	rddreg [dreg:$0xc];
	v5 =	vld.idx.msk [tilespmem:v55+s4+$0x0], $0xffff;
	v60 =	vadd.s32 v2, v4  }
0x1ef: {  	s1 =	sand.u32 $0x7F, s29;
	v61 =	vld.idx.msk [tilespmem:v56+s4+$0x0], $0xffff;
	v4 =	vadd.s32 v3, v4  }
0x1f0: {  	v62 =	vor.u32 s1, v0  }
0x1f1: {  	v63 =	vor.u32 s1, v1;
	_ =	sdelay $0x1  }
0x1f2: {  	[tilespmem:v60+s0+$0x0] =	vst.idx.msk $0xffff, v5  }
0x1f3: {  	[tilespmem:v4+s0+$0x0] =	vst.idx.msk $0xffff, v61  }
0x1f4: {  	s9 =	sadd.s32 $0x10, s9;
	v5 =	vld.idx.msk [tilespmem:v62+s6+$0x0], $0xffff  }
0x1f5: {  	p0 =	sne.s32 s9, $0x18F;
	v7 =	vld.idx.msk [tilespmem:v63+s6+$0x0], $0xffff  }
.Ltmp0:
0x1f6: {  	_ = 	snop;
	(pc) =	sbr.rel @p0 .LBB2_2-.Ltmp0, $3  }
0x1f7: {  	_ =	sdelay $0x1  }
0x1f8: {  	[tilespmem:v60+s10+$0x0] =	vst.idx.msk $0xffff, v5  }
0x1f9: {  	s14 =	sadd.s32 $0x10, s14;
	s15 =	sadd.s32 $0x10, s15;
	[tilespmem:v4+s10+$0x0] =	vst.idx.msk $0xffff, v7  }
0x1fa: {  	s1 =	rddreg [dreg:$0x7]  }
0x1fb: {  	s4 =	simm.s32 $0xC00;
	s7 =	simm.s32 $0x18000;
	s8 =	simm.s32 $0x9  }
0x1fc: {  	[hbm4b:s1+s4] =	stream.strided.scatter [tilespmem:s0], [sflag:$0x9], $0x3000, s7, s4, $0x38;
	[tilespmem:$0x16300] =	vst v63  }
0x1fd: {  	_ =	swait.ge [sflag:s8], $0x3000  }
0x1fe: {  	[sflag:s8] =	ssyncset.done $0x0  }
0x1ff: {  	s18 =	rddreg [dreg:$0x8];
	[sflag:s8] =	ssyncadd.s32 $0xFFFFD000  }
0x200: {  	[hbm4b:s18+s4] =	stream.strided.scatter [tilespmem:s10], [sflag:$0x9], $0x3000, s7, s4, $0x38;
	[tilespmem:$0x16300] =	vst v63  }
0x201: {  	_ =	swait.ge [sflag:s8], $0x3000  }
0x202: {  	s21 =	rddreg [dreg:$0xa]  }
0x203: {  	s29 =	rddreg [dreg:$0x9];
	s4 =	sadd.s32 $0x1, s21  }
0x204: {  	p0 =	sne.s32 s4, s29  }
.Ltmp1:
0x205: {  	_ = 	snop;
	(pc) =	sbr.rel @p0 .LBB2_1-.Ltmp1, $4  }
0x206: {  	_ = 	snop  }
0x207: {  	s15 =	simm.s32 $0x8300;
	s17 =	simm.s32 $0x9300;
	s12 =	simm.s32 $0xC300  }
0x208: {  	s11 =	simm.s32 $0x7A1400;
	s7 =	simm.s32 $0x1300;
	[sflag:s8] =	ssyncset.done $0x0  }
0x209: {  	s18 =	simm.s32 $0xB300;
	[sflag:s8] =	ssyncadd.s32 $0xFFFFD000;
	s8 =	simm.s32 $0x400  }
0x20a: {  	_ =	sfence.sel $0x180000  }
0x20b: {  	[bflag:$0x0] =	sbarrier.arrive $0xFFFF  }
0x20c: {  	_ =	strace $0x90000047  }
0x20d: {  	s0 =	stileid.u32;
	[bflag:$0x2] =	sbarrier.arrive $0xFFFF  }
0x20e: {  	p0 =	sne.s32 s0, $0x0;
	s0 =	rddreg [dreg:$0x4]  }
0x20f: {  	s0 =	sadd.s32 @!p0 $0x100000, s0  }
0x210: {  	[sflag:s0] =	ssyncadd.tile.s32 @!p0 $0x1;
	_ =	shalt  }
.Lfunc_end2:
_tile_overlayer_lowered:
.L_overlay_start_2:
0x211: {  	(tag) =	ssettag $0x2  }
0x212: {  	s0 =	rddreg [dreg:$0x0];
	s2 =	stileid.u32  }
0x213: {  	s1 =	rddreg [dreg:$0x1];
	p0 =	sne.s32 s2, $0x0  }
0x214: {  	s3 =	rddreg [dreg:$0x2];
	[bflag:$0x3] =	sbarrier.arrive $0xFFFF;
	s2 =	simm.s32 @!p0 $0x1C0A  }
0x215: {  	[timem:s3], [sflag:s2] =	dma.local @!p0 [hbm:s0], s1  }
0x216: {  	s0 =	simm.s32 @!p0 $0xA  }
0x217: {  	_ =	swait.ge @!p0 [sflag:s0], s1  }
0x218: {  	s1 =	ssub.s32 @!p0 $0x0, s1;
	[sflag:s0] =	ssyncset.done @!p0 $0x0  }
0x219: {  	[sflag:s0] =	ssyncadd.s32 @!p0 s1  }
0x21a: {  	[bflag:$0x3] =	sbarrier.arrive $0xFFFF  }
0x21b: {  	_ =	shalt  }

</sc_bundles>
